<compile_context>
chip_gen: v7x
topology: tpu7x:2x2x1
jax: 0.10.2.dev20260603
libtpu: 0.0.44.dev20260713+nightly
codegen_flags: <defaults>
</compile_context>

<pallas_src>
import functools

import jax
import jax.numpy as jnp
from jax import lax
from jax.experimental import pallas as pl
from jax.experimental.pallas import tpu as pltpu
from jax.experimental.pallas import tpu_sc as plsc

N_E = 8192
E_DIM = 256
BETA = 0.25

M = 8192
BM = 256
BN = 2048
NJ = N_E // BN


RB = 64


def _esum_body(e_ref, out_ref):
    eb = e_ref[...]
    ones = jnp.ones((1, E_DIM), jnp.float32)
    out_ref[...] = lax.dot_general(ones, eb * eb, (((1,), (1,)), ((), ())),
                                   preferred_element_type=jnp.float32)


def _esum(emb):
    bn = 1024
    return pl.pallas_call(
        _esum_body,
        grid=(N_E // bn,),
        in_specs=[pl.BlockSpec((bn, E_DIM), lambda i: (i, 0))],
        out_specs=pl.BlockSpec((1, bn), lambda i: (0, i)),
        out_shape=jax.ShapeDtypeStruct((1, N_E), jnp.float32),
    )(emb)


def _dist_argmin_body(z_ref, e_ref, es_ref, d_ref, idx_ref):
    zb = z_ref[...]
    eb = e_ref[...]

    zb2 = (zb + zb).astype(jnp.bfloat16)
    mm2 = lax.dot_general(zb2, eb, (((1,), (1,)), ((), ())),
                          preferred_element_type=jnp.float32)
    zsum = jnp.sum(zb * zb, axis=1, keepdims=True)
    esum = es_ref[...]

    nc = N_E // 128
    for r in range(BM // RB):
        rl, rh = r * RB, (r + 1) * RB
        zs = zsum[rl:rh]
        acc_v = jnp.full((RB, 128), jnp.inf, jnp.float32)
        acc_i = jnp.zeros((RB, 128), jnp.int32)
        for c in range(nc):
            lo, hi = c * 128, (c + 1) * 128
            v = (zs + esum[:, lo:hi]) - mm2[rl:rh, lo:hi]
            d_ref[rl:rh, lo:hi] = v
            m = v < acc_v
            acc_i = jnp.where(m, jnp.full((RB, 128), c, jnp.int32), acc_i)
            acc_v = jnp.where(m, v, acc_v)
        rowmin = jnp.min(acc_v, axis=1, keepdims=True)
        gidx = acc_i * 128 + lax.broadcasted_iota(jnp.int32, (RB, 128), 1)
        idx_ref[rl:rh] = jnp.min(
            jnp.where(acc_v == rowmin, gidx, jnp.int32(2**30)),
            axis=1, keepdims=True)


def _dist_argmin(z_flat, emb_bf, esum):
    return pl.pallas_call(
        _dist_argmin_body,
        grid=(M // BM,),
        in_specs=[
            pl.BlockSpec((BM, E_DIM), lambda i: (i, 0)),
            pl.BlockSpec((N_E, E_DIM), lambda i: (0, 0)),
            pl.BlockSpec((1, N_E), lambda i: (0, 0)),
        ],
        out_specs=[
            pl.BlockSpec((BM, N_E), lambda i: (i, 0)),
            pl.BlockSpec((BM, 1), lambda i: (i, 0)),
        ],
        out_shape=[
            jax.ShapeDtypeStruct((M, N_E), jnp.float32),
            jax.ShapeDtypeStruct((M, 1), jnp.int32),
        ],
    )(z_flat, emb_bf, esum)


def _sc_gather(emb, idx):
    info = plsc.get_sparse_core_info()
    nw = info.num_cores * info.num_subcores
    bw = M // nw
    mesh = plsc.VectorSubcoreMesh(core_axis_name="c", subcore_axis_name="s")

    @functools.partial(
        pl.kernel, mesh=mesh,
        out_type=jax.ShapeDtypeStruct((M, E_DIM), jnp.float32),
        scratch_types=[
            pltpu.VMEM((bw,), jnp.int32),
            pltpu.VMEM((bw, E_DIM), jnp.float32),
            pltpu.SemaphoreType.DMA,
        ],
    )
    def gather_k(table_hbm, idx_hbm, out_hbm, idx_v, rows_v, sem):
        wid = lax.axis_index("s") * info.num_cores + lax.axis_index("c")
        base = wid * bw
        pltpu.sync_copy(idx_hbm.at[pl.ds(base, bw)], idx_v)
        copies = []
        for c in range(bw // 128):
            copies.append(pltpu.async_copy(
                table_hbm.at[idx_v.at[pl.ds(c * 128, 128)]],
                rows_v.at[pl.ds(c * 128, 128)], sem))
        for cp in copies:
            cp.wait()
        pltpu.sync_copy(rows_v, out_hbm.at[pl.ds(base, bw)])

    return gather_k(emb, idx)


def _loss_st_body(zp_ref, zq_ref, o_ref, loss_ref, acc_ref):
    i = pl.program_id(0)
    nb = pl.num_programs(0)
    zp = zp_ref[...]
    zq = zq_ref[...]
    diff = zq - zp
    o_ref[...] = zp + diff
    s = jnp.sum(diff * diff)

    @pl.when(i == 0)
    def _():
        acc_ref[0] = s

    @pl.when(i > 0)
    def _():
        acc_ref[0] += s

    @pl.when(i == nb - 1)
    def _():
        m = acc_ref[0] / jnp.float32(M * E_DIM)
        loss_ref[0, 0] = m + jnp.float32(BETA) * m


def _loss_st(zp_flat, zq_flat):
    bm = 1024
    return pl.pallas_call(
        _loss_st_body,
        grid=(M // bm,),
        in_specs=[
            pl.BlockSpec((bm, E_DIM), lambda i: (i, 0)),
            pl.BlockSpec((bm, E_DIM), lambda i: (i, 0)),
        ],
        out_specs=[
            pl.BlockSpec((bm, E_DIM), lambda i: (i, 0)),
            pl.BlockSpec((1, 1), lambda i: (0, 0), memory_space=pltpu.SMEM),
        ],
        out_shape=[
            jax.ShapeDtypeStruct((M, E_DIM), jnp.float32),
            jax.ShapeDtypeStruct((1, 1), jnp.float32),
        ],
        scratch_shapes=[pltpu.SMEM((1,), jnp.float32)],
    )(zp_flat, zq_flat)


def kernel(z, embedding_weight):
    zp = jnp.transpose(z, (0, 2, 3, 1))
    z_flat = zp.reshape(-1, E_DIM)
    esum = _esum(embedding_weight)
    d, idx2 = _dist_argmin(z_flat, embedding_weight.astype(jnp.bfloat16),
                           esum)
    idx = idx2.reshape(M)
    zq_flat = _sc_gather(embedding_weight, idx)
    out_flat, loss2 = _loss_st(z_flat, zq_flat)
    z_q = jnp.transpose(out_flat.reshape(zp.shape), (0, 3, 1, 2))
    return (z_q, loss2[0, 0], idx, d)

# --- scband reference (transcript-rebuilt; emitter-appended) ---
"""Pipeline reference for scband-vector-quantizer-27650999452558 (READ-ONLY COPY).

The authoritative reference and input builder live on the scoring server;
editing this copy changes nothing except your own understanding.
"""

import jax, jax.numpy as jnp
import numpy as np

N_E = 8192
E_DIM = 256
BETA = 0.25


def setup_inputs(seed: int = 0) -> dict:
    key = jax.random.key(seed)
    k1, k2 = jax.random.split(key)
    z = jax.random.normal(k1, (8, 256, 32, 32), dtype=jnp.float32)
    embedding_weight = jax.random.uniform(
        k2, (N_E, E_DIM), dtype=jnp.float32,
        minval=-1.0 / N_E, maxval=1.0 / N_E)
    return {"z": z, "embedding_weight": embedding_weight}


def reference(z, embedding_weight):
    # z: (B, C, H, W) -> (B, H, W, C)
    zp = jnp.transpose(z, (0, 2, 3, 1))
    z_flat = zp.reshape(-1, E_DIM)
    # squared L2 distances to codebook entries
    d = (jnp.sum(z_flat ** 2, axis=1, keepdims=True)
         + jnp.sum(embedding_weight ** 2, axis=1)
         - 2.0 * (z_flat @ embedding_weight.T))
    min_encoding_indices = jnp.argmin(d, axis=1)
    z_q = jnp.take(embedding_weight, min_encoding_indices, axis=0).reshape(zp.shape)
    loss = (jnp.mean((jax.lax.stop_gradient(z_q) - zp) ** 2)
            + BETA * jnp.mean((z_q - jax.lax.stop_gradient(zp)) ** 2))
    # straight-through estimator
    z_q = zp + jax.lax.stop_gradient(z_q - zp)
    z_q = jnp.transpose(z_q, (0, 3, 1, 2))
    return (z_q, loss, min_encoding_indices, d)

if __name__ == "__main__":
    import jax
    _d = setup_inputs()
    print(jax.jit(kernel)(*tuple(_d.values())))

</pallas_src>

<mosaic_0001>
#map = affine_map<(d0, d1) -> (0, 0)>
#map1 = affine_map<(d0, d1) -> (0)>
module attributes {stable_mosaic.version = 14 : i64} {
  func.func @gather_k(%arg0: i32, %arg1: i32, %arg2: memref<8192x256xf32, #tpu.memory_space<hbm>>, %arg3: memref<8192xi32, #tpu.memory_space<hbm>>, %arg4: memref<8192x256xf32, #tpu.memory_space<hbm>>, %arg5: memref<256xi32, #tpu.memory_space<vmem>>, %arg6: memref<256x256xf32, #tpu.memory_space<vmem>>, %arg7: memref<!tpu.dma_semaphore, #tpu.memory_space<semaphore_mem>>) attributes {dimension_semantics = [#tpu.dimension_semantics<core_parallel>, #tpu.dimension_semantics<subcore_parallel>], iteration_bounds = array<i64: 2, 16>, scalar_prefetch = 0 : i64, scratch_operands = 3 : i64, tpu.core_type = #tpu.core_type<sc_vector_subcore>, window_params = [{transform_indices = #map}, {transform_indices = #map1}, {transform_indices = #map}]} {
    %mul3A = arith.constant 2 : i32
    %mul3A_0 = arith.muli %arg1, %mul3A : i32
    %add3A = arith.addi %mul3A_0, %arg0 : i32
    %mul3A_1 = arith.constant 256 : i32
    %mul3A_2 = arith.muli %add3A, %mul3A_1 : i32
    "tpu.region"() ({
      %run_scoped3A = tpu.sem_alloc : memref<!tpu.dma_semaphore, #tpu.memory_space<semaphore_mem>>
      %dma_start3A_33 = tpu.memref_slice %arg3[%mul3A_2] : memref<8192xi32, #tpu.memory_space<hbm>> -> memref<256xi32, #tpu.memory_space<hbm>>
      %dma_start3A_34 = tpu.memref_slice %arg3[%mul3A_2] : memref<8192xi32, #tpu.memory_space<hbm>> -> memref<256xi32, #tpu.memory_space<hbm>>
      tpu.enqueue_dma source(%dma_start3A_34 : memref<256xi32, #tpu.memory_space<hbm>>) target(%arg5 : memref<256xi32, #tpu.memory_space<vmem>>) target_semaphore(%run_scoped3A : memref<!tpu.dma_semaphore, #tpu.memory_space<semaphore_mem>>)
      %dma_wait3A_35 = tpu.memref_slice %arg3[%mul3A_2] : memref<8192xi32, #tpu.memory_space<hbm>> -> memref<256xi32, #tpu.memory_space<hbm>>
      %dma_wait3A_36 = tpu.memref_slice %arg3[%mul3A_2] : memref<8192xi32, #tpu.memory_space<hbm>> -> memref<256xi32, #tpu.memory_space<hbm>>
      tpu.wait_dma2 semaphore(%run_scoped3A : memref<!tpu.dma_semaphore, #tpu.memory_space<semaphore_mem>>) src(%dma_wait3A_36 : memref<256xi32, #tpu.memory_space<hbm>>) dst(%arg5 : memref<256xi32, #tpu.memory_space<vmem>>)
      tpu.yield
    }) : () -> ()
    %dma_start3A = arith.constant 0 : i32
    %dma_start3A_3 = arith.constant 0 : i32
    %dma_start3A_4 = tpu.memref_slice %arg6[%dma_start3A, %dma_start3A_3] : memref<256x256xf32, #tpu.memory_space<vmem>> -> memref<128x256xf32, #tpu.memory_space<vmem>>
    %dma_start3A_5 = arith.constant 0 : i32
    %dma_start3A_6 = tpu.memref_slice %arg5[%dma_start3A_5] : memref<256xi32, #tpu.memory_space<vmem>> -> memref<128xi32, #tpu.memory_space<vmem>>
    %dma_start3A_7 = arith.constant 0 : i32
    %dma_start3A_8 = arith.constant 0 : i32
    %dma_start3A_9 = tpu.memref_slice %arg2[%dma_start3A_7, %dma_start3A_8] : memref<8192x256xf32, #tpu.memory_space<hbm>> -> memref<8192x256xf32, #tpu.memory_space<hbm>>
    tpu.enqueue_indirect_dma source(%dma_start3A_9 : memref<8192x256xf32, #tpu.memory_space<hbm>>) target(%dma_start3A_4 : memref<128x256xf32, #tpu.memory_space<vmem>>) offsets(%dma_start3A_6 : memref<128xi32, #tpu.memory_space<vmem>>) semaphore(%arg7 : memref<!tpu.dma_semaphore, #tpu.memory_space<semaphore_mem>>)
    %dma_start3A_10 = arith.constant 128 : i32
    %dma_start3A_11 = arith.constant 0 : i32
    %dma_start3A_12 = tpu.memref_slice %arg6[%dma_start3A_10, %dma_start3A_11] : memref<256x256xf32, #tpu.memory_space<vmem>> -> memref<128x256xf32, #tpu.memory_space<vmem>>
    %dma_start3A_13 = arith.constant 128 : i32
    %dma_start3A_14 = tpu.memref_slice %arg5[%dma_start3A_13] : memref<256xi32, #tpu.memory_space<vmem>> -> memref<128xi32, #tpu.memory_space<vmem>>
    %dma_start3A_15 = arith.constant 0 : i32
    %dma_start3A_16 = arith.constant 0 : i32
    %dma_start3A_17 = tpu.memref_slice %arg2[%dma_start3A_15, %dma_start3A_16] : memref<8192x256xf32, #tpu.memory_space<hbm>> -> memref<8192x256xf32, #tpu.memory_space<hbm>>
    tpu.enqueue_indirect_dma source(%dma_start3A_17 : memref<8192x256xf32, #tpu.memory_space<hbm>>) target(%dma_start3A_12 : memref<128x256xf32, #tpu.memory_space<vmem>>) offsets(%dma_start3A_14 : memref<128xi32, #tpu.memory_space<vmem>>) semaphore(%arg7 : memref<!tpu.dma_semaphore, #tpu.memory_space<semaphore_mem>>)
    %dma_wait3A = arith.constant 0 : i32
    %dma_wait3A_18 = arith.constant 0 : i32
    %dma_wait3A_19 = tpu.memref_slice %arg6[%dma_wait3A, %dma_wait3A_18] : memref<256x256xf32, #tpu.memory_space<vmem>> -> memref<128x256xf32, #tpu.memory_space<vmem>>
    %dma_wait3A_20 = arith.constant 0 : i32
    %dma_wait3A_21 = tpu.memref_slice %arg5[%dma_wait3A_20] : memref<256xi32, #tpu.memory_space<vmem>> -> memref<128xi32, #tpu.memory_space<vmem>>
    %dma_wait3A_22 = arith.constant 0 : i32
    %dma_wait3A_23 = arith.constant 0 : i32
    %dma_wait3A_24 = tpu.memref_slice %arg2[%dma_wait3A_22, %dma_wait3A_23] : memref<8192x256xf32, #tpu.memory_space<hbm>> -> memref<8192x256xf32, #tpu.memory_space<hbm>>
    tpu.wait_indirect_dma semaphore(%arg7 : memref<!tpu.dma_semaphore, #tpu.memory_space<semaphore_mem>>) src(%dma_wait3A_24 : memref<8192x256xf32, #tpu.memory_space<hbm>>) dst(%dma_wait3A_19 : memref<128x256xf32, #tpu.memory_space<vmem>>)
    %dma_wait3A_25 = arith.constant 128 : i32
    %dma_wait3A_26 = arith.constant 0 : i32
    %dma_wait3A_27 = tpu.memref_slice %arg6[%dma_wait3A_25, %dma_wait3A_26] : memref<256x256xf32, #tpu.memory_space<vmem>> -> memref<128x256xf32, #tpu.memory_space<vmem>>
    %dma_wait3A_28 = arith.constant 128 : i32
    %dma_wait3A_29 = tpu.memref_slice %arg5[%dma_wait3A_28] : memref<256xi32, #tpu.memory_space<vmem>> -> memref<128xi32, #tpu.memory_space<vmem>>
    %dma_wait3A_30 = arith.constant 0 : i32
    %dma_wait3A_31 = arith.constant 0 : i32
    %dma_wait3A_32 = tpu.memref_slice %arg2[%dma_wait3A_30, %dma_wait3A_31] : memref<8192x256xf32, #tpu.memory_space<hbm>> -> memref<8192x256xf32, #tpu.memory_space<hbm>>
    tpu.wait_indirect_dma semaphore(%arg7 : memref<!tpu.dma_semaphore, #tpu.memory_space<semaphore_mem>>) src(%dma_wait3A_32 : memref<8192x256xf32, #tpu.memory_space<hbm>>) dst(%dma_wait3A_27 : memref<128x256xf32, #tpu.memory_space<vmem>>)
    "tpu.region"() ({
      %run_scoped3A = tpu.sem_alloc : memref<!tpu.dma_semaphore, #tpu.memory_space<semaphore_mem>>
      %dma_start3A_33 = arith.constant 0 : i32
      %dma_start3A_34 = tpu.memref_slice %arg4[%mul3A_2, %dma_start3A_33] : memref<8192x256xf32, #tpu.memory_space<hbm>> -> memref<256x256xf32, #tpu.memory_space<hbm>>
      %dma_start3A_35 = arith.constant 0 : i32
      %dma_start3A_36 = tpu.memref_slice %arg4[%mul3A_2, %dma_start3A_35] : memref<8192x256xf32, #tpu.memory_space<hbm>> -> memref<256x256xf32, #tpu.memory_space<hbm>>
      tpu.enqueue_dma source(%arg6 : memref<256x256xf32, #tpu.memory_space<vmem>>) target(%dma_start3A_36 : memref<256x256xf32, #tpu.memory_space<hbm>>) target_semaphore(%run_scoped3A : memref<!tpu.dma_semaphore, #tpu.memory_space<semaphore_mem>>)
      %dma_wait3A_37 = arith.constant 0 : i32
      %dma_wait3A_38 = tpu.memref_slice %arg4[%mul3A_2, %dma_wait3A_37] : memref<8192x256xf32, #tpu.memory_space<hbm>> -> memref<256x256xf32, #tpu.memory_space<hbm>>
      %dma_wait3A_39 = arith.constant 0 : i32
      %dma_wait3A_40 = tpu.memref_slice %arg4[%mul3A_2, %dma_wait3A_39] : memref<8192x256xf32, #tpu.memory_space<hbm>> -> memref<256x256xf32, #tpu.memory_space<hbm>>
      tpu.wait_dma2 semaphore(%run_scoped3A : memref<!tpu.dma_semaphore, #tpu.memory_space<semaphore_mem>>) src(%arg6 : memref<256x256xf32, #tpu.memory_space<vmem>>) dst(%dma_wait3A_40 : memref<256x256xf32, #tpu.memory_space<hbm>>)
      tpu.yield
    }) : () -> ()
    return
  }
}

module attributes {stable_mosaic.version = 14 : i64} {
  func.func @_esum_body(%arg0: i32, %arg1: memref<1024x256xf32, #tpu.memory_space<vmem>>, %arg2: memref<1x1024xf32, #tpu.memory_space<vmem>>) attributes {dimension_semantics = [#tpu.dimension_semantics<arbitrary>], iteration_bounds = array<i64: 8>, scalar_prefetch = 0 : i64, scratch_operands = 0 : i64, tpu.core_type = #tpu.core_type<tc>, window_params = [{transform_indices = @transform_0, window_bounds = array<i64: 1024, 256>}, {transform_indices = @transform_1, window_bounds = array<i64: 1, 1024>}]} {
    %get3A = arith.constant 0 : index
    %get3A_0 = arith.constant 0 : index
    %get3A_1 = vector.load %arg1[%get3A, %get3A_0] : memref<1024x256xf32, #tpu.memory_space<vmem>>, vector<1024x256xf32>
    %broadcast_in_dim3A = arith.constant 1.000000e+00 : f32
    %broadcast_in_dim3A_2 = vector.broadcast %broadcast_in_dim3A : f32 to vector<1x256xf32>
    %mul3A = arith.mulf %get3A_1, %get3A_1 : vector<1024x256xf32>
    %dot_general3A = arith.constant dense<0.000000e+00> : vector<1x1024xf32>
    %dot_general3A_3 = tpu.matmul %broadcast_in_dim3A_2, %mul3A, %dot_general3A {dimension_numbers = #tpu.dot_dimension_numbers<[1], [1], [0], [0], [0, 0, 1, 0], [], []>, transpose_lhs_hint = false} : vector<1x256xf32>, vector<1024x256xf32>, vector<1x1024xf32> -> vector<1x1024xf32>
    %swap3A = arith.constant 0 : index
    %swap3A_4 = arith.constant 0 : index
    %swap3A_5 = vector.load %arg2[%swap3A, %swap3A_4] : memref<1x1024xf32, #tpu.memory_space<vmem>>, vector<1x1024xf32>
    tpu.vector_store %arg2[%swap3A, %swap3A_4], %dot_general3A_3 {strides = array<i32>} : memref<1x1024xf32, #tpu.memory_space<vmem>>, vector<1x1024xf32>,
    return
  }
  func.func @transform_0(%arg0: i32) -> (i32, i32) {
    %c0_i32 = arith.constant 0 : i32
    %c0_i32_0 = arith.constant 0 : i32
    return %arg0, %c0_i32 : i32, i32
  }
  func.func @transform_1(%arg0: i32) -> (i32, i32) {
    %c0_i32 = arith.constant 0 : i32
    %c0_i32_0 = arith.constant 0 : i32
    return %c0_i32, %arg0 : i32, i32
  }
}

module attributes {stable_mosaic.version = 14 : i64} {
  func.func @_dist_argmin_body(%arg0: i32, %arg1: memref<256x256xf32, #tpu.memory_space<vmem>>, %arg2: memref<8192x256xbf16, #tpu.memory_space<vmem>>, %arg3: memref<1x8192xf32, #tpu.memory_space<vmem>>, %arg4: memref<256x8192xf32, #tpu.memory_space<vmem>>, %arg5: memref<256x1xi32, #tpu.memory_space<vmem>>) attributes {dimension_semantics = [#tpu.dimension_semantics<arbitrary>], iteration_bounds = array<i64: 32>, scalar_prefetch = 0 : i64, scratch_operands = 0 : i64, tpu.core_type = #tpu.core_type<tc>, window_params = [{transform_indices = @transform_0, window_bounds = array<i64: 256, 256>}, {pipeline_mode = #tpu.pipeline_mode<synchronous>, transform_indices = @transform_1, window_bounds = array<i64: 8192, 256>}, {pipeline_mode = #tpu.pipeline_mode<synchronous>, transform_indices = @transform_2, window_bounds = array<i64: 1, 8192>}, {transform_indices = @transform_3, window_bounds = array<i64: 256, 8192>}, {transform_indices = @transform_4, window_bounds = array<i64: 256, 1>}]} {
    %get3A = arith.constant 0 : index
    %get3A_0 = arith.constant 0 : index
    %get3A_1 = vector.load %arg1[%get3A, %get3A_0] : memref<256x256xf32, #tpu.memory_space<vmem>>, vector<256x256xf32>
    %get3A_2 = arith.constant 0 : index
    %get3A_3 = arith.constant 0 : index
    %get3A_4 = vector.load %arg2[%get3A_2, %get3A_3] : memref<8192x256xbf16, #tpu.memory_space<vmem>>, vector<8192x256xbf16>
    %add3A = arith.addf %get3A_1, %get3A_1 : vector<256x256xf32>
    %convert_element_type3A = arith.truncf %add3A : vector<256x256xf32> to vector<256x256xbf16>
    %dot_general3A = arith.constant dense<0.000000e+00> : vector<256x8192xf32>
    %dot_general3A_5 = tpu.matmul %convert_element_type3A, %get3A_4, %dot_general3A {dimension_numbers = #tpu.dot_dimension_numbers<[1], [1], [0], [0], [0, 0, 1, 0], [], []>, transpose_lhs_hint = false} : vector<256x256xbf16>, vector<8192x256xbf16>, vector<256x8192xf32> -> vector<256x8192xf32>
    %mul3A = arith.mulf %get3A_1, %get3A_1 : vector<256x256xf32>
    %reduce_sum3A = arith.constant dense<0.000000e+00> : vector<256xf32>
    %reduce_sum3A_6 = vector.multi_reduction <add>, %mul3A, %reduce_sum3A [1] : vector<256x256xf32> to vector<256xf32>
    %broadcast_in_dim3A = vector.shape_cast %reduce_sum3A_6 : vector<256xf32> to vector<256x1xf32>
    %get3A_7 = arith.constant 0 : index
    %get3A_8 = arith.constant 0 : index
    %get3A_9 = vector.load %arg3[%get3A_7, %get3A_8] : memref<1x8192xf32, #tpu.memory_space<vmem>>, vector<1x8192xf32>
    %slice3A = vector.extract_strided_slice %broadcast_in_dim3A {offsets = [0, 0], sizes = [64, 1], strides = [1, 1]} : vector<256x1xf32> to vector<64x1xf32>
    %broadcast_in_dim3A_10 = arith.constant 0x7F800000 : f32
    %broadcast_in_dim3A_11 = vector.broadcast %broadcast_in_dim3A_10 : f32 to vector<64x128xf32>
    %broadcast_in_dim3A_12 = arith.constant 0 : i32
    %broadcast_in_dim3A_13 = vector.broadcast %broadcast_in_dim3A_12 : i32 to vector<64x128xi32>
    %slice3A_14 = vector.extract_strided_slice %get3A_9 {offsets = [0, 0], sizes = [1, 128], strides = [1, 1]} : vector<1x8192xf32> to vector<1x128xf32>
    %add3A_15 = vector.broadcast %slice3A : vector<64x1xf32> to vector<64x128xf32>
    %add3A_16 = vector.broadcast %slice3A_14 : vector<1x128xf32> to vector<64x128xf32>
    %add3A_17 = arith.addf %add3A_15, %add3A_16 : vector<64x128xf32>
    %slice3A_18 = vector.extract_strided_slice %dot_general3A_5 {offsets = [0, 0], sizes = [64, 128], strides = [1, 1]} : vector<256x8192xf32> to vector<64x128xf32>
    %sub3A = arith.subf %add3A_17, %slice3A_18 : vector<64x128xf32>
    %swap3A = arith.constant 0 : index
    %swap3A_19 = arith.constant 0 : index
    %swap3A_20 = vector.load %arg4[%swap3A, %swap3A_19] : memref<256x8192xf32, #tpu.memory_space<vmem>>, vector<64x128xf32>
    tpu.vector_store %arg4[%swap3A, %swap3A_19], %sub3A {strides = array<i32>} : memref<256x8192xf32, #tpu.memory_space<vmem>>, vector<64x128xf32>,
    %lt3A = arith.cmpf olt, %sub3A, %broadcast_in_dim3A_11 : vector<64x128xf32>
    %broadcast_in_dim3A_21 = arith.constant 0 : i32
    %broadcast_in_dim3A_22 = vector.broadcast %broadcast_in_dim3A_21 : i32 to vector<64x128xi32>
    %select_n3A = arith.select %lt3A, %broadcast_in_dim3A_22, %broadcast_in_dim3A_13 : vector<64x128xi1>, vector<64x128xi32>
    %select_n3A_23 = arith.select %lt3A, %sub3A, %broadcast_in_dim3A_11 : vector<64x128xi1>, vector<64x128xf32>
    %slice3A_24 = vector.extract_strided_slice %get3A_9 {offsets = [0, 128], sizes = [1, 128], strides = [1, 1]} : vector<1x8192xf32> to vector<1x128xf32>
    %add3A_25 = vector.broadcast %slice3A : vector<64x1xf32> to vector<64x128xf32>
    %add3A_26 = vector.broadcast %slice3A_24 : vector<1x128xf32> to vector<64x128xf32>
    %add3A_27 = arith.addf %add3A_25, %add3A_26 : vector<64x128xf32>
    %slice3A_28 = vector.extract_strided_slice %dot_general3A_5 {offsets = [0, 128], sizes = [64, 128], strides = [1, 1]} : vector<256x8192xf32> to vector<64x128xf32>
    %sub3A_29 = arith.subf %add3A_27, %slice3A_28 : vector<64x128xf32>
    %swap3A_30 = arith.constant 0 : index
    %swap3A_31 = arith.constant 128 : index
    %swap3A_32 = vector.load %arg4[%swap3A_30, %swap3A_31] : memref<256x8192xf32, #tpu.memory_space<vmem>>, vector<64x128xf32>
    tpu.vector_store %arg4[%swap3A_30, %swap3A_31], %sub3A_29 {strides = array<i32>} : memref<256x8192xf32, #tpu.memory_space<vmem>>, vector<64x128xf32>,
    %lt3A_33 = arith.cmpf olt, %sub3A_29, %select_n3A_23 : vector<64x128xf32>
    %broadcast_in_dim3A_34 = arith.constant 1 : i32
    %broadcast_in_dim3A_35 = vector.broadcast %broadcast_in_dim3A_34 : i32 to vector<64x128xi32>
    %select_n3A_36 = arith.select %lt3A_33, %broadcast_in_dim3A_35, %select_n3A : vector<64x128xi1>, vector<64x128xi32>
    %select_n3A_37 = arith.select %lt3A_33, %sub3A_29, %select_n3A_23 : vector<64x128xi1>, vector<64x128xf32>
    %slice3A_38 = vector.extract_strided_slice %get3A_9 {offsets = [0, 256], sizes = [1, 128], strides = [1, 1]} : vector<1x8192xf32> to vector<1x128xf32>
    %add3A_39 = vector.broadcast %slice3A : vector<64x1xf32> to vector<64x128xf32>
    %add3A_40 = vector.broadcast %slice3A_38 : vector<1x128xf32> to vector<64x128xf32>
    %add3A_41 = arith.addf %add3A_39, %add3A_40 : vector<64x128xf32>
    %slice3A_42 = vector.extract_strided_slice %dot_general3A_5 {offsets = [0, 256], sizes = [64, 128], strides = [1, 1]} : vector<256x8192xf32> to vector<64x128xf32>
    %sub3A_43 = arith.subf %add3A_41, %slice3A_42 : vector<64x128xf32>
    %swap3A_44 = arith.constant 0 : index
    %swap3A_45 = arith.constant 256 : index
    %swap3A_46 = vector.load %arg4[%swap3A_44, %swap3A_45] : memref<256x8192xf32, #tpu.memory_space<vmem>>, vector<64x128xf32>
    tpu.vector_store %arg4[%swap3A_44, %swap3A_45], %sub3A_43 {strides = array<i32>} : memref<256x8192xf32, #tpu.memory_space<vmem>>, vector<64x128xf32>,
    %lt3A_47 = arith.cmpf olt, %sub3A_43, %select_n3A_37 : vector<64x128xf32>
    %broadcast_in_dim3A_48 = arith.constant 2 : i32
    %broadcast_in_dim3A_49 = vector.broadcast %broadcast_in_dim3A_48 : i32 to vector<64x128xi32>
    %select_n3A_50 = arith.select %lt3A_47, %broadcast_in_dim3A_49, %select_n3A_36 : vector<64x128xi1>, vector<64x128xi32>
    %select_n3A_51 = arith.select %lt3A_47, %sub3A_43, %select_n3A_37 : vector<64x128xi1>, vector<64x128xf32>
    %slice3A_52 = vector.extract_strided_slice %get3A_9 {offsets = [0, 384], sizes = [1, 128], strides = [1, 1]} : vector<1x8192xf32> to vector<1x128xf32>
    %add3A_53 = vector.broadcast %slice3A : vector<64x1xf32> to vector<64x128xf32>
    %add3A_54 = vector.broadcast %slice3A_52 : vector<1x128xf32> to vector<64x128xf32>
    %add3A_55 = arith.addf %add3A_53, %add3A_54 : vector<64x128xf32>
    %slice3A_56 = vector.extract_strided_slice %dot_general3A_5 {offsets = [0, 384], sizes = [64, 128], strides = [1, 1]} : vector<256x8192xf32> to vector<64x128xf32>
    %sub3A_57 = arith.subf %add3A_55, %slice3A_56 : vector<64x128xf32>
    %swap3A_58 = arith.constant 0 : index
    %swap3A_59 = arith.constant 384 : index
    %swap3A_60 = vector.load %arg4[%swap3A_58, %swap3A_59] : memref<256x8192xf32, #tpu.memory_space<vmem>>, vector<64x128xf32>
    tpu.vector_store %arg4[%swap3A_58, %swap3A_59], %sub3A_57 {strides = array<i32>} : memref<256x8192xf32, #tpu.memory_space<vmem>>, vector<64x128xf32>,
    %lt3A_61 = arith.cmpf olt, %sub3A_57, %select_n3A_51 : vector<64x128xf32>
    %broadcast_in_dim3A_62 = arith.constant 3 : i32
    %broadcast_in_dim3A_63 = vector.broadcast %broadcast_in_dim3A_62 : i32 to vector<64x128xi32>
    %select_n3A_64 = arith.select %lt3A_61, %broadcast_in_dim3A_63, %select_n3A_50 : vector<64x128xi1>, vector<64x128xi32>
    %select_n3A_65 = arith.select %lt3A_61, %sub3A_57, %select_n3A_51 : vector<64x128xi1>, vector<64x128xf32>
    %slice3A_66 = vector.extract_strided_slice %get3A_9 {offsets = [0, 512], sizes = [1, 128], strides = [1, 1]} : vector<1x8192xf32> to vector<1x128xf32>
    %add3A_67 = vector.broadcast %slice3A : vector<64x1xf32> to vector<64x128xf32>
    %add3A_68 = vector.broadcast %slice3A_66 : vector<1x128xf32> to vector<64x128xf32>
    %add3A_69 = arith.addf %add3A_67, %add3A_68 : vector<64x128xf32>
    %slice3A_70 = vector.extract_strided_slice %dot_general3A_5 {offsets = [0, 512], sizes = [64, 128], strides = [1, 1]} : vector<256x8192xf32> to vector<64x128xf32>
    %sub3A_71 = arith.subf %add3A_69, %slice3A_70 : vector<64x128xf32>
    %swap3A_72 = arith.constant 0 : index
    %swap3A_73 = arith.constant 512 : index
    %swap3A_74 = vector.load %arg4[%swap3A_72, %swap3A_73] : memref<256x8192xf32, #tpu.memory_space<vmem>>, vector<64x128xf32>
    tpu.vector_store %arg4[%swap3A_72, %swap3A_73], %sub3A_71 {strides = array<i32>} : memref<256x8192xf32, #tpu.memory_space<vmem>>, vector<64x128xf32>,
    %lt3A_75 = arith.cmpf olt, %sub3A_71, %select_n3A_65 : vector<64x128xf32>
    %broadcast_in_dim3A_76 = arith.constant 4 : i32
    %broadcast_in_dim3A_77 = vector.broadcast %broadcast_in_dim3A_76 : i32 to vector<64x128xi32>
    %select_n3A_78 = arith.select %lt3A_75, %broadcast_in_dim3A_77, %select_n3A_64 : vector<64x128xi1>, vector<64x128xi32>
    %select_n3A_79 = arith.select %lt3A_75, %sub3A_71, %select_n3A_65 : vector<64x128xi1>, vector<64x128xf32>
    %slice3A_80 = vector.extract_strided_slice %get3A_9 {offsets = [0, 640], sizes = [1, 128], strides = [1, 1]} : vector<1x8192xf32> to vector<1x128xf32>
    %add3A_81 = vector.broadcast %slice3A : vector<64x1xf32> to vector<64x128xf32>
    %add3A_82 = vector.broadcast %slice3A_80 : vector<1x128xf32> to vector<64x128xf32>
    %add3A_83 = arith.addf %add3A_81, %add3A_82 : vector<64x128xf32>
    %slice3A_84 = vector.extract_strided_slice %dot_general3A_5 {offsets = [0, 640], sizes = [64, 128], strides = [1, 1]} : vector<256x8192xf32> to vector<64x128xf32>
    %sub3A_85 = arith.subf %add3A_83, %slice3A_84 : vector<64x128xf32>
    %swap3A_86 = arith.constant 0 : index
    %swap3A_87 = arith.constant 640 : index
    %swap3A_88 = vector.load %arg4[%swap3A_86, %swap3A_87] : memref<256x8192xf32, #tpu.memory_space<vmem>>, vector<64x128xf32>
    tpu.vector_store %arg4[%swap3A_86, %swap3A_87], %sub3A_85 {strides = array<i32>} : memref<256x8192xf32, #tpu.memory_space<vmem>>, vector<64x128xf32>,
    %lt3A_89 = arith.cmpf olt, %sub3A_85, %select_n3A_79 : vector<64x128xf32>
    %broadcast_in_dim3A_90 = arith.constant 5 : i32
    %broadcast_in_dim3A_91 = vector.broadcast %broadcast_in_dim3A_90 : i32 to vector<64x128xi32>
    %select_n3A_92 = arith.select %lt3A_89, %broadcast_in_dim3A_91, %select_n3A_78 : vector<64x128xi1>, vector<64x128xi32>
    %select_n3A_93 = arith.select %lt3A_89, %sub3A_85, %select_n3A_79 : vector<64x128xi1>, vector<64x128xf32>
    %slice3A_94 = vector.extract_strided_slice %get3A_9 {offsets = [0, 768], sizes = [1, 128], strides = [1, 1]} : vector<1x8192xf32> to vector<1x128xf32>
    %add3A_95 = vector.broadcast %slice3A : vector<64x1xf32> to vector<64x128xf32>
    %add3A_96 = vector.broadcast %slice3A_94 : vector<1x128xf32> to vector<64x128xf32>
    %add3A_97 = arith.addf %add3A_95, %add3A_96 : vector<64x128xf32>
    %slice3A_98 = vector.extract_strided_slice %dot_general3A_5 {offsets = [0, 768], sizes = [64, 128], strides = [1, 1]} : vector<256x8192xf32> to vector<64x128xf32>
    %sub3A_99 = arith.subf %add3A_97, %slice3A_98 : vector<64x128xf32>
    %swap3A_100 = arith.constant 0 : index
    %swap3A_101 = arith.constant 768 : index
    %swap3A_102 = vector.load %arg4[%swap3A_100, %swap3A_101] : memref<256x8192xf32, #tpu.memory_space<vmem>>, vector<64x128xf32>
    tpu.vector_store %arg4[%swap3A_100, %swap3A_101], %sub3A_99 {strides = array<i32>} : memref<256x8192xf32, #tpu.memory_space<vmem>>, vector<64x128xf32>,
    %lt3A_103 = arith.cmpf olt, %sub3A_99, %select_n3A_93 : vector<64x128xf32>
    %broadcast_in_dim3A_104 = arith.constant 6 : i32
    %broadcast_in_dim3A_105 = vector.broadcast %broadcast_in_dim3A_104 : i32 to vector<64x128xi32>
    %select_n3A_106 = arith.select %lt3A_103, %broadcast_in_dim3A_105, %select_n3A_92 : vector<64x128xi1>, vector<64x128xi32>
    %select_n3A_107 = arith.select %lt3A_103, %sub3A_99, %select_n3A_93 : vector<64x128xi1>, vector<64x128xf32>
    %slice3A_108 = vector.extract_strided_slice %get3A_9 {offsets = [0, 896], sizes = [1, 128], strides = [1, 1]} : vector<1x8192xf32> to vector<1x128xf32>
    %add3A_109 = vector.broadcast %slice3A : vector<64x1xf32> to vector<64x128xf32>
    %add3A_110 = vector.broadcast %slice3A_108 : vector<1x128xf32> to vector<64x128xf32>
    %add3A_111 = arith.addf %add3A_109, %add3A_110 : vector<64x128xf32>
    %slice3A_112 = vector.extract_strided_slice %dot_general3A_5 {offsets = [0, 896], sizes = [64, 128], strides = [1, 1]} : vector<256x8192xf32> to vector<64x128xf32>
    %sub3A_113 = arith.subf %add3A_111, %slice3A_112 : vector<64x128xf32>
    %swap3A_114 = arith.constant 0 : index
    %swap3A_115 = arith.constant 896 : index
    %swap3A_116 = vector.load %arg4[%swap3A_114, %swap3A_115] : memref<256x8192xf32, #tpu.memory_space<vmem>>, vector<64x128xf32>
    tpu.vector_store %arg4[%swap3A_114, %swap3A_115], %sub3A_113 {strides = array<i32>} : memref<256x8192xf32, #tpu.memory_space<vmem>>, vector<64x128xf32>,
    %lt3A_117 = arith.cmpf olt, %sub3A_113, %select_n3A_107 : vector<64x128xf32>
    %broadcast_in_dim3A_118 = arith.constant 7 : i32
    %broadcast_in_dim3A_119 = vector.broadcast %broadcast_in_dim3A_118 : i32 to vector<64x128xi32>
    %select_n3A_120 = arith.select %lt3A_117, %broadcast_in_dim3A_119, %select_n3A_106 : vector<64x128xi1>, vector<64x128xi32>
    %select_n3A_121 = arith.select %lt3A_117, %sub3A_113, %select_n3A_107 : vector<64x128xi1>, vector<64x128xf32>
    %slice3A_122 = vector.extract_strided_slice %get3A_9 {offsets = [0, 1024], sizes = [1, 128], strides = [1, 1]} : vector<1x8192xf32> to vector<1x128xf32>
    %add3A_123 = vector.broadcast %slice3A : vector<64x1xf32> to vector<64x128xf32>
    %add3A_124 = vector.broadcast %slice3A_122 : vector<1x128xf32> to vector<64x128xf32>
    %add3A_125 = arith.addf %add3A_123, %add3A_124 : vector<64x128xf32>
    %slice3A_126 = vector.extract_strided_slice %dot_general3A_5 {offsets = [0, 1024], sizes = [64, 128], strides = [1, 1]} : vector<256x8192xf32> to vector<64x128xf32>
    %sub3A_127 = arith.subf %add3A_125, %slice3A_126 : vector<64x128xf32>
    %swap3A_128 = arith.constant 0 : index
    %swap3A_129 = arith.constant 1024 : index
    %swap3A_130 = vector.load %arg4[%swap3A_128, %swap3A_129] : memref<256x8192xf32, #tpu.memory_space<vmem>>, vector<64x128xf32>
    tpu.vector_store %arg4[%swap3A_128, %swap3A_129], %sub3A_127 {strides = array<i32>} : memref<256x8192xf32, #tpu.memory_space<vmem>>, vector<64x128xf32>,
    %lt3A_131 = arith.cmpf olt, %sub3A_127, %select_n3A_121 : vector<64x128xf32>
    %broadcast_in_dim3A_132 = arith.constant 8 : i32
    %broadcast_in_dim3A_133 = vector.broadcast %broadcast_in_dim3A_132 : i32 to vector<64x128xi32>
    %select_n3A_134 = arith.select %lt3A_131, %broadcast_in_dim3A_133, %select_n3A_120 : vector<64x128xi1>, vector<64x128xi32>
    %select_n3A_135 = arith.select %lt3A_131, %sub3A_127, %select_n3A_121 : vector<64x128xi1>, vector<64x128xf32>
    %slice3A_136 = vector.extract_strided_slice %get3A_9 {offsets = [0, 1152], sizes = [1, 128], strides = [1, 1]} : vector<1x8192xf32> to vector<1x128xf32>
    %add3A_137 = vector.broadcast %slice3A : vector<64x1xf32> to vector<64x128xf32>
    %add3A_138 = vector.broadcast %slice3A_136 : vector<1x128xf32> to vector<64x128xf32>
    %add3A_139 = arith.addf %add3A_137, %add3A_138 : vector<64x128xf32>
    %slice3A_140 = vector.extract_strided_slice %dot_general3A_5 {offsets = [0, 1152], sizes = [64, 128], strides = [1, 1]} : vector<256x8192xf32> to vector<64x128xf32>
    %sub3A_141 = arith.subf %add3A_139, %slice3A_140 : vector<64x128xf32>
    %swap3A_142 = arith.constant 0 : index
    %swap3A_143 = arith.constant 1152 : index
    %swap3A_144 = vector.load %arg4[%swap3A_142, %swap3A_143] : memref<256x8192xf32, #tpu.memory_space<vmem>>, vector<64x128xf32>
    tpu.vector_store %arg4[%swap3A_142, %swap3A_143], %sub3A_141 {strides = array<i32>} : memref<256x8192xf32, #tpu.memory_space<vmem>>, vector<64x128xf32>,
    %lt3A_145 = arith.cmpf olt, %sub3A_141, %select_n3A_135 : vector<64x128xf32>
    %broadcast_in_dim3A_146 = arith.constant 9 : i32
    %broadcast_in_dim3A_147 = vector.broadcast %broadcast_in_dim3A_146 : i32 to vector<64x128xi32>
    %select_n3A_148 = arith.select %lt3A_145, %broadcast_in_dim3A_147, %select_n3A_134 : vector<64x128xi1>, vector<64x128xi32>
    %select_n3A_149 = arith.select %lt3A_145, %sub3A_141, %select_n3A_135 : vector<64x128xi1>, vector<64x128xf32>
    %slice3A_150 = vector.extract_strided_slice %get3A_9 {offsets = [0, 1280], sizes = [1, 128], strides = [1, 1]} : vector<1x8192xf32> to vector<1x128xf32>
    %add3A_151 = vector.broadcast %slice3A : vector<64x1xf32> to vector<64x128xf32>
    %add3A_152 = vector.broadcast %slice3A_150 : vector<1x128xf32> to vector<64x128xf32>
    %add3A_153 = arith.addf %add3A_151, %add3A_152 : vector<64x128xf32>
    %slice3A_154 = vector.extract_strided_slice %dot_general3A_5 {offsets = [0, 1280], sizes = [64, 128], strides = [1, 1]} : vector<256x8192xf32> to vector<64x128xf32>
    %sub3A_155 = arith.subf %add3A_153, %slice3A_154 : vector<64x128xf32>
    %swap3A_156 = arith.constant 0 : index
    %swap3A_157 = arith.constant 1280 : index
    %swap3A_158 = vector.load %arg4[%swap3A_156, %swap3A_157] : memref<256x8192xf32, #tpu.memory_space<vmem>>, vector<64x128xf32>
    tpu.vector_store %arg4[%swap3A_156, %swap3A_157], %sub3A_155 {strides = array<i32>} : memref<256x8192xf32, #tpu.memory_space<vmem>>, vector<64x128xf32>,
    %lt3A_159 = arith.cmpf olt, %sub3A_155, %select_n3A_149 : vector<64x128xf32>
    %broadcast_in_dim3A_160 = arith.constant 10 : i32
    %broadcast_in_dim3A_161 = vector.broadcast %broadcast_in_dim3A_160 : i32 to vector<64x128xi32>
    %select_n3A_162 = arith.select %lt3A_159, %broadcast_in_dim3A_161, %select_n3A_148 : vector<64x128xi1>, vector<64x128xi32>
    %select_n3A_163 = arith.select %lt3A_159, %sub3A_155, %select_n3A_149 : vector<64x128xi1>, vector<64x128xf32>
    %slice3A_164 = vector.extract_strided_slice %get3A_9 {offsets = [0, 1408], sizes = [1, 128], strides = [1, 1]} : vector<1x8192xf32> to vector<1x128xf32>
    %add3A_165 = vector.broadcast %slice3A : vector<64x1xf32> to vector<64x128xf32>
    %add3A_166 = vector.broadcast %slice3A_164 : vector<1x128xf32> to vector<64x128xf32>
    %add3A_167 = arith.addf %add3A_165, %add3A_166 : vector<64x128xf32>
    %slice3A_168 = vector.extract_strided_slice %dot_general3A_5 {offsets = [0, 1408], sizes = [64, 128], strides = [1, 1]} : vector<256x8192xf32> to vector<64x128xf32>
    %sub3A_169 = arith.subf %add3A_167, %slice3A_168 : vector<64x128xf32>
    %swap3A_170 = arith.constant 0 : index
    %swap3A_171 = arith.constant 1408 : index
    %swap3A_172 = vector.load %arg4[%swap3A_170, %swap3A_171] : memref<256x8192xf32, #tpu.memory_space<vmem>>, vector<64x128xf32>
    tpu.vector_store %arg4[%swap3A_170, %swap3A_171], %sub3A_169 {strides = array<i32>} : memref<256x8192xf32, #tpu.memory_space<vmem>>, vector<64x128xf32>,
    %lt3A_173 = arith.cmpf olt, %sub3A_169, %select_n3A_163 : vector<64x128xf32>
    %broadcast_in_dim3A_174 = arith.constant 11 : i32
    %broadcast_in_dim3A_175 = vector.broadcast %broadcast_in_dim3A_174 : i32 to vector<64x128xi32>
    %select_n3A_176 = arith.select %lt3A_173, %broadcast_in_dim3A_175, %select_n3A_162 : vector<64x128xi1>, vector<64x128xi32>
    %select_n3A_177 = arith.select %lt3A_173, %sub3A_169, %select_n3A_163 : vector<64x128xi1>, vector<64x128xf32>
    %slice3A_178 = vector.extract_strided_slice %get3A_9 {offsets = [0, 1536], sizes = [1, 128], strides = [1, 1]} : vector<1x8192xf32> to vector<1x128xf32>
    %add3A_179 = vector.broadcast %slice3A : vector<64x1xf32> to vector<64x128xf32>
    %add3A_180 = vector.broadcast %slice3A_178 : vector<1x128xf32> to vector<64x128xf32>
    %add3A_181 = arith.addf %add3A_179, %add3A_180 : vector<64x128xf32>
    %slice3A_182 = vector.extract_strided_slice %dot_general3A_5 {offsets = [0, 1536], sizes = [64, 128], strides = [1, 1]} : vector<256x8192xf32> to vector<64x128xf32>
    %sub3A_183 = arith.subf %add3A_181, %slice3A_182 : vector<64x128xf32>
    %swap3A_184 = arith.constant 0 : index
    %swap3A_185 = arith.constant 1536 : index
    %swap3A_186 = vector.load %arg4[%swap3A_184, %swap3A_185] : memref<256x8192xf32, #tpu.memory_space<vmem>>, vector<64x128xf32>
    tpu.vector_store %arg4[%swap3A_184, %swap3A_185], %sub3A_183 {strides = array<i32>} : memref<256x8192xf32, #tpu.memory_space<vmem>>, vector<64x128xf32>,
    %lt3A_187 = arith.cmpf olt, %sub3A_183, %select_n3A_177 : vector<64x128xf32>
    %broadcast_in_dim3A_188 = arith.constant 12 : i32
    %broadcast_in_dim3A_189 = vector.broadcast %broadcast_in_dim3A_188 : i32 to vector<64x128xi32>
    %select_n3A_190 = arith.select %lt3A_187, %broadcast_in_dim3A_189, %select_n3A_176 : vector<64x128xi1>, vector<64x128xi32>
    %select_n3A_191 = arith.select %lt3A_187, %sub3A_183, %select_n3A_177 : vector<64x128xi1>, vector<64x128xf32>
    %slice3A_192 = vector.extract_strided_slice %get3A_9 {offsets = [0, 1664], sizes = [1, 128], strides = [1, 1]} : vector<1x8192xf32> to vector<1x128xf32>
    %add3A_193 = vector.broadcast %slice3A : vector<64x1xf32> to vector<64x128xf32>
    %add3A_194 = vector.broadcast %slice3A_192 : vector<1x128xf32> to vector<64x128xf32>
    %add3A_195 = arith.addf %add3A_193, %add3A_194 : vector<64x128xf32>
    %slice3A_196 = vector.extract_strided_slice %dot_general3A_5 {offsets = [0, 1664], sizes = [64, 128], strides = [1, 1]} : vector<256x8192xf32> to vector<64x128xf32>
    %sub3A_197 = arith.subf %add3A_195, %slice3A_196 : vector<64x128xf32>
    %swap3A_198 = arith.constant 0 : index
    %swap3A_199 = arith.constant 1664 : index
    %swap3A_200 = vector.load %arg4[%swap3A_198, %swap3A_199] : memref<256x8192xf32, #tpu.memory_space<vmem>>, vector<64x128xf32>
    tpu.vector_store %arg4[%swap3A_198, %swap3A_199], %sub3A_197 {strides = array<i32>} : memref<256x8192xf32, #tpu.memory_space<vmem>>, vector<64x128xf32>,
    %lt3A_201 = arith.cmpf olt, %sub3A_197, %select_n3A_191 : vector<64x128xf32>
    %broadcast_in_dim3A_202 = arith.constant 13 : i32
    %broadcast_in_dim3A_203 = vector.broadcast %broadcast_in_dim3A_202 : i32 to vector<64x128xi32>
    %select_n3A_204 = arith.select %lt3A_201, %broadcast_in_dim3A_203, %select_n3A_190 : vector<64x128xi1>, vector<64x128xi32>
    %select_n3A_205 = arith.select %lt3A_201, %sub3A_197, %select_n3A_191 : vector<64x128xi1>, vector<64x128xf32>
    %slice3A_206 = vector.extract_strided_slice %get3A_9 {offsets = [0, 1792], sizes = [1, 128], strides = [1, 1]} : vector<1x8192xf32> to vector<1x128xf32>
    %add3A_207 = vector.broadcast %slice3A : vector<64x1xf32> to vector<64x128xf32>
    %add3A_208 = vector.broadcast %slice3A_206 : vector<1x128xf32> to vector<64x128xf32>
    %add3A_209 = arith.addf %add3A_207, %add3A_208 : vector<64x128xf32>
    %slice3A_210 = vector.extract_strided_slice %dot_general3A_5 {offsets = [0, 1792], sizes = [64, 128], strides = [1, 1]} : vector<256x8192xf32> to vector<64x128xf32>
    %sub3A_211 = arith.subf %add3A_209, %slice3A_210 : vector<64x128xf32>
    %swap3A_212 = arith.constant 0 : index
    %swap3A_213 = arith.constant 1792 : index
    %swap3A_214 = vector.load %arg4[%swap3A_212, %swap3A_213] : memref<256x8192xf32, #tpu.memory_space<vmem>>, vector<64x128xf32>
    tpu.vector_store %arg4[%swap3A_212, %swap3A_213], %sub3A_211 {strides = array<i32>} : memref<256x8192xf32, #tpu.memory_space<vmem>>, vector<64x128xf32>,
    %lt3A_215 = arith.cmpf olt, %sub3A_211, %select_n3A_205 : vector<64x128xf32>
    %broadcast_in_dim3A_216 = arith.constant 14 : i32
    %broadcast_in_dim3A_217 = vector.broadcast %broadcast_in_dim3A_216 : i32 to vector<64x128xi32>
    %select_n3A_218 = arith.select %lt3A_215, %broadcast_in_dim3A_217, %select_n3A_204 : vector<64x128xi1>, vector<64x128xi32>
    %select_n3A_219 = arith.select %lt3A_215, %sub3A_211, %select_n3A_205 : vector<64x128xi1>, vector<64x128xf32>
    %slice3A_220 = vector.extract_strided_slice %get3A_9 {offsets = [0, 1920], sizes = [1, 128], strides = [1, 1]} : vector<1x8192xf32> to vector<1x128xf32>
    %add3A_221 = vector.broadcast %slice3A : vector<64x1xf32> to vector<64x128xf32>
    %add3A_222 = vector.broadcast %slice3A_220 : vector<1x128xf32> to vector<64x128xf32>
    %add3A_223 = arith.addf %add3A_221, %add3A_222 : vector<64x128xf32>
    %slice3A_224 = vector.extract_strided_slice %dot_general3A_5 {offsets = [0, 1920], sizes = [64, 128], strides = [1, 1]} : vector<256x8192xf32> to vector<64x128xf32>
    %sub3A_225 = arith.subf %add3A_223, %slice3A_224 : vector<64x128xf32>
    %swap3A_226 = arith.constant 0 : index
    %swap3A_227 = arith.constant 1920 : index
    %swap3A_228 = vector.load %arg4[%swap3A_226, %swap3A_227] : memref<256x8192xf32, #tpu.memory_space<vmem>>, vector<64x128xf32>
    tpu.vector_store %arg4[%swap3A_226, %swap3A_227], %sub3A_225 {strides = array<i32>} : memref<256x8192xf32, #tpu.memory_space<vmem>>, vector<64x128xf32>,
    %lt3A_229 = arith.cmpf olt, %sub3A_225, %select_n3A_219 : vector<64x128xf32>
    %broadcast_in_dim3A_230 = arith.constant 15 : i32
    %broadcast_in_dim3A_231 = vector.broadcast %broadcast_in_dim3A_230 : i32 to vector<64x128xi32>
    %select_n3A_232 = arith.select %lt3A_229, %broadcast_in_dim3A_231, %select_n3A_218 : vector<64x128xi1>, vector<64x128xi32>
    %select_n3A_233 = arith.select %lt3A_229, %sub3A_225, %select_n3A_219 : vector<64x128xi1>, vector<64x128xf32>
    %slice3A_234 = vector.extract_strided_slice %get3A_9 {offsets = [0, 2048], sizes = [1, 128], strides = [1, 1]} : vector<1x8192xf32> to vector<1x128xf32>
    %add3A_235 = vector.broadcast %slice3A : vector<64x1xf32> to vector<64x128xf32>
    %add3A_236 = vector.broadcast %slice3A_234 : vector<1x128xf32> to vector<64x128xf32>
    %add3A_237 = arith.addf %add3A_235, %add3A_236 : vector<64x128xf32>
    %slice3A_238 = vector.extract_strided_slice %dot_general3A_5 {offsets = [0, 2048], sizes = [64, 128], strides = [1, 1]} : vector<256x8192xf32> to vector<64x128xf32>
    %sub3A_239 = arith.subf %add3A_237, %slice3A_238 : vector<64x128xf32>
    %swap3A_240 = arith.constant 0 : index
    %swap3A_241 = arith.constant 2048 : index
    %swap3A_242 = vector.load %arg4[%swap3A_240, %swap3A_241] : memref<256x8192xf32, #tpu.memory_space<vmem>>, vector<64x128xf32>
    tpu.vector_store %arg4[%swap3A_240, %swap3A_241], %sub3A_239 {strides = array<i32>} : memref<256x8192xf32, #tpu.memory_space<vmem>>, vector<64x128xf32>,
    %lt3A_243 = arith.cmpf olt, %sub3A_239, %select_n3A_233 : vector<64x128xf32>
    %broadcast_in_dim3A_244 = arith.constant 16 : i32
    %broadcast_in_dim3A_245 = vector.broadcast %broadcast_in_dim3A_244 : i32 to vector<64x128xi32>
    %select_n3A_246 = arith.select %lt3A_243, %broadcast_in_dim3A_245, %select_n3A_232 : vector<64x128xi1>, vector<64x128xi32>
    %select_n3A_247 = arith.select %lt3A_243, %sub3A_239, %select_n3A_233 : vector<64x128xi1>, vector<64x128xf32>
    %slice3A_248 = vector.extract_strided_slice %get3A_9 {offsets = [0, 2176], sizes = [1, 128], strides = [1, 1]} : vector<1x8192xf32> to vector<1x128xf32>
    %add3A_249 = vector.broadcast %slice3A : vector<64x1xf32> to vector<64x128xf32>
    %add3A_250 = vector.broadcast %slice3A_248 : vector<1x128xf32> to vector<64x128xf32>
    %add3A_251 = arith.addf %add3A_249, %add3A_250 : vector<64x128xf32>
    %slice3A_252 = vector.extract_strided_slice %dot_general3A_5 {offsets = [0, 2176], sizes = [64, 128], strides = [1, 1]} : vector<256x8192xf32> to vector<64x128xf32>
    %sub3A_253 = arith.subf %add3A_251, %slice3A_252 : vector<64x128xf32>
    %swap3A_254 = arith.constant 0 : index
    %swap3A_255 = arith.constant 2176 : index
    %swap3A_256 = vector.load %arg4[%swap3A_254, %swap3A_255] : memref<256x8192xf32, #tpu.memory_space<vmem>>, vector<64x128xf32>
    tpu.vector_store %arg4[%swap3A_254, %swap3A_255], %sub3A_253 {strides = array<i32>} : memref<256x8192xf32, #tpu.memory_space<vmem>>, vector<64x128xf32>,
    %lt3A_257 = arith.cmpf olt, %sub3A_253, %select_n3A_247 : vector<64x128xf32>
    %broadcast_in_dim3A_258 = arith.constant 17 : i32
    %broadcast_in_dim3A_259 = vector.broadcast %broadcast_in_dim3A_258 : i32 to vector<64x128xi32>
    %select_n3A_260 = arith.select %lt3A_257, %broadcast_in_dim3A_259, %select_n3A_246 : vector<64x128xi1>, vector<64x128xi32>
    %select_n3A_261 = arith.select %lt3A_257, %sub3A_253, %select_n3A_247 : vector<64x128xi1>, vector<64x128xf32>
    %slice3A_262 = vector.extract_strided_slice %get3A_9 {offsets = [0, 2304], sizes = [1, 128], strides = [1, 1]} : vector<1x8192xf32> to vector<1x128xf32>
    %add3A_263 = vector.broadcast %slice3A : vector<64x1xf32> to vector<64x128xf32>
    %add3A_264 = vector.broadcast %slice3A_262 : vector<1x128xf32> to vector<64x128xf32>
    %add3A_265 = arith.addf %add3A_263, %add3A_264 : vector<64x128xf32>
    %slice3A_266 = vector.extract_strided_slice %dot_general3A_5 {offsets = [0, 2304], sizes = [64, 128], strides = [1, 1]} : vector<256x8192xf32> to vector<64x128xf32>
    %sub3A_267 = arith.subf %add3A_265, %slice3A_266 : vector<64x128xf32>
    %swap3A_268 = arith.constant 0 : index
    %swap3A_269 = arith.constant 2304 : index
    %swap3A_270 = vector.load %arg4[%swap3A_268, %swap3A_269] : memref<256x8192xf32, #tpu.memory_space<vmem>>, vector<64x128xf32>
    tpu.vector_store %arg4[%swap3A_268, %swap3A_269], %sub3A_267 {strides = array<i32>} : memref<256x8192xf32, #tpu.memory_space<vmem>>, vector<64x128xf32>,
    %lt3A_271 = arith.cmpf olt, %sub3A_267, %select_n3A_261 : vector<64x128xf32>
    %broadcast_in_dim3A_272 = arith.constant 18 : i32
    %broadcast_in_dim3A_273 = vector.broadcast %broadcast_in_dim3A_272 : i32 to vector<64x128xi32>
    %select_n3A_274 = arith.select %lt3A_271, %broadcast_in_dim3A_273, %select_n3A_260 : vector<64x128xi1>, vector<64x128xi32>
    %select_n3A_275 = arith.select %lt3A_271, %sub3A_267, %select_n3A_261 : vector<64x128xi1>, vector<64x128xf32>
    %slice3A_276 = vector.extract_strided_slice %get3A_9 {offsets = [0, 2432], sizes = [1, 128], strides = [1, 1]} : vector<1x8192xf32> to vector<1x128xf32>
    %add3A_277 = vector.broadcast %slice3A : vector<64x1xf32> to vector<64x128xf32>
    %add3A_278 = vector.broadcast %slice3A_276 : vector<1x128xf32> to vector<64x128xf32>
    %add3A_279 = arith.addf %add3A_277, %add3A_278 : vector<64x128xf32>
    %slice3A_280 = vector.extract_strided_slice %dot_general3A_5 {offsets = [0, 2432], sizes = [64, 128], strides = [1, 1]} : vector<256x8192xf32> to vector<64x128xf32>
    %sub3A_281 = arith.subf %add3A_279, %slice3A_280 : vector<64x128xf32>
    %swap3A_282 = arith.constant 0 : index
    %swap3A_283 = arith.constant 2432 : index
    %swap3A_284 = vector.load %arg4[%swap3A_282, %swap3A_283] : memref<256x8192xf32, #tpu.memory_space<vmem>>, vector<64x128xf32>
    tpu.vector_store %arg4[%swap3A_282, %swap3A_283], %sub3A_281 {strides = array<i32>} : memref<256x8192xf32, #tpu.memory_space<vmem>>, vector<64x128xf32>,
    %lt3A_285 = arith.cmpf olt, %sub3A_281, %select_n3A_275 : vector<64x128xf32>
    %broadcast_in_dim3A_286 = arith.constant 19 : i32
    %broadcast_in_dim3A_287 = vector.broadcast %broadcast_in_dim3A_286 : i32 to vector<64x128xi32>
    %select_n3A_288 = arith.select %lt3A_285, %broadcast_in_dim3A_287, %select_n3A_274 : vector<64x128xi1>, vector<64x128xi32>
    %select_n3A_289 = arith.select %lt3A_285, %sub3A_281, %select_n3A_275 : vector<64x128xi1>, vector<64x128xf32>
    %slice3A_290 = vector.extract_strided_slice %get3A_9 {offsets = [0, 2560], sizes = [1, 128], strides = [1, 1]} : vector<1x8192xf32> to vector<1x128xf32>
    %add3A_291 = vector.broadcast %slice3A : vector<64x1xf32> to vector<64x128xf32>
    %add3A_292 = vector.broadcast %slice3A_290 : vector<1x128xf32> to vector<64x128xf32>
    %add3A_293 = arith.addf %add3A_291, %add3A_292 : vector<64x128xf32>
    %slice3A_294 = vector.extract_strided_slice %dot_general3A_5 {offsets = [0, 2560], sizes = [64, 128], strides = [1, 1]} : vector<256x8192xf32> to vector<64x128xf32>
    %sub3A_295 = arith.subf %add3A_293, %slice3A_294 : vector<64x128xf32>
    %swap3A_296 = arith.constant 0 : index
    %swap3A_297 = arith.constant 2560 : index
    %swap3A_298 = vector.load %arg4[%swap3A_296, %swap3A_297] : memref<256x8192xf32, #tpu.memory_space<vmem>>, vector<64x128xf32>
    tpu.vector_store %arg4[%swap3A_296, %swap3A_297], %sub3A_295 {strides = array<i32>} : memref<256x8192xf32, #tpu.memory_space<vmem>>, vector<64x128xf32>,
    %lt3A_299 = arith.cmpf olt, %sub3A_295, %select_n3A_289 : vector<64x128xf32>
    %broadcast_in_dim3A_300 = arith.constant 20 : i32
    %broadcast_in_dim3A_301 = vector.broadcast %broadcast_in_dim3A_300 : i32 to vector<64x128xi32>
    %select_n3A_302 = arith.select %lt3A_299, %broadcast_in_dim3A_301, %select_n3A_288 : vector<64x128xi1>, vector<64x128xi32>
    %select_n3A_303 = arith.select %lt3A_299, %sub3A_295, %select_n3A_289 : vector<64x128xi1>, vector<64x128xf32>
    %slice3A_304 = vector.extract_strided_slice %get3A_9 {offsets = [0, 2688], sizes = [1, 128], strides = [1, 1]} : vector<1x8192xf32> to vector<1x128xf32>
    %add3A_305 = vector.broadcast %slice3A : vector<64x1xf32> to vector<64x128xf32>
    %add3A_306 = vector.broadcast %slice3A_304 : vector<1x128xf32> to vector<64x128xf32>
    %add3A_307 = arith.addf %add3A_305, %add3A_306 : vector<64x128xf32>
    %slice3A_308 = vector.extract_strided_slice %dot_general3A_5 {offsets = [0, 2688], sizes = [64, 128], strides = [1, 1]} : vector<256x8192xf32> to vector<64x128xf32>
    %sub3A_309 = arith.subf %add3A_307, %slice3A_308 : vector<64x128xf32>
    %swap3A_310 = arith.constant 0 : index
    %swap3A_311 = arith.constant 2688 : index
    %swap3A_312 = vector.load %arg4[%swap3A_310, %swap3A_311] : memref<256x8192xf32, #tpu.memory_space<vmem>>, vector<64x128xf32>
    tpu.vector_store %arg4[%swap3A_310, %swap3A_311], %sub3A_309 {strides = array<i32>} : memref<256x8192xf32, #tpu.memory_space<vmem>>, vector<64x128xf32>,
    %lt3A_313 = arith.cmpf olt, %sub3A_309, %select_n3A_303 : vector<64x128xf32>
    %broadcast_in_dim3A_314 = arith.constant 21 : i32
    %broadcast_in_dim3A_315 = vector.broadcast %broadcast_in_dim3A_314 : i32 to vector<64x128xi32>
    %select_n3A_316 = arith.select %lt3A_313, %broadcast_in_dim3A_315, %select_n3A_302 : vector<64x128xi1>, vector<64x128xi32>
    %select_n3A_317 = arith.select %lt3A_313, %sub3A_309, %select_n3A_303 : vector<64x128xi1>, vector<64x128xf32>
    %slice3A_318 = vector.extract_strided_slice %get3A_9 {offsets = [0, 2816], sizes = [1, 128], strides = [1, 1]} : vector<1x8192xf32> to vector<1x128xf32>
    %add3A_319 = vector.broadcast %slice3A : vector<64x1xf32> to vector<64x128xf32>
    %add3A_320 = vector.broadcast %slice3A_318 : vector<1x128xf32> to vector<64x128xf32>
    %add3A_321 = arith.addf %add3A_319, %add3A_320 : vector<64x128xf32>
    %slice3A_322 = vector.extract_strided_slice %dot_general3A_5 {offsets = [0, 2816], sizes = [64, 128], strides = [1, 1]} : vector<256x8192xf32> to vector<64x128xf32>
    %sub3A_323 = arith.subf %add3A_321, %slice3A_322 : vector<64x128xf32>
    %swap3A_324 = arith.constant 0 : index
    %swap3A_325 = arith.constant 2816 : index
    %swap3A_326 = vector.load %arg4[%swap3A_324, %swap3A_325] : memref<256x8192xf32, #tpu.memory_space<vmem>>, vector<64x128xf32>
    tpu.vector_store %arg4[%swap3A_324, %swap3A_325], %sub3A_323 {strides = array<i32>} : memref<256x8192xf32, #tpu.memory_space<vmem>>, vector<64x128xf32>,
    %lt3A_327 = arith.cmpf olt, %sub3A_323, %select_n3A_317 : vector<64x128xf32>
    %broadcast_in_dim3A_328 = arith.constant 22 : i32
    %broadcast_in_dim3A_329 = vector.broadcast %broadcast_in_dim3A_328 : i32 to vector<64x128xi32>
    %select_n3A_330 = arith.select %lt3A_327, %broadcast_in_dim3A_329, %select_n3A_316 : vector<64x128xi1>, vector<64x128xi32>
    %select_n3A_331 = arith.select %lt3A_327, %sub3A_323, %select_n3A_317 : vector<64x128xi1>, vector<64x128xf32>
    %slice3A_332 = vector.extract_strided_slice %get3A_9 {offsets = [0, 2944], sizes = [1, 128], strides = [1, 1]} : vector<1x8192xf32> to vector<1x128xf32>
    %add3A_333 = vector.broadcast %slice3A : vector<64x1xf32> to vector<64x128xf32>
    %add3A_334 = vector.broadcast %slice3A_332 : vector<1x128xf32> to vector<64x128xf32>
    %add3A_335 = arith.addf %add3A_333, %add3A_334 : vector<64x128xf32>
    %slice3A_336 = vector.extract_strided_slice %dot_general3A_5 {offsets = [0, 2944], sizes = [64, 128], strides = [1, 1]} : vector<256x8192xf32> to vector<64x128xf32>
    %sub3A_337 = arith.subf %add3A_335, %slice3A_336 : vector<64x128xf32>
    %swap3A_338 = arith.constant 0 : index
    %swap3A_339 = arith.constant 2944 : index
    %swap3A_340 = vector.load %arg4[%swap3A_338, %swap3A_339] : memref<256x8192xf32, #tpu.memory_space<vmem>>, vector<64x128xf32>
    tpu.vector_store %arg4[%swap3A_338, %swap3A_339], %sub3A_337 {strides = array<i32>} : memref<256x8192xf32, #tpu.memory_space<vmem>>, vector<64x128xf32>,
    %lt3A_341 = arith.cmpf olt, %sub3A_337, %select_n3A_331 : vector<64x128xf32>
    %broadcast_in_dim3A_342 = arith.constant 23 : i32
    %broadcast_in_dim3A_343 = vector.broadcast %broadcast_in_dim3A_342 : i32 to vector<64x128xi32>
    %select_n3A_344 = arith.select %lt3A_341, %broadcast_in_dim3A_343, %select_n3A_330 : vector<64x128xi1>, vector<64x128xi32>
    %select_n3A_345 = arith.select %lt3A_341, %sub3A_337, %select_n3A_331 : vector<64x128xi1>, vector<64x128xf32>
    %slice3A_346 = vector.extract_strided_slice %get3A_9 {offsets = [0, 3072], sizes = [1, 128], strides = [1, 1]} : vector<1x8192xf32> to vector<1x128xf32>
    %add3A_347 = vector.broadcast %slice3A : vector<64x1xf32> to vector<64x128xf32>
    %add3A_348 = vector.broadcast %slice3A_346 : vector<1x128xf32> to vector<64x128xf32>
    %add3A_349 = arith.addf %add3A_347, %add3A_348 : vector<64x128xf32>
    %slice3A_350 = vector.extract_strided_slice %dot_general3A_5 {offsets = [0, 3072], sizes = [64, 128], strides = [1, 1]} : vector<256x8192xf32> to vector<64x128xf32>
    %sub3A_351 = arith.subf %add3A_349, %slice3A_350 : vector<64x128xf32>
    %swap3A_352 = arith.constant 0 : index
    %swap3A_353 = arith.constant 3072 : index
    %swap3A_354 = vector.load %arg4[%swap3A_352, %swap3A_353] : memref<256x8192xf32, #tpu.memory_space<vmem>>, vector<64x128xf32>
    tpu.vector_store %arg4[%swap3A_352, %swap3A_353], %sub3A_351 {strides = array<i32>} : memref<256x8192xf32, #tpu.memory_space<vmem>>, vector<64x128xf32>,
    %lt3A_355 = arith.cmpf olt, %sub3A_351, %select_n3A_345 : vector<64x128xf32>
    %broadcast_in_dim3A_356 = arith.constant 24 : i32
    %broadcast_in_dim3A_357 = vector.broadcast %broadcast_in_dim3A_356 : i32 to vector<64x128xi32>
    %select_n3A_358 = arith.select %lt3A_355, %broadcast_in_dim3A_357, %select_n3A_344 : vector<64x128xi1>, vector<64x128xi32>
    %select_n3A_359 = arith.select %lt3A_355, %sub3A_351, %select_n3A_345 : vector<64x128xi1>, vector<64x128xf32>
    %slice3A_360 = vector.extract_strided_slice %get3A_9 {offsets = [0, 3200], sizes = [1, 128], strides = [1, 1]} : vector<1x8192xf32> to vector<1x128xf32>
    %add3A_361 = vector.broadcast %slice3A : vector<64x1xf32> to vector<64x128xf32>
    %add3A_362 = vector.broadcast %slice3A_360 : vector<1x128xf32> to vector<64x128xf32>
    %add3A_363 = arith.addf %add3A_361, %add3A_362 : vector<64x128xf32>
    %slice3A_364 = vector.extract_strided_slice %dot_general3A_5 {offsets = [0, 3200], sizes = [64, 128], strides = [1, 1]} : vector<256x8192xf32> to vector<64x128xf32>
    %sub3A_365 = arith.subf %add3A_363, %slice3A_364 : vector<64x128xf32>
    %swap3A_366 = arith.constant 0 : index
    %swap3A_367 = arith.constant 3200 : index
    %swap3A_368 = vector.load %arg4[%swap3A_366, %swap3A_367] : memref<256x8192xf32, #tpu.memory_space<vmem>>, vector<64x128xf32>
    tpu.vector_store %arg4[%swap3A_366, %swap3A_367], %sub3A_365 {strides = array<i32>} : memref<256x8192xf32, #tpu.memory_space<vmem>>, vector<64x128xf32>,
    %lt3A_369 = arith.cmpf olt, %sub3A_365, %select_n3A_359 : vector<64x128xf32>
    %broadcast_in_dim3A_370 = arith.constant 25 : i32
    %broadcast_in_dim3A_371 = vector.broadcast %broadcast_in_dim3A_370 : i32 to vector<64x128xi32>
    %select_n3A_372 = arith.select %lt3A_369, %broadcast_in_dim3A_371, %select_n3A_358 : vector<64x128xi1>, vector<64x128xi32>
    %select_n3A_373 = arith.select %lt3A_369, %sub3A_365, %select_n3A_359 : vector<64x128xi1>, vector<64x128xf32>
    %slice3A_374 = vector.extract_strided_slice %get3A_9 {offsets = [0, 3328], sizes = [1, 128], strides = [1, 1]} : vector<1x8192xf32> to vector<1x128xf32>
    %add3A_375 = vector.broadcast %slice3A : vector<64x1xf32> to vector<64x128xf32>
    %add3A_376 = vector.broadcast %slice3A_374 : vector<1x128xf32> to vector<64x128xf32>
    %add3A_377 = arith.addf %add3A_375, %add3A_376 : vector<64x128xf32>
    %slice3A_378 = vector.extract_strided_slice %dot_general3A_5 {offsets = [0, 3328], sizes = [64, 128], strides = [1, 1]} : vector<256x8192xf32> to vector<64x128xf32>
    %sub3A_379 = arith.subf %add3A_377, %slice3A_378 : vector<64x128xf32>
    %swap3A_380 = arith.constant 0 : index
    %swap3A_381 = arith.constant 3328 : index
    %swap3A_382 = vector.load %arg4[%swap3A_380, %swap3A_381] : memref<256x8192xf32, #tpu.memory_space<vmem>>, vector<64x128xf32>
    tpu.vector_store %arg4[%swap3A_380, %swap3A_381], %sub3A_379 {strides = array<i32>} : memref<256x8192xf32, #tpu.memory_space<vmem>>, vector<64x128xf32>,
    %lt3A_383 = arith.cmpf olt, %sub3A_379, %select_n3A_373 : vector<64x128xf32>
    %broadcast_in_dim3A_384 = arith.constant 26 : i32
    %broadcast_in_dim3A_385 = vector.broadcast %broadcast_in_dim3A_384 : i32 to vector<64x128xi32>
    %select_n3A_386 = arith.select %lt3A_383, %broadcast_in_dim3A_385, %select_n3A_372 : vector<64x128xi1>, vector<64x128xi32>
    %select_n3A_387 = arith.select %lt3A_383, %sub3A_379, %select_n3A_373 : vector<64x128xi1>, vector<64x128xf32>
    %slice3A_388 = vector.extract_strided_slice %get3A_9 {offsets = [0, 3456], sizes = [1, 128], strides = [1, 1]} : vector<1x8192xf32> to vector<1x128xf32>
    %add3A_389 = vector.broadcast %slice3A : vector<64x1xf32> to vector<64x128xf32>
    %add3A_390 = vector.broadcast %slice3A_388 : vector<1x128xf32> to vector<64x128xf32>
    %add3A_391 = arith.addf %add3A_389, %add3A_390 : vector<64x128xf32>
    %slice3A_392 = vector.extract_strided_slice %dot_general3A_5 {offsets = [0, 3456], sizes = [64, 128], strides = [1, 1]} : vector<256x8192xf32> to vector<64x128xf32>
    %sub3A_393 = arith.subf %add3A_391, %slice3A_392 : vector<64x128xf32>
    %swap3A_394 = arith.constant 0 : index
    %swap3A_395 = arith.constant 3456 : index
    %swap3A_396 = vector.load %arg4[%swap3A_394, %swap3A_395] : memref<256x8192xf32, #tpu.memory_space<vmem>>, vector<64x128xf32>
    tpu.vector_store %arg4[%swap3A_394, %swap3A_395], %sub3A_393 {strides = array<i32>} : memref<256x8192xf32, #tpu.memory_space<vmem>>, vector<64x128xf32>,
    %lt3A_397 = arith.cmpf olt, %sub3A_393, %select_n3A_387 : vector<64x128xf32>
    %broadcast_in_dim3A_398 = arith.constant 27 : i32
    %broadcast_in_dim3A_399 = vector.broadcast %broadcast_in_dim3A_398 : i32 to vector<64x128xi32>
    %select_n3A_400 = arith.select %lt3A_397, %broadcast_in_dim3A_399, %select_n3A_386 : vector<64x128xi1>, vector<64x128xi32>
    %select_n3A_401 = arith.select %lt3A_397, %sub3A_393, %select_n3A_387 : vector<64x128xi1>, vector<64x128xf32>
    %slice3A_402 = vector.extract_strided_slice %get3A_9 {offsets = [0, 3584], sizes = [1, 128], strides = [1, 1]} : vector<1x8192xf32> to vector<1x128xf32>
    %add3A_403 = vector.broadcast %slice3A : vector<64x1xf32> to vector<64x128xf32>
    %add3A_404 = vector.broadcast %slice3A_402 : vector<1x128xf32> to vector<64x128xf32>
    %add3A_405 = arith.addf %add3A_403, %add3A_404 : vector<64x128xf32>
    %slice3A_406 = vector.extract_strided_slice %dot_general3A_5 {offsets = [0, 3584], sizes = [64, 128], strides = [1, 1]} : vector<256x8192xf32> to vector<64x128xf32>
    %sub3A_407 = arith.subf %add3A_405, %slice3A_406 : vector<64x128xf32>
    %swap3A_408 = arith.constant 0 : index
    %swap3A_409 = arith.constant 3584 : index
    %swap3A_410 = vector.load %arg4[%swap3A_408, %swap3A_409] : memref<256x8192xf32, #tpu.memory_space<vmem>>, vector<64x128xf32>
    tpu.vector_store %arg4[%swap3A_408, %swap3A_409], %sub3A_407 {strides = array<i32>} : memref<256x8192xf32, #tpu.memory_space<vmem>>, vector<64x128xf32>,
    %lt3A_411 = arith.cmpf olt, %sub3A_407, %select_n3A_401 : vector<64x128xf32>
    %broadcast_in_dim3A_412 = arith.constant 28 : i32
    %broadcast_in_dim3A_413 = vector.broadcast %broadcast_in_dim3A_412 : i32 to vector<64x128xi32>
    %select_n3A_414 = arith.select %lt3A_411, %broadcast_in_dim3A_413, %select_n3A_400 : vector<64x128xi1>, vector<64x128xi32>
    %select_n3A_415 = arith.select %lt3A_411, %sub3A_407, %select_n3A_401 : vector<64x128xi1>, vector<64x128xf32>
    %slice3A_416 = vector.extract_strided_slice %get3A_9 {offsets = [0, 3712], sizes = [1, 128], strides = [1, 1]} : vector<1x8192xf32> to vector<1x128xf32>
    %add3A_417 = vector.broadcast %slice3A : vector<64x1xf32> to vector<64x128xf32>
    %add3A_418 = vector.broadcast %slice3A_416 : vector<1x128xf32> to vector<64x128xf32>
    %add3A_419 = arith.addf %add3A_417, %add3A_418 : vector<64x128xf32>
    %slice3A_420 = vector.extract_strided_slice %dot_general3A_5 {offsets = [0, 3712], sizes = [64, 128], strides = [1, 1]} : vector<256x8192xf32> to vector<64x128xf32>
    %sub3A_421 = arith.subf %add3A_419, %slice3A_420 : vector<64x128xf32>
    %swap3A_422 = arith.constant 0 : index
    %swap3A_423 = arith.constant 3712 : index
    %swap3A_424 = vector.load %arg4[%swap3A_422, %swap3A_423] : memref<256x8192xf32, #tpu.memory_space<vmem>>, vector<64x128xf32>
    tpu.vector_store %arg4[%swap3A_422, %swap3A_423], %sub3A_421 {strides = array<i32>} : memref<256x8192xf32, #tpu.memory_space<vmem>>, vector<64x128xf32>,
    %lt3A_425 = arith.cmpf olt, %sub3A_421, %select_n3A_415 : vector<64x128xf32>
    %broadcast_in_dim3A_426 = arith.constant 29 : i32
    %broadcast_in_dim3A_427 = vector.broadcast %broadcast_in_dim3A_426 : i32 to vector<64x128xi32>
    %select_n3A_428 = arith.select %lt3A_425, %broadcast_in_dim3A_427, %select_n3A_414 : vector<64x128xi1>, vector<64x128xi32>
    %select_n3A_429 = arith.select %lt3A_425, %sub3A_421, %select_n3A_415 : vector<64x128xi1>, vector<64x128xf32>
    %slice3A_430 = vector.extract_strided_slice %get3A_9 {offsets = [0, 3840], sizes = [1, 128], strides = [1, 1]} : vector<1x8192xf32> to vector<1x128xf32>
    %add3A_431 = vector.broadcast %slice3A : vector<64x1xf32> to vector<64x128xf32>
    %add3A_432 = vector.broadcast %slice3A_430 : vector<1x128xf32> to vector<64x128xf32>
    %add3A_433 = arith.addf %add3A_431, %add3A_432 : vector<64x128xf32>
    %slice3A_434 = vector.extract_strided_slice %dot_general3A_5 {offsets = [0, 3840], sizes = [64, 128], strides = [1, 1]} : vector<256x8192xf32> to vector<64x128xf32>
    %sub3A_435 = arith.subf %add3A_433, %slice3A_434 : vector<64x128xf32>
    %swap3A_436 = arith.constant 0 : index
    %swap3A_437 = arith.constant 3840 : index
    %swap3A_438 = vector.load %arg4[%swap3A_436, %swap3A_437] : memref<256x8192xf32, #tpu.memory_space<vmem>>, vector<64x128xf32>
    tpu.vector_store %arg4[%swap3A_436, %swap3A_437], %sub3A_435 {strides = array<i32>} : memref<256x8192xf32, #tpu.memory_space<vmem>>, vector<64x128xf32>,
    %lt3A_439 = arith.cmpf olt, %sub3A_435, %select_n3A_429 : vector<64x128xf32>
    %broadcast_in_dim3A_440 = arith.constant 30 : i32
    %broadcast_in_dim3A_441 = vector.broadcast %broadcast_in_dim3A_440 : i32 to vector<64x128xi32>
    %select_n3A_442 = arith.select %lt3A_439, %broadcast_in_dim3A_441, %select_n3A_428 : vector<64x128xi1>, vector<64x128xi32>
    %select_n3A_443 = arith.select %lt3A_439, %sub3A_435, %select_n3A_429 : vector<64x128xi1>, vector<64x128xf32>
    %slice3A_444 = vector.extract_strided_slice %get3A_9 {offsets = [0, 3968], sizes = [1, 128], strides = [1, 1]} : vector<1x8192xf32> to vector<1x128xf32>
    %add3A_445 = vector.broadcast %slice3A : vector<64x1xf32> to vector<64x128xf32>
    %add3A_446 = vector.broadcast %slice3A_444 : vector<1x128xf32> to vector<64x128xf32>
    %add3A_447 = arith.addf %add3A_445, %add3A_446 : vector<64x128xf32>
    %slice3A_448 = vector.extract_strided_slice %dot_general3A_5 {offsets = [0, 3968], sizes = [64, 128], strides = [1, 1]} : vector<256x8192xf32> to vector<64x128xf32>
    %sub3A_449 = arith.subf %add3A_447, %slice3A_448 : vector<64x128xf32>
    %swap3A_450 = arith.constant 0 : index
    %swap3A_451 = arith.constant 3968 : index
    %swap3A_452 = vector.load %arg4[%swap3A_450, %swap3A_451] : memref<256x8192xf32, #tpu.memory_space<vmem>>, vector<64x128xf32>
    tpu.vector_store %arg4[%swap3A_450, %swap3A_451], %sub3A_449 {strides = array<i32>} : memref<256x8192xf32, #tpu.memory_space<vmem>>, vector<64x128xf32>,
    %lt3A_453 = arith.cmpf olt, %sub3A_449, %select_n3A_443 : vector<64x128xf32>
    %broadcast_in_dim3A_454 = arith.constant 31 : i32
    %broadcast_in_dim3A_455 = vector.broadcast %broadcast_in_dim3A_454 : i32 to vector<64x128xi32>
    %select_n3A_456 = arith.select %lt3A_453, %broadcast_in_dim3A_455, %select_n3A_442 : vector<64x128xi1>, vector<64x128xi32>
    %select_n3A_457 = arith.select %lt3A_453, %sub3A_449, %select_n3A_443 : vector<64x128xi1>, vector<64x128xf32>
    %slice3A_458 = vector.extract_strided_slice %get3A_9 {offsets = [0, 4096], sizes = [1, 128], strides = [1, 1]} : vector<1x8192xf32> to vector<1x128xf32>
    %add3A_459 = vector.broadcast %slice3A : vector<64x1xf32> to vector<64x128xf32>
    %add3A_460 = vector.broadcast %slice3A_458 : vector<1x128xf32> to vector<64x128xf32>
    %add3A_461 = arith.addf %add3A_459, %add3A_460 : vector<64x128xf32>
    %slice3A_462 = vector.extract_strided_slice %dot_general3A_5 {offsets = [0, 4096], sizes = [64, 128], strides = [1, 1]} : vector<256x8192xf32> to vector<64x128xf32>
    %sub3A_463 = arith.subf %add3A_461, %slice3A_462 : vector<64x128xf32>
    %swap3A_464 = arith.constant 0 : index
    %swap3A_465 = arith.constant 4096 : index
    %swap3A_466 = vector.load %arg4[%swap3A_464, %swap3A_465] : memref<256x8192xf32, #tpu.memory_space<vmem>>, vector<64x128xf32>
    tpu.vector_store %arg4[%swap3A_464, %swap3A_465], %sub3A_463 {strides = array<i32>} : memref<256x8192xf32, #tpu.memory_space<vmem>>, vector<64x128xf32>,
    %lt3A_467 = arith.cmpf olt, %sub3A_463, %select_n3A_457 : vector<64x128xf32>
    %broadcast_in_dim3A_468 = arith.constant 32 : i32
    %broadcast_in_dim3A_469 = vector.broadcast %broadcast_in_dim3A_468 : i32 to vector<64x128xi32>
    %select_n3A_470 = arith.select %lt3A_467, %broadcast_in_dim3A_469, %select_n3A_456 : vector<64x128xi1>, vector<64x128xi32>
    %select_n3A_471 = arith.select %lt3A_467, %sub3A_463, %select_n3A_457 : vector<64x128xi1>, vector<64x128xf32>
    %slice3A_472 = vector.extract_strided_slice %get3A_9 {offsets = [0, 4224], sizes = [1, 128], strides = [1, 1]} : vector<1x8192xf32> to vector<1x128xf32>
    %add3A_473 = vector.broadcast %slice3A : vector<64x1xf32> to vector<64x128xf32>
    %add3A_474 = vector.broadcast %slice3A_472 : vector<1x128xf32> to vector<64x128xf32>
    %add3A_475 = arith.addf %add3A_473, %add3A_474 : vector<64x128xf32>
    %slice3A_476 = vector.extract_strided_slice %dot_general3A_5 {offsets = [0, 4224], sizes = [64, 128], strides = [1, 1]} : vector<256x8192xf32> to vector<64x128xf32>
    %sub3A_477 = arith.subf %add3A_475, %slice3A_476 : vector<64x128xf32>
    %swap3A_478 = arith.constant 0 : index
    %swap3A_479 = arith.constant 4224 : index
    %swap3A_480 = vector.load %arg4[%swap3A_478, %swap3A_479] : memref<256x8192xf32, #tpu.memory_space<vmem>>, vector<64x128xf32>
    tpu.vector_store %arg4[%swap3A_478, %swap3A_479], %sub3A_477 {strides = array<i32>} : memref<256x8192xf32, #tpu.memory_space<vmem>>, vector<64x128xf32>,
    %lt3A_481 = arith.cmpf olt, %sub3A_477, %select_n3A_471 : vector<64x128xf32>
    %broadcast_in_dim3A_482 = arith.constant 33 : i32
    %broadcast_in_dim3A_483 = vector.broadcast %broadcast_in_dim3A_482 : i32 to vector<64x128xi32>
    %select_n3A_484 = arith.select %lt3A_481, %broadcast_in_dim3A_483, %select_n3A_470 : vector<64x128xi1>, vector<64x128xi32>
    %select_n3A_485 = arith.select %lt3A_481, %sub3A_477, %select_n3A_471 : vector<64x128xi1>, vector<64x128xf32>
    %slice3A_486 = vector.extract_strided_slice %get3A_9 {offsets = [0, 4352], sizes = [1, 128], strides = [1, 1]} : vector<1x8192xf32> to vector<1x128xf32>
    %add3A_487 = vector.broadcast %slice3A : vector<64x1xf32> to vector<64x128xf32>
    %add3A_488 = vector.broadcast %slice3A_486 : vector<1x128xf32> to vector<64x128xf32>
    %add3A_489 = arith.addf %add3A_487, %add3A_488 : vector<64x128xf32>
    %slice3A_490 = vector.extract_strided_slice %dot_general3A_5 {offsets = [0, 4352], sizes = [64, 128], strides = [1, 1]} : vector<256x8192xf32> to vector<64x128xf32>
    %sub3A_491 = arith.subf %add3A_489, %slice3A_490 : vector<64x128xf32>
    %swap3A_492 = arith.constant 0 : index
    %swap3A_493 = arith.constant 4352 : index
    %swap3A_494 = vector.load %arg4[%swap3A_492, %swap3A_493] : memref<256x8192xf32, #tpu.memory_space<vmem>>, vector<64x128xf32>
    tpu.vector_store %arg4[%swap3A_492, %swap3A_493], %sub3A_491 {strides = array<i32>} : memref<256x8192xf32, #tpu.memory_space<vmem>>, vector<64x128xf32>,
    %lt3A_495 = arith.cmpf olt, %sub3A_491, %select_n3A_485 : vector<64x128xf32>
    %broadcast_in_dim3A_496 = arith.constant 34 : i32
    %broadcast_in_dim3A_497 = vector.broadcast %broadcast_in_dim3A_496 : i32 to vector<64x128xi32>
    %select_n3A_498 = arith.select %lt3A_495, %broadcast_in_dim3A_497, %select_n3A_484 : vector<64x128xi1>, vector<64x128xi32>
    %select_n3A_499 = arith.select %lt3A_495, %sub3A_491, %select_n3A_485 : vector<64x128xi1>, vector<64x128xf32>
    %slice3A_500 = vector.extract_strided_slice %get3A_9 {offsets = [0, 4480], sizes = [1, 128], strides = [1, 1]} : vector<1x8192xf32> to vector<1x128xf32>
    %add3A_501 = vector.broadcast %slice3A : vector<64x1xf32> to vector<64x128xf32>
    %add3A_502 = vector.broadcast %slice3A_500 : vector<1x128xf32> to vector<64x128xf32>
    %add3A_503 = arith.addf %add3A_501, %add3A_502 : vector<64x128xf32>
    %slice3A_504 = vector.extract_strided_slice %dot_general3A_5 {offsets = [0, 4480], sizes = [64, 128], strides = [1, 1]} : vector<256x8192xf32> to vector<64x128xf32>
    %sub3A_505 = arith.subf %add3A_503, %slice3A_504 : vector<64x128xf32>
    %swap3A_506 = arith.constant 0 : index
    %swap3A_507 = arith.constant 4480 : index
    %swap3A_508 = vector.load %arg4[%swap3A_506, %swap3A_507] : memref<256x8192xf32, #tpu.memory_space<vmem>>, vector<64x128xf32>
    tpu.vector_store %arg4[%swap3A_506, %swap3A_507], %sub3A_505 {strides = array<i32>} : memref<256x8192xf32, #tpu.memory_space<vmem>>, vector<64x128xf32>,
    %lt3A_509 = arith.cmpf olt, %sub3A_505, %select_n3A_499 : vector<64x128xf32>
    %broadcast_in_dim3A_510 = arith.constant 35 : i32
    %broadcast_in_dim3A_511 = vector.broadcast %broadcast_in_dim3A_510 : i32 to vector<64x128xi32>
    %select_n3A_512 = arith.select %lt3A_509, %broadcast_in_dim3A_511, %select_n3A_498 : vector<64x128xi1>, vector<64x128xi32>
    %select_n3A_513 = arith.select %lt3A_509, %sub3A_505, %select_n3A_499 : vector<64x128xi1>, vector<64x128xf32>
    %slice3A_514 = vector.extract_strided_slice %get3A_9 {offsets = [0, 4608], sizes = [1, 128], strides = [1, 1]} : vector<1x8192xf32> to vector<1x128xf32>
    %add3A_515 = vector.broadcast %slice3A : vector<64x1xf32> to vector<64x128xf32>
    %add3A_516 = vector.broadcast %slice3A_514 : vector<1x128xf32> to vector<64x128xf32>
    %add3A_517 = arith.addf %add3A_515, %add3A_516 : vector<64x128xf32>
    %slice3A_518 = vector.extract_strided_slice %dot_general3A_5 {offsets = [0, 4608], sizes = [64, 128], strides = [1, 1]} : vector<256x8192xf32> to vector<64x128xf32>
    %sub3A_519 = arith.subf %add3A_517, %slice3A_518 : vector<64x128xf32>
    %swap3A_520 = arith.constant 0 : index
    %swap3A_521 = arith.constant 4608 : index
    %swap3A_522 = vector.load %arg4[%swap3A_520, %swap3A_521] : memref<256x8192xf32, #tpu.memory_space<vmem>>, vector<64x128xf32>
    tpu.vector_store %arg4[%swap3A_520, %swap3A_521], %sub3A_519 {strides = array<i32>} : memref<256x8192xf32, #tpu.memory_space<vmem>>, vector<64x128xf32>,
    %lt3A_523 = arith.cmpf olt, %sub3A_519, %select_n3A_513 : vector<64x128xf32>
    %broadcast_in_dim3A_524 = arith.constant 36 : i32
    %broadcast_in_dim3A_525 = vector.broadcast %broadcast_in_dim3A_524 : i32 to vector<64x128xi32>
    %select_n3A_526 = arith.select %lt3A_523, %broadcast_in_dim3A_525, %select_n3A_512 : vector<64x128xi1>, vector<64x128xi32>
    %select_n3A_527 = arith.select %lt3A_523, %sub3A_519, %select_n3A_513 : vector<64x128xi1>, vector<64x128xf32>
    %slice3A_528 = vector.extract_strided_slice %get3A_9 {offsets = [0, 4736], sizes = [1, 128], strides = [1, 1]} : vector<1x8192xf32> to vector<1x128xf32>
    %add3A_529 = vector.broadcast %slice3A : vector<64x1xf32> to vector<64x128xf32>
    %add3A_530 = vector.broadcast %slice3A_528 : vector<1x128xf32> to vector<64x128xf32>
    %add3A_531 = arith.addf %add3A_529, %add3A_530 : vector<64x128xf32>
    %slice3A_532 = vector.extract_strided_slice %dot_general3A_5 {offsets = [0, 4736], sizes = [64, 128], strides = [1, 1]} : vector<256x8192xf32> to vector<64x128xf32>
    %sub3A_533 = arith.subf %add3A_531, %slice3A_532 : vector<64x128xf32>
    %swap3A_534 = arith.constant 0 : index
    %swap3A_535 = arith.constant 4736 : index
    %swap3A_536 = vector.load %arg4[%swap3A_534, %swap3A_535] : memref<256x8192xf32, #tpu.memory_space<vmem>>, vector<64x128xf32>
    tpu.vector_store %arg4[%swap3A_534, %swap3A_535], %sub3A_533 {strides = array<i32>} : memref<256x8192xf32, #tpu.memory_space<vmem>>, vector<64x128xf32>,
    %lt3A_537 = arith.cmpf olt, %sub3A_533, %select_n3A_527 : vector<64x128xf32>
    %broadcast_in_dim3A_538 = arith.constant 37 : i32
    %broadcast_in_dim3A_539 = vector.broadcast %broadcast_in_dim3A_538 : i32 to vector<64x128xi32>
    %select_n3A_540 = arith.select %lt3A_537, %broadcast_in_dim3A_539, %select_n3A_526 : vector<64x128xi1>, vector<64x128xi32>
    %select_n3A_541 = arith.select %lt3A_537, %sub3A_533, %select_n3A_527 : vector<64x128xi1>, vector<64x128xf32>
    %slice3A_542 = vector.extract_strided_slice %get3A_9 {offsets = [0, 4864], sizes = [1, 128], strides = [1, 1]} : vector<1x8192xf32> to vector<1x128xf32>
    %add3A_543 = vector.broadcast %slice3A : vector<64x1xf32> to vector<64x128xf32>
    %add3A_544 = vector.broadcast %slice3A_542 : vector<1x128xf32> to vector<64x128xf32>
    %add3A_545 = arith.addf %add3A_543, %add3A_544 : vector<64x128xf32>
    %slice3A_546 = vector.extract_strided_slice %dot_general3A_5 {offsets = [0, 4864], sizes = [64, 128], strides = [1, 1]} : vector<256x8192xf32> to vector<64x128xf32>
    %sub3A_547 = arith.subf %add3A_545, %slice3A_546 : vector<64x128xf32>
    %swap3A_548 = arith.constant 0 : index
    %swap3A_549 = arith.constant 4864 : index
    %swap3A_550 = vector.load %arg4[%swap3A_548, %swap3A_549] : memref<256x8192xf32, #tpu.memory_space<vmem>>, vector<64x128xf32>
    tpu.vector_store %arg4[%swap3A_548, %swap3A_549], %sub3A_547 {strides = array<i32>} : memref<256x8192xf32, #tpu.memory_space<vmem>>, vector<64x128xf32>,
    %lt3A_551 = arith.cmpf olt, %sub3A_547, %select_n3A_541 : vector<64x128xf32>
    %broadcast_in_dim3A_552 = arith.constant 38 : i32
    %broadcast_in_dim3A_553 = vector.broadcast %broadcast_in_dim3A_552 : i32 to vector<64x128xi32>
    %select_n3A_554 = arith.select %lt3A_551, %broadcast_in_dim3A_553, %select_n3A_540 : vector<64x128xi1>, vector<64x128xi32>
    %select_n3A_555 = arith.select %lt3A_551, %sub3A_547, %select_n3A_541 : vector<64x128xi1>, vector<64x128xf32>
    %slice3A_556 = vector.extract_strided_slice %get3A_9 {offsets = [0, 4992], sizes = [1, 128], strides = [1, 1]} : vector<1x8192xf32> to vector<1x128xf32>
    %add3A_557 = vector.broadcast %slice3A : vector<64x1xf32> to vector<64x128xf32>
    %add3A_558 = vector.broadcast %slice3A_556 : vector<1x128xf32> to vector<64x128xf32>
    %add3A_559 = arith.addf %add3A_557, %add3A_558 : vector<64x128xf32>
    %slice3A_560 = vector.extract_strided_slice %dot_general3A_5 {offsets = [0, 4992], sizes = [64, 128], strides = [1, 1]} : vector<256x8192xf32> to vector<64x128xf32>
    %sub3A_561 = arith.subf %add3A_559, %slice3A_560 : vector<64x128xf32>
    %swap3A_562 = arith.constant 0 : index
    %swap3A_563 = arith.constant 4992 : index
    %swap3A_564 = vector.load %arg4[%swap3A_562, %swap3A_563] : memref<256x8192xf32, #tpu.memory_space<vmem>>, vector<64x128xf32>
    tpu.vector_store %arg4[%swap3A_562, %swap3A_563], %sub3A_561 {strides = array<i32>} : memref<256x8192xf32, #tpu.memory_space<vmem>>, vector<64x128xf32>,
    %lt3A_565 = arith.cmpf olt, %sub3A_561, %select_n3A_555 : vector<64x128xf32>
    %broadcast_in_dim3A_566 = arith.constant 39 : i32
    %broadcast_in_dim3A_567 = vector.broadcast %broadcast_in_dim3A_566 : i32 to vector<64x128xi32>
    %select_n3A_568 = arith.select %lt3A_565, %broadcast_in_dim3A_567, %select_n3A_554 : vector<64x128xi1>, vector<64x128xi32>
    %select_n3A_569 = arith.select %lt3A_565, %sub3A_561, %select_n3A_555 : vector<64x128xi1>, vector<64x128xf32>
    %slice3A_570 = vector.extract_strided_slice %get3A_9 {offsets = [0, 5120], sizes = [1, 128], strides = [1, 1]} : vector<1x8192xf32> to vector<1x128xf32>
    %add3A_571 = vector.broadcast %slice3A : vector<64x1xf32> to vector<64x128xf32>
    %add3A_572 = vector.broadcast %slice3A_570 : vector<1x128xf32> to vector<64x128xf32>
    %add3A_573 = arith.addf %add3A_571, %add3A_572 : vector<64x128xf32>
    %slice3A_574 = vector.extract_strided_slice %dot_general3A_5 {offsets = [0, 5120], sizes = [64, 128], strides = [1, 1]} : vector<256x8192xf32> to vector<64x128xf32>
    %sub3A_575 = arith.subf %add3A_573, %slice3A_574 : vector<64x128xf32>
    %swap3A_576 = arith.constant 0 : index
    %swap3A_577 = arith.constant 5120 : index
    %swap3A_578 = vector.load %arg4[%swap3A_576, %swap3A_577] : memref<256x8192xf32, #tpu.memory_space<vmem>>, vector<64x128xf32>
    tpu.vector_store %arg4[%swap3A_576, %swap3A_577], %sub3A_575 {strides = array<i32>} : memref<256x8192xf32, #tpu.memory_space<vmem>>, vector<64x128xf32>,
    %lt3A_579 = arith.cmpf olt, %sub3A_575, %select_n3A_569 : vector<64x128xf32>
    %broadcast_in_dim3A_580 = arith.constant 40 : i32
    %broadcast_in_dim3A_581 = vector.broadcast %broadcast_in_dim3A_580 : i32 to vector<64x128xi32>
    %select_n3A_582 = arith.select %lt3A_579, %broadcast_in_dim3A_581, %select_n3A_568 : vector<64x128xi1>, vector<64x128xi32>
    %select_n3A_583 = arith.select %lt3A_579, %sub3A_575, %select_n3A_569 : vector<64x128xi1>, vector<64x128xf32>
    %slice3A_584 = vector.extract_strided_slice %get3A_9 {offsets = [0, 5248], sizes = [1, 128], strides = [1, 1]} : vector<1x8192xf32> to vector<1x128xf32>
    %add3A_585 = vector.broadcast %slice3A : vector<64x1xf32> to vector<64x128xf32>
    %add3A_586 = vector.broadcast %slice3A_584 : vector<1x128xf32> to vector<64x128xf32>
    %add3A_587 = arith.addf %add3A_585, %add3A_586 : vector<64x128xf32>
    %slice3A_588 = vector.extract_strided_slice %dot_general3A_5 {offsets = [0, 5248], sizes = [64, 128], strides = [1, 1]} : vector<256x8192xf32> to vector<64x128xf32>
    %sub3A_589 = arith.subf %add3A_587, %slice3A_588 : vector<64x128xf32>
    %swap3A_590 = arith.constant 0 : index
    %swap3A_591 = arith.constant 5248 : index
    %swap3A_592 = vector.load %arg4[%swap3A_590, %swap3A_591] : memref<256x8192xf32, #tpu.memory_space<vmem>>, vector<64x128xf32>
    tpu.vector_store %arg4[%swap3A_590, %swap3A_591], %sub3A_589 {strides = array<i32>} : memref<256x8192xf32, #tpu.memory_space<vmem>>, vector<64x128xf32>,
    %lt3A_593 = arith.cmpf olt, %sub3A_589, %select_n3A_583 : vector<64x128xf32>
    %broadcast_in_dim3A_594 = arith.constant 41 : i32
    %broadcast_in_dim3A_595 = vector.broadcast %broadcast_in_dim3A_594 : i32 to vector<64x128xi32>
    %select_n3A_596 = arith.select %lt3A_593, %broadcast_in_dim3A_595, %select_n3A_582 : vector<64x128xi1>, vector<64x128xi32>
    %select_n3A_597 = arith.select %lt3A_593, %sub3A_589, %select_n3A_583 : vector<64x128xi1>, vector<64x128xf32>
    %slice3A_598 = vector.extract_strided_slice %get3A_9 {offsets = [0, 5376], sizes = [1, 128], strides = [1, 1]} : vector<1x8192xf32> to vector<1x128xf32>
    %add3A_599 = vector.broadcast %slice3A : vector<64x1xf32> to vector<64x128xf32>
    %add3A_600 = vector.broadcast %slice3A_598 : vector<1x128xf32> to vector<64x128xf32>
    %add3A_601 = arith.addf %add3A_599, %add3A_600 : vector<64x128xf32>
    %slice3A_602 = vector.extract_strided_slice %dot_general3A_5 {offsets = [0, 5376], sizes = [64, 128], strides = [1, 1]} : vector<256x8192xf32> to vector<64x128xf32>
    %sub3A_603 = arith.subf %add3A_601, %slice3A_602 : vector<64x128xf32>
    %swap3A_604 = arith.constant 0 : index
    %swap3A_605 = arith.constant 5376 : index
    %swap3A_606 = vector.load %arg4[%swap3A_604, %swap3A_605] : memref<256x8192xf32, #tpu.memory_space<vmem>>, vector<64x128xf32>
    tpu.vector_store %arg4[%swap3A_604, %swap3A_605], %sub3A_603 {strides = array<i32>} : memref<256x8192xf32, #tpu.memory_space<vmem>>, vector<64x128xf32>,
    %lt3A_607 = arith.cmpf olt, %sub3A_603, %select_n3A_597 : vector<64x128xf32>
    %broadcast_in_dim3A_608 = arith.constant 42 : i32
    %broadcast_in_dim3A_609 = vector.broadcast %broadcast_in_dim3A_608 : i32 to vector<64x128xi32>
    %select_n3A_610 = arith.select %lt3A_607, %broadcast_in_dim3A_609, %select_n3A_596 : vector<64x128xi1>, vector<64x128xi32>
    %select_n3A_611 = arith.select %lt3A_607, %sub3A_603, %select_n3A_597 : vector<64x128xi1>, vector<64x128xf32>
    %slice3A_612 = vector.extract_strided_slice %get3A_9 {offsets = [0, 5504], sizes = [1, 128], strides = [1, 1]} : vector<1x8192xf32> to vector<1x128xf32>
    %add3A_613 = vector.broadcast %slice3A : vector<64x1xf32> to vector<64x128xf32>
    %add3A_614 = vector.broadcast %slice3A_612 : vector<1x128xf32> to vector<64x128xf32>
    %add3A_615 = arith.addf %add3A_613, %add3A_614 : vector<64x128xf32>
    %slice3A_616 = vector.extract_strided_slice %dot_general3A_5 {offsets = [0, 5504], sizes = [64, 128], strides = [1, 1]} : vector<256x8192xf32> to vector<64x128xf32>
    %sub3A_617 = arith.subf %add3A_615, %slice3A_616 : vector<64x128xf32>
    %swap3A_618 = arith.constant 0 : index
    %swap3A_619 = arith.constant 5504 : index
    %swap3A_620 = vector.load %arg4[%swap3A_618, %swap3A_619] : memref<256x8192xf32, #tpu.memory_space<vmem>>, vector<64x128xf32>
    tpu.vector_store %arg4[%swap3A_618, %swap3A_619], %sub3A_617 {strides = array<i32>} : memref<256x8192xf32, #tpu.memory_space<vmem>>, vector<64x128xf32>,
    %lt3A_621 = arith.cmpf olt, %sub3A_617, %select_n3A_611 : vector<64x128xf32>
    %broadcast_in_dim3A_622 = arith.constant 43 : i32
    %broadcast_in_dim3A_623 = vector.broadcast %broadcast_in_dim3A_622 : i32 to vector<64x128xi32>
    %select_n3A_624 = arith.select %lt3A_621, %broadcast_in_dim3A_623, %select_n3A_610 : vector<64x128xi1>, vector<64x128xi32>
    %select_n3A_625 = arith.select %lt3A_621, %sub3A_617, %select_n3A_611 : vector<64x128xi1>, vector<64x128xf32>
    %slice3A_626 = vector.extract_strided_slice %get3A_9 {offsets = [0, 5632], sizes = [1, 128], strides = [1, 1]} : vector<1x8192xf32> to vector<1x128xf32>
    %add3A_627 = vector.broadcast %slice3A : vector<64x1xf32> to vector<64x128xf32>
    %add3A_628 = vector.broadcast %slice3A_626 : vector<1x128xf32> to vector<64x128xf32>
    %add3A_629 = arith.addf %add3A_627, %add3A_628 : vector<64x128xf32>
    %slice3A_630 = vector.extract_strided_slice %dot_general3A_5 {offsets = [0, 5632], sizes = [64, 128], strides = [1, 1]} : vector<256x8192xf32> to vector<64x128xf32>
    %sub3A_631 = arith.subf %add3A_629, %slice3A_630 : vector<64x128xf32>
    %swap3A_632 = arith.constant 0 : index
    %swap3A_633 = arith.constant 5632 : index
    %swap3A_634 = vector.load %arg4[%swap3A_632, %swap3A_633] : memref<256x8192xf32, #tpu.memory_space<vmem>>, vector<64x128xf32>
    tpu.vector_store %arg4[%swap3A_632, %swap3A_633], %sub3A_631 {strides = array<i32>} : memref<256x8192xf32, #tpu.memory_space<vmem>>, vector<64x128xf32>,
    %lt3A_635 = arith.cmpf olt, %sub3A_631, %select_n3A_625 : vector<64x128xf32>
    %broadcast_in_dim3A_636 = arith.constant 44 : i32
    %broadcast_in_dim3A_637 = vector.broadcast %broadcast_in_dim3A_636 : i32 to vector<64x128xi32>
    %select_n3A_638 = arith.select %lt3A_635, %broadcast_in_dim3A_637, %select_n3A_624 : vector<64x128xi1>, vector<64x128xi32>
    %select_n3A_639 = arith.select %lt3A_635, %sub3A_631, %select_n3A_625 : vector<64x128xi1>, vector<64x128xf32>
    %slice3A_640 = vector.extract_strided_slice %get3A_9 {offsets = [0, 5760], sizes = [1, 128], strides = [1, 1]} : vector<1x8192xf32> to vector<1x128xf32>
    %add3A_641 = vector.broadcast %slice3A : vector<64x1xf32> to vector<64x128xf32>
    %add3A_642 = vector.broadcast %slice3A_640 : vector<1x128xf32> to vector<64x128xf32>
    %add3A_643 = arith.addf %add3A_641, %add3A_642 : vector<64x128xf32>
    %slice3A_644 = vector.extract_strided_slice %dot_general3A_5 {offsets = [0, 5760], sizes = [64, 128], strides = [1, 1]} : vector<256x8192xf32> to vector<64x128xf32>
    %sub3A_645 = arith.subf %add3A_643, %slice3A_644 : vector<64x128xf32>
    %swap3A_646 = arith.constant 0 : index
    %swap3A_647 = arith.constant 5760 : index
    %swap3A_648 = vector.load %arg4[%swap3A_646, %swap3A_647] : memref<256x8192xf32, #tpu.memory_space<vmem>>, vector<64x128xf32>
    tpu.vector_store %arg4[%swap3A_646, %swap3A_647], %sub3A_645 {strides = array<i32>} : memref<256x8192xf32, #tpu.memory_space<vmem>>, vector<64x128xf32>,
    %lt3A_649 = arith.cmpf olt, %sub3A_645, %select_n3A_639 : vector<64x128xf32>
    %broadcast_in_dim3A_650 = arith.constant 45 : i32
    %broadcast_in_dim3A_651 = vector.broadcast %broadcast_in_dim3A_650 : i32 to vector<64x128xi32>
    %select_n3A_652 = arith.select %lt3A_649, %broadcast_in_dim3A_651, %select_n3A_638 : vector<64x128xi1>, vector<64x128xi32>
    %select_n3A_653 = arith.select %lt3A_649, %sub3A_645, %select_n3A_639 : vector<64x128xi1>, vector<64x128xf32>
    %slice3A_654 = vector.extract_strided_slice %get3A_9 {offsets = [0, 5888], sizes = [1, 128], strides = [1, 1]} : vector<1x8192xf32> to vector<1x128xf32>
    %add3A_655 = vector.broadcast %slice3A : vector<64x1xf32> to vector<64x128xf32>
    %add3A_656 = vector.broadcast %slice3A_654 : vector<1x128xf32> to vector<64x128xf32>
    %add3A_657 = arith.addf %add3A_655, %add3A_656 : vector<64x128xf32>
    %slice3A_658 = vector.extract_strided_slice %dot_general3A_5 {offsets = [0, 5888], sizes = [64, 128], strides = [1, 1]} : vector<256x8192xf32> to vector<64x128xf32>
    %sub3A_659 = arith.subf %add3A_657, %slice3A_658 : vector<64x128xf32>
    %swap3A_660 = arith.constant 0 : index
    %swap3A_661 = arith.constant 5888 : index
    %swap3A_662 = vector.load %arg4[%swap3A_660, %swap3A_661] : memref<256x8192xf32, #tpu.memory_space<vmem>>, vector<64x128xf32>
    tpu.vector_store %arg4[%swap3A_660, %swap3A_661], %sub3A_659 {strides = array<i32>} : memref<256x8192xf32, #tpu.memory_space<vmem>>, vector<64x128xf32>,
    %lt3A_663 = arith.cmpf olt, %sub3A_659, %select_n3A_653 : vector<64x128xf32>
    %broadcast_in_dim3A_664 = arith.constant 46 : i32
    %broadcast_in_dim3A_665 = vector.broadcast %broadcast_in_dim3A_664 : i32 to vector<64x128xi32>
    %select_n3A_666 = arith.select %lt3A_663, %broadcast_in_dim3A_665, %select_n3A_652 : vector<64x128xi1>, vector<64x128xi32>
    %select_n3A_667 = arith.select %lt3A_663, %sub3A_659, %select_n3A_653 : vector<64x128xi1>, vector<64x128xf32>
    %slice3A_668 = vector.extract_strided_slice %get3A_9 {offsets = [0, 6016], sizes = [1, 128], strides = [1, 1]} : vector<1x8192xf32> to vector<1x128xf32>
    %add3A_669 = vector.broadcast %slice3A : vector<64x1xf32> to vector<64x128xf32>
    %add3A_670 = vector.broadcast %slice3A_668 : vector<1x128xf32> to vector<64x128xf32>
    %add3A_671 = arith.addf %add3A_669, %add3A_670 : vector<64x128xf32>
    %slice3A_672 = vector.extract_strided_slice %dot_general3A_5 {offsets = [0, 6016], sizes = [64, 128], strides = [1, 1]} : vector<256x8192xf32> to vector<64x128xf32>
    %sub3A_673 = arith.subf %add3A_671, %slice3A_672 : vector<64x128xf32>
    %swap3A_674 = arith.constant 0 : index
    %swap3A_675 = arith.constant 6016 : index
    %swap3A_676 = vector.load %arg4[%swap3A_674, %swap3A_675] : memref<256x8192xf32, #tpu.memory_space<vmem>>, vector<64x128xf32>
    tpu.vector_store %arg4[%swap3A_674, %swap3A_675], %sub3A_673 {strides = array<i32>} : memref<256x8192xf32, #tpu.memory_space<vmem>>, vector<64x128xf32>,
    %lt3A_677 = arith.cmpf olt, %sub3A_673, %select_n3A_667 : vector<64x128xf32>
    %broadcast_in_dim3A_678 = arith.constant 47 : i32
    %broadcast_in_dim3A_679 = vector.broadcast %broadcast_in_dim3A_678 : i32 to vector<64x128xi32>
    %select_n3A_680 = arith.select %lt3A_677, %broadcast_in_dim3A_679, %select_n3A_666 : vector<64x128xi1>, vector<64x128xi32>
    %select_n3A_681 = arith.select %lt3A_677, %sub3A_673, %select_n3A_667 : vector<64x128xi1>, vector<64x128xf32>
    %slice3A_682 = vector.extract_strided_slice %get3A_9 {offsets = [0, 6144], sizes = [1, 128], strides = [1, 1]} : vector<1x8192xf32> to vector<1x128xf32>
    %add3A_683 = vector.broadcast %slice3A : vector<64x1xf32> to vector<64x128xf32>
    %add3A_684 = vector.broadcast %slice3A_682 : vector<1x128xf32> to vector<64x128xf32>
    %add3A_685 = arith.addf %add3A_683, %add3A_684 : vector<64x128xf32>
    %slice3A_686 = vector.extract_strided_slice %dot_general3A_5 {offsets = [0, 6144], sizes = [64, 128], strides = [1, 1]} : vector<256x8192xf32> to vector<64x128xf32>
    %sub3A_687 = arith.subf %add3A_685, %slice3A_686 : vector<64x128xf32>
    %swap3A_688 = arith.constant 0 : index
    %swap3A_689 = arith.constant 6144 : index
    %swap3A_690 = vector.load %arg4[%swap3A_688, %swap3A_689] : memref<256x8192xf32, #tpu.memory_space<vmem>>, vector<64x128xf32>
    tpu.vector_store %arg4[%swap3A_688, %swap3A_689], %sub3A_687 {strides = array<i32>} : memref<256x8192xf32, #tpu.memory_space<vmem>>, vector<64x128xf32>,
    %lt3A_691 = arith.cmpf olt, %sub3A_687, %select_n3A_681 : vector<64x128xf32>
    %broadcast_in_dim3A_692 = arith.constant 48 : i32
    %broadcast_in_dim3A_693 = vector.broadcast %broadcast_in_dim3A_692 : i32 to vector<64x128xi32>
    %select_n3A_694 = arith.select %lt3A_691, %broadcast_in_dim3A_693, %select_n3A_680 : vector<64x128xi1>, vector<64x128xi32>
    %select_n3A_695 = arith.select %lt3A_691, %sub3A_687, %select_n3A_681 : vector<64x128xi1>, vector<64x128xf32>
    %slice3A_696 = vector.extract_strided_slice %get3A_9 {offsets = [0, 6272], sizes = [1, 128], strides = [1, 1]} : vector<1x8192xf32> to vector<1x128xf32>
    %add3A_697 = vector.broadcast %slice3A : vector<64x1xf32> to vector<64x128xf32>
    %add3A_698 = vector.broadcast %slice3A_696 : vector<1x128xf32> to vector<64x128xf32>
    %add3A_699 = arith.addf %add3A_697, %add3A_698 : vector<64x128xf32>
    %slice3A_700 = vector.extract_strided_slice %dot_general3A_5 {offsets = [0, 6272], sizes = [64, 128], strides = [1, 1]} : vector<256x8192xf32> to vector<64x128xf32>
    %sub3A_701 = arith.subf %add3A_699, %slice3A_700 : vector<64x128xf32>
    %swap3A_702 = arith.constant 0 : index
    %swap3A_703 = arith.constant 6272 : index
    %swap3A_704 = vector.load %arg4[%swap3A_702, %swap3A_703] : memref<256x8192xf32, #tpu.memory_space<vmem>>, vector<64x128xf32>
    tpu.vector_store %arg4[%swap3A_702, %swap3A_703], %sub3A_701 {strides = array<i32>} : memref<256x8192xf32, #tpu.memory_space<vmem>>, vector<64x128xf32>,
    %lt3A_705 = arith.cmpf olt, %sub3A_701, %select_n3A_695 : vector<64x128xf32>
    %broadcast_in_dim3A_706 = arith.constant 49 : i32
    %broadcast_in_dim3A_707 = vector.broadcast %broadcast_in_dim3A_706 : i32 to vector<64x128xi32>
    %select_n3A_708 = arith.select %lt3A_705, %broadcast_in_dim3A_707, %select_n3A_694 : vector<64x128xi1>, vector<64x128xi32>
    %select_n3A_709 = arith.select %lt3A_705, %sub3A_701, %select_n3A_695 : vector<64x128xi1>, vector<64x128xf32>
    %slice3A_710 = vector.extract_strided_slice %get3A_9 {offsets = [0, 6400], sizes = [1, 128], strides = [1, 1]} : vector<1x8192xf32> to vector<1x128xf32>
    %add3A_711 = vector.broadcast %slice3A : vector<64x1xf32> to vector<64x128xf32>
    %add3A_712 = vector.broadcast %slice3A_710 : vector<1x128xf32> to vector<64x128xf32>
    %add3A_713 = arith.addf %add3A_711, %add3A_712 : vector<64x128xf32>
    %slice3A_714 = vector.extract_strided_slice %dot_general3A_5 {offsets = [0, 6400], sizes = [64, 128], strides = [1, 1]} : vector<256x8192xf32> to vector<64x128xf32>
    %sub3A_715 = arith.subf %add3A_713, %slice3A_714 : vector<64x128xf32>
    %swap3A_716 = arith.constant 0 : index
    %swap3A_717 = arith.constant 6400 : index
    %swap3A_718 = vector.load %arg4[%swap3A_716, %swap3A_717] : memref<256x8192xf32, #tpu.memory_space<vmem>>, vector<64x128xf32>
    tpu.vector_store %arg4[%swap3A_716, %swap3A_717], %sub3A_715 {strides = array<i32>} : memref<256x8192xf32, #tpu.memory_space<vmem>>, vector<64x128xf32>,
    %lt3A_719 = arith.cmpf olt, %sub3A_715, %select_n3A_709 : vector<64x128xf32>
    %broadcast_in_dim3A_720 = arith.constant 50 : i32
    %broadcast_in_dim3A_721 = vector.broadcast %broadcast_in_dim3A_720 : i32 to vector<64x128xi32>
    %select_n3A_722 = arith.select %lt3A_719, %broadcast_in_dim3A_721, %select_n3A_708 : vector<64x128xi1>, vector<64x128xi32>
    %select_n3A_723 = arith.select %lt3A_719, %sub3A_715, %select_n3A_709 : vector<64x128xi1>, vector<64x128xf32>
    %slice3A_724 = vector.extract_strided_slice %get3A_9 {offsets = [0, 6528], sizes = [1, 128], strides = [1, 1]} : vector<1x8192xf32> to vector<1x128xf32>
    %add3A_725 = vector.broadcast %slice3A : vector<64x1xf32> to vector<64x128xf32>
    %add3A_726 = vector.broadcast %slice3A_724 : vector<1x128xf32> to vector<64x128xf32>
    %add3A_727 = arith.addf %add3A_725, %add3A_726 : vector<64x128xf32>
    %slice3A_728 = vector.extract_strided_slice %dot_general3A_5 {offsets = [0, 6528], sizes = [64, 128], strides = [1, 1]} : vector<256x8192xf32> to vector<64x128xf32>
    %sub3A_729 = arith.subf %add3A_727, %slice3A_728 : vector<64x128xf32>
    %swap3A_730 = arith.constant 0 : index
    %swap3A_731 = arith.constant 6528 : index
    %swap3A_732 = vector.load %arg4[%swap3A_730, %swap3A_731] : memref<256x8192xf32, #tpu.memory_space<vmem>>, vector<64x128xf32>
    tpu.vector_store %arg4[%swap3A_730, %swap3A_731], %sub3A_729 {strides = array<i32>} : memref<256x8192xf32, #tpu.memory_space<vmem>>, vector<64x128xf32>,
    %lt3A_733 = arith.cmpf olt, %sub3A_729, %select_n3A_723 : vector<64x128xf32>
    %broadcast_in_dim3A_734 = arith.constant 51 : i32
    %broadcast_in_dim3A_735 = vector.broadcast %broadcast_in_dim3A_734 : i32 to vector<64x128xi32>
    %select_n3A_736 = arith.select %lt3A_733, %broadcast_in_dim3A_735, %select_n3A_722 : vector<64x128xi1>, vector<64x128xi32>
    %select_n3A_737 = arith.select %lt3A_733, %sub3A_729, %select_n3A_723 : vector<64x128xi1>, vector<64x128xf32>
    %slice3A_738 = vector.extract_strided_slice %get3A_9 {offsets = [0, 6656], sizes = [1, 128], strides = [1, 1]} : vector<1x8192xf32> to vector<1x128xf32>
    %add3A_739 = vector.broadcast %slice3A : vector<64x1xf32> to vector<64x128xf32>
    %add3A_740 = vector.broadcast %slice3A_738 : vector<1x128xf32> to vector<64x128xf32>
    %add3A_741 = arith.addf %add3A_739, %add3A_740 : vector<64x128xf32>
    %slice3A_742 = vector.extract_strided_slice %dot_general3A_5 {offsets = [0, 6656], sizes = [64, 128], strides = [1, 1]} : vector<256x8192xf32> to vector<64x128xf32>
    %sub3A_743 = arith.subf %add3A_741, %slice3A_742 : vector<64x128xf32>
    %swap3A_744 = arith.constant 0 : index
    %swap3A_745 = arith.constant 6656 : index
    %swap3A_746 = vector.load %arg4[%swap3A_744, %swap3A_745] : memref<256x8192xf32, #tpu.memory_space<vmem>>, vector<64x128xf32>
    tpu.vector_store %arg4[%swap3A_744, %swap3A_745], %sub3A_743 {strides = array<i32>} : memref<256x8192xf32, #tpu.memory_space<vmem>>, vector<64x128xf32>,
    %lt3A_747 = arith.cmpf olt, %sub3A_743, %select_n3A_737 : vector<64x128xf32>
    %broadcast_in_dim3A_748 = arith.constant 52 : i32
    %broadcast_in_dim3A_749 = vector.broadcast %broadcast_in_dim3A_748 : i32 to vector<64x128xi32>
    %select_n3A_750 = arith.select %lt3A_747, %broadcast_in_dim3A_749, %select_n3A_736 : vector<64x128xi1>, vector<64x128xi32>
    %select_n3A_751 = arith.select %lt3A_747, %sub3A_743, %select_n3A_737 : vector<64x128xi1>, vector<64x128xf32>
    %slice3A_752 = vector.extract_strided_slice %get3A_9 {offsets = [0, 6784], sizes = [1, 128], strides = [1, 1]} : vector<1x8192xf32> to vector<1x128xf32>
    %add3A_753 = vector.broadcast %slice3A : vector<64x1xf32> to vector<64x128xf32>
    %add3A_754 = vector.broadcast %slice3A_752 : vector<1x128xf32> to vector<64x128xf32>
    %add3A_755 = arith.addf %add3A_753, %add3A_754 : vector<64x128xf32>
    %slice3A_756 = vector.extract_strided_slice %dot_general3A_5 {offsets = [0, 6784], sizes = [64, 128], strides = [1, 1]} : vector<256x8192xf32> to vector<64x128xf32>
    %sub3A_757 = arith.subf %add3A_755, %slice3A_756 : vector<64x128xf32>
    %swap3A_758 = arith.constant 0 : index
    %swap3A_759 = arith.constant 6784 : index
    %swap3A_760 = vector.load %arg4[%swap3A_758, %swap3A_759] : memref<256x8192xf32, #tpu.memory_space<vmem>>, vector<64x128xf32>
    tpu.vector_store %arg4[%swap3A_758, %swap3A_759], %sub3A_757 {strides = array<i32>} : memref<256x8192xf32, #tpu.memory_space<vmem>>, vector<64x128xf32>,
    %lt3A_761 = arith.cmpf olt, %sub3A_757, %select_n3A_751 : vector<64x128xf32>
    %broadcast_in_dim3A_762 = arith.constant 53 : i32
    %broadcast_in_dim3A_763 = vector.broadcast %broadcast_in_dim3A_762 : i32 to vector<64x128xi32>
    %select_n3A_764 = arith.select %lt3A_761, %broadcast_in_dim3A_763, %select_n3A_750 : vector<64x128xi1>, vector<64x128xi32>
    %select_n3A_765 = arith.select %lt3A_761, %sub3A_757, %select_n3A_751 : vector<64x128xi1>, vector<64x128xf32>
    %slice3A_766 = vector.extract_strided_slice %get3A_9 {offsets = [0, 6912], sizes = [1, 128], strides = [1, 1]} : vector<1x8192xf32> to vector<1x128xf32>
    %add3A_767 = vector.broadcast %slice3A : vector<64x1xf32> to vector<64x128xf32>
    %add3A_768 = vector.broadcast %slice3A_766 : vector<1x128xf32> to vector<64x128xf32>
    %add3A_769 = arith.addf %add3A_767, %add3A_768 : vector<64x128xf32>
    %slice3A_770 = vector.extract_strided_slice %dot_general3A_5 {offsets = [0, 6912], sizes = [64, 128], strides = [1, 1]} : vector<256x8192xf32> to vector<64x128xf32>
    %sub3A_771 = arith.subf %add3A_769, %slice3A_770 : vector<64x128xf32>
    %swap3A_772 = arith.constant 0 : index
    %swap3A_773 = arith.constant 6912 : index
    %swap3A_774 = vector.load %arg4[%swap3A_772, %swap3A_773] : memref<256x8192xf32, #tpu.memory_space<vmem>>, vector<64x128xf32>
    tpu.vector_store %arg4[%swap3A_772, %swap3A_773], %sub3A_771 {strides = array<i32>} : memref<256x8192xf32, #tpu.memory_space<vmem>>, vector<64x128xf32>,
    %lt3A_775 = arith.cmpf olt, %sub3A_771, %select_n3A_765 : vector<64x128xf32>
    %broadcast_in_dim3A_776 = arith.constant 54 : i32
    %broadcast_in_dim3A_777 = vector.broadcast %broadcast_in_dim3A_776 : i32 to vector<64x128xi32>
    %select_n3A_778 = arith.select %lt3A_775, %broadcast_in_dim3A_777, %select_n3A_764 : vector<64x128xi1>, vector<64x128xi32>
    %select_n3A_779 = arith.select %lt3A_775, %sub3A_771, %select_n3A_765 : vector<64x128xi1>, vector<64x128xf32>
    %slice3A_780 = vector.extract_strided_slice %get3A_9 {offsets = [0, 7040], sizes = [1, 128], strides = [1, 1]} : vector<1x8192xf32> to vector<1x128xf32>
    %add3A_781 = vector.broadcast %slice3A : vector<64x1xf32> to vector<64x128xf32>
    %add3A_782 = vector.broadcast %slice3A_780 : vector<1x128xf32> to vector<64x128xf32>
    %add3A_783 = arith.addf %add3A_781, %add3A_782 : vector<64x128xf32>
    %slice3A_784 = vector.extract_strided_slice %dot_general3A_5 {offsets = [0, 7040], sizes = [64, 128], strides = [1, 1]} : vector<256x8192xf32> to vector<64x128xf32>
    %sub3A_785 = arith.subf %add3A_783, %slice3A_784 : vector<64x128xf32>
    %swap3A_786 = arith.constant 0 : index
    %swap3A_787 = arith.constant 7040 : index
    %swap3A_788 = vector.load %arg4[%swap3A_786, %swap3A_787] : memref<256x8192xf32, #tpu.memory_space<vmem>>, vector<64x128xf32>
    tpu.vector_store %arg4[%swap3A_786, %swap3A_787], %sub3A_785 {strides = array<i32>} : memref<256x8192xf32, #tpu.memory_space<vmem>>, vector<64x128xf32>,
    %lt3A_789 = arith.cmpf olt, %sub3A_785, %select_n3A_779 : vector<64x128xf32>
    %broadcast_in_dim3A_790 = arith.constant 55 : i32
    %broadcast_in_dim3A_791 = vector.broadcast %broadcast_in_dim3A_790 : i32 to vector<64x128xi32>
    %select_n3A_792 = arith.select %lt3A_789, %broadcast_in_dim3A_791, %select_n3A_778 : vector<64x128xi1>, vector<64x128xi32>
    %select_n3A_793 = arith.select %lt3A_789, %sub3A_785, %select_n3A_779 : vector<64x128xi1>, vector<64x128xf32>
    %slice3A_794 = vector.extract_strided_slice %get3A_9 {offsets = [0, 7168], sizes = [1, 128], strides = [1, 1]} : vector<1x8192xf32> to vector<1x128xf32>
    %add3A_795 = vector.broadcast %slice3A : vector<64x1xf32> to vector<64x128xf32>
    %add3A_796 = vector.broadcast %slice3A_794 : vector<1x128xf32> to vector<64x128xf32>
    %add3A_797 = arith.addf %add3A_795, %add3A_796 : vector<64x128xf32>
    %slice3A_798 = vector.extract_strided_slice %dot_general3A_5 {offsets = [0, 7168], sizes = [64, 128], strides = [1, 1]} : vector<256x8192xf32> to vector<64x128xf32>
    %sub3A_799 = arith.subf %add3A_797, %slice3A_798 : vector<64x128xf32>
    %swap3A_800 = arith.constant 0 : index
    %swap3A_801 = arith.constant 7168 : index
    %swap3A_802 = vector.load %arg4[%swap3A_800, %swap3A_801] : memref<256x8192xf32, #tpu.memory_space<vmem>>, vector<64x128xf32>
    tpu.vector_store %arg4[%swap3A_800, %swap3A_801], %sub3A_799 {strides = array<i32>} : memref<256x8192xf32, #tpu.memory_space<vmem>>, vector<64x128xf32>,
    %lt3A_803 = arith.cmpf olt, %sub3A_799, %select_n3A_793 : vector<64x128xf32>
    %broadcast_in_dim3A_804 = arith.constant 56 : i32
    %broadcast_in_dim3A_805 = vector.broadcast %broadcast_in_dim3A_804 : i32 to vector<64x128xi32>
    %select_n3A_806 = arith.select %lt3A_803, %broadcast_in_dim3A_805, %select_n3A_792 : vector<64x128xi1>, vector<64x128xi32>
    %select_n3A_807 = arith.select %lt3A_803, %sub3A_799, %select_n3A_793 : vector<64x128xi1>, vector<64x128xf32>
    %slice3A_808 = vector.extract_strided_slice %get3A_9 {offsets = [0, 7296], sizes = [1, 128], strides = [1, 1]} : vector<1x8192xf32> to vector<1x128xf32>
    %add3A_809 = vector.broadcast %slice3A : vector<64x1xf32> to vector<64x128xf32>
    %add3A_810 = vector.broadcast %slice3A_808 : vector<1x128xf32> to vector<64x128xf32>
    %add3A_811 = arith.addf %add3A_809, %add3A_810 : vector<64x128xf32>
    %slice3A_812 = vector.extract_strided_slice %dot_general3A_5 {offsets = [0, 7296], sizes = [64, 128], strides = [1, 1]} : vector<256x8192xf32> to vector<64x128xf32>
    %sub3A_813 = arith.subf %add3A_811, %slice3A_812 : vector<64x128xf32>
    %swap3A_814 = arith.constant 0 : index
    %swap3A_815 = arith.constant 7296 : index
    %swap3A_816 = vector.load %arg4[%swap3A_814, %swap3A_815] : memref<256x8192xf32, #tpu.memory_space<vmem>>, vector<64x128xf32>
    tpu.vector_store %arg4[%swap3A_814, %swap3A_815], %sub3A_813 {strides = array<i32>} : memref<256x8192xf32, #tpu.memory_space<vmem>>, vector<64x128xf32>,
    %lt3A_817 = arith.cmpf olt, %sub3A_813, %select_n3A_807 : vector<64x128xf32>
    %broadcast_in_dim3A_818 = arith.constant 57 : i32
    %broadcast_in_dim3A_819 = vector.broadcast %broadcast_in_dim3A_818 : i32 to vector<64x128xi32>
    %select_n3A_820 = arith.select %lt3A_817, %broadcast_in_dim3A_819, %select_n3A_806 : vector<64x128xi1>, vector<64x128xi32>
    %select_n3A_821 = arith.select %lt3A_817, %sub3A_813, %select_n3A_807 : vector<64x128xi1>, vector<64x128xf32>
    %slice3A_822 = vector.extract_strided_slice %get3A_9 {offsets = [0, 7424], sizes = [1, 128], strides = [1, 1]} : vector<1x8192xf32> to vector<1x128xf32>
    %add3A_823 = vector.broadcast %slice3A : vector<64x1xf32> to vector<64x128xf32>
    %add3A_824 = vector.broadcast %slice3A_822 : vector<1x128xf32> to vector<64x128xf32>
    %add3A_825 = arith.addf %add3A_823, %add3A_824 : vector<64x128xf32>
    %slice3A_826 = vector.extract_strided_slice %dot_general3A_5 {offsets = [0, 7424], sizes = [64, 128], strides = [1, 1]} : vector<256x8192xf32> to vector<64x128xf32>
    %sub3A_827 = arith.subf %add3A_825, %slice3A_826 : vector<64x128xf32>
    %swap3A_828 = arith.constant 0 : index
    %swap3A_829 = arith.constant 7424 : index
    %swap3A_830 = vector.load %arg4[%swap3A_828, %swap3A_829] : memref<256x8192xf32, #tpu.memory_space<vmem>>, vector<64x128xf32>
    tpu.vector_store %arg4[%swap3A_828, %swap3A_829], %sub3A_827 {strides = array<i32>} : memref<256x8192xf32, #tpu.memory_space<vmem>>, vector<64x128xf32>,
    %lt3A_831 = arith.cmpf olt, %sub3A_827, %select_n3A_821 : vector<64x128xf32>
    %broadcast_in_dim3A_832 = arith.constant 58 : i32
    %broadcast_in_dim3A_833 = vector.broadcast %broadcast_in_dim3A_832 : i32 to vector<64x128xi32>
    %select_n3A_834 = arith.select %lt3A_831, %broadcast_in_dim3A_833, %select_n3A_820 : vector<64x128xi1>, vector<64x128xi32>
    %select_n3A_835 = arith.select %lt3A_831, %sub3A_827, %select_n3A_821 : vector<64x128xi1>, vector<64x128xf32>
    %slice3A_836 = vector.extract_strided_slice %get3A_9 {offsets = [0, 7552], sizes = [1, 128], strides = [1, 1]} : vector<1x8192xf32> to vector<1x128xf32>
    %add3A_837 = vector.broadcast %slice3A : vector<64x1xf32> to vector<64x128xf32>
    %add3A_838 = vector.broadcast %slice3A_836 : vector<1x128xf32> to vector<64x128xf32>
    %add3A_839 = arith.addf %add3A_837, %add3A_838 : vector<64x128xf32>
    %slice3A_840 = vector.extract_strided_slice %dot_general3A_5 {offsets = [0, 7552], sizes = [64, 128], strides = [1, 1]} : vector<256x8192xf32> to vector<64x128xf32>
    %sub3A_841 = arith.subf %add3A_839, %slice3A_840 : vector<64x128xf32>
    %swap3A_842 = arith.constant 0 : index
    %swap3A_843 = arith.constant 7552 : index
    %swap3A_844 = vector.load %arg4[%swap3A_842, %swap3A_843] : memref<256x8192xf32, #tpu.memory_space<vmem>>, vector<64x128xf32>
    tpu.vector_store %arg4[%swap3A_842, %swap3A_843], %sub3A_841 {strides = array<i32>} : memref<256x8192xf32, #tpu.memory_space<vmem>>, vector<64x128xf32>,
    %lt3A_845 = arith.cmpf olt, %sub3A_841, %select_n3A_835 : vector<64x128xf32>
    %broadcast_in_dim3A_846 = arith.constant 59 : i32
    %broadcast_in_dim3A_847 = vector.broadcast %broadcast_in_dim3A_846 : i32 to vector<64x128xi32>
    %select_n3A_848 = arith.select %lt3A_845, %broadcast_in_dim3A_847, %select_n3A_834 : vector<64x128xi1>, vector<64x128xi32>
    %select_n3A_849 = arith.select %lt3A_845, %sub3A_841, %select_n3A_835 : vector<64x128xi1>, vector<64x128xf32>
    %slice3A_850 = vector.extract_strided_slice %get3A_9 {offsets = [0, 7680], sizes = [1, 128], strides = [1, 1]} : vector<1x8192xf32> to vector<1x128xf32>
    %add3A_851 = vector.broadcast %slice3A : vector<64x1xf32> to vector<64x128xf32>
    %add3A_852 = vector.broadcast %slice3A_850 : vector<1x128xf32> to vector<64x128xf32>
    %add3A_853 = arith.addf %add3A_851, %add3A_852 : vector<64x128xf32>
    %slice3A_854 = vector.extract_strided_slice %dot_general3A_5 {offsets = [0, 7680], sizes = [64, 128], strides = [1, 1]} : vector<256x8192xf32> to vector<64x128xf32>
    %sub3A_855 = arith.subf %add3A_853, %slice3A_854 : vector<64x128xf32>
    %swap3A_856 = arith.constant 0 : index
    %swap3A_857 = arith.constant 7680 : index
    %swap3A_858 = vector.load %arg4[%swap3A_856, %swap3A_857] : memref<256x8192xf32, #tpu.memory_space<vmem>>, vector<64x128xf32>
    tpu.vector_store %arg4[%swap3A_856, %swap3A_857], %sub3A_855 {strides = array<i32>} : memref<256x8192xf32, #tpu.memory_space<vmem>>, vector<64x128xf32>,
    %lt3A_859 = arith.cmpf olt, %sub3A_855, %select_n3A_849 : vector<64x128xf32>
    %broadcast_in_dim3A_860 = arith.constant 60 : i32
    %broadcast_in_dim3A_861 = vector.broadcast %broadcast_in_dim3A_860 : i32 to vector<64x128xi32>
    %select_n3A_862 = arith.select %lt3A_859, %broadcast_in_dim3A_861, %select_n3A_848 : vector<64x128xi1>, vector<64x128xi32>
    %select_n3A_863 = arith.select %lt3A_859, %sub3A_855, %select_n3A_849 : vector<64x128xi1>, vector<64x128xf32>
    %slice3A_864 = vector.extract_strided_slice %get3A_9 {offsets = [0, 7808], sizes = [1, 128], strides = [1, 1]} : vector<1x8192xf32> to vector<1x128xf32>
    %add3A_865 = vector.broadcast %slice3A : vector<64x1xf32> to vector<64x128xf32>
    %add3A_866 = vector.broadcast %slice3A_864 : vector<1x128xf32> to vector<64x128xf32>
    %add3A_867 = arith.addf %add3A_865, %add3A_866 : vector<64x128xf32>
    %slice3A_868 = vector.extract_strided_slice %dot_general3A_5 {offsets = [0, 7808], sizes = [64, 128], strides = [1, 1]} : vector<256x8192xf32> to vector<64x128xf32>
    %sub3A_869 = arith.subf %add3A_867, %slice3A_868 : vector<64x128xf32>
    %swap3A_870 = arith.constant 0 : index
    %swap3A_871 = arith.constant 7808 : index
    %swap3A_872 = vector.load %arg4[%swap3A_870, %swap3A_871] : memref<256x8192xf32, #tpu.memory_space<vmem>>, vector<64x128xf32>
    tpu.vector_store %arg4[%swap3A_870, %swap3A_871], %sub3A_869 {strides = array<i32>} : memref<256x8192xf32, #tpu.memory_space<vmem>>, vector<64x128xf32>,
    %lt3A_873 = arith.cmpf olt, %sub3A_869, %select_n3A_863 : vector<64x128xf32>
    %broadcast_in_dim3A_874 = arith.constant 61 : i32
    %broadcast_in_dim3A_875 = vector.broadcast %broadcast_in_dim3A_874 : i32 to vector<64x128xi32>
    %select_n3A_876 = arith.select %lt3A_873, %broadcast_in_dim3A_875, %select_n3A_862 : vector<64x128xi1>, vector<64x128xi32>
    %select_n3A_877 = arith.select %lt3A_873, %sub3A_869, %select_n3A_863 : vector<64x128xi1>, vector<64x128xf32>
    %slice3A_878 = vector.extract_strided_slice %get3A_9 {offsets = [0, 7936], sizes = [1, 128], strides = [1, 1]} : vector<1x8192xf32> to vector<1x128xf32>
    %add3A_879 = vector.broadcast %slice3A : vector<64x1xf32> to vector<64x128xf32>
    %add3A_880 = vector.broadcast %slice3A_878 : vector<1x128xf32> to vector<64x128xf32>
    %add3A_881 = arith.addf %add3A_879, %add3A_880 : vector<64x128xf32>
    %slice3A_882 = vector.extract_strided_slice %dot_general3A_5 {offsets = [0, 7936], sizes = [64, 128], strides = [1, 1]} : vector<256x8192xf32> to vector<64x128xf32>
    %sub3A_883 = arith.subf %add3A_881, %slice3A_882 : vector<64x128xf32>
    %swap3A_884 = arith.constant 0 : index
    %swap3A_885 = arith.constant 7936 : index
    %swap3A_886 = vector.load %arg4[%swap3A_884, %swap3A_885] : memref<256x8192xf32, #tpu.memory_space<vmem>>, vector<64x128xf32>
    tpu.vector_store %arg4[%swap3A_884, %swap3A_885], %sub3A_883 {strides = array<i32>} : memref<256x8192xf32, #tpu.memory_space<vmem>>, vector<64x128xf32>,
    %lt3A_887 = arith.cmpf olt, %sub3A_883, %select_n3A_877 : vector<64x128xf32>
    %broadcast_in_dim3A_888 = arith.constant 62 : i32
    %broadcast_in_dim3A_889 = vector.broadcast %broadcast_in_dim3A_888 : i32 to vector<64x128xi32>
    %select_n3A_890 = arith.select %lt3A_887, %broadcast_in_dim3A_889, %select_n3A_876 : vector<64x128xi1>, vector<64x128xi32>
    %select_n3A_891 = arith.select %lt3A_887, %sub3A_883, %select_n3A_877 : vector<64x128xi1>, vector<64x128xf32>
    %slice3A_892 = vector.extract_strided_slice %get3A_9 {offsets = [0, 8064], sizes = [1, 128], strides = [1, 1]} : vector<1x8192xf32> to vector<1x128xf32>
    %add3A_893 = vector.broadcast %slice3A : vector<64x1xf32> to vector<64x128xf32>
    %add3A_894 = vector.broadcast %slice3A_892 : vector<1x128xf32> to vector<64x128xf32>
    %add3A_895 = arith.addf %add3A_893, %add3A_894 : vector<64x128xf32>
    %slice3A_896 = vector.extract_strided_slice %dot_general3A_5 {offsets = [0, 8064], sizes = [64, 128], strides = [1, 1]} : vector<256x8192xf32> to vector<64x128xf32>
    %sub3A_897 = arith.subf %add3A_895, %slice3A_896 : vector<64x128xf32>
    %swap3A_898 = arith.constant 0 : index
    %swap3A_899 = arith.constant 8064 : index
    %swap3A_900 = vector.load %arg4[%swap3A_898, %swap3A_899] : memref<256x8192xf32, #tpu.memory_space<vmem>>, vector<64x128xf32>
    tpu.vector_store %arg4[%swap3A_898, %swap3A_899], %sub3A_897 {strides = array<i32>} : memref<256x8192xf32, #tpu.memory_space<vmem>>, vector<64x128xf32>,
    %lt3A_901 = arith.cmpf olt, %sub3A_897, %select_n3A_891 : vector<64x128xf32>
    %broadcast_in_dim3A_902 = arith.constant 63 : i32
    %broadcast_in_dim3A_903 = vector.broadcast %broadcast_in_dim3A_902 : i32 to vector<64x128xi32>
    %select_n3A_904 = arith.select %lt3A_901, %broadcast_in_dim3A_903, %select_n3A_890 : vector<64x128xi1>, vector<64x128xi32>
    %select_n3A_905 = arith.select %lt3A_901, %sub3A_897, %select_n3A_891 : vector<64x128xi1>, vector<64x128xf32>
    %reduce_min3A = arith.constant dense<0x7F800000> : vector<64xf32>
    %reduce_min3A_906 = vector.multi_reduction <minimumf>, %select_n3A_905, %reduce_min3A [1] : vector<64x128xf32> to vector<64xf32>
    %broadcast_in_dim3A_907 = vector.shape_cast %reduce_min3A_906 : vector<64xf32> to vector<64x1xf32>
    %mul3A_908 = arith.constant 128 : i32
    %mul3A_909 = vector.broadcast %mul3A_908 : i32 to vector<64x128xi32>
    %mul3A_910 = arith.muli %select_n3A_904, %mul3A_909 : vector<64x128xi32>
    %iota3A = tpu.iota {dimensions = array<i32: 1>} : vector<64x128xi32>
    %add3A_911 = arith.addi %mul3A_910, %iota3A : vector<64x128xi32>
    %eq3A = vector.broadcast %broadcast_in_dim3A_907 : vector<64x1xf32> to vector<64x128xf32>
    %eq3A_912 = arith.cmpf oeq, %select_n3A_905, %eq3A : vector<64x128xf32>
    %jit3A = arith.constant 1073741824 : i32
    %broadcast_in_dim3A_913 = vector.broadcast %jit3A : i32 to vector<64x128xi32>
    %select_n3A_914 = arith.select %eq3A_912, %add3A_911, %broadcast_in_dim3A_913 : vector<64x128xi1>, vector<64x128xi32>
    %reduce_min3A_915 = arith.constant dense<2147483647> : vector<64xi32>
    %reduce_min3A_916 = vector.multi_reduction <minsi>, %select_n3A_914, %reduce_min3A_915 [1] : vector<64x128xi32> to vector<64xi32>
    %broadcast_in_dim3A_917 = vector.shape_cast %reduce_min3A_916 : vector<64xi32> to vector<64x1xi32>
    %swap3A_918 = arith.constant 0 : index
    %swap3A_919 = arith.constant 0 : index
    %swap3A_920 = vector.load %arg5[%swap3A_918, %swap3A_919] : memref<256x1xi32, #tpu.memory_space<vmem>>, vector<64x1xi32>
    tpu.vector_store %arg5[%swap3A_918, %swap3A_919], %broadcast_in_dim3A_917 {strides = array<i32>} : memref<256x1xi32, #tpu.memory_space<vmem>>, vector<64x1xi32>,
    %slice3A_921 = vector.extract_strided_slice %broadcast_in_dim3A {offsets = [64, 0], sizes = [64, 1], strides = [1, 1]} : vector<256x1xf32> to vector<64x1xf32>
    %broadcast_in_dim3A_922 = arith.constant 0x7F800000 : f32
    %broadcast_in_dim3A_923 = vector.broadcast %broadcast_in_dim3A_922 : f32 to vector<64x128xf32>
    %broadcast_in_dim3A_924 = arith.constant 0 : i32
    %broadcast_in_dim3A_925 = vector.broadcast %broadcast_in_dim3A_924 : i32 to vector<64x128xi32>
    %slice3A_926 = vector.extract_strided_slice %get3A_9 {offsets = [0, 0], sizes = [1, 128], strides = [1, 1]} : vector<1x8192xf32> to vector<1x128xf32>
    %add3A_927 = vector.broadcast %slice3A_921 : vector<64x1xf32> to vector<64x128xf32>
    %add3A_928 = vector.broadcast %slice3A_926 : vector<1x128xf32> to vector<64x128xf32>
    %add3A_929 = arith.addf %add3A_927, %add3A_928 : vector<64x128xf32>
    %slice3A_930 = vector.extract_strided_slice %dot_general3A_5 {offsets = [64, 0], sizes = [64, 128], strides = [1, 1]} : vector<256x8192xf32> to vector<64x128xf32>
    %sub3A_931 = arith.subf %add3A_929, %slice3A_930 : vector<64x128xf32>
    %swap3A_932 = arith.constant 64 : index
    %swap3A_933 = arith.constant 0 : index
    %swap3A_934 = vector.load %arg4[%swap3A_932, %swap3A_933] : memref<256x8192xf32, #tpu.memory_space<vmem>>, vector<64x128xf32>
    tpu.vector_store %arg4[%swap3A_932, %swap3A_933], %sub3A_931 {strides = array<i32>} : memref<256x8192xf32, #tpu.memory_space<vmem>>, vector<64x128xf32>,
    %lt3A_935 = arith.cmpf olt, %sub3A_931, %broadcast_in_dim3A_923 : vector<64x128xf32>
    %broadcast_in_dim3A_936 = arith.constant 0 : i32
    %broadcast_in_dim3A_937 = vector.broadcast %broadcast_in_dim3A_936 : i32 to vector<64x128xi32>
    %select_n3A_938 = arith.select %lt3A_935, %broadcast_in_dim3A_937, %broadcast_in_dim3A_925 : vector<64x128xi1>, vector<64x128xi32>
    %select_n3A_939 = arith.select %lt3A_935, %sub3A_931, %broadcast_in_dim3A_923 : vector<64x128xi1>, vector<64x128xf32>
    %slice3A_940 = vector.extract_strided_slice %get3A_9 {offsets = [0, 128], sizes = [1, 128], strides = [1, 1]} : vector<1x8192xf32> to vector<1x128xf32>
    %add3A_941 = vector.broadcast %slice3A_921 : vector<64x1xf32> to vector<64x128xf32>
    %add3A_942 = vector.broadcast %slice3A_940 : vector<1x128xf32> to vector<64x128xf32>
    %add3A_943 = arith.addf %add3A_941, %add3A_942 : vector<64x128xf32>
    %slice3A_944 = vector.extract_strided_slice %dot_general3A_5 {offsets = [64, 128], sizes = [64, 128], strides = [1, 1]} : vector<256x8192xf32> to vector<64x128xf32>
    %sub3A_945 = arith.subf %add3A_943, %slice3A_944 : vector<64x128xf32>
    %swap3A_946 = arith.constant 64 : index
    %swap3A_947 = arith.constant 128 : index
    %swap3A_948 = vector.load %arg4[%swap3A_946, %swap3A_947] : memref<256x8192xf32, #tpu.memory_space<vmem>>, vector<64x128xf32>
    tpu.vector_store %arg4[%swap3A_946, %swap3A_947], %sub3A_945 {strides = array<i32>} : memref<256x8192xf32, #tpu.memory_space<vmem>>, vector<64x128xf32>,
    %lt3A_949 = arith.cmpf olt, %sub3A_945, %select_n3A_939 : vector<64x128xf32>
    %broadcast_in_dim3A_950 = arith.constant 1 : i32
    %broadcast_in_dim3A_951 = vector.broadcast %broadcast_in_dim3A_950 : i32 to vector<64x128xi32>
    %select_n3A_952 = arith.select %lt3A_949, %broadcast_in_dim3A_951, %select_n3A_938 : vector<64x128xi1>, vector<64x128xi32>
    %select_n3A_953 = arith.select %lt3A_949, %sub3A_945, %select_n3A_939 : vector<64x128xi1>, vector<64x128xf32>
    %slice3A_954 = vector.extract_strided_slice %get3A_9 {offsets = [0, 256], sizes = [1, 128], strides = [1, 1]} : vector<1x8192xf32> to vector<1x128xf32>
    %add3A_955 = vector.broadcast %slice3A_921 : vector<64x1xf32> to vector<64x128xf32>
    %add3A_956 = vector.broadcast %slice3A_954 : vector<1x128xf32> to vector<64x128xf32>
    %add3A_957 = arith.addf %add3A_955, %add3A_956 : vector<64x128xf32>
    %slice3A_958 = vector.extract_strided_slice %dot_general3A_5 {offsets = [64, 256], sizes = [64, 128], strides = [1, 1]} : vector<256x8192xf32> to vector<64x128xf32>
    %sub3A_959 = arith.subf %add3A_957, %slice3A_958 : vector<64x128xf32>
    %swap3A_960 = arith.constant 64 : index
    %swap3A_961 = arith.constant 256 : index
    %swap3A_962 = vector.load %arg4[%swap3A_960, %swap3A_961] : memref<256x8192xf32, #tpu.memory_space<vmem>>, vector<64x128xf32>
    tpu.vector_store %arg4[%swap3A_960, %swap3A_961], %sub3A_959 {strides = array<i32>} : memref<256x8192xf32, #tpu.memory_space<vmem>>, vector<64x128xf32>,
    %lt3A_963 = arith.cmpf olt, %sub3A_959, %select_n3A_953 : vector<64x128xf32>
    %broadcast_in_dim3A_964 = arith.constant 2 : i32
    %broadcast_in_dim3A_965 = vector.broadcast %broadcast_in_dim3A_964 : i32 to vector<64x128xi32>
    %select_n3A_966 = arith.select %lt3A_963, %broadcast_in_dim3A_965, %select_n3A_952 : vector<64x128xi1>, vector<64x128xi32>
    %select_n3A_967 = arith.select %lt3A_963, %sub3A_959, %select_n3A_953 : vector<64x128xi1>, vector<64x128xf32>
    %slice3A_968 = vector.extract_strided_slice %get3A_9 {offsets = [0, 384], sizes = [1, 128], strides = [1, 1]} : vector<1x8192xf32> to vector<1x128xf32>
    %add3A_969 = vector.broadcast %slice3A_921 : vector<64x1xf32> to vector<64x128xf32>
    %add3A_970 = vector.broadcast %slice3A_968 : vector<1x128xf32> to vector<64x128xf32>
    %add3A_971 = arith.addf %add3A_969, %add3A_970 : vector<64x128xf32>
    %slice3A_972 = vector.extract_strided_slice %dot_general3A_5 {offsets = [64, 384], sizes = [64, 128], strides = [1, 1]} : vector<256x8192xf32> to vector<64x128xf32>
    %sub3A_973 = arith.subf %add3A_971, %slice3A_972 : vector<64x128xf32>
    %swap3A_974 = arith.constant 64 : index
    %swap3A_975 = arith.constant 384 : index
    %swap3A_976 = vector.load %arg4[%swap3A_974, %swap3A_975] : memref<256x8192xf32, #tpu.memory_space<vmem>>, vector<64x128xf32>
    tpu.vector_store %arg4[%swap3A_974, %swap3A_975], %sub3A_973 {strides = array<i32>} : memref<256x8192xf32, #tpu.memory_space<vmem>>, vector<64x128xf32>,
    %lt3A_977 = arith.cmpf olt, %sub3A_973, %select_n3A_967 : vector<64x128xf32>
    %broadcast_in_dim3A_978 = arith.constant 3 : i32
    %broadcast_in_dim3A_979 = vector.broadcast %broadcast_in_dim3A_978 : i32 to vector<64x128xi32>
    %select_n3A_980 = arith.select %lt3A_977, %broadcast_in_dim3A_979, %select_n3A_966 : vector<64x128xi1>, vector<64x128xi32>
    %select_n3A_981 = arith.select %lt3A_977, %sub3A_973, %select_n3A_967 : vector<64x128xi1>, vector<64x128xf32>
    %slice3A_982 = vector.extract_strided_slice %get3A_9 {offsets = [0, 512], sizes = [1, 128], strides = [1, 1]} : vector<1x8192xf32> to vector<1x128xf32>
    %add3A_983 = vector.broadcast %slice3A_921 : vector<64x1xf32> to vector<64x128xf32>
    %add3A_984 = vector.broadcast %slice3A_982 : vector<1x128xf32> to vector<64x128xf32>
    %add3A_985 = arith.addf %add3A_983, %add3A_984 : vector<64x128xf32>
    %slice3A_986 = vector.extract_strided_slice %dot_general3A_5 {offsets = [64, 512], sizes = [64, 128], strides = [1, 1]} : vector<256x8192xf32> to vector<64x128xf32>
    %sub3A_987 = arith.subf %add3A_985, %slice3A_986 : vector<64x128xf32>
    %swap3A_988 = arith.constant 64 : index
    %swap3A_989 = arith.constant 512 : index
    %swap3A_990 = vector.load %arg4[%swap3A_988, %swap3A_989] : memref<256x8192xf32, #tpu.memory_space<vmem>>, vector<64x128xf32>
    tpu.vector_store %arg4[%swap3A_988, %swap3A_989], %sub3A_987 {strides = array<i32>} : memref<256x8192xf32, #tpu.memory_space<vmem>>, vector<64x128xf32>,
    %lt3A_991 = arith.cmpf olt, %sub3A_987, %select_n3A_981 : vector<64x128xf32>
    %broadcast_in_dim3A_992 = arith.constant 4 : i32
    %broadcast_in_dim3A_993 = vector.broadcast %broadcast_in_dim3A_992 : i32 to vector<64x128xi32>
    %select_n3A_994 = arith.select %lt3A_991, %broadcast_in_dim3A_993, %select_n3A_980 : vector<64x128xi1>, vector<64x128xi32>
    %select_n3A_995 = arith.select %lt3A_991, %sub3A_987, %select_n3A_981 : vector<64x128xi1>, vector<64x128xf32>
    %slice3A_996 = vector.extract_strided_slice %get3A_9 {offsets = [0, 640], sizes = [1, 128], strides = [1, 1]} : vector<1x8192xf32> to vector<1x128xf32>
    %add3A_997 = vector.broadcast %slice3A_921 : vector<64x1xf32> to vector<64x128xf32>
    %add3A_998 = vector.broadcast %slice3A_996 : vector<1x128xf32> to vector<64x128xf32>
    %add3A_999 = arith.addf %add3A_997, %add3A_998 : vector<64x128xf32>
    %slice3A_1000 = vector.extract_strided_slice %dot_general3A_5 {offsets = [64, 640], sizes = [64, 128], strides = [1, 1]} : vector<256x8192xf32> to vector<64x128xf32>
    %sub3A_1001 = arith.subf %add3A_999, %slice3A_1000 : vector<64x128xf32>
    %swap3A_1002 = arith.constant 64 : index
    %swap3A_1003 = arith.constant 640 : index
    %swap3A_1004 = vector.load %arg4[%swap3A_1002, %swap3A_1003] : memref<256x8192xf32, #tpu.memory_space<vmem>>, vector<64x128xf32>
    tpu.vector_store %arg4[%swap3A_1002, %swap3A_1003], %sub3A_1001 {strides = array<i32>} : memref<256x8192xf32, #tpu.memory_space<vmem>>, vector<64x128xf32>,
    %lt3A_1005 = arith.cmpf olt, %sub3A_1001, %select_n3A_995 : vector<64x128xf32>
    %broadcast_in_dim3A_1006 = arith.constant 5 : i32
    %broadcast_in_dim3A_1007 = vector.broadcast %broadcast_in_dim3A_1006 : i32 to vector<64x128xi32>
    %select_n3A_1008 = arith.select %lt3A_1005, %broadcast_in_dim3A_1007, %select_n3A_994 : vector<64x128xi1>, vector<64x128xi32>
    %select_n3A_1009 = arith.select %lt3A_1005, %sub3A_1001, %select_n3A_995 : vector<64x128xi1>, vector<64x128xf32>
    %slice3A_1010 = vector.extract_strided_slice %get3A_9 {offsets = [0, 768], sizes = [1, 128], strides = [1, 1]} : vector<1x8192xf32> to vector<1x128xf32>
    %add3A_1011 = vector.broadcast %slice3A_921 : vector<64x1xf32> to vector<64x128xf32>
    %add3A_1012 = vector.broadcast %slice3A_1010 : vector<1x128xf32> to vector<64x128xf32>
    %add3A_1013 = arith.addf %add3A_1011, %add3A_1012 : vector<64x128xf32>
    %slice3A_1014 = vector.extract_strided_slice %dot_general3A_5 {offsets = [64, 768], sizes = [64, 128], strides = [1, 1]} : vector<256x8192xf32> to vector<64x128xf32>
    %sub3A_1015 = arith.subf %add3A_1013, %slice3A_1014 : vector<64x128xf32>
    %swap3A_1016 = arith.constant 64 : index
    %swap3A_1017 = arith.constant 768 : index
    %swap3A_1018 = vector.load %arg4[%swap3A_1016, %swap3A_1017] : memref<256x8192xf32, #tpu.memory_space<vmem>>, vector<64x128xf32>
    tpu.vector_store %arg4[%swap3A_1016, %swap3A_1017], %sub3A_1015 {strides = array<i32>} : memref<256x8192xf32, #tpu.memory_space<vmem>>, vector<64x128xf32>,
    %lt3A_1019 = arith.cmpf olt, %sub3A_1015, %select_n3A_1009 : vector<64x128xf32>
    %broadcast_in_dim3A_1020 = arith.constant 6 : i32
    %broadcast_in_dim3A_1021 = vector.broadcast %broadcast_in_dim3A_1020 : i32 to vector<64x128xi32>
    %select_n3A_1022 = arith.select %lt3A_1019, %broadcast_in_dim3A_1021, %select_n3A_1008 : vector<64x128xi1>, vector<64x128xi32>
    %select_n3A_1023 = arith.select %lt3A_1019, %sub3A_1015, %select_n3A_1009 : vector<64x128xi1>, vector<64x128xf32>
    %slice3A_1024 = vector.extract_strided_slice %get3A_9 {offsets = [0, 896], sizes = [1, 128], strides = [1, 1]} : vector<1x8192xf32> to vector<1x128xf32>
    %add3A_1025 = vector.broadcast %slice3A_921 : vector<64x1xf32> to vector<64x128xf32>
    %add3A_1026 = vector.broadcast %slice3A_1024 : vector<1x128xf32> to vector<64x128xf32>
    %add3A_1027 = arith.addf %add3A_1025, %add3A_1026 : vector<64x128xf32>
    %slice3A_1028 = vector.extract_strided_slice %dot_general3A_5 {offsets = [64, 896], sizes = [64, 128], strides = [1, 1]} : vector<256x8192xf32> to vector<64x128xf32>
    %sub3A_1029 = arith.subf %add3A_1027, %slice3A_1028 : vector<64x128xf32>
    %swap3A_1030 = arith.constant 64 : index
    %swap3A_1031 = arith.constant 896 : index
    %swap3A_1032 = vector.load %arg4[%swap3A_1030, %swap3A_1031] : memref<256x8192xf32, #tpu.memory_space<vmem>>, vector<64x128xf32>
    tpu.vector_store %arg4[%swap3A_1030, %swap3A_1031], %sub3A_1029 {strides = array<i32>} : memref<256x8192xf32, #tpu.memory_space<vmem>>, vector<64x128xf32>,
    %lt3A_1033 = arith.cmpf olt, %sub3A_1029, %select_n3A_1023 : vector<64x128xf32>
    %broadcast_in_dim3A_1034 = arith.constant 7 : i32
    %broadcast_in_dim3A_1035 = vector.broadcast %broadcast_in_dim3A_1034 : i32 to vector<64x128xi32>
    %select_n3A_1036 = arith.select %lt3A_1033, %broadcast_in_dim3A_1035, %select_n3A_1022 : vector<64x128xi1>, vector<64x128xi32>
    %select_n3A_1037 = arith.select %lt3A_1033, %sub3A_1029, %select_n3A_1023 : vector<64x128xi1>, vector<64x128xf32>
    %slice3A_1038 = vector.extract_strided_slice %get3A_9 {offsets = [0, 1024], sizes = [1, 128], strides = [1, 1]} : vector<1x8192xf32> to vector<1x128xf32>
    %add3A_1039 = vector.broadcast %slice3A_921 : vector<64x1xf32> to vector<64x128xf32>
    %add3A_1040 = vector.broadcast %slice3A_1038 : vector<1x128xf32> to vector<64x128xf32>
    %add3A_1041 = arith.addf %add3A_1039, %add3A_1040 : vector<64x128xf32>
    %slice3A_1042 = vector.extract_strided_slice %dot_general3A_5 {offsets = [64, 1024], sizes = [64, 128], strides = [1, 1]} : vector<256x8192xf32> to vector<64x128xf32>
    %sub3A_1043 = arith.subf %add3A_1041, %slice3A_1042 : vector<64x128xf32>
    %swap3A_1044 = arith.constant 64 : index
    %swap3A_1045 = arith.constant 1024 : index
    %swap3A_1046 = vector.load %arg4[%swap3A_1044, %swap3A_1045] : memref<256x8192xf32, #tpu.memory_space<vmem>>, vector<64x128xf32>
    tpu.vector_store %arg4[%swap3A_1044, %swap3A_1045], %sub3A_1043 {strides = array<i32>} : memref<256x8192xf32, #tpu.memory_space<vmem>>, vector<64x128xf32>,
    %lt3A_1047 = arith.cmpf olt, %sub3A_1043, %select_n3A_1037 : vector<64x128xf32>
    %broadcast_in_dim3A_1048 = arith.constant 8 : i32
    %broadcast_in_dim3A_1049 = vector.broadcast %broadcast_in_dim3A_1048 : i32 to vector<64x128xi32>
    %select_n3A_1050 = arith.select %lt3A_1047, %broadcast_in_dim3A_1049, %select_n3A_1036 : vector<64x128xi1>, vector<64x128xi32>
    %select_n3A_1051 = arith.select %lt3A_1047, %sub3A_1043, %select_n3A_1037 : vector<64x128xi1>, vector<64x128xf32>
    %slice3A_1052 = vector.extract_strided_slice %get3A_9 {offsets = [0, 1152], sizes = [1, 128], strides = [1, 1]} : vector<1x8192xf32> to vector<1x128xf32>
    %add3A_1053 = vector.broadcast %slice3A_921 : vector<64x1xf32> to vector<64x128xf32>
    %add3A_1054 = vector.broadcast %slice3A_1052 : vector<1x128xf32> to vector<64x128xf32>
    %add3A_1055 = arith.addf %add3A_1053, %add3A_1054 : vector<64x128xf32>
    %slice3A_1056 = vector.extract_strided_slice %dot_general3A_5 {offsets = [64, 1152], sizes = [64, 128], strides = [1, 1]} : vector<256x8192xf32> to vector<64x128xf32>
    %sub3A_1057 = arith.subf %add3A_1055, %slice3A_1056 : vector<64x128xf32>
    %swap3A_1058 = arith.constant 64 : index
    %swap3A_1059 = arith.constant 1152 : index
    %swap3A_1060 = vector.load %arg4[%swap3A_1058, %swap3A_1059] : memref<256x8192xf32, #tpu.memory_space<vmem>>, vector<64x128xf32>
    tpu.vector_store %arg4[%swap3A_1058, %swap3A_1059], %sub3A_1057 {strides = array<i32>} : memref<256x8192xf32, #tpu.memory_space<vmem>>, vector<64x128xf32>,
    %lt3A_1061 = arith.cmpf olt, %sub3A_1057, %select_n3A_1051 : vector<64x128xf32>
    %broadcast_in_dim3A_1062 = arith.constant 9 : i32
    %broadcast_in_dim3A_1063 = vector.broadcast %broadcast_in_dim3A_1062 : i32 to vector<64x128xi32>
    %select_n3A_1064 = arith.select %lt3A_1061, %broadcast_in_dim3A_1063, %select_n3A_1050 : vector<64x128xi1>, vector<64x128xi32>
    %select_n3A_1065 = arith.select %lt3A_1061, %sub3A_1057, %select_n3A_1051 : vector<64x128xi1>, vector<64x128xf32>
    %slice3A_1066 = vector.extract_strided_slice %get3A_9 {offsets = [0, 1280], sizes = [1, 128], strides = [1, 1]} : vector<1x8192xf32> to vector<1x128xf32>
    %add3A_1067 = vector.broadcast %slice3A_921 : vector<64x1xf32> to vector<64x128xf32>
    %add3A_1068 = vector.broadcast %slice3A_1066 : vector<1x128xf32> to vector<64x128xf32>
    %add3A_1069 = arith.addf %add3A_1067, %add3A_1068 : vector<64x128xf32>
    %slice3A_1070 = vector.extract_strided_slice %dot_general3A_5 {offsets = [64, 1280], sizes = [64, 128], strides = [1, 1]} : vector<256x8192xf32> to vector<64x128xf32>
    %sub3A_1071 = arith.subf %add3A_1069, %slice3A_1070 : vector<64x128xf32>
    %swap3A_1072 = arith.constant 64 : index
    %swap3A_1073 = arith.constant 1280 : index
    %swap3A_1074 = vector.load %arg4[%swap3A_1072, %swap3A_1073] : memref<256x8192xf32, #tpu.memory_space<vmem>>, vector<64x128xf32>
    tpu.vector_store %arg4[%swap3A_1072, %swap3A_1073], %sub3A_1071 {strides = array<i32>} : memref<256x8192xf32, #tpu.memory_space<vmem>>, vector<64x128xf32>,
    %lt3A_1075 = arith.cmpf olt, %sub3A_1071, %select_n3A_1065 : vector<64x128xf32>
    %broadcast_in_dim3A_1076 = arith.constant 10 : i32
    %broadcast_in_dim3A_1077 = vector.broadcast %broadcast_in_dim3A_1076 : i32 to vector<64x128xi32>
    %select_n3A_1078 = arith.select %lt3A_1075, %broadcast_in_dim3A_1077, %select_n3A_1064 : vector<64x128xi1>, vector<64x128xi32>
    %select_n3A_1079 = arith.select %lt3A_1075, %sub3A_1071, %select_n3A_1065 : vector<64x128xi1>, vector<64x128xf32>
    %slice3A_1080 = vector.extract_strided_slice %get3A_9 {offsets = [0, 1408], sizes = [1, 128], strides = [1, 1]} : vector<1x8192xf32> to vector<1x128xf32>
    %add3A_1081 = vector.broadcast %slice3A_921 : vector<64x1xf32> to vector<64x128xf32>
    %add3A_1082 = vector.broadcast %slice3A_1080 : vector<1x128xf32> to vector<64x128xf32>
    %add3A_1083 = arith.addf %add3A_1081, %add3A_1082 : vector<64x128xf32>
    %slice3A_1084 = vector.extract_strided_slice %dot_general3A_5 {offsets = [64, 1408], sizes = [64, 128], strides = [1, 1]} : vector<256x8192xf32> to vector<64x128xf32>
    %sub3A_1085 = arith.subf %add3A_1083, %slice3A_1084 : vector<64x128xf32>
    %swap3A_1086 = arith.constant 64 : index
    %swap3A_1087 = arith.constant 1408 : index
    %swap3A_1088 = vector.load %arg4[%swap3A_1086, %swap3A_1087] : memref<256x8192xf32, #tpu.memory_space<vmem>>, vector<64x128xf32>
    tpu.vector_store %arg4[%swap3A_1086, %swap3A_1087], %sub3A_1085 {strides = array<i32>} : memref<256x8192xf32, #tpu.memory_space<vmem>>, vector<64x128xf32>,
    %lt3A_1089 = arith.cmpf olt, %sub3A_1085, %select_n3A_1079 : vector<64x128xf32>
    %broadcast_in_dim3A_1090 = arith.constant 11 : i32
    %broadcast_in_dim3A_1091 = vector.broadcast %broadcast_in_dim3A_1090 : i32 to vector<64x128xi32>
    %select_n3A_1092 = arith.select %lt3A_1089, %broadcast_in_dim3A_1091, %select_n3A_1078 : vector<64x128xi1>, vector<64x128xi32>
    %select_n3A_1093 = arith.select %lt3A_1089, %sub3A_1085, %select_n3A_1079 : vector<64x128xi1>, vector<64x128xf32>
    %slice3A_1094 = vector.extract_strided_slice %get3A_9 {offsets = [0, 1536], sizes = [1, 128], strides = [1, 1]} : vector<1x8192xf32> to vector<1x128xf32>
    %add3A_1095 = vector.broadcast %slice3A_921 : vector<64x1xf32> to vector<64x128xf32>
    %add3A_1096 = vector.broadcast %slice3A_1094 : vector<1x128xf32> to vector<64x128xf32>
    %add3A_1097 = arith.addf %add3A_1095, %add3A_1096 : vector<64x128xf32>
    %slice3A_1098 = vector.extract_strided_slice %dot_general3A_5 {offsets = [64, 1536], sizes = [64, 128], strides = [1, 1]} : vector<256x8192xf32> to vector<64x128xf32>
    %sub3A_1099 = arith.subf %add3A_1097, %slice3A_1098 : vector<64x128xf32>
    %swap3A_1100 = arith.constant 64 : index
    %swap3A_1101 = arith.constant 1536 : index
    %swap3A_1102 = vector.load %arg4[%swap3A_1100, %swap3A_1101] : memref<256x8192xf32, #tpu.memory_space<vmem>>, vector<64x128xf32>
    tpu.vector_store %arg4[%swap3A_1100, %swap3A_1101], %sub3A_1099 {strides = array<i32>} : memref<256x8192xf32, #tpu.memory_space<vmem>>, vector<64x128xf32>,
    %lt3A_1103 = arith.cmpf olt, %sub3A_1099, %select_n3A_1093 : vector<64x128xf32>
    %broadcast_in_dim3A_1104 = arith.constant 12 : i32
    %broadcast_in_dim3A_1105 = vector.broadcast %broadcast_in_dim3A_1104 : i32 to vector<64x128xi32>
    %select_n3A_1106 = arith.select %lt3A_1103, %broadcast_in_dim3A_1105, %select_n3A_1092 : vector<64x128xi1>, vector<64x128xi32>
    %select_n3A_1107 = arith.select %lt3A_1103, %sub3A_1099, %select_n3A_1093 : vector<64x128xi1>, vector<64x128xf32>
    %slice3A_1108 = vector.extract_strided_slice %get3A_9 {offsets = [0, 1664], sizes = [1, 128], strides = [1, 1]} : vector<1x8192xf32> to vector<1x128xf32>
    %add3A_1109 = vector.broadcast %slice3A_921 : vector<64x1xf32> to vector<64x128xf32>
    %add3A_1110 = vector.broadcast %slice3A_1108 : vector<1x128xf32> to vector<64x128xf32>
    %add3A_1111 = arith.addf %add3A_1109, %add3A_1110 : vector<64x128xf32>
    %slice3A_1112 = vector.extract_strided_slice %dot_general3A_5 {offsets = [64, 1664], sizes = [64, 128], strides = [1, 1]} : vector<256x8192xf32> to vector<64x128xf32>
    %sub3A_1113 = arith.subf %add3A_1111, %slice3A_1112 : vector<64x128xf32>
    %swap3A_1114 = arith.constant 64 : index
    %swap3A_1115 = arith.constant 1664 : index
    %swap3A_1116 = vector.load %arg4[%swap3A_1114, %swap3A_1115] : memref<256x8192xf32, #tpu.memory_space<vmem>>, vector<64x128xf32>
    tpu.vector_store %arg4[%swap3A_1114, %swap3A_1115], %sub3A_1113 {strides = array<i32>} : memref<256x8192xf32, #tpu.memory_space<vmem>>, vector<64x128xf32>,
    %lt3A_1117 = arith.cmpf olt, %sub3A_1113, %select_n3A_1107 : vector<64x128xf32>
    %broadcast_in_dim3A_1118 = arith.constant 13 : i32
    %broadcast_in_dim3A_1119 = vector.broadcast %broadcast_in_dim3A_1118 : i32 to vector<64x128xi32>
    %select_n3A_1120 = arith.select %lt3A_1117, %broadcast_in_dim3A_1119, %select_n3A_1106 : vector<64x128xi1>, vector<64x128xi32>
    %select_n3A_1121 = arith.select %lt3A_1117, %sub3A_1113, %select_n3A_1107 : vector<64x128xi1>, vector<64x128xf32>
    %slice3A_1122 = vector.extract_strided_slice %get3A_9 {offsets = [0, 1792], sizes = [1, 128], strides = [1, 1]} : vector<1x8192xf32> to vector<1x128xf32>
    %add3A_1123 = vector.broadcast %slice3A_921 : vector<64x1xf32> to vector<64x128xf32>
    %add3A_1124 = vector.broadcast %slice3A_1122 : vector<1x128xf32> to vector<64x128xf32>
    %add3A_1125 = arith.addf %add3A_1123, %add3A_1124 : vector<64x128xf32>
    %slice3A_1126 = vector.extract_strided_slice %dot_general3A_5 {offsets = [64, 1792], sizes = [64, 128], strides = [1, 1]} : vector<256x8192xf32> to vector<64x128xf32>
    %sub3A_1127 = arith.subf %add3A_1125, %slice3A_1126 : vector<64x128xf32>
    %swap3A_1128 = arith.constant 64 : index
    %swap3A_1129 = arith.constant 1792 : index
    %swap3A_1130 = vector.load %arg4[%swap3A_1128, %swap3A_1129] : memref<256x8192xf32, #tpu.memory_space<vmem>>, vector<64x128xf32>
    tpu.vector_store %arg4[%swap3A_1128, %swap3A_1129], %sub3A_1127 {strides = array<i32>} : memref<256x8192xf32, #tpu.memory_space<vmem>>, vector<64x128xf32>,
    %lt3A_1131 = arith.cmpf olt, %sub3A_1127, %select_n3A_1121 : vector<64x128xf32>
    %broadcast_in_dim3A_1132 = arith.constant 14 : i32
    %broadcast_in_dim3A_1133 = vector.broadcast %broadcast_in_dim3A_1132 : i32 to vector<64x128xi32>
    %select_n3A_1134 = arith.select %lt3A_1131, %broadcast_in_dim3A_1133, %select_n3A_1120 : vector<64x128xi1>, vector<64x128xi32>
    %select_n3A_1135 = arith.select %lt3A_1131, %sub3A_1127, %select_n3A_1121 : vector<64x128xi1>, vector<64x128xf32>
    %slice3A_1136 = vector.extract_strided_slice %get3A_9 {offsets = [0, 1920], sizes = [1, 128], strides = [1, 1]} : vector<1x8192xf32> to vector<1x128xf32>
    %add3A_1137 = vector.broadcast %slice3A_921 : vector<64x1xf32> to vector<64x128xf32>
    %add3A_1138 = vector.broadcast %slice3A_1136 : vector<1x128xf32> to vector<64x128xf32>
    %add3A_1139 = arith.addf %add3A_1137, %add3A_1138 : vector<64x128xf32>
    %slice3A_1140 = vector.extract_strided_slice %dot_general3A_5 {offsets = [64, 1920], sizes = [64, 128], strides = [1, 1]} : vector<256x8192xf32> to vector<64x128xf32>
    %sub3A_1141 = arith.subf %add3A_1139, %slice3A_1140 : vector<64x128xf32>
    %swap3A_1142 = arith.constant 64 : index
    %swap3A_1143 = arith.constant 1920 : index
    %swap3A_1144 = vector.load %arg4[%swap3A_1142, %swap3A_1143] : memref<256x8192xf32, #tpu.memory_space<vmem>>, vector<64x128xf32>
    tpu.vector_store %arg4[%swap3A_1142, %swap3A_1143], %sub3A_1141 {strides = array<i32>} : memref<256x8192xf32, #tpu.memory_space<vmem>>, vector<64x128xf32>,
    %lt3A_1145 = arith.cmpf olt, %sub3A_1141, %select_n3A_1135 : vector<64x128xf32>
    %broadcast_in_dim3A_1146 = arith.constant 15 : i32
    %broadcast_in_dim3A_1147 = vector.broadcast %broadcast_in_dim3A_1146 : i32 to vector<64x128xi32>
    %select_n3A_1148 = arith.select %lt3A_1145, %broadcast_in_dim3A_1147, %select_n3A_1134 : vector<64x128xi1>, vector<64x128xi32>
    %select_n3A_1149 = arith.select %lt3A_1145, %sub3A_1141, %select_n3A_1135 : vector<64x128xi1>, vector<64x128xf32>
    %slice3A_1150 = vector.extract_strided_slice %get3A_9 {offsets = [0, 2048], sizes = [1, 128], strides = [1, 1]} : vector<1x8192xf32> to vector<1x128xf32>
    %add3A_1151 = vector.broadcast %slice3A_921 : vector<64x1xf32> to vector<64x128xf32>
    %add3A_1152 = vector.broadcast %slice3A_1150 : vector<1x128xf32> to vector<64x128xf32>
    %add3A_1153 = arith.addf %add3A_1151, %add3A_1152 : vector<64x128xf32>
    %slice3A_1154 = vector.extract_strided_slice %dot_general3A_5 {offsets = [64, 2048], sizes = [64, 128], strides = [1, 1]} : vector<256x8192xf32> to vector<64x128xf32>
    %sub3A_1155 = arith.subf %add3A_1153, %slice3A_1154 : vector<64x128xf32>
    %swap3A_1156 = arith.constant 64 : index
    %swap3A_1157 = arith.constant 2048 : index
    %swap3A_1158 = vector.load %arg4[%swap3A_1156, %swap3A_1157] : memref<256x8192xf32, #tpu.memory_space<vmem>>, vector<64x128xf32>
    tpu.vector_store %arg4[%swap3A_1156, %swap3A_1157], %sub3A_1155 {strides = array<i32>} : memref<256x8192xf32, #tpu.memory_space<vmem>>, vector<64x128xf32>,
    %lt3A_1159 = arith.cmpf olt, %sub3A_1155, %select_n3A_1149 : vector<64x128xf32>
    %broadcast_in_dim3A_1160 = arith.constant 16 : i32
    %broadcast_in_dim3A_1161 = vector.broadcast %broadcast_in_dim3A_1160 : i32 to vector<64x128xi32>
    %select_n3A_1162 = arith.select %lt3A_1159, %broadcast_in_dim3A_1161, %select_n3A_1148 : vector<64x128xi1>, vector<64x128xi32>
    %select_n3A_1163 = arith.select %lt3A_1159, %sub3A_1155, %select_n3A_1149 : vector<64x128xi1>, vector<64x128xf32>
    %slice3A_1164 = vector.extract_strided_slice %get3A_9 {offsets = [0, 2176], sizes = [1, 128], strides = [1, 1]} : vector<1x8192xf32> to vector<1x128xf32>
    %add3A_1165 = vector.broadcast %slice3A_921 : vector<64x1xf32> to vector<64x128xf32>
    %add3A_1166 = vector.broadcast %slice3A_1164 : vector<1x128xf32> to vector<64x128xf32>
    %add3A_1167 = arith.addf %add3A_1165, %add3A_1166 : vector<64x128xf32>
    %slice3A_1168 = vector.extract_strided_slice %dot_general3A_5 {offsets = [64, 2176], sizes = [64, 128], strides = [1, 1]} : vector<256x8192xf32> to vector<64x128xf32>
    %sub3A_1169 = arith.subf %add3A_1167, %slice3A_1168 : vector<64x128xf32>
    %swap3A_1170 = arith.constant 64 : index
    %swap3A_1171 = arith.constant 2176 : index
    %swap3A_1172 = vector.load %arg4[%swap3A_1170, %swap3A_1171] : memref<256x8192xf32, #tpu.memory_space<vmem>>, vector<64x128xf32>
    tpu.vector_store %arg4[%swap3A_1170, %swap3A_1171], %sub3A_1169 {strides = array<i32>} : memref<256x8192xf32, #tpu.memory_space<vmem>>, vector<64x128xf32>,
    %lt3A_1173 = arith.cmpf olt, %sub3A_1169, %select_n3A_1163 : vector<64x128xf32>
    %broadcast_in_dim3A_1174 = arith.constant 17 : i32
    %broadcast_in_dim3A_1175 = vector.broadcast %broadcast_in_dim3A_1174 : i32 to vector<64x128xi32>
    %select_n3A_1176 = arith.select %lt3A_1173, %broadcast_in_dim3A_1175, %select_n3A_1162 : vector<64x128xi1>, vector<64x128xi32>
    %select_n3A_1177 = arith.select %lt3A_1173, %sub3A_1169, %select_n3A_1163 : vector<64x128xi1>, vector<64x128xf32>
    %slice3A_1178 = vector.extract_strided_slice %get3A_9 {offsets = [0, 2304], sizes = [1, 128], strides = [1, 1]} : vector<1x8192xf32> to vector<1x128xf32>
    %add3A_1179 = vector.broadcast %slice3A_921 : vector<64x1xf32> to vector<64x128xf32>
    %add3A_1180 = vector.broadcast %slice3A_1178 : vector<1x128xf32> to vector<64x128xf32>
    %add3A_1181 = arith.addf %add3A_1179, %add3A_1180 : vector<64x128xf32>
    %slice3A_1182 = vector.extract_strided_slice %dot_general3A_5 {offsets = [64, 2304], sizes = [64, 128], strides = [1, 1]} : vector<256x8192xf32> to vector<64x128xf32>
    %sub3A_1183 = arith.subf %add3A_1181, %slice3A_1182 : vector<64x128xf32>
    %swap3A_1184 = arith.constant 64 : index
    %swap3A_1185 = arith.constant 2304 : index
    %swap3A_1186 = vector.load %arg4[%swap3A_1184, %swap3A_1185] : memref<256x8192xf32, #tpu.memory_space<vmem>>, vector<64x128xf32>
    tpu.vector_store %arg4[%swap3A_1184, %swap3A_1185], %sub3A_1183 {strides = array<i32>} : memref<256x8192xf32, #tpu.memory_space<vmem>>, vector<64x128xf32>,
    %lt3A_1187 = arith.cmpf olt, %sub3A_1183, %select_n3A_1177 : vector<64x128xf32>
    %broadcast_in_dim3A_1188 = arith.constant 18 : i32
    %broadcast_in_dim3A_1189 = vector.broadcast %broadcast_in_dim3A_1188 : i32 to vector<64x128xi32>
    %select_n3A_1190 = arith.select %lt3A_1187, %broadcast_in_dim3A_1189, %select_n3A_1176 : vector<64x128xi1>, vector<64x128xi32>
    %select_n3A_1191 = arith.select %lt3A_1187, %sub3A_1183, %select_n3A_1177 : vector<64x128xi1>, vector<64x128xf32>
    %slice3A_1192 = vector.extract_strided_slice %get3A_9 {offsets = [0, 2432], sizes = [1, 128], strides = [1, 1]} : vector<1x8192xf32> to vector<1x128xf32>
    %add3A_1193 = vector.broadcast %slice3A_921 : vector<64x1xf32> to vector<64x128xf32>
    %add3A_1194 = vector.broadcast %slice3A_1192 : vector<1x128xf32> to vector<64x128xf32>
    %add3A_1195 = arith.addf %add3A_1193, %add3A_1194 : vector<64x128xf32>
    %slice3A_1196 = vector.extract_strided_slice %dot_general3A_5 {offsets = [64, 2432], sizes = [64, 128], strides = [1, 1]} : vector<256x8192xf32> to vector<64x128xf32>
    %sub3A_1197 = arith.subf %add3A_1195, %slice3A_1196 : vector<64x128xf32>
    %swap3A_1198 = arith.constant 64 : index
    %swap3A_1199 = arith.constant 2432 : index
    %swap3A_1200 = vector.load %arg4[%swap3A_1198, %swap3A_1199] : memref<256x8192xf32, #tpu.memory_space<vmem>>, vector<64x128xf32>
    tpu.vector_store %arg4[%swap3A_1198, %swap3A_1199], %sub3A_1197 {strides = array<i32>} : memref<256x8192xf32, #tpu.memory_space<vmem>>, vector<64x128xf32>,
    %lt3A_1201 = arith.cmpf olt, %sub3A_1197, %select_n3A_1191 : vector<64x128xf32>
    %broadcast_in_dim3A_1202 = arith.constant 19 : i32
    %broadcast_in_dim3A_1203 = vector.broadcast %broadcast_in_dim3A_1202 : i32 to vector<64x128xi32>
    %select_n3A_1204 = arith.select %lt3A_1201, %broadcast_in_dim3A_1203, %select_n3A_1190 : vector<64x128xi1>, vector<64x128xi32>
    %select_n3A_1205 = arith.select %lt3A_1201, %sub3A_1197, %select_n3A_1191 : vector<64x128xi1>, vector<64x128xf32>
    %slice3A_1206 = vector.extract_strided_slice %get3A_9 {offsets = [0, 2560], sizes = [1, 128], strides = [1, 1]} : vector<1x8192xf32> to vector<1x128xf32>
    %add3A_1207 = vector.broadcast %slice3A_921 : vector<64x1xf32> to vector<64x128xf32>
    %add3A_1208 = vector.broadcast %slice3A_1206 : vector<1x128xf32> to vector<64x128xf32>
    %add3A_1209 = arith.addf %add3A_1207, %add3A_1208 : vector<64x128xf32>
    %slice3A_1210 = vector.extract_strided_slice %dot_general3A_5 {offsets = [64, 2560], sizes = [64, 128], strides = [1, 1]} : vector<256x8192xf32> to vector<64x128xf32>
    %sub3A_1211 = arith.subf %add3A_1209, %slice3A_1210 : vector<64x128xf32>
    %swap3A_1212 = arith.constant 64 : index
    %swap3A_1213 = arith.constant 2560 : index
    %swap3A_1214 = vector.load %arg4[%swap3A_1212, %swap3A_1213] : memref<256x8192xf32, #tpu.memory_space<vmem>>, vector<64x128xf32>
    tpu.vector_store %arg4[%swap3A_1212, %swap3A_1213], %sub3A_1211 {strides = array<i32>} : memref<256x8192xf32, #tpu.memory_space<vmem>>, vector<64x128xf32>,
    %lt3A_1215 = arith.cmpf olt, %sub3A_1211, %select_n3A_1205 : vector<64x128xf32>
    %broadcast_in_dim3A_1216 = arith.constant 20 : i32
    %broadcast_in_dim3A_1217 = vector.broadcast %broadcast_in_dim3A_1216 : i32 to vector<64x128xi32>
    %select_n3A_1218 = arith.select %lt3A_1215, %broadcast_in_dim3A_1217, %select_n3A_1204 : vector<64x128xi1>, vector<64x128xi32>
    %select_n3A_1219 = arith.select %lt3A_1215, %sub3A_1211, %select_n3A_1205 : vector<64x128xi1>, vector<64x128xf32>
    %slice3A_1220 = vector.extract_strided_slice %get3A_9 {offsets = [0, 2688], sizes = [1, 128], strides = [1, 1]} : vector<1x8192xf32> to vector<1x128xf32>
    %add3A_1221 = vector.broadcast %slice3A_921 : vector<64x1xf32> to vector<64x128xf32>
    %add3A_1222 = vector.broadcast %slice3A_1220 : vector<1x128xf32> to vector<64x128xf32>
    %add3A_1223 = arith.addf %add3A_1221, %add3A_1222 : vector<64x128xf32>
    %slice3A_1224 = vector.extract_strided_slice %dot_general3A_5 {offsets = [64, 2688], sizes = [64, 128], strides = [1, 1]} : vector<256x8192xf32> to vector<64x128xf32>
    %sub3A_1225 = arith.subf %add3A_1223, %slice3A_1224 : vector<64x128xf32>
    %swap3A_1226 = arith.constant 64 : index
    %swap3A_1227 = arith.constant 2688 : index
    %swap3A_1228 = vector.load %arg4[%swap3A_1226, %swap3A_1227] : memref<256x8192xf32, #tpu.memory_space<vmem>>, vector<64x128xf32>
    tpu.vector_store %arg4[%swap3A_1226, %swap3A_1227], %sub3A_1225 {strides = array<i32>} : memref<256x8192xf32, #tpu.memory_space<vmem>>, vector<64x128xf32>,
    %lt3A_1229 = arith.cmpf olt, %sub3A_1225, %select_n3A_1219 : vector<64x128xf32>
    %broadcast_in_dim3A_1230 = arith.constant 21 : i32
    %broadcast_in_dim3A_1231 = vector.broadcast %broadcast_in_dim3A_1230 : i32 to vector<64x128xi32>
    %select_n3A_1232 = arith.select %lt3A_1229, %broadcast_in_dim3A_1231, %select_n3A_1218 : vector<64x128xi1>, vector<64x128xi32>
    %select_n3A_1233 = arith.select %lt3A_1229, %sub3A_1225, %select_n3A_1219 : vector<64x128xi1>, vector<64x128xf32>
    %slice3A_1234 = vector.extract_strided_slice %get3A_9 {offsets = [0, 2816], sizes = [1, 128], strides = [1, 1]} : vector<1x8192xf32> to vector<1x128xf32>
    %add3A_1235 = vector.broadcast %slice3A_921 : vector<64x1xf32> to vector<64x128xf32>
    %add3A_1236 = vector.broadcast %slice3A_1234 : vector<1x128xf32> to vector<64x128xf32>
    %add3A_1237 = arith.addf %add3A_1235, %add3A_1236 : vector<64x128xf32>
    %slice3A_1238 = vector.extract_strided_slice %dot_general3A_5 {offsets = [64, 2816], sizes = [64, 128], strides = [1, 1]} : vector<256x8192xf32> to vector<64x128xf32>
    %sub3A_1239 = arith.subf %add3A_1237, %slice3A_1238 : vector<64x128xf32>
    %swap3A_1240 = arith.constant 64 : index
    %swap3A_1241 = arith.constant 2816 : index
    %swap3A_1242 = vector.load %arg4[%swap3A_1240, %swap3A_1241] : memref<256x8192xf32, #tpu.memory_space<vmem>>, vector<64x128xf32>
    tpu.vector_store %arg4[%swap3A_1240, %swap3A_1241], %sub3A_1239 {strides = array<i32>} : memref<256x8192xf32, #tpu.memory_space<vmem>>, vector<64x128xf32>,
    %lt3A_1243 = arith.cmpf olt, %sub3A_1239, %select_n3A_1233 : vector<64x128xf32>
    %broadcast_in_dim3A_1244 = arith.constant 22 : i32
    %broadcast_in_dim3A_1245 = vector.broadcast %broadcast_in_dim3A_1244 : i32 to vector<64x128xi32>
    %select_n3A_1246 = arith.select %lt3A_1243, %broadcast_in_dim3A_1245, %select_n3A_1232 : vector<64x128xi1>, vector<64x128xi32>
    %select_n3A_1247 = arith.select %lt3A_1243, %sub3A_1239, %select_n3A_1233 : vector<64x128xi1>, vector<64x128xf32>
    %slice3A_1248 = vector.extract_strided_slice %get3A_9 {offsets = [0, 2944], sizes = [1, 128], strides = [1, 1]} : vector<1x8192xf32> to vector<1x128xf32>
    %add3A_1249 = vector.broadcast %slice3A_921 : vector<64x1xf32> to vector<64x128xf32>
    %add3A_1250 = vector.broadcast %slice3A_1248 : vector<1x128xf32> to vector<64x128xf32>
    %add3A_1251 = arith.addf %add3A_1249, %add3A_1250 : vector<64x128xf32>
    %slice3A_1252 = vector.extract_strided_slice %dot_general3A_5 {offsets = [64, 2944], sizes = [64, 128], strides = [1, 1]} : vector<256x8192xf32> to vector<64x128xf32>
    %sub3A_1253 = arith.subf %add3A_1251, %slice3A_1252 : vector<64x128xf32>
    %swap3A_1254 = arith.constant 64 : index
    %swap3A_1255 = arith.constant 2944 : index
    %swap3A_1256 = vector.load %arg4[%swap3A_1254, %swap3A_1255] : memref<256x8192xf32, #tpu.memory_space<vmem>>, vector<64x128xf32>
    tpu.vector_store %arg4[%swap3A_1254, %swap3A_1255], %sub3A_1253 {strides = array<i32>} : memref<256x8192xf32, #tpu.memory_space<vmem>>, vector<64x128xf32>,
    %lt3A_1257 = arith.cmpf olt, %sub3A_1253, %select_n3A_1247 : vector<64x128xf32>
    %broadcast_in_dim3A_1258 = arith.constant 23 : i32
    %broadcast_in_dim3A_1259 = vector.broadcast %broadcast_in_dim3A_1258 : i32 to vector<64x128xi32>
    %select_n3A_1260 = arith.select %lt3A_1257, %broadcast_in_dim3A_1259, %select_n3A_1246 : vector<64x128xi1>, vector<64x128xi32>
    %select_n3A_1261 = arith.select %lt3A_1257, %sub3A_1253, %select_n3A_1247 : vector<64x128xi1>, vector<64x128xf32>
    %slice3A_1262 = vector.extract_strided_slice %get3A_9 {offsets = [0, 3072], sizes = [1, 128], strides = [1, 1]} : vector<1x8192xf32> to vector<1x128xf32>
    %add3A_1263 = vector.broadcast %slice3A_921 : vector<64x1xf32> to vector<64x128xf32>
    %add3A_1264 = vector.broadcast %slice3A_1262 : vector<1x128xf32> to vector<64x128xf32>
    %add3A_1265 = arith.addf %add3A_1263, %add3A_1264 : vector<64x128xf32>
    %slice3A_1266 = vector.extract_strided_slice %dot_general3A_5 {offsets = [64, 3072], sizes = [64, 128], strides = [1, 1]} : vector<256x8192xf32> to vector<64x128xf32>
    %sub3A_1267 = arith.subf %add3A_1265, %slice3A_1266 : vector<64x128xf32>
    %swap3A_1268 = arith.constant 64 : index
    %swap3A_1269 = arith.constant 3072 : index
    %swap3A_1270 = vector.load %arg4[%swap3A_1268, %swap3A_1269] : memref<256x8192xf32, #tpu.memory_space<vmem>>, vector<64x128xf32>
    tpu.vector_store %arg4[%swap3A_1268, %swap3A_1269], %sub3A_1267 {strides = array<i32>} : memref<256x8192xf32, #tpu.memory_space<vmem>>, vector<64x128xf32>,
    %lt3A_1271 = arith.cmpf olt, %sub3A_1267, %select_n3A_1261 : vector<64x128xf32>
    %broadcast_in_dim3A_1272 = arith.constant 24 : i32
    %broadcast_in_dim3A_1273 = vector.broadcast %broadcast_in_dim3A_1272 : i32 to vector<64x128xi32>
    %select_n3A_1274 = arith.select %lt3A_1271, %broadcast_in_dim3A_1273, %select_n3A_1260 : vector<64x128xi1>, vector<64x128xi32>
    %select_n3A_1275 = arith.select %lt3A_1271, %sub3A_1267, %select_n3A_1261 : vector<64x128xi1>, vector<64x128xf32>
    %slice3A_1276 = vector.extract_strided_slice %get3A_9 {offsets = [0, 3200], sizes = [1, 128], strides = [1, 1]} : vector<1x8192xf32> to vector<1x128xf32>
    %add3A_1277 = vector.broadcast %slice3A_921 : vector<64x1xf32> to vector<64x128xf32>
    %add3A_1278 = vector.broadcast %slice3A_1276 : vector<1x128xf32> to vector<64x128xf32>
    %add3A_1279 = arith.addf %add3A_1277, %add3A_1278 : vector<64x128xf32>
    %slice3A_1280 = vector.extract_strided_slice %dot_general3A_5 {offsets = [64, 3200], sizes = [64, 128], strides = [1, 1]} : vector<256x8192xf32> to vector<64x128xf32>
    %sub3A_1281 = arith.subf %add3A_1279, %slice3A_1280 : vector<64x128xf32>
    %swap3A_1282 = arith.constant 64 : index
    %swap3A_1283 = arith.constant 3200 : index
    %swap3A_1284 = vector.load %arg4[%swap3A_1282, %swap3A_1283] : memref<256x8192xf32, #tpu.memory_space<vmem>>, vector<64x128xf32>
    tpu.vector_store %arg4[%swap3A_1282, %swap3A_1283], %sub3A_1281 {strides = array<i32>} : memref<256x8192xf32, #tpu.memory_space<vmem>>, vector<64x128xf32>,
    %lt3A_1285 = arith.cmpf olt, %sub3A_1281, %select_n3A_1275 : vector<64x128xf32>
    %broadcast_in_dim3A_1286 = arith.constant 25 : i32
    %broadcast_in_dim3A_1287 = vector.broadcast %broadcast_in_dim3A_1286 : i32 to vector<64x128xi32>
    %select_n3A_1288 = arith.select %lt3A_1285, %broadcast_in_dim3A_1287, %select_n3A_1274 : vector<64x128xi1>, vector<64x128xi32>
    %select_n3A_1289 = arith.select %lt3A_1285, %sub3A_1281, %select_n3A_1275 : vector<64x128xi1>, vector<64x128xf32>
    %slice3A_1290 = vector.extract_strided_slice %get3A_9 {offsets = [0, 3328], sizes = [1, 128], strides = [1, 1]} : vector<1x8192xf32> to vector<1x128xf32>
    %add3A_1291 = vector.broadcast %slice3A_921 : vector<64x1xf32> to vector<64x128xf32>
    %add3A_1292 = vector.broadcast %slice3A_1290 : vector<1x128xf32> to vector<64x128xf32>
    %add3A_1293 = arith.addf %add3A_1291, %add3A_1292 : vector<64x128xf32>
    %slice3A_1294 = vector.extract_strided_slice %dot_general3A_5 {offsets = [64, 3328], sizes = [64, 128], strides = [1, 1]} : vector<256x8192xf32> to vector<64x128xf32>
    %sub3A_1295 = arith.subf %add3A_1293, %slice3A_1294 : vector<64x128xf32>
    %swap3A_1296 = arith.constant 64 : index
    %swap3A_1297 = arith.constant 3328 : index
    %swap3A_1298 = vector.load %arg4[%swap3A_1296, %swap3A_1297] : memref<256x8192xf32, #tpu.memory_space<vmem>>, vector<64x128xf32>
    tpu.vector_store %arg4[%swap3A_1296, %swap3A_1297], %sub3A_1295 {strides = array<i32>} : memref<256x8192xf32, #tpu.memory_space<vmem>>, vector<64x128xf32>,
    %lt3A_1299 = arith.cmpf olt, %sub3A_1295, %select_n3A_1289 : vector<64x128xf32>
    %broadcast_in_dim3A_1300 = arith.constant 26 : i32
    %broadcast_in_dim3A_1301 = vector.broadcast %broadcast_in_dim3A_1300 : i32 to vector<64x128xi32>
    %select_n3A_1302 = arith.select %lt3A_1299, %broadcast_in_dim3A_1301, %select_n3A_1288 : vector<64x128xi1>, vector<64x128xi32>
    %select_n3A_1303 = arith.select %lt3A_1299, %sub3A_1295, %select_n3A_1289 : vector<64x128xi1>, vector<64x128xf32>
    %slice3A_1304 = vector.extract_strided_slice %get3A_9 {offsets = [0, 3456], sizes = [1, 128], strides = [1, 1]} : vector<1x8192xf32> to vector<1x128xf32>
    %add3A_1305 = vector.broadcast %slice3A_921 : vector<64x1xf32> to vector<64x128xf32>
    %add3A_1306 = vector.broadcast %slice3A_1304 : vector<1x128xf32> to vector<64x128xf32>
    %add3A_1307 = arith.addf %add3A_1305, %add3A_1306 : vector<64x128xf32>
    %slice3A_1308 = vector.extract_strided_slice %dot_general3A_5 {offsets = [64, 3456], sizes = [64, 128], strides = [1, 1]} : vector<256x8192xf32> to vector<64x128xf32>
    %sub3A_1309 = arith.subf %add3A_1307, %slice3A_1308 : vector<64x128xf32>
    %swap3A_1310 = arith.constant 64 : index
    %swap3A_1311 = arith.constant 3456 : index
    %swap3A_1312 = vector.load %arg4[%swap3A_1310, %swap3A_1311] : memref<256x8192xf32, #tpu.memory_space<vmem>>, vector<64x128xf32>
    tpu.vector_store %arg4[%swap3A_1310, %swap3A_1311], %sub3A_1309 {strides = array<i32>} : memref<256x8192xf32, #tpu.memory_space<vmem>>, vector<64x128xf32>,
    %lt3A_1313 = arith.cmpf olt, %sub3A_1309, %select_n3A_1303 : vector<64x128xf32>
    %broadcast_in_dim3A_1314 = arith.constant 27 : i32
    %broadcast_in_dim3A_1315 = vector.broadcast %broadcast_in_dim3A_1314 : i32 to vector<64x128xi32>
    %select_n3A_1316 = arith.select %lt3A_1313, %broadcast_in_dim3A_1315, %select_n3A_1302 : vector<64x128xi1>, vector<64x128xi32>
    %select_n3A_1317 = arith.select %lt3A_1313, %sub3A_1309, %select_n3A_1303 : vector<64x128xi1>, vector<64x128xf32>
    %slice3A_1318 = vector.extract_strided_slice %get3A_9 {offsets = [0, 3584], sizes = [1, 128], strides = [1, 1]} : vector<1x8192xf32> to vector<1x128xf32>
    %add3A_1319 = vector.broadcast %slice3A_921 : vector<64x1xf32> to vector<64x128xf32>
    %add3A_1320 = vector.broadcast %slice3A_1318 : vector<1x128xf32> to vector<64x128xf32>
    %add3A_1321 = arith.addf %add3A_1319, %add3A_1320 : vector<64x128xf32>
    %slice3A_1322 = vector.extract_strided_slice %dot_general3A_5 {offsets = [64, 3584], sizes = [64, 128], strides = [1, 1]} : vector<256x8192xf32> to vector<64x128xf32>
    %sub3A_1323 = arith.subf %add3A_1321, %slice3A_1322 : vector<64x128xf32>
    %swap3A_1324 = arith.constant 64 : index
    %swap3A_1325 = arith.constant 3584 : index
    %swap3A_1326 = vector.load %arg4[%swap3A_1324, %swap3A_1325] : memref<256x8192xf32, #tpu.memory_space<vmem>>, vector<64x128xf32>
    tpu.vector_store %arg4[%swap3A_1324, %swap3A_1325], %sub3A_1323 {strides = array<i32>} : memref<256x8192xf32, #tpu.memory_space<vmem>>, vector<64x128xf32>,
    %lt3A_1327 = arith.cmpf olt, %sub3A_1323, %select_n3A_1317 : vector<64x128xf32>
    %broadcast_in_dim3A_1328 = arith.constant 28 : i32
    %broadcast_in_dim3A_1329 = vector.broadcast %broadcast_in_dim3A_1328 : i32 to vector<64x128xi32>
    %select_n3A_1330 = arith.select %lt3A_1327, %broadcast_in_dim3A_1329, %select_n3A_1316 : vector<64x128xi1>, vector<64x128xi32>
    %select_n3A_1331 = arith.select %lt3A_1327, %sub3A_1323, %select_n3A_1317 : vector<64x128xi1>, vector<64x128xf32>
    %slice3A_1332 = vector.extract_strided_slice %get3A_9 {offsets = [0, 3712], sizes = [1, 128], strides = [1, 1]} : vector<1x8192xf32> to vector<1x128xf32>
    %add3A_1333 = vector.broadcast %slice3A_921 : vector<64x1xf32> to vector<64x128xf32>
    %add3A_1334 = vector.broadcast %slice3A_1332 : vector<1x128xf32> to vector<64x128xf32>
    %add3A_1335 = arith.addf %add3A_1333, %add3A_1334 : vector<64x128xf32>
    %slice3A_1336 = vector.extract_strided_slice %dot_general3A_5 {offsets = [64, 3712], sizes = [64, 128], strides = [1, 1]} : vector<256x8192xf32> to vector<64x128xf32>
    %sub3A_1337 = arith.subf %add3A_1335, %slice3A_1336 : vector<64x128xf32>
    %swap3A_1338 = arith.constant 64 : index
    %swap3A_1339 = arith.constant 3712 : index
    %swap3A_1340 = vector.load %arg4[%swap3A_1338, %swap3A_1339] : memref<256x8192xf32, #tpu.memory_space<vmem>>, vector<64x128xf32>
    tpu.vector_store %arg4[%swap3A_1338, %swap3A_1339], %sub3A_1337 {strides = array<i32>} : memref<256x8192xf32, #tpu.memory_space<vmem>>, vector<64x128xf32>,
    %lt3A_1341 = arith.cmpf olt, %sub3A_1337, %select_n3A_1331 : vector<64x128xf32>
    %broadcast_in_dim3A_1342 = arith.constant 29 : i32
    %broadcast_in_dim3A_1343 = vector.broadcast %broadcast_in_dim3A_1342 : i32 to vector<64x128xi32>
    %select_n3A_1344 = arith.select %lt3A_1341, %broadcast_in_dim3A_1343, %select_n3A_1330 : vector<64x128xi1>, vector<64x128xi32>
    %select_n3A_1345 = arith.select %lt3A_1341, %sub3A_1337, %select_n3A_1331 : vector<64x128xi1>, vector<64x128xf32>
    %slice3A_1346 = vector.extract_strided_slice %get3A_9 {offsets = [0, 3840], sizes = [1, 128], strides = [1, 1]} : vector<1x8192xf32> to vector<1x128xf32>
    %add3A_1347 = vector.broadcast %slice3A_921 : vector<64x1xf32> to vector<64x128xf32>
    %add3A_1348 = vector.broadcast %slice3A_1346 : vector<1x128xf32> to vector<64x128xf32>
    %add3A_1349 = arith.addf %add3A_1347, %add3A_1348 : vector<64x128xf32>
    %slice3A_1350 = vector.extract_strided_slice %dot_general3A_5 {offsets = [64, 3840], sizes = [64, 128], strides = [1, 1]} : vector<256x8192xf32> to vector<64x128xf32>
    %sub3A_1351 = arith.subf %add3A_1349, %slice3A_1350 : vector<64x128xf32>
    %swap3A_1352 = arith.constant 64 : index
    %swap3A_1353 = arith.constant 3840 : index
    %swap3A_1354 = vector.load %arg4[%swap3A_1352, %swap3A_1353] : memref<256x8192xf32, #tpu.memory_space<vmem>>, vector<64x128xf32>
    tpu.vector_store %arg4[%swap3A_1352, %swap3A_1353], %sub3A_1351 {strides = array<i32>} : memref<256x8192xf32, #tpu.memory_space<vmem>>, vector<64x128xf32>,
    %lt3A_1355 = arith.cmpf olt, %sub3A_1351, %select_n3A_1345 : vector<64x128xf32>
    %broadcast_in_dim3A_1356 = arith.constant 30 : i32
    %broadcast_in_dim3A_1357 = vector.broadcast %broadcast_in_dim3A_1356 : i32 to vector<64x128xi32>
    %select_n3A_1358 = arith.select %lt3A_1355, %broadcast_in_dim3A_1357, %select_n3A_1344 : vector<64x128xi1>, vector<64x128xi32>
    %select_n3A_1359 = arith.select %lt3A_1355, %sub3A_1351, %select_n3A_1345 : vector<64x128xi1>, vector<64x128xf32>
    %slice3A_1360 = vector.extract_strided_slice %get3A_9 {offsets = [0, 3968], sizes = [1, 128], strides = [1, 1]} : vector<1x8192xf32> to vector<1x128xf32>
    %add3A_1361 = vector.broadcast %slice3A_921 : vector<64x1xf32> to vector<64x128xf32>
    %add3A_1362 = vector.broadcast %slice3A_1360 : vector<1x128xf32> to vector<64x128xf32>
    %add3A_1363 = arith.addf %add3A_1361, %add3A_1362 : vector<64x128xf32>
    %slice3A_1364 = vector.extract_strided_slice %dot_general3A_5 {offsets = [64, 3968], sizes = [64, 128], strides = [1, 1]} : vector<256x8192xf32> to vector<64x128xf32>
    %sub3A_1365 = arith.subf %add3A_1363, %slice3A_1364 : vector<64x128xf32>
    %swap3A_1366 = arith.constant 64 : index
    %swap3A_1367 = arith.constant 3968 : index
    %swap3A_1368 = vector.load %arg4[%swap3A_1366, %swap3A_1367] : memref<256x8192xf32, #tpu.memory_space<vmem>>, vector<64x128xf32>
    tpu.vector_store %arg4[%swap3A_1366, %swap3A_1367], %sub3A_1365 {strides = array<i32>} : memref<256x8192xf32, #tpu.memory_space<vmem>>, vector<64x128xf32>,
    %lt3A_1369 = arith.cmpf olt, %sub3A_1365, %select_n3A_1359 : vector<64x128xf32>
    %broadcast_in_dim3A_1370 = arith.constant 31 : i32
    %broadcast_in_dim3A_1371 = vector.broadcast %broadcast_in_dim3A_1370 : i32 to vector<64x128xi32>
    %select_n3A_1372 = arith.select %lt3A_1369, %broadcast_in_dim3A_1371, %select_n3A_1358 : vector<64x128xi1>, vector<64x128xi32>
    %select_n3A_1373 = arith.select %lt3A_1369, %sub3A_1365, %select_n3A_1359 : vector<64x128xi1>, vector<64x128xf32>
    %slice3A_1374 = vector.extract_strided_slice %get3A_9 {offsets = [0, 4096], sizes = [1, 128], strides = [1, 1]} : vector<1x8192xf32> to vector<1x128xf32>
    %add3A_1375 = vector.broadcast %slice3A_921 : vector<64x1xf32> to vector<64x128xf32>
    %add3A_1376 = vector.broadcast %slice3A_1374 : vector<1x128xf32> to vector<64x128xf32>
    %add3A_1377 = arith.addf %add3A_1375, %add3A_1376 : vector<64x128xf32>
    %slice3A_1378 = vector.extract_strided_slice %dot_general3A_5 {offsets = [64, 4096], sizes = [64, 128], strides = [1, 1]} : vector<256x8192xf32> to vector<64x128xf32>
    %sub3A_1379 = arith.subf %add3A_1377, %slice3A_1378 : vector<64x128xf32>
    %swap3A_1380 = arith.constant 64 : index
    %swap3A_1381 = arith.constant 4096 : index
    %swap3A_1382 = vector.load %arg4[%swap3A_1380, %swap3A_1381] : memref<256x8192xf32, #tpu.memory_space<vmem>>, vector<64x128xf32>
    tpu.vector_store %arg4[%swap3A_1380, %swap3A_1381], %sub3A_1379 {strides = array<i32>} : memref<256x8192xf32, #tpu.memory_space<vmem>>, vector<64x128xf32>,
    %lt3A_1383 = arith.cmpf olt, %sub3A_1379, %select_n3A_1373 : vector<64x128xf32>
    %broadcast_in_dim3A_1384 = arith.constant 32 : i32
    %broadcast_in_dim3A_1385 = vector.broadcast %broadcast_in_dim3A_1384 : i32 to vector<64x128xi32>
    %select_n3A_1386 = arith.select %lt3A_1383, %broadcast_in_dim3A_1385, %select_n3A_1372 : vector<64x128xi1>, vector<64x128xi32>
    %select_n3A_1387 = arith.select %lt3A_1383, %sub3A_1379, %select_n3A_1373 : vector<64x128xi1>, vector<64x128xf32>
    %slice3A_1388 = vector.extract_strided_slice %get3A_9 {offsets = [0, 4224], sizes = [1, 128], strides = [1, 1]} : vector<1x8192xf32> to vector<1x128xf32>
    %add3A_1389 = vector.broadcast %slice3A_921 : vector<64x1xf32> to vector<64x128xf32>
    %add3A_1390 = vector.broadcast %slice3A_1388 : vector<1x128xf32> to vector<64x128xf32>
    %add3A_1391 = arith.addf %add3A_1389, %add3A_1390 : vector<64x128xf32>
    %slice3A_1392 = vector.extract_strided_slice %dot_general3A_5 {offsets = [64, 4224], sizes = [64, 128], strides = [1, 1]} : vector<256x8192xf32> to vector<64x128xf32>
    %sub3A_1393 = arith.subf %add3A_1391, %slice3A_1392 : vector<64x128xf32>
    %swap3A_1394 = arith.constant 64 : index
    %swap3A_1395 = arith.constant 4224 : index
    %swap3A_1396 = vector.load %arg4[%swap3A_1394, %swap3A_1395] : memref<256x8192xf32, #tpu.memory_space<vmem>>, vector<64x128xf32>
    tpu.vector_store %arg4[%swap3A_1394, %swap3A_1395], %sub3A_1393 {strides = array<i32>} : memref<256x8192xf32, #tpu.memory_space<vmem>>, vector<64x128xf32>,
    %lt3A_1397 = arith.cmpf olt, %sub3A_1393, %select_n3A_1387 : vector<64x128xf32>
    %broadcast_in_dim3A_1398 = arith.constant 33 : i32
    %broadcast_in_dim3A_1399 = vector.broadcast %broadcast_in_dim3A_1398 : i32 to vector<64x128xi32>
    %select_n3A_1400 = arith.select %lt3A_1397, %broadcast_in_dim3A_1399, %select_n3A_1386 : vector<64x128xi1>, vector<64x128xi32>
    %select_n3A_1401 = arith.select %lt3A_1397, %sub3A_1393, %select_n3A_1387 : vector<64x128xi1>, vector<64x128xf32>
    %slice3A_1402 = vector.extract_strided_slice %get3A_9 {offsets = [0, 4352], sizes = [1, 128], strides = [1, 1]} : vector<1x8192xf32> to vector<1x128xf32>
    %add3A_1403 = vector.broadcast %slice3A_921 : vector<64x1xf32> to vector<64x128xf32>
    %add3A_1404 = vector.broadcast %slice3A_1402 : vector<1x128xf32> to vector<64x128xf32>
    %add3A_1405 = arith.addf %add3A_1403, %add3A_1404 : vector<64x128xf32>
    %slice3A_1406 = vector.extract_strided_slice %dot_general3A_5 {offsets = [64, 4352], sizes = [64, 128], strides = [1, 1]} : vector<256x8192xf32> to vector<64x128xf32>
    %sub3A_1407 = arith.subf %add3A_1405, %slice3A_1406 : vector<64x128xf32>
    %swap3A_1408 = arith.constant 64 : index
    %swap3A_1409 = arith.constant 4352 : index
    %swap3A_1410 = vector.load %arg4[%swap3A_1408, %swap3A_1409] : memref<256x8192xf32, #tpu.memory_space<vmem>>, vector<64x128xf32>
    tpu.vector_store %arg4[%swap3A_1408, %swap3A_1409], %sub3A_1407 {strides = array<i32>} : memref<256x8192xf32, #tpu.memory_space<vmem>>, vector<64x128xf32>,
    %lt3A_1411 = arith.cmpf olt, %sub3A_1407, %select_n3A_1401 : vector<64x128xf32>
    %broadcast_in_dim3A_1412 = arith.constant 34 : i32
    %broadcast_in_dim3A_1413 = vector.broadcast %broadcast_in_dim3A_1412 : i32 to vector<64x128xi32>
    %select_n3A_1414 = arith.select %lt3A_1411, %broadcast_in_dim3A_1413, %select_n3A_1400 : vector<64x128xi1>, vector<64x128xi32>
    %select_n3A_1415 = arith.select %lt3A_1411, %sub3A_1407, %select_n3A_1401 : vector<64x128xi1>, vector<64x128xf32>
    %slice3A_1416 = vector.extract_strided_slice %get3A_9 {offsets = [0, 4480], sizes = [1, 128], strides = [1, 1]} : vector<1x8192xf32> to vector<1x128xf32>
    %add3A_1417 = vector.broadcast %slice3A_921 : vector<64x1xf32> to vector<64x128xf32>
    %add3A_1418 = vector.broadcast %slice3A_1416 : vector<1x128xf32> to vector<64x128xf32>
    %add3A_1419 = arith.addf %add3A_1417, %add3A_1418 : vector<64x128xf32>
    %slice3A_1420 = vector.extract_strided_slice %dot_general3A_5 {offsets = [64, 4480], sizes = [64, 128], strides = [1, 1]} : vector<256x8192xf32> to vector<64x128xf32>
    %sub3A_1421 = arith.subf %add3A_1419, %slice3A_1420 : vector<64x128xf32>
    %swap3A_1422 = arith.constant 64 : index
    %swap3A_1423 = arith.constant 4480 : index
    %swap3A_1424 = vector.load %arg4[%swap3A_1422, %swap3A_1423] : memref<256x8192xf32, #tpu.memory_space<vmem>>, vector<64x128xf32>
    tpu.vector_store %arg4[%swap3A_1422, %swap3A_1423], %sub3A_1421 {strides = array<i32>} : memref<256x8192xf32, #tpu.memory_space<vmem>>, vector<64x128xf32>,
    %lt3A_1425 = arith.cmpf olt, %sub3A_1421, %select_n3A_1415 : vector<64x128xf32>
    %broadcast_in_dim3A_1426 = arith.constant 35 : i32
    %broadcast_in_dim3A_1427 = vector.broadcast %broadcast_in_dim3A_1426 : i32 to vector<64x128xi32>
    %select_n3A_1428 = arith.select %lt3A_1425, %broadcast_in_dim3A_1427, %select_n3A_1414 : vector<64x128xi1>, vector<64x128xi32>
    %select_n3A_1429 = arith.select %lt3A_1425, %sub3A_1421, %select_n3A_1415 : vector<64x128xi1>, vector<64x128xf32>
    %slice3A_1430 = vector.extract_strided_slice %get3A_9 {offsets = [0, 4608], sizes = [1, 128], strides = [1, 1]} : vector<1x8192xf32> to vector<1x128xf32>
    %add3A_1431 = vector.broadcast %slice3A_921 : vector<64x1xf32> to vector<64x128xf32>
    %add3A_1432 = vector.broadcast %slice3A_1430 : vector<1x128xf32> to vector<64x128xf32>
    %add3A_1433 = arith.addf %add3A_1431, %add3A_1432 : vector<64x128xf32>
    %slice3A_1434 = vector.extract_strided_slice %dot_general3A_5 {offsets = [64, 4608], sizes = [64, 128], strides = [1, 1]} : vector<256x8192xf32> to vector<64x128xf32>
    %sub3A_1435 = arith.subf %add3A_1433, %slice3A_1434 : vector<64x128xf32>
    %swap3A_1436 = arith.constant 64 : index
    %swap3A_1437 = arith.constant 4608 : index
    %swap3A_1438 = vector.load %arg4[%swap3A_1436, %swap3A_1437] : memref<256x8192xf32, #tpu.memory_space<vmem>>, vector<64x128xf32>
    tpu.vector_store %arg4[%swap3A_1436, %swap3A_1437], %sub3A_1435 {strides = array<i32>} : memref<256x8192xf32, #tpu.memory_space<vmem>>, vector<64x128xf32>,
    %lt3A_1439 = arith.cmpf olt, %sub3A_1435, %select_n3A_1429 : vector<64x128xf32>
    %broadcast_in_dim3A_1440 = arith.constant 36 : i32
    %broadcast_in_dim3A_1441 = vector.broadcast %broadcast_in_dim3A_1440 : i32 to vector<64x128xi32>
    %select_n3A_1442 = arith.select %lt3A_1439, %broadcast_in_dim3A_1441, %select_n3A_1428 : vector<64x128xi1>, vector<64x128xi32>
    %select_n3A_1443 = arith.select %lt3A_1439, %sub3A_1435, %select_n3A_1429 : vector<64x128xi1>, vector<64x128xf32>
    %slice3A_1444 = vector.extract_strided_slice %get3A_9 {offsets = [0, 4736], sizes = [1, 128], strides = [1, 1]} : vector<1x8192xf32> to vector<1x128xf32>
    %add3A_1445 = vector.broadcast %slice3A_921 : vector<64x1xf32> to vector<64x128xf32>
    %add3A_1446 = vector.broadcast %slice3A_1444 : vector<1x128xf32> to vector<64x128xf32>
    %add3A_1447 = arith.addf %add3A_1445, %add3A_1446 : vector<64x128xf32>
    %slice3A_1448 = vector.extract_strided_slice %dot_general3A_5 {offsets = [64, 4736], sizes = [64, 128], strides = [1, 1]} : vector<256x8192xf32> to vector<64x128xf32>
    %sub3A_1449 = arith.subf %add3A_1447, %slice3A_1448 : vector<64x128xf32>
    %swap3A_1450 = arith.constant 64 : index
    %swap3A_1451 = arith.constant 4736 : index
    %swap3A_1452 = vector.load %arg4[%swap3A_1450, %swap3A_1451] : memref<256x8192xf32, #tpu.memory_space<vmem>>, vector<64x128xf32>
    tpu.vector_store %arg4[%swap3A_1450, %swap3A_1451], %sub3A_1449 {strides = array<i32>} : memref<256x8192xf32, #tpu.memory_space<vmem>>, vector<64x128xf32>,
    %lt3A_1453 = arith.cmpf olt, %sub3A_1449, %select_n3A_1443 : vector<64x128xf32>
    %broadcast_in_dim3A_1454 = arith.constant 37 : i32
    %broadcast_in_dim3A_1455 = vector.broadcast %broadcast_in_dim3A_1454 : i32 to vector<64x128xi32>
    %select_n3A_1456 = arith.select %lt3A_1453, %broadcast_in_dim3A_1455, %select_n3A_1442 : vector<64x128xi1>, vector<64x128xi32>
    %select_n3A_1457 = arith.select %lt3A_1453, %sub3A_1449, %select_n3A_1443 : vector<64x128xi1>, vector<64x128xf32>
    %slice3A_1458 = vector.extract_strided_slice %get3A_9 {offsets = [0, 4864], sizes = [1, 128], strides = [1, 1]} : vector<1x8192xf32> to vector<1x128xf32>
    %add3A_1459 = vector.broadcast %slice3A_921 : vector<64x1xf32> to vector<64x128xf32>
    %add3A_1460 = vector.broadcast %slice3A_1458 : vector<1x128xf32> to vector<64x128xf32>
    %add3A_1461 = arith.addf %add3A_1459, %add3A_1460 : vector<64x128xf32>
    %slice3A_1462 = vector.extract_strided_slice %dot_general3A_5 {offsets = [64, 4864], sizes = [64, 128], strides = [1, 1]} : vector<256x8192xf32> to vector<64x128xf32>
    %sub3A_1463 = arith.subf %add3A_1461, %slice3A_1462 : vector<64x128xf32>
    %swap3A_1464 = arith.constant 64 : index
    %swap3A_1465 = arith.constant 4864 : index
    %swap3A_1466 = vector.load %arg4[%swap3A_1464, %swap3A_1465] : memref<256x8192xf32, #tpu.memory_space<vmem>>, vector<64x128xf32>
    tpu.vector_store %arg4[%swap3A_1464, %swap3A_1465], %sub3A_1463 {strides = array<i32>} : memref<256x8192xf32, #tpu.memory_space<vmem>>, vector<64x128xf32>,
    %lt3A_1467 = arith.cmpf olt, %sub3A_1463, %select_n3A_1457 : vector<64x128xf32>
    %broadcast_in_dim3A_1468 = arith.constant 38 : i32
    %broadcast_in_dim3A_1469 = vector.broadcast %broadcast_in_dim3A_1468 : i32 to vector<64x128xi32>
    %select_n3A_1470 = arith.select %lt3A_1467, %broadcast_in_dim3A_1469, %select_n3A_1456 : vector<64x128xi1>, vector<64x128xi32>
    %select_n3A_1471 = arith.select %lt3A_1467, %sub3A_1463, %select_n3A_1457 : vector<64x128xi1>, vector<64x128xf32>
    %slice3A_1472 = vector.extract_strided_slice %get3A_9 {offsets = [0, 4992], sizes = [1, 128], strides = [1, 1]} : vector<1x8192xf32> to vector<1x128xf32>
    %add3A_1473 = vector.broadcast %slice3A_921 : vector<64x1xf32> to vector<64x128xf32>
    %add3A_1474 = vector.broadcast %slice3A_1472 : vector<1x128xf32> to vector<64x128xf32>
    %add3A_1475 = arith.addf %add3A_1473, %add3A_1474 : vector<64x128xf32>
    %slice3A_1476 = vector.extract_strided_slice %dot_general3A_5 {offsets = [64, 4992], sizes = [64, 128], strides = [1, 1]} : vector<256x8192xf32> to vector<64x128xf32>
    %sub3A_1477 = arith.subf %add3A_1475, %slice3A_1476 : vector<64x128xf32>
    %swap3A_1478 = arith.constant 64 : index
    %swap3A_1479 = arith.constant 4992 : index
    %swap3A_1480 = vector.load %arg4[%swap3A_1478, %swap3A_1479] : memref<256x8192xf32, #tpu.memory_space<vmem>>, vector<64x128xf32>
    tpu.vector_store %arg4[%swap3A_1478, %swap3A_1479], %sub3A_1477 {strides = array<i32>} : memref<256x8192xf32, #tpu.memory_space<vmem>>, vector<64x128xf32>,
    %lt3A_1481 = arith.cmpf olt, %sub3A_1477, %select_n3A_1471 : vector<64x128xf32>
    %broadcast_in_dim3A_1482 = arith.constant 39 : i32
    %broadcast_in_dim3A_1483 = vector.broadcast %broadcast_in_dim3A_1482 : i32 to vector<64x128xi32>
    %select_n3A_1484 = arith.select %lt3A_1481, %broadcast_in_dim3A_1483, %select_n3A_1470 : vector<64x128xi1>, vector<64x128xi32>
    %select_n3A_1485 = arith.select %lt3A_1481, %sub3A_1477, %select_n3A_1471 : vector<64x128xi1>, vector<64x128xf32>
    %slice3A_1486 = vector.extract_strided_slice %get3A_9 {offsets = [0, 5120], sizes = [1, 128], strides = [1, 1]} : vector<1x8192xf32> to vector<1x128xf32>
    %add3A_1487 = vector.broadcast %slice3A_921 : vector<64x1xf32> to vector<64x128xf32>
    %add3A_1488 = vector.broadcast %slice3A_1486 : vector<1x128xf32> to vector<64x128xf32>
    %add3A_1489 = arith.addf %add3A_1487, %add3A_1488 : vector<64x128xf32>
    %slice3A_1490 = vector.extract_strided_slice %dot_general3A_5 {offsets = [64, 5120], sizes = [64, 128], strides = [1, 1]} : vector<256x8192xf32> to vector<64x128xf32>
    %sub3A_1491 = arith.subf %add3A_1489, %slice3A_1490 : vector<64x128xf32>
    %swap3A_1492 = arith.constant 64 : index
    %swap3A_1493 = arith.constant 5120 : index
    %swap3A_1494 = vector.load %arg4[%swap3A_1492, %swap3A_1493] : memref<256x8192xf32, #tpu.memory_space<vmem>>, vector<64x128xf32>
    tpu.vector_store %arg4[%swap3A_1492, %swap3A_1493], %sub3A_1491 {strides = array<i32>} : memref<256x8192xf32, #tpu.memory_space<vmem>>, vector<64x128xf32>,
    %lt3A_1495 = arith.cmpf olt, %sub3A_1491, %select_n3A_1485 : vector<64x128xf32>
    %broadcast_in_dim3A_1496 = arith.constant 40 : i32
    %broadcast_in_dim3A_1497 = vector.broadcast %broadcast_in_dim3A_1496 : i32 to vector<64x128xi32>
    %select_n3A_1498 = arith.select %lt3A_1495, %broadcast_in_dim3A_1497, %select_n3A_1484 : vector<64x128xi1>, vector<64x128xi32>
    %select_n3A_1499 = arith.select %lt3A_1495, %sub3A_1491, %select_n3A_1485 : vector<64x128xi1>, vector<64x128xf32>
    %slice3A_1500 = vector.extract_strided_slice %get3A_9 {offsets = [0, 5248], sizes = [1, 128], strides = [1, 1]} : vector<1x8192xf32> to vector<1x128xf32>
    %add3A_1501 = vector.broadcast %slice3A_921 : vector<64x1xf32> to vector<64x128xf32>
    %add3A_1502 = vector.broadcast %slice3A_1500 : vector<1x128xf32> to vector<64x128xf32>
    %add3A_1503 = arith.addf %add3A_1501, %add3A_1502 : vector<64x128xf32>
    %slice3A_1504 = vector.extract_strided_slice %dot_general3A_5 {offsets = [64, 5248], sizes = [64, 128], strides = [1, 1]} : vector<256x8192xf32> to vector<64x128xf32>
    %sub3A_1505 = arith.subf %add3A_1503, %slice3A_1504 : vector<64x128xf32>
    %swap3A_1506 = arith.constant 64 : index
    %swap3A_1507 = arith.constant 5248 : index
    %swap3A_1508 = vector.load %arg4[%swap3A_1506, %swap3A_1507] : memref<256x8192xf32, #tpu.memory_space<vmem>>, vector<64x128xf32>
    tpu.vector_store %arg4[%swap3A_1506, %swap3A_1507], %sub3A_1505 {strides = array<i32>} : memref<256x8192xf32, #tpu.memory_space<vmem>>, vector<64x128xf32>,
    %lt3A_1509 = arith.cmpf olt, %sub3A_1505, %select_n3A_1499 : vector<64x128xf32>
    %broadcast_in_dim3A_1510 = arith.constant 41 : i32
    %broadcast_in_dim3A_1511 = vector.broadcast %broadcast_in_dim3A_1510 : i32 to vector<64x128xi32>
    %select_n3A_1512 = arith.select %lt3A_1509, %broadcast_in_dim3A_1511, %select_n3A_1498 : vector<64x128xi1>, vector<64x128xi32>
    %select_n3A_1513 = arith.select %lt3A_1509, %sub3A_1505, %select_n3A_1499 : vector<64x128xi1>, vector<64x128xf32>
    %slice3A_1514 = vector.extract_strided_slice %get3A_9 {offsets = [0, 5376], sizes = [1, 128], strides = [1, 1]} : vector<1x8192xf32> to vector<1x128xf32>
    %add3A_1515 = vector.broadcast %slice3A_921 : vector<64x1xf32> to vector<64x128xf32>
    %add3A_1516 = vector.broadcast %slice3A_1514 : vector<1x128xf32> to vector<64x128xf32>
    %add3A_1517 = arith.addf %add3A_1515, %add3A_1516 : vector<64x128xf32>
    %slice3A_1518 = vector.extract_strided_slice %dot_general3A_5 {offsets = [64, 5376], sizes = [64, 128], strides = [1, 1]} : vector<256x8192xf32> to vector<64x128xf32>
    %sub3A_1519 = arith.subf %add3A_1517, %slice3A_1518 : vector<64x128xf32>
    %swap3A_1520 = arith.constant 64 : index
    %swap3A_1521 = arith.constant 5376 : index
    %swap3A_1522 = vector.load %arg4[%swap3A_1520, %swap3A_1521] : memref<256x8192xf32, #tpu.memory_space<vmem>>, vector<64x128xf32>
    tpu.vector_store %arg4[%swap3A_1520, %swap3A_1521], %sub3A_1519 {strides = array<i32>} : memref<256x8192xf32, #tpu.memory_space<vmem>>, vector<64x128xf32>,
    %lt3A_1523 = arith.cmpf olt, %sub3A_1519, %select_n3A_1513 : vector<64x128xf32>
    %broadcast_in_dim3A_1524 = arith.constant 42 : i32
    %broadcast_in_dim3A_1525 = vector.broadcast %broadcast_in_dim3A_1524 : i32 to vector<64x128xi32>
    %select_n3A_1526 = arith.select %lt3A_1523, %broadcast_in_dim3A_1525, %select_n3A_1512 : vector<64x128xi1>, vector<64x128xi32>
    %select_n3A_1527 = arith.select %lt3A_1523, %sub3A_1519, %select_n3A_1513 : vector<64x128xi1>, vector<64x128xf32>
    %slice3A_1528 = vector.extract_strided_slice %get3A_9 {offsets = [0, 5504], sizes = [1, 128], strides = [1, 1]} : vector<1x8192xf32> to vector<1x128xf32>
    %add3A_1529 = vector.broadcast %slice3A_921 : vector<64x1xf32> to vector<64x128xf32>
    %add3A_1530 = vector.broadcast %slice3A_1528 : vector<1x128xf32> to vector<64x128xf32>
    %add3A_1531 = arith.addf %add3A_1529, %add3A_1530 : vector<64x128xf32>
    %slice3A_1532 = vector.extract_strided_slice %dot_general3A_5 {offsets = [64, 5504], sizes = [64, 128], strides = [1, 1]} : vector<256x8192xf32> to vector<64x128xf32>
    %sub3A_1533 = arith.subf %add3A_1531, %slice3A_1532 : vector<64x128xf32>
    %swap3A_1534 = arith.constant 64 : index
    %swap3A_1535 = arith.constant 5504 : index
    %swap3A_1536 = vector.load %arg4[%swap3A_1534, %swap3A_1535] : memref<256x8192xf32, #tpu.memory_space<vmem>>, vector<64x128xf32>
    tpu.vector_store %arg4[%swap3A_1534, %swap3A_1535], %sub3A_1533 {strides = array<i32>} : memref<256x8192xf32, #tpu.memory_space<vmem>>, vector<64x128xf32>,
    %lt3A_1537 = arith.cmpf olt, %sub3A_1533, %select_n3A_1527 : vector<64x128xf32>
    %broadcast_in_dim3A_1538 = arith.constant 43 : i32
    %broadcast_in_dim3A_1539 = vector.broadcast %broadcast_in_dim3A_1538 : i32 to vector<64x128xi32>
    %select_n3A_1540 = arith.select %lt3A_1537, %broadcast_in_dim3A_1539, %select_n3A_1526 : vector<64x128xi1>, vector<64x128xi32>
    %select_n3A_1541 = arith.select %lt3A_1537, %sub3A_1533, %select_n3A_1527 : vector<64x128xi1>, vector<64x128xf32>
    %slice3A_1542 = vector.extract_strided_slice %get3A_9 {offsets = [0, 5632], sizes = [1, 128], strides = [1, 1]} : vector<1x8192xf32> to vector<1x128xf32>
    %add3A_1543 = vector.broadcast %slice3A_921 : vector<64x1xf32> to vector<64x128xf32>
    %add3A_1544 = vector.broadcast %slice3A_1542 : vector<1x128xf32> to vector<64x128xf32>
    %add3A_1545 = arith.addf %add3A_1543, %add3A_1544 : vector<64x128xf32>
    %slice3A_1546 = vector.extract_strided_slice %dot_general3A_5 {offsets = [64, 5632], sizes = [64, 128], strides = [1, 1]} : vector<256x8192xf32> to vector<64x128xf32>
    %sub3A_1547 = arith.subf %add3A_1545, %slice3A_1546 : vector<64x128xf32>
    %swap3A_1548 = arith.constant 64 : index
    %swap3A_1549 = arith.constant 5632 : index
    %swap3A_1550 = vector.load %arg4[%swap3A_1548, %swap3A_1549] : memref<256x8192xf32, #tpu.memory_space<vmem>>, vector<64x128xf32>
    tpu.vector_store %arg4[%swap3A_1548, %swap3A_1549], %sub3A_1547 {strides = array<i32>} : memref<256x8192xf32, #tpu.memory_space<vmem>>, vector<64x128xf32>,
    %lt3A_1551 = arith.cmpf olt, %sub3A_1547, %select_n3A_1541 : vector<64x128xf32>
    %broadcast_in_dim3A_1552 = arith.constant 44 : i32
    %broadcast_in_dim3A_1553 = vector.broadcast %broadcast_in_dim3A_1552 : i32 to vector<64x128xi32>
    %select_n3A_1554 = arith.select %lt3A_1551, %broadcast_in_dim3A_1553, %select_n3A_1540 : vector<64x128xi1>, vector<64x128xi32>
    %select_n3A_1555 = arith.select %lt3A_1551, %sub3A_1547, %select_n3A_1541 : vector<64x128xi1>, vector<64x128xf32>
    %slice3A_1556 = vector.extract_strided_slice %get3A_9 {offsets = [0, 5760], sizes = [1, 128], strides = [1, 1]} : vector<1x8192xf32> to vector<1x128xf32>
    %add3A_1557 = vector.broadcast %slice3A_921 : vector<64x1xf32> to vector<64x128xf32>
    %add3A_1558 = vector.broadcast %slice3A_1556 : vector<1x128xf32> to vector<64x128xf32>
    %add3A_1559 = arith.addf %add3A_1557, %add3A_1558 : vector<64x128xf32>
    %slice3A_1560 = vector.extract_strided_slice %dot_general3A_5 {offsets = [64, 5760], sizes = [64, 128], strides = [1, 1]} : vector<256x8192xf32> to vector<64x128xf32>
    %sub3A_1561 = arith.subf %add3A_1559, %slice3A_1560 : vector<64x128xf32>
    %swap3A_1562 = arith.constant 64 : index
    %swap3A_1563 = arith.constant 5760 : index
    %swap3A_1564 = vector.load %arg4[%swap3A_1562, %swap3A_1563] : memref<256x8192xf32, #tpu.memory_space<vmem>>, vector<64x128xf32>
    tpu.vector_store %arg4[%swap3A_1562, %swap3A_1563], %sub3A_1561 {strides = array<i32>} : memref<256x8192xf32, #tpu.memory_space<vmem>>, vector<64x128xf32>,
    %lt3A_1565 = arith.cmpf olt, %sub3A_1561, %select_n3A_1555 : vector<64x128xf32>
    %broadcast_in_dim3A_1566 = arith.constant 45 : i32
    %broadcast_in_dim3A_1567 = vector.broadcast %broadcast_in_dim3A_1566 : i32 to vector<64x128xi32>
    %select_n3A_1568 = arith.select %lt3A_1565, %broadcast_in_dim3A_1567, %select_n3A_1554 : vector<64x128xi1>, vector<64x128xi32>
    %select_n3A_1569 = arith.select %lt3A_1565, %sub3A_1561, %select_n3A_1555 : vector<64x128xi1>, vector<64x128xf32>
    %slice3A_1570 = vector.extract_strided_slice %get3A_9 {offsets = [0, 5888], sizes = [1, 128], strides = [1, 1]} : vector<1x8192xf32> to vector<1x128xf32>
    %add3A_1571 = vector.broadcast %slice3A_921 : vector<64x1xf32> to vector<64x128xf32>
    %add3A_1572 = vector.broadcast %slice3A_1570 : vector<1x128xf32> to vector<64x128xf32>
    %add3A_1573 = arith.addf %add3A_1571, %add3A_1572 : vector<64x128xf32>
    %slice3A_1574 = vector.extract_strided_slice %dot_general3A_5 {offsets = [64, 5888], sizes = [64, 128], strides = [1, 1]} : vector<256x8192xf32> to vector<64x128xf32>
    %sub3A_1575 = arith.subf %add3A_1573, %slice3A_1574 : vector<64x128xf32>
    %swap3A_1576 = arith.constant 64 : index
    %swap3A_1577 = arith.constant 5888 : index
    %swap3A_1578 = vector.load %arg4[%swap3A_1576, %swap3A_1577] : memref<256x8192xf32, #tpu.memory_space<vmem>>, vector<64x128xf32>
    tpu.vector_store %arg4[%swap3A_1576, %swap3A_1577], %sub3A_1575 {strides = array<i32>} : memref<256x8192xf32, #tpu.memory_space<vmem>>, vector<64x128xf32>,
    %lt3A_1579 = arith.cmpf olt, %sub3A_1575, %select_n3A_1569 : vector<64x128xf32>
    %broadcast_in_dim3A_1580 = arith.constant 46 : i32
    %broadcast_in_dim3A_1581 = vector.broadcast %broadcast_in_dim3A_1580 : i32 to vector<64x128xi32>
    %select_n3A_1582 = arith.select %lt3A_1579, %broadcast_in_dim3A_1581, %select_n3A_1568 : vector<64x128xi1>, vector<64x128xi32>
    %select_n3A_1583 = arith.select %lt3A_1579, %sub3A_1575, %select_n3A_1569 : vector<64x128xi1>, vector<64x128xf32>
    %slice3A_1584 = vector.extract_strided_slice %get3A_9 {offsets = [0, 6016], sizes = [1, 128], strides = [1, 1]} : vector<1x8192xf32> to vector<1x128xf32>
    %add3A_1585 = vector.broadcast %slice3A_921 : vector<64x1xf32> to vector<64x128xf32>
    %add3A_1586 = vector.broadcast %slice3A_1584 : vector<1x128xf32> to vector<64x128xf32>
    %add3A_1587 = arith.addf %add3A_1585, %add3A_1586 : vector<64x128xf32>
    %slice3A_1588 = vector.extract_strided_slice %dot_general3A_5 {offsets = [64, 6016], sizes = [64, 128], strides = [1, 1]} : vector<256x8192xf32> to vector<64x128xf32>
    %sub3A_1589 = arith.subf %add3A_1587, %slice3A_1588 : vector<64x128xf32>
    %swap3A_1590 = arith.constant 64 : index
    %swap3A_1591 = arith.constant 6016 : index
    %swap3A_1592 = vector.load %arg4[%swap3A_1590, %swap3A_1591] : memref<256x8192xf32, #tpu.memory_space<vmem>>, vector<64x128xf32>
    tpu.vector_store %arg4[%swap3A_1590, %swap3A_1591], %sub3A_1589 {strides = array<i32>} : memref<256x8192xf32, #tpu.memory_space<vmem>>, vector<64x128xf32>,
    %lt3A_1593 = arith.cmpf olt, %sub3A_1589, %select_n3A_1583 : vector<64x128xf32>
    %broadcast_in_dim3A_1594 = arith.constant 47 : i32
    %broadcast_in_dim3A_1595 = vector.broadcast %broadcast_in_dim3A_1594 : i32 to vector<64x128xi32>
    %select_n3A_1596 = arith.select %lt3A_1593, %broadcast_in_dim3A_1595, %select_n3A_1582 : vector<64x128xi1>, vector<64x128xi32>
    %select_n3A_1597 = arith.select %lt3A_1593, %sub3A_1589, %select_n3A_1583 : vector<64x128xi1>, vector<64x128xf32>
    %slice3A_1598 = vector.extract_strided_slice %get3A_9 {offsets = [0, 6144], sizes = [1, 128], strides = [1, 1]} : vector<1x8192xf32> to vector<1x128xf32>
    %add3A_1599 = vector.broadcast %slice3A_921 : vector<64x1xf32> to vector<64x128xf32>
    %add3A_1600 = vector.broadcast %slice3A_1598 : vector<1x128xf32> to vector<64x128xf32>
    %add3A_1601 = arith.addf %add3A_1599, %add3A_1600 : vector<64x128xf32>
    %slice3A_1602 = vector.extract_strided_slice %dot_general3A_5 {offsets = [64, 6144], sizes = [64, 128], strides = [1, 1]} : vector<256x8192xf32> to vector<64x128xf32>
    %sub3A_1603 = arith.subf %add3A_1601, %slice3A_1602 : vector<64x128xf32>
    %swap3A_1604 = arith.constant 64 : index
    %swap3A_1605 = arith.constant 6144 : index
    %swap3A_1606 = vector.load %arg4[%swap3A_1604, %swap3A_1605] : memref<256x8192xf32, #tpu.memory_space<vmem>>, vector<64x128xf32>
    tpu.vector_store %arg4[%swap3A_1604, %swap3A_1605], %sub3A_1603 {strides = array<i32>} : memref<256x8192xf32, #tpu.memory_space<vmem>>, vector<64x128xf32>,
    %lt3A_1607 = arith.cmpf olt, %sub3A_1603, %select_n3A_1597 : vector<64x128xf32>
    %broadcast_in_dim3A_1608 = arith.constant 48 : i32
    %broadcast_in_dim3A_1609 = vector.broadcast %broadcast_in_dim3A_1608 : i32 to vector<64x128xi32>
    %select_n3A_1610 = arith.select %lt3A_1607, %broadcast_in_dim3A_1609, %select_n3A_1596 : vector<64x128xi1>, vector<64x128xi32>
    %select_n3A_1611 = arith.select %lt3A_1607, %sub3A_1603, %select_n3A_1597 : vector<64x128xi1>, vector<64x128xf32>
    %slice3A_1612 = vector.extract_strided_slice %get3A_9 {offsets = [0, 6272], sizes = [1, 128], strides = [1, 1]} : vector<1x8192xf32> to vector<1x128xf32>
    %add3A_1613 = vector.broadcast %slice3A_921 : vector<64x1xf32> to vector<64x128xf32>
    %add3A_1614 = vector.broadcast %slice3A_1612 : vector<1x128xf32> to vector<64x128xf32>
    %add3A_1615 = arith.addf %add3A_1613, %add3A_1614 : vector<64x128xf32>
    %slice3A_1616 = vector.extract_strided_slice %dot_general3A_5 {offsets = [64, 6272], sizes = [64, 128], strides = [1, 1]} : vector<256x8192xf32> to vector<64x128xf32>
    %sub3A_1617 = arith.subf %add3A_1615, %slice3A_1616 : vector<64x128xf32>
    %swap3A_1618 = arith.constant 64 : index
    %swap3A_1619 = arith.constant 6272 : index
    %swap3A_1620 = vector.load %arg4[%swap3A_1618, %swap3A_1619] : memref<256x8192xf32, #tpu.memory_space<vmem>>, vector<64x128xf32>
    tpu.vector_store %arg4[%swap3A_1618, %swap3A_1619], %sub3A_1617 {strides = array<i32>} : memref<256x8192xf32, #tpu.memory_space<vmem>>, vector<64x128xf32>,
    %lt3A_1621 = arith.cmpf olt, %sub3A_1617, %select_n3A_1611 : vector<64x128xf32>
    %broadcast_in_dim3A_1622 = arith.constant 49 : i32
    %broadcast_in_dim3A_1623 = vector.broadcast %broadcast_in_dim3A_1622 : i32 to vector<64x128xi32>
    %select_n3A_1624 = arith.select %lt3A_1621, %broadcast_in_dim3A_1623, %select_n3A_1610 : vector<64x128xi1>, vector<64x128xi32>
    %select_n3A_1625 = arith.select %lt3A_1621, %sub3A_1617, %select_n3A_1611 : vector<64x128xi1>, vector<64x128xf32>
    %slice3A_1626 = vector.extract_strided_slice %get3A_9 {offsets = [0, 6400], sizes = [1, 128], strides = [1, 1]} : vector<1x8192xf32> to vector<1x128xf32>
    %add3A_1627 = vector.broadcast %slice3A_921 : vector<64x1xf32> to vector<64x128xf32>
    %add3A_1628 = vector.broadcast %slice3A_1626 : vector<1x128xf32> to vector<64x128xf32>
    %add3A_1629 = arith.addf %add3A_1627, %add3A_1628 : vector<64x128xf32>
    %slice3A_1630 = vector.extract_strided_slice %dot_general3A_5 {offsets = [64, 6400], sizes = [64, 128], strides = [1, 1]} : vector<256x8192xf32> to vector<64x128xf32>
    %sub3A_1631 = arith.subf %add3A_1629, %slice3A_1630 : vector<64x128xf32>
    %swap3A_1632 = arith.constant 64 : index
    %swap3A_1633 = arith.constant 6400 : index
    %swap3A_1634 = vector.load %arg4[%swap3A_1632, %swap3A_1633] : memref<256x8192xf32, #tpu.memory_space<vmem>>, vector<64x128xf32>
    tpu.vector_store %arg4[%swap3A_1632, %swap3A_1633], %sub3A_1631 {strides = array<i32>} : memref<256x8192xf32, #tpu.memory_space<vmem>>, vector<64x128xf32>,
    %lt3A_1635 = arith.cmpf olt, %sub3A_1631, %select_n3A_1625 : vector<64x128xf32>
    %broadcast_in_dim3A_1636 = arith.constant 50 : i32
    %broadcast_in_dim3A_1637 = vector.broadcast %broadcast_in_dim3A_1636 : i32 to vector<64x128xi32>
    %select_n3A_1638 = arith.select %lt3A_1635, %broadcast_in_dim3A_1637, %select_n3A_1624 : vector<64x128xi1>, vector<64x128xi32>
    %select_n3A_1639 = arith.select %lt3A_1635, %sub3A_1631, %select_n3A_1625 : vector<64x128xi1>, vector<64x128xf32>
    %slice3A_1640 = vector.extract_strided_slice %get3A_9 {offsets = [0, 6528], sizes = [1, 128], strides = [1, 1]} : vector<1x8192xf32> to vector<1x128xf32>
    %add3A_1641 = vector.broadcast %slice3A_921 : vector<64x1xf32> to vector<64x128xf32>
    %add3A_1642 = vector.broadcast %slice3A_1640 : vector<1x128xf32> to vector<64x128xf32>
    %add3A_1643 = arith.addf %add3A_1641, %add3A_1642 : vector<64x128xf32>
    %slice3A_1644 = vector.extract_strided_slice %dot_general3A_5 {offsets = [64, 6528], sizes = [64, 128], strides = [1, 1]} : vector<256x8192xf32> to vector<64x128xf32>
    %sub3A_1645 = arith.subf %add3A_1643, %slice3A_1644 : vector<64x128xf32>
    %swap3A_1646 = arith.constant 64 : index
    %swap3A_1647 = arith.constant 6528 : index
    %swap3A_1648 = vector.load %arg4[%swap3A_1646, %swap3A_1647] : memref<256x8192xf32, #tpu.memory_space<vmem>>, vector<64x128xf32>
    tpu.vector_store %arg4[%swap3A_1646, %swap3A_1647], %sub3A_1645 {strides = array<i32>} : memref<256x8192xf32, #tpu.memory_space<vmem>>, vector<64x128xf32>,
    %lt3A_1649 = arith.cmpf olt, %sub3A_1645, %select_n3A_1639 : vector<64x128xf32>
    %broadcast_in_dim3A_1650 = arith.constant 51 : i32
    %broadcast_in_dim3A_1651 = vector.broadcast %broadcast_in_dim3A_1650 : i32 to vector<64x128xi32>
    %select_n3A_1652 = arith.select %lt3A_1649, %broadcast_in_dim3A_1651, %select_n3A_1638 : vector<64x128xi1>, vector<64x128xi32>
    %select_n3A_1653 = arith.select %lt3A_1649, %sub3A_1645, %select_n3A_1639 : vector<64x128xi1>, vector<64x128xf32>
    %slice3A_1654 = vector.extract_strided_slice %get3A_9 {offsets = [0, 6656], sizes = [1, 128], strides = [1, 1]} : vector<1x8192xf32> to vector<1x128xf32>
    %add3A_1655 = vector.broadcast %slice3A_921 : vector<64x1xf32> to vector<64x128xf32>
    %add3A_1656 = vector.broadcast %slice3A_1654 : vector<1x128xf32> to vector<64x128xf32>
    %add3A_1657 = arith.addf %add3A_1655, %add3A_1656 : vector<64x128xf32>
    %slice3A_1658 = vector.extract_strided_slice %dot_general3A_5 {offsets = [64, 6656], sizes = [64, 128], strides = [1, 1]} : vector<256x8192xf32> to vector<64x128xf32>
    %sub3A_1659 = arith.subf %add3A_1657, %slice3A_1658 : vector<64x128xf32>
    %swap3A_1660 = arith.constant 64 : index
    %swap3A_1661 = arith.constant 6656 : index
    %swap3A_1662 = vector.load %arg4[%swap3A_1660, %swap3A_1661] : memref<256x8192xf32, #tpu.memory_space<vmem>>, vector<64x128xf32>
    tpu.vector_store %arg4[%swap3A_1660, %swap3A_1661], %sub3A_1659 {strides = array<i32>} : memref<256x8192xf32, #tpu.memory_space<vmem>>, vector<64x128xf32>,
    %lt3A_1663 = arith.cmpf olt, %sub3A_1659, %select_n3A_1653 : vector<64x128xf32>
    %broadcast_in_dim3A_1664 = arith.constant 52 : i32
    %broadcast_in_dim3A_1665 = vector.broadcast %broadcast_in_dim3A_1664 : i32 to vector<64x128xi32>
    %select_n3A_1666 = arith.select %lt3A_1663, %broadcast_in_dim3A_1665, %select_n3A_1652 : vector<64x128xi1>, vector<64x128xi32>
    %select_n3A_1667 = arith.select %lt3A_1663, %sub3A_1659, %select_n3A_1653 : vector<64x128xi1>, vector<64x128xf32>
    %slice3A_1668 = vector.extract_strided_slice %get3A_9 {offsets = [0, 6784], sizes = [1, 128], strides = [1, 1]} : vector<1x8192xf32> to vector<1x128xf32>
    %add3A_1669 = vector.broadcast %slice3A_921 : vector<64x1xf32> to vector<64x128xf32>
    %add3A_1670 = vector.broadcast %slice3A_1668 : vector<1x128xf32> to vector<64x128xf32>
    %add3A_1671 = arith.addf %add3A_1669, %add3A_1670 : vector<64x128xf32>
    %slice3A_1672 = vector.extract_strided_slice %dot_general3A_5 {offsets = [64, 6784], sizes = [64, 128], strides = [1, 1]} : vector<256x8192xf32> to vector<64x128xf32>
    %sub3A_1673 = arith.subf %add3A_1671, %slice3A_1672 : vector<64x128xf32>
    %swap3A_1674 = arith.constant 64 : index
    %swap3A_1675 = arith.constant 6784 : index
    %swap3A_1676 = vector.load %arg4[%swap3A_1674, %swap3A_1675] : memref<256x8192xf32, #tpu.memory_space<vmem>>, vector<64x128xf32>
    tpu.vector_store %arg4[%swap3A_1674, %swap3A_1675], %sub3A_1673 {strides = array<i32>} : memref<256x8192xf32, #tpu.memory_space<vmem>>, vector<64x128xf32>,
    %lt3A_1677 = arith.cmpf olt, %sub3A_1673, %select_n3A_1667 : vector<64x128xf32>
    %broadcast_in_dim3A_1678 = arith.constant 53 : i32
    %broadcast_in_dim3A_1679 = vector.broadcast %broadcast_in_dim3A_1678 : i32 to vector<64x128xi32>
    %select_n3A_1680 = arith.select %lt3A_1677, %broadcast_in_dim3A_1679, %select_n3A_1666 : vector<64x128xi1>, vector<64x128xi32>
    %select_n3A_1681 = arith.select %lt3A_1677, %sub3A_1673, %select_n3A_1667 : vector<64x128xi1>, vector<64x128xf32>
    %slice3A_1682 = vector.extract_strided_slice %get3A_9 {offsets = [0, 6912], sizes = [1, 128], strides = [1, 1]} : vector<1x8192xf32> to vector<1x128xf32>
    %add3A_1683 = vector.broadcast %slice3A_921 : vector<64x1xf32> to vector<64x128xf32>
    %add3A_1684 = vector.broadcast %slice3A_1682 : vector<1x128xf32> to vector<64x128xf32>
    %add3A_1685 = arith.addf %add3A_1683, %add3A_1684 : vector<64x128xf32>
    %slice3A_1686 = vector.extract_strided_slice %dot_general3A_5 {offsets = [64, 6912], sizes = [64, 128], strides = [1, 1]} : vector<256x8192xf32> to vector<64x128xf32>
    %sub3A_1687 = arith.subf %add3A_1685, %slice3A_1686 : vector<64x128xf32>
    %swap3A_1688 = arith.constant 64 : index
    %swap3A_1689 = arith.constant 6912 : index
    %swap3A_1690 = vector.load %arg4[%swap3A_1688, %swap3A_1689] : memref<256x8192xf32, #tpu.memory_space<vmem>>, vector<64x128xf32>
    tpu.vector_store %arg4[%swap3A_1688, %swap3A_1689], %sub3A_1687 {strides = array<i32>} : memref<256x8192xf32, #tpu.memory_space<vmem>>, vector<64x128xf32>,
    %lt3A_1691 = arith.cmpf olt, %sub3A_1687, %select_n3A_1681 : vector<64x128xf32>
    %broadcast_in_dim3A_1692 = arith.constant 54 : i32
    %broadcast_in_dim3A_1693 = vector.broadcast %broadcast_in_dim3A_1692 : i32 to vector<64x128xi32>
    %select_n3A_1694 = arith.select %lt3A_1691, %broadcast_in_dim3A_1693, %select_n3A_1680 : vector<64x128xi1>, vector<64x128xi32>
    %select_n3A_1695 = arith.select %lt3A_1691, %sub3A_1687, %select_n3A_1681 : vector<64x128xi1>, vector<64x128xf32>
    %slice3A_1696 = vector.extract_strided_slice %get3A_9 {offsets = [0, 7040], sizes = [1, 128], strides = [1, 1]} : vector<1x8192xf32> to vector<1x128xf32>
    %add3A_1697 = vector.broadcast %slice3A_921 : vector<64x1xf32> to vector<64x128xf32>
    %add3A_1698 = vector.broadcast %slice3A_1696 : vector<1x128xf32> to vector<64x128xf32>
    %add3A_1699 = arith.addf %add3A_1697, %add3A_1698 : vector<64x128xf32>
    %slice3A_1700 = vector.extract_strided_slice %dot_general3A_5 {offsets = [64, 7040], sizes = [64, 128], strides = [1, 1]} : vector<256x8192xf32> to vector<64x128xf32>
    %sub3A_1701 = arith.subf %add3A_1699, %slice3A_1700 : vector<64x128xf32>
    %swap3A_1702 = arith.constant 64 : index
    %swap3A_1703 = arith.constant 7040 : index
    %swap3A_1704 = vector.load %arg4[%swap3A_1702, %swap3A_1703] : memref<256x8192xf32, #tpu.memory_space<vmem>>, vector<64x128xf32>
    tpu.vector_store %arg4[%swap3A_1702, %swap3A_1703], %sub3A_1701 {strides = array<i32>} : memref<256x8192xf32, #tpu.memory_space<vmem>>, vector<64x128xf32>,
    %lt3A_1705 = arith.cmpf olt, %sub3A_1701, %select_n3A_1695 : vector<64x128xf32>
    %broadcast_in_dim3A_1706 = arith.constant 55 : i32
    %broadcast_in_dim3A_1707 = vector.broadcast %broadcast_in_dim3A_1706 : i32 to vector<64x128xi32>
    %select_n3A_1708 = arith.select %lt3A_1705, %broadcast_in_dim3A_1707, %select_n3A_1694 : vector<64x128xi1>, vector<64x128xi32>
    %select_n3A_1709 = arith.select %lt3A_1705, %sub3A_1701, %select_n3A_1695 : vector<64x128xi1>, vector<64x128xf32>
    %slice3A_1710 = vector.extract_strided_slice %get3A_9 {offsets = [0, 7168], sizes = [1, 128], strides = [1, 1]} : vector<1x8192xf32> to vector<1x128xf32>
    %add3A_1711 = vector.broadcast %slice3A_921 : vector<64x1xf32> to vector<64x128xf32>
    %add3A_1712 = vector.broadcast %slice3A_1710 : vector<1x128xf32> to vector<64x128xf32>
    %add3A_1713 = arith.addf %add3A_1711, %add3A_1712 : vector<64x128xf32>
    %slice3A_1714 = vector.extract_strided_slice %dot_general3A_5 {offsets = [64, 7168], sizes = [64, 128], strides = [1, 1]} : vector<256x8192xf32> to vector<64x128xf32>
    %sub3A_1715 = arith.subf %add3A_1713, %slice3A_1714 : vector<64x128xf32>
    %swap3A_1716 = arith.constant 64 : index
    %swap3A_1717 = arith.constant 7168 : index
    %swap3A_1718 = vector.load %arg4[%swap3A_1716, %swap3A_1717] : memref<256x8192xf32, #tpu.memory_space<vmem>>, vector<64x128xf32>
    tpu.vector_store %arg4[%swap3A_1716, %swap3A_1717], %sub3A_1715 {strides = array<i32>} : memref<256x8192xf32, #tpu.memory_space<vmem>>, vector<64x128xf32>,
    %lt3A_1719 = arith.cmpf olt, %sub3A_1715, %select_n3A_1709 : vector<64x128xf32>
    %broadcast_in_dim3A_1720 = arith.constant 56 : i32
    %broadcast_in_dim3A_1721 = vector.broadcast %broadcast_in_dim3A_1720 : i32 to vector<64x128xi32>
    %select_n3A_1722 = arith.select %lt3A_1719, %broadcast_in_dim3A_1721, %select_n3A_1708 : vector<64x128xi1>, vector<64x128xi32>
    %select_n3A_1723 = arith.select %lt3A_1719, %sub3A_1715, %select_n3A_1709 : vector<64x128xi1>, vector<64x128xf32>
    %slice3A_1724 = vector.extract_strided_slice %get3A_9 {offsets = [0, 7296], sizes = [1, 128], strides = [1, 1]} : vector<1x8192xf32> to vector<1x128xf32>
    %add3A_1725 = vector.broadcast %slice3A_921 : vector<64x1xf32> to vector<64x128xf32>
    %add3A_1726 = vector.broadcast %slice3A_1724 : vector<1x128xf32> to vector<64x128xf32>
    %add3A_1727 = arith.addf %add3A_1725, %add3A_1726 : vector<64x128xf32>
    %slice3A_1728 = vector.extract_strided_slice %dot_general3A_5 {offsets = [64, 7296], sizes = [64, 128], strides = [1, 1]} : vector<256x8192xf32> to vector<64x128xf32>
    %sub3A_1729 = arith.subf %add3A_1727, %slice3A_1728 : vector<64x128xf32>
    %swap3A_1730 = arith.constant 64 : index
    %swap3A_1731 = arith.constant 7296 : index
    %swap3A_1732 = vector.load %arg4[%swap3A_1730, %swap3A_1731] : memref<256x8192xf32, #tpu.memory_space<vmem>>, vector<64x128xf32>
    tpu.vector_store %arg4[%swap3A_1730, %swap3A_1731], %sub3A_1729 {strides = array<i32>} : memref<256x8192xf32, #tpu.memory_space<vmem>>, vector<64x128xf32>,
    %lt3A_1733 = arith.cmpf olt, %sub3A_1729, %select_n3A_1723 : vector<64x128xf32>
    %broadcast_in_dim3A_1734 = arith.constant 57 : i32
    %broadcast_in_dim3A_1735 = vector.broadcast %broadcast_in_dim3A_1734 : i32 to vector<64x128xi32>
    %select_n3A_1736 = arith.select %lt3A_1733, %broadcast_in_dim3A_1735, %select_n3A_1722 : vector<64x128xi1>, vector<64x128xi32>
    %select_n3A_1737 = arith.select %lt3A_1733, %sub3A_1729, %select_n3A_1723 : vector<64x128xi1>, vector<64x128xf32>
    %slice3A_1738 = vector.extract_strided_slice %get3A_9 {offsets = [0, 7424], sizes = [1, 128], strides = [1, 1]} : vector<1x8192xf32> to vector<1x128xf32>
    %add3A_1739 = vector.broadcast %slice3A_921 : vector<64x1xf32> to vector<64x128xf32>
    %add3A_1740 = vector.broadcast %slice3A_1738 : vector<1x128xf32> to vector<64x128xf32>
    %add3A_1741 = arith.addf %add3A_1739, %add3A_1740 : vector<64x128xf32>
    %slice3A_1742 = vector.extract_strided_slice %dot_general3A_5 {offsets = [64, 7424], sizes = [64, 128], strides = [1, 1]} : vector<256x8192xf32> to vector<64x128xf32>
    %sub3A_1743 = arith.subf %add3A_1741, %slice3A_1742 : vector<64x128xf32>
    %swap3A_1744 = arith.constant 64 : index
    %swap3A_1745 = arith.constant 7424 : index
    %swap3A_1746 = vector.load %arg4[%swap3A_1744, %swap3A_1745] : memref<256x8192xf32, #tpu.memory_space<vmem>>, vector<64x128xf32>
    tpu.vector_store %arg4[%swap3A_1744, %swap3A_1745], %sub3A_1743 {strides = array<i32>} : memref<256x8192xf32, #tpu.memory_space<vmem>>, vector<64x128xf32>,
    %lt3A_1747 = arith.cmpf olt, %sub3A_1743, %select_n3A_1737 : vector<64x128xf32>
    %broadcast_in_dim3A_1748 = arith.constant 58 : i32
    %broadcast_in_dim3A_1749 = vector.broadcast %broadcast_in_dim3A_1748 : i32 to vector<64x128xi32>
    %select_n3A_1750 = arith.select %lt3A_1747, %broadcast_in_dim3A_1749, %select_n3A_1736 : vector<64x128xi1>, vector<64x128xi32>
    %select_n3A_1751 = arith.select %lt3A_1747, %sub3A_1743, %select_n3A_1737 : vector<64x128xi1>, vector<64x128xf32>
    %slice3A_1752 = vector.extract_strided_slice %get3A_9 {offsets = [0, 7552], sizes = [1, 128], strides = [1, 1]} : vector<1x8192xf32> to vector<1x128xf32>
    %add3A_1753 = vector.broadcast %slice3A_921 : vector<64x1xf32> to vector<64x128xf32>
    %add3A_1754 = vector.broadcast %slice3A_1752 : vector<1x128xf32> to vector<64x128xf32>
    %add3A_1755 = arith.addf %add3A_1753, %add3A_1754 : vector<64x128xf32>
    %slice3A_1756 = vector.extract_strided_slice %dot_general3A_5 {offsets = [64, 7552], sizes = [64, 128], strides = [1, 1]} : vector<256x8192xf32> to vector<64x128xf32>
    %sub3A_1757 = arith.subf %add3A_1755, %slice3A_1756 : vector<64x128xf32>
    %swap3A_1758 = arith.constant 64 : index
    %swap3A_1759 = arith.constant 7552 : index
    %swap3A_1760 = vector.load %arg4[%swap3A_1758, %swap3A_1759] : memref<256x8192xf32, #tpu.memory_space<vmem>>, vector<64x128xf32>
    tpu.vector_store %arg4[%swap3A_1758, %swap3A_1759], %sub3A_1757 {strides = array<i32>} : memref<256x8192xf32, #tpu.memory_space<vmem>>, vector<64x128xf32>,
    %lt3A_1761 = arith.cmpf olt, %sub3A_1757, %select_n3A_1751 : vector<64x128xf32>
    %broadcast_in_dim3A_1762 = arith.constant 59 : i32
    %broadcast_in_dim3A_1763 = vector.broadcast %broadcast_in_dim3A_1762 : i32 to vector<64x128xi32>
    %select_n3A_1764 = arith.select %lt3A_1761, %broadcast_in_dim3A_1763, %select_n3A_1750 : vector<64x128xi1>, vector<64x128xi32>
    %select_n3A_1765 = arith.select %lt3A_1761, %sub3A_1757, %select_n3A_1751 : vector<64x128xi1>, vector<64x128xf32>
    %slice3A_1766 = vector.extract_strided_slice %get3A_9 {offsets = [0, 7680], sizes = [1, 128], strides = [1, 1]} : vector<1x8192xf32> to vector<1x128xf32>
    %add3A_1767 = vector.broadcast %slice3A_921 : vector<64x1xf32> to vector<64x128xf32>
    %add3A_1768 = vector.broadcast %slice3A_1766 : vector<1x128xf32> to vector<64x128xf32>
    %add3A_1769 = arith.addf %add3A_1767, %add3A_1768 : vector<64x128xf32>
    %slice3A_1770 = vector.extract_strided_slice %dot_general3A_5 {offsets = [64, 7680], sizes = [64, 128], strides = [1, 1]} : vector<256x8192xf32> to vector<64x128xf32>
    %sub3A_1771 = arith.subf %add3A_1769, %slice3A_1770 : vector<64x128xf32>
    %swap3A_1772 = arith.constant 64 : index
    %swap3A_1773 = arith.constant 7680 : index
    %swap3A_1774 = vector.load %arg4[%swap3A_1772, %swap3A_1773] : memref<256x8192xf32, #tpu.memory_space<vmem>>, vector<64x128xf32>
    tpu.vector_store %arg4[%swap3A_1772, %swap3A_1773], %sub3A_1771 {strides = array<i32>} : memref<256x8192xf32, #tpu.memory_space<vmem>>, vector<64x128xf32>,
    %lt3A_1775 = arith.cmpf olt, %sub3A_1771, %select_n3A_1765 : vector<64x128xf32>
    %broadcast_in_dim3A_1776 = arith.constant 60 : i32
    %broadcast_in_dim3A_1777 = vector.broadcast %broadcast_in_dim3A_1776 : i32 to vector<64x128xi32>
    %select_n3A_1778 = arith.select %lt3A_1775, %broadcast_in_dim3A_1777, %select_n3A_1764 : vector<64x128xi1>, vector<64x128xi32>
    %select_n3A_1779 = arith.select %lt3A_1775, %sub3A_1771, %select_n3A_1765 : vector<64x128xi1>, vector<64x128xf32>
    %slice3A_1780 = vector.extract_strided_slice %get3A_9 {offsets = [0, 7808], sizes = [1, 128], strides = [1, 1]} : vector<1x8192xf32> to vector<1x128xf32>
    %add3A_1781 = vector.broadcast %slice3A_921 : vector<64x1xf32> to vector<64x128xf32>
    %add3A_1782 = vector.broadcast %slice3A_1780 : vector<1x128xf32> to vector<64x128xf32>
    %add3A_1783 = arith.addf %add3A_1781, %add3A_1782 : vector<64x128xf32>
    %slice3A_1784 = vector.extract_strided_slice %dot_general3A_5 {offsets = [64, 7808], sizes = [64, 128], strides = [1, 1]} : vector<256x8192xf32> to vector<64x128xf32>
    %sub3A_1785 = arith.subf %add3A_1783, %slice3A_1784 : vector<64x128xf32>
    %swap3A_1786 = arith.constant 64 : index
    %swap3A_1787 = arith.constant 7808 : index
    %swap3A_1788 = vector.load %arg4[%swap3A_1786, %swap3A_1787] : memref<256x8192xf32, #tpu.memory_space<vmem>>, vector<64x128xf32>
    tpu.vector_store %arg4[%swap3A_1786, %swap3A_1787], %sub3A_1785 {strides = array<i32>} : memref<256x8192xf32, #tpu.memory_space<vmem>>, vector<64x128xf32>,
    %lt3A_1789 = arith.cmpf olt, %sub3A_1785, %select_n3A_1779 : vector<64x128xf32>
    %broadcast_in_dim3A_1790 = arith.constant 61 : i32
    %broadcast_in_dim3A_1791 = vector.broadcast %broadcast_in_dim3A_1790 : i32 to vector<64x128xi32>
    %select_n3A_1792 = arith.select %lt3A_1789, %broadcast_in_dim3A_1791, %select_n3A_1778 : vector<64x128xi1>, vector<64x128xi32>
    %select_n3A_1793 = arith.select %lt3A_1789, %sub3A_1785, %select_n3A_1779 : vector<64x128xi1>, vector<64x128xf32>
    %slice3A_1794 = vector.extract_strided_slice %get3A_9 {offsets = [0, 7936], sizes = [1, 128], strides = [1, 1]} : vector<1x8192xf32> to vector<1x128xf32>
    %add3A_1795 = vector.broadcast %slice3A_921 : vector<64x1xf32> to vector<64x128xf32>
    %add3A_1796 = vector.broadcast %slice3A_1794 : vector<1x128xf32> to vector<64x128xf32>
    %add3A_1797 = arith.addf %add3A_1795, %add3A_1796 : vector<64x128xf32>
    %slice3A_1798 = vector.extract_strided_slice %dot_general3A_5 {offsets = [64, 7936], sizes = [64, 128], strides = [1, 1]} : vector<256x8192xf32> to vector<64x128xf32>
    %sub3A_1799 = arith.subf %add3A_1797, %slice3A_1798 : vector<64x128xf32>
    %swap3A_1800 = arith.constant 64 : index
    %swap3A_1801 = arith.constant 7936 : index
    %swap3A_1802 = vector.load %arg4[%swap3A_1800, %swap3A_1801] : memref<256x8192xf32, #tpu.memory_space<vmem>>, vector<64x128xf32>
    tpu.vector_store %arg4[%swap3A_1800, %swap3A_1801], %sub3A_1799 {strides = array<i32>} : memref<256x8192xf32, #tpu.memory_space<vmem>>, vector<64x128xf32>,
    %lt3A_1803 = arith.cmpf olt, %sub3A_1799, %select_n3A_1793 : vector<64x128xf32>
    %broadcast_in_dim3A_1804 = arith.constant 62 : i32
    %broadcast_in_dim3A_1805 = vector.broadcast %broadcast_in_dim3A_1804 : i32 to vector<64x128xi32>
    %select_n3A_1806 = arith.select %lt3A_1803, %broadcast_in_dim3A_1805, %select_n3A_1792 : vector<64x128xi1>, vector<64x128xi32>
    %select_n3A_1807 = arith.select %lt3A_1803, %sub3A_1799, %select_n3A_1793 : vector<64x128xi1>, vector<64x128xf32>
    %slice3A_1808 = vector.extract_strided_slice %get3A_9 {offsets = [0, 8064], sizes = [1, 128], strides = [1, 1]} : vector<1x8192xf32> to vector<1x128xf32>
    %add3A_1809 = vector.broadcast %slice3A_921 : vector<64x1xf32> to vector<64x128xf32>
    %add3A_1810 = vector.broadcast %slice3A_1808 : vector<1x128xf32> to vector<64x128xf32>
    %add3A_1811 = arith.addf %add3A_1809, %add3A_1810 : vector<64x128xf32>
    %slice3A_1812 = vector.extract_strided_slice %dot_general3A_5 {offsets = [64, 8064], sizes = [64, 128], strides = [1, 1]} : vector<256x8192xf32> to vector<64x128xf32>
    %sub3A_1813 = arith.subf %add3A_1811, %slice3A_1812 : vector<64x128xf32>
    %swap3A_1814 = arith.constant 64 : index
    %swap3A_1815 = arith.constant 8064 : index
    %swap3A_1816 = vector.load %arg4[%swap3A_1814, %swap3A_1815] : memref<256x8192xf32, #tpu.memory_space<vmem>>, vector<64x128xf32>
    tpu.vector_store %arg4[%swap3A_1814, %swap3A_1815], %sub3A_1813 {strides = array<i32>} : memref<256x8192xf32, #tpu.memory_space<vmem>>, vector<64x128xf32>,
    %lt3A_1817 = arith.cmpf olt, %sub3A_1813, %select_n3A_1807 : vector<64x128xf32>
    %broadcast_in_dim3A_1818 = arith.constant 63 : i32
    %broadcast_in_dim3A_1819 = vector.broadcast %broadcast_in_dim3A_1818 : i32 to vector<64x128xi32>
    %select_n3A_1820 = arith.select %lt3A_1817, %broadcast_in_dim3A_1819, %select_n3A_1806 : vector<64x128xi1>, vector<64x128xi32>
    %select_n3A_1821 = arith.select %lt3A_1817, %sub3A_1813, %select_n3A_1807 : vector<64x128xi1>, vector<64x128xf32>
    %reduce_min3A_1822 = arith.constant dense<0x7F800000> : vector<64xf32>
    %reduce_min3A_1823 = vector.multi_reduction <minimumf>, %select_n3A_1821, %reduce_min3A_1822 [1] : vector<64x128xf32> to vector<64xf32>
    %broadcast_in_dim3A_1824 = vector.shape_cast %reduce_min3A_1823 : vector<64xf32> to vector<64x1xf32>
    %mul3A_1825 = arith.constant 128 : i32
    %mul3A_1826 = vector.broadcast %mul3A_1825 : i32 to vector<64x128xi32>
    %mul3A_1827 = arith.muli %select_n3A_1820, %mul3A_1826 : vector<64x128xi32>
    %iota3A_1828 = tpu.iota {dimensions = array<i32: 1>} : vector<64x128xi32>
    %add3A_1829 = arith.addi %mul3A_1827, %iota3A_1828 : vector<64x128xi32>
    %eq3A_1830 = vector.broadcast %broadcast_in_dim3A_1824 : vector<64x1xf32> to vector<64x128xf32>
    %eq3A_1831 = arith.cmpf oeq, %select_n3A_1821, %eq3A_1830 : vector<64x128xf32>
    %jit3A_1832 = arith.constant 1073741824 : i32
    %broadcast_in_dim3A_1833 = vector.broadcast %jit3A_1832 : i32 to vector<64x128xi32>
    %select_n3A_1834 = arith.select %eq3A_1831, %add3A_1829, %broadcast_in_dim3A_1833 : vector<64x128xi1>, vector<64x128xi32>
    %reduce_min3A_1835 = arith.constant dense<2147483647> : vector<64xi32>
    %reduce_min3A_1836 = vector.multi_reduction <minsi>, %select_n3A_1834, %reduce_min3A_1835 [1] : vector<64x128xi32> to vector<64xi32>
    %broadcast_in_dim3A_1837 = vector.shape_cast %reduce_min3A_1836 : vector<64xi32> to vector<64x1xi32>
    %swap3A_1838 = arith.constant 64 : index
    %swap3A_1839 = arith.constant 0 : index
    %swap3A_1840 = vector.load %arg5[%swap3A_1838, %swap3A_1839] : memref<256x1xi32, #tpu.memory_space<vmem>>, vector<64x1xi32>
    tpu.vector_store %arg5[%swap3A_1838, %swap3A_1839], %broadcast_in_dim3A_1837 {strides = array<i32>} : memref<256x1xi32, #tpu.memory_space<vmem>>, vector<64x1xi32>,
    %slice3A_1841 = vector.extract_strided_slice %broadcast_in_dim3A {offsets = [128, 0], sizes = [64, 1], strides = [1, 1]} : vector<256x1xf32> to vector<64x1xf32>
    %broadcast_in_dim3A_1842 = arith.constant 0x7F800000 : f32
    %broadcast_in_dim3A_1843 = vector.broadcast %broadcast_in_dim3A_1842 : f32 to vector<64x128xf32>
    %broadcast_in_dim3A_1844 = arith.constant 0 : i32
    %broadcast_in_dim3A_1845 = vector.broadcast %broadcast_in_dim3A_1844 : i32 to vector<64x128xi32>
    %slice3A_1846 = vector.extract_strided_slice %get3A_9 {offsets = [0, 0], sizes = [1, 128], strides = [1, 1]} : vector<1x8192xf32> to vector<1x128xf32>
    %add3A_1847 = vector.broadcast %slice3A_1841 : vector<64x1xf32> to vector<64x128xf32>
    %add3A_1848 = vector.broadcast %slice3A_1846 : vector<1x128xf32> to vector<64x128xf32>
    %add3A_1849 = arith.addf %add3A_1847, %add3A_1848 : vector<64x128xf32>
    %slice3A_1850 = vector.extract_strided_slice %dot_general3A_5 {offsets = [128, 0], sizes = [64, 128], strides = [1, 1]} : vector<256x8192xf32> to vector<64x128xf32>
    %sub3A_1851 = arith.subf %add3A_1849, %slice3A_1850 : vector<64x128xf32>
    %swap3A_1852 = arith.constant 128 : index
    %swap3A_1853 = arith.constant 0 : index
    %swap3A_1854 = vector.load %arg4[%swap3A_1852, %swap3A_1853] : memref<256x8192xf32, #tpu.memory_space<vmem>>, vector<64x128xf32>
    tpu.vector_store %arg4[%swap3A_1852, %swap3A_1853], %sub3A_1851 {strides = array<i32>} : memref<256x8192xf32, #tpu.memory_space<vmem>>, vector<64x128xf32>,
    %lt3A_1855 = arith.cmpf olt, %sub3A_1851, %broadcast_in_dim3A_1843 : vector<64x128xf32>
    %broadcast_in_dim3A_1856 = arith.constant 0 : i32
    %broadcast_in_dim3A_1857 = vector.broadcast %broadcast_in_dim3A_1856 : i32 to vector<64x128xi32>
    %select_n3A_1858 = arith.select %lt3A_1855, %broadcast_in_dim3A_1857, %broadcast_in_dim3A_1845 : vector<64x128xi1>, vector<64x128xi32>
    %select_n3A_1859 = arith.select %lt3A_1855, %sub3A_1851, %broadcast_in_dim3A_1843 : vector<64x128xi1>, vector<64x128xf32>
    %slice3A_1860 = vector.extract_strided_slice %get3A_9 {offsets = [0, 128], sizes = [1, 128], strides = [1, 1]} : vector<1x8192xf32> to vector<1x128xf32>
    %add3A_1861 = vector.broadcast %slice3A_1841 : vector<64x1xf32> to vector<64x128xf32>
    %add3A_1862 = vector.broadcast %slice3A_1860 : vector<1x128xf32> to vector<64x128xf32>
    %add3A_1863 = arith.addf %add3A_1861, %add3A_1862 : vector<64x128xf32>
    %slice3A_1864 = vector.extract_strided_slice %dot_general3A_5 {offsets = [128, 128], sizes = [64, 128], strides = [1, 1]} : vector<256x8192xf32> to vector<64x128xf32>
    %sub3A_1865 = arith.subf %add3A_1863, %slice3A_1864 : vector<64x128xf32>
    %swap3A_1866 = arith.constant 128 : index
    %swap3A_1867 = arith.constant 128 : index
    %swap3A_1868 = vector.load %arg4[%swap3A_1866, %swap3A_1867] : memref<256x8192xf32, #tpu.memory_space<vmem>>, vector<64x128xf32>
    tpu.vector_store %arg4[%swap3A_1866, %swap3A_1867], %sub3A_1865 {strides = array<i32>} : memref<256x8192xf32, #tpu.memory_space<vmem>>, vector<64x128xf32>,
    %lt3A_1869 = arith.cmpf olt, %sub3A_1865, %select_n3A_1859 : vector<64x128xf32>
    %broadcast_in_dim3A_1870 = arith.constant 1 : i32
    %broadcast_in_dim3A_1871 = vector.broadcast %broadcast_in_dim3A_1870 : i32 to vector<64x128xi32>
    %select_n3A_1872 = arith.select %lt3A_1869, %broadcast_in_dim3A_1871, %select_n3A_1858 : vector<64x128xi1>, vector<64x128xi32>
    %select_n3A_1873 = arith.select %lt3A_1869, %sub3A_1865, %select_n3A_1859 : vector<64x128xi1>, vector<64x128xf32>
    %slice3A_1874 = vector.extract_strided_slice %get3A_9 {offsets = [0, 256], sizes = [1, 128], strides = [1, 1]} : vector<1x8192xf32> to vector<1x128xf32>
    %add3A_1875 = vector.broadcast %slice3A_1841 : vector<64x1xf32> to vector<64x128xf32>
    %add3A_1876 = vector.broadcast %slice3A_1874 : vector<1x128xf32> to vector<64x128xf32>
    %add3A_1877 = arith.addf %add3A_1875, %add3A_1876 : vector<64x128xf32>
    %slice3A_1878 = vector.extract_strided_slice %dot_general3A_5 {offsets = [128, 256], sizes = [64, 128], strides = [1, 1]} : vector<256x8192xf32> to vector<64x128xf32>
    %sub3A_1879 = arith.subf %add3A_1877, %slice3A_1878 : vector<64x128xf32>
    %swap3A_1880 = arith.constant 128 : index
    %swap3A_1881 = arith.constant 256 : index
    %swap3A_1882 = vector.load %arg4[%swap3A_1880, %swap3A_1881] : memref<256x8192xf32, #tpu.memory_space<vmem>>, vector<64x128xf32>
    tpu.vector_store %arg4[%swap3A_1880, %swap3A_1881], %sub3A_1879 {strides = array<i32>} : memref<256x8192xf32, #tpu.memory_space<vmem>>, vector<64x128xf32>,
    %lt3A_1883 = arith.cmpf olt, %sub3A_1879, %select_n3A_1873 : vector<64x128xf32>
    %broadcast_in_dim3A_1884 = arith.constant 2 : i32
    %broadcast_in_dim3A_1885 = vector.broadcast %broadcast_in_dim3A_1884 : i32 to vector<64x128xi32>
    %select_n3A_1886 = arith.select %lt3A_1883, %broadcast_in_dim3A_1885, %select_n3A_1872 : vector<64x128xi1>, vector<64x128xi32>
    %select_n3A_1887 = arith.select %lt3A_1883, %sub3A_1879, %select_n3A_1873 : vector<64x128xi1>, vector<64x128xf32>
    %slice3A_1888 = vector.extract_strided_slice %get3A_9 {offsets = [0, 384], sizes = [1, 128], strides = [1, 1]} : vector<1x8192xf32> to vector<1x128xf32>
    %add3A_1889 = vector.broadcast %slice3A_1841 : vector<64x1xf32> to vector<64x128xf32>
    %add3A_1890 = vector.broadcast %slice3A_1888 : vector<1x128xf32> to vector<64x128xf32>
    %add3A_1891 = arith.addf %add3A_1889, %add3A_1890 : vector<64x128xf32>
    %slice3A_1892 = vector.extract_strided_slice %dot_general3A_5 {offsets = [128, 384], sizes = [64, 128], strides = [1, 1]} : vector<256x8192xf32> to vector<64x128xf32>
    %sub3A_1893 = arith.subf %add3A_1891, %slice3A_1892 : vector<64x128xf32>
    %swap3A_1894 = arith.constant 128 : index
    %swap3A_1895 = arith.constant 384 : index
    %swap3A_1896 = vector.load %arg4[%swap3A_1894, %swap3A_1895] : memref<256x8192xf32, #tpu.memory_space<vmem>>, vector<64x128xf32>
    tpu.vector_store %arg4[%swap3A_1894, %swap3A_1895], %sub3A_1893 {strides = array<i32>} : memref<256x8192xf32, #tpu.memory_space<vmem>>, vector<64x128xf32>,
    %lt3A_1897 = arith.cmpf olt, %sub3A_1893, %select_n3A_1887 : vector<64x128xf32>
    %broadcast_in_dim3A_1898 = arith.constant 3 : i32
    %broadcast_in_dim3A_1899 = vector.broadcast %broadcast_in_dim3A_1898 : i32 to vector<64x128xi32>
    %select_n3A_1900 = arith.select %lt3A_1897, %broadcast_in_dim3A_1899, %select_n3A_1886 : vector<64x128xi1>, vector<64x128xi32>
    %select_n3A_1901 = arith.select %lt3A_1897, %sub3A_1893, %select_n3A_1887 : vector<64x128xi1>, vector<64x128xf32>
    %slice3A_1902 = vector.extract_strided_slice %get3A_9 {offsets = [0, 512], sizes = [1, 128], strides = [1, 1]} : vector<1x8192xf32> to vector<1x128xf32>
    %add3A_1903 = vector.broadcast %slice3A_1841 : vector<64x1xf32> to vector<64x128xf32>
    %add3A_1904 = vector.broadcast %slice3A_1902 : vector<1x128xf32> to vector<64x128xf32>
    %add3A_1905 = arith.addf %add3A_1903, %add3A_1904 : vector<64x128xf32>
    %slice3A_1906 = vector.extract_strided_slice %dot_general3A_5 {offsets = [128, 512], sizes = [64, 128], strides = [1, 1]} : vector<256x8192xf32> to vector<64x128xf32>
    %sub3A_1907 = arith.subf %add3A_1905, %slice3A_1906 : vector<64x128xf32>
    %swap3A_1908 = arith.constant 128 : index
    %swap3A_1909 = arith.constant 512 : index
    %swap3A_1910 = vector.load %arg4[%swap3A_1908, %swap3A_1909] : memref<256x8192xf32, #tpu.memory_space<vmem>>, vector<64x128xf32>
    tpu.vector_store %arg4[%swap3A_1908, %swap3A_1909], %sub3A_1907 {strides = array<i32>} : memref<256x8192xf32, #tpu.memory_space<vmem>>, vector<64x128xf32>,
    %lt3A_1911 = arith.cmpf olt, %sub3A_1907, %select_n3A_1901 : vector<64x128xf32>
    %broadcast_in_dim3A_1912 = arith.constant 4 : i32
    %broadcast_in_dim3A_1913 = vector.broadcast %broadcast_in_dim3A_1912 : i32 to vector<64x128xi32>
    %select_n3A_1914 = arith.select %lt3A_1911, %broadcast_in_dim3A_1913, %select_n3A_1900 : vector<64x128xi1>, vector<64x128xi32>
    %select_n3A_1915 = arith.select %lt3A_1911, %sub3A_1907, %select_n3A_1901 : vector<64x128xi1>, vector<64x128xf32>
    %slice3A_1916 = vector.extract_strided_slice %get3A_9 {offsets = [0, 640], sizes = [1, 128], strides = [1, 1]} : vector<1x8192xf32> to vector<1x128xf32>
    %add3A_1917 = vector.broadcast %slice3A_1841 : vector<64x1xf32> to vector<64x128xf32>
    %add3A_1918 = vector.broadcast %slice3A_1916 : vector<1x128xf32> to vector<64x128xf32>
    %add3A_1919 = arith.addf %add3A_1917, %add3A_1918 : vector<64x128xf32>
    %slice3A_1920 = vector.extract_strided_slice %dot_general3A_5 {offsets = [128, 640], sizes = [64, 128], strides = [1, 1]} : vector<256x8192xf32> to vector<64x128xf32>
    %sub3A_1921 = arith.subf %add3A_1919, %slice3A_1920 : vector<64x128xf32>
    %swap3A_1922 = arith.constant 128 : index
    %swap3A_1923 = arith.constant 640 : index
    %swap3A_1924 = vector.load %arg4[%swap3A_1922, %swap3A_1923] : memref<256x8192xf32, #tpu.memory_space<vmem>>, vector<64x128xf32>
    tpu.vector_store %arg4[%swap3A_1922, %swap3A_1923], %sub3A_1921 {strides = array<i32>} : memref<256x8192xf32, #tpu.memory_space<vmem>>, vector<64x128xf32>,
    %lt3A_1925 = arith.cmpf olt, %sub3A_1921, %select_n3A_1915 : vector<64x128xf32>
    %broadcast_in_dim3A_1926 = arith.constant 5 : i32
    %broadcast_in_dim3A_1927 = vector.broadcast %broadcast_in_dim3A_1926 : i32 to vector<64x128xi32>
    %select_n3A_1928 = arith.select %lt3A_1925, %broadcast_in_dim3A_1927, %select_n3A_1914 : vector<64x128xi1>, vector<64x128xi32>
    %select_n3A_1929 = arith.select %lt3A_1925, %sub3A_1921, %select_n3A_1915 : vector<64x128xi1>, vector<64x128xf32>
    %slice3A_1930 = vector.extract_strided_slice %get3A_9 {offsets = [0, 768], sizes = [1, 128], strides = [1, 1]} : vector<1x8192xf32> to vector<1x128xf32>
    %add3A_1931 = vector.broadcast %slice3A_1841 : vector<64x1xf32> to vector<64x128xf32>
    %add3A_1932 = vector.broadcast %slice3A_1930 : vector<1x128xf32> to vector<64x128xf32>
    %add3A_1933 = arith.addf %add3A_1931, %add3A_1932 : vector<64x128xf32>
    %slice3A_1934 = vector.extract_strided_slice %dot_general3A_5 {offsets = [128, 768], sizes = [64, 128], strides = [1, 1]} : vector<256x8192xf32> to vector<64x128xf32>
    %sub3A_1935 = arith.subf %add3A_1933, %slice3A_1934 : vector<64x128xf32>
    %swap3A_1936 = arith.constant 128 : index
    %swap3A_1937 = arith.constant 768 : index
    %swap3A_1938 = vector.load %arg4[%swap3A_1936, %swap3A_1937] : memref<256x8192xf32, #tpu.memory_space<vmem>>, vector<64x128xf32>
    tpu.vector_store %arg4[%swap3A_1936, %swap3A_1937], %sub3A_1935 {strides = array<i32>} : memref<256x8192xf32, #tpu.memory_space<vmem>>, vector<64x128xf32>,
    %lt3A_1939 = arith.cmpf olt, %sub3A_1935, %select_n3A_1929 : vector<64x128xf32>
    %broadcast_in_dim3A_1940 = arith.constant 6 : i32
    %broadcast_in_dim3A_1941 = vector.broadcast %broadcast_in_dim3A_1940 : i32 to vector<64x128xi32>
    %select_n3A_1942 = arith.select %lt3A_1939, %broadcast_in_dim3A_1941, %select_n3A_1928 : vector<64x128xi1>, vector<64x128xi32>
    %select_n3A_1943 = arith.select %lt3A_1939, %sub3A_1935, %select_n3A_1929 : vector<64x128xi1>, vector<64x128xf32>
    %slice3A_1944 = vector.extract_strided_slice %get3A_9 {offsets = [0, 896], sizes = [1, 128], strides = [1, 1]} : vector<1x8192xf32> to vector<1x128xf32>
    %add3A_1945 = vector.broadcast %slice3A_1841 : vector<64x1xf32> to vector<64x128xf32>
    %add3A_1946 = vector.broadcast %slice3A_1944 : vector<1x128xf32> to vector<64x128xf32>
    %add3A_1947 = arith.addf %add3A_1945, %add3A_1946 : vector<64x128xf32>
    %slice3A_1948 = vector.extract_strided_slice %dot_general3A_5 {offsets = [128, 896], sizes = [64, 128], strides = [1, 1]} : vector<256x8192xf32> to vector<64x128xf32>
    %sub3A_1949 = arith.subf %add3A_1947, %slice3A_1948 : vector<64x128xf32>
    %swap3A_1950 = arith.constant 128 : index
    %swap3A_1951 = arith.constant 896 : index
    %swap3A_1952 = vector.load %arg4[%swap3A_1950, %swap3A_1951] : memref<256x8192xf32, #tpu.memory_space<vmem>>, vector<64x128xf32>
    tpu.vector_store %arg4[%swap3A_1950, %swap3A_1951], %sub3A_1949 {strides = array<i32>} : memref<256x8192xf32, #tpu.memory_space<vmem>>, vector<64x128xf32>,
    %lt3A_1953 = arith.cmpf olt, %sub3A_1949, %select_n3A_1943 : vector<64x128xf32>
    %broadcast_in_dim3A_1954 = arith.constant 7 : i32
    %broadcast_in_dim3A_1955 = vector.broadcast %broadcast_in_dim3A_1954 : i32 to vector<64x128xi32>
    %select_n3A_1956 = arith.select %lt3A_1953, %broadcast_in_dim3A_1955, %select_n3A_1942 : vector<64x128xi1>, vector<64x128xi32>
    %select_n3A_1957 = arith.select %lt3A_1953, %sub3A_1949, %select_n3A_1943 : vector<64x128xi1>, vector<64x128xf32>
    %slice3A_1958 = vector.extract_strided_slice %get3A_9 {offsets = [0, 1024], sizes = [1, 128], strides = [1, 1]} : vector<1x8192xf32> to vector<1x128xf32>
    %add3A_1959 = vector.broadcast %slice3A_1841 : vector<64x1xf32> to vector<64x128xf32>
    %add3A_1960 = vector.broadcast %slice3A_1958 : vector<1x128xf32> to vector<64x128xf32>
    %add3A_1961 = arith.addf %add3A_1959, %add3A_1960 : vector<64x128xf32>
    %slice3A_1962 = vector.extract_strided_slice %dot_general3A_5 {offsets = [128, 1024], sizes = [64, 128], strides = [1, 1]} : vector<256x8192xf32> to vector<64x128xf32>
    %sub3A_1963 = arith.subf %add3A_1961, %slice3A_1962 : vector<64x128xf32>
    %swap3A_1964 = arith.constant 128 : index
    %swap3A_1965 = arith.constant 1024 : index
    %swap3A_1966 = vector.load %arg4[%swap3A_1964, %swap3A_1965] : memref<256x8192xf32, #tpu.memory_space<vmem>>, vector<64x128xf32>
    tpu.vector_store %arg4[%swap3A_1964, %swap3A_1965], %sub3A_1963 {strides = array<i32>} : memref<256x8192xf32, #tpu.memory_space<vmem>>, vector<64x128xf32>,
    %lt3A_1967 = arith.cmpf olt, %sub3A_1963, %select_n3A_1957 : vector<64x128xf32>
    %broadcast_in_dim3A_1968 = arith.constant 8 : i32
    %broadcast_in_dim3A_1969 = vector.broadcast %broadcast_in_dim3A_1968 : i32 to vector<64x128xi32>
    %select_n3A_1970 = arith.select %lt3A_1967, %broadcast_in_dim3A_1969, %select_n3A_1956 : vector<64x128xi1>, vector<64x128xi32>
    %select_n3A_1971 = arith.select %lt3A_1967, %sub3A_1963, %select_n3A_1957 : vector<64x128xi1>, vector<64x128xf32>
    %slice3A_1972 = vector.extract_strided_slice %get3A_9 {offsets = [0, 1152], sizes = [1, 128], strides = [1, 1]} : vector<1x8192xf32> to vector<1x128xf32>
    %add3A_1973 = vector.broadcast %slice3A_1841 : vector<64x1xf32> to vector<64x128xf32>
    %add3A_1974 = vector.broadcast %slice3A_1972 : vector<1x128xf32> to vector<64x128xf32>
    %add3A_1975 = arith.addf %add3A_1973, %add3A_1974 : vector<64x128xf32>
    %slice3A_1976 = vector.extract_strided_slice %dot_general3A_5 {offsets = [128, 1152], sizes = [64, 128], strides = [1, 1]} : vector<256x8192xf32> to vector<64x128xf32>
    %sub3A_1977 = arith.subf %add3A_1975, %slice3A_1976 : vector<64x128xf32>
    %swap3A_1978 = arith.constant 128 : index
    %swap3A_1979 = arith.constant 1152 : index
    %swap3A_1980 = vector.load %arg4[%swap3A_1978, %swap3A_1979] : memref<256x8192xf32, #tpu.memory_space<vmem>>, vector<64x128xf32>
    tpu.vector_store %arg4[%swap3A_1978, %swap3A_1979], %sub3A_1977 {strides = array<i32>} : memref<256x8192xf32, #tpu.memory_space<vmem>>, vector<64x128xf32>,
    %lt3A_1981 = arith.cmpf olt, %sub3A_1977, %select_n3A_1971 : vector<64x128xf32>
    %broadcast_in_dim3A_1982 = arith.constant 9 : i32
    %broadcast_in_dim3A_1983 = vector.broadcast %broadcast_in_dim3A_1982 : i32 to vector<64x128xi32>
    %select_n3A_1984 = arith.select %lt3A_1981, %broadcast_in_dim3A_1983, %select_n3A_1970 : vector<64x128xi1>, vector<64x128xi32>
    %select_n3A_1985 = arith.select %lt3A_1981, %sub3A_1977, %select_n3A_1971 : vector<64x128xi1>, vector<64x128xf32>
    %slice3A_1986 = vector.extract_strided_slice %get3A_9 {offsets = [0, 1280], sizes = [1, 128], strides = [1, 1]} : vector<1x8192xf32> to vector<1x128xf32>
    %add3A_1987 = vector.broadcast %slice3A_1841 : vector<64x1xf32> to vector<64x128xf32>
    %add3A_1988 = vector.broadcast %slice3A_1986 : vector<1x128xf32> to vector<64x128xf32>
    %add3A_1989 = arith.addf %add3A_1987, %add3A_1988 : vector<64x128xf32>
    %slice3A_1990 = vector.extract_strided_slice %dot_general3A_5 {offsets = [128, 1280], sizes = [64, 128], strides = [1, 1]} : vector<256x8192xf32> to vector<64x128xf32>
    %sub3A_1991 = arith.subf %add3A_1989, %slice3A_1990 : vector<64x128xf32>
    %swap3A_1992 = arith.constant 128 : index
    %swap3A_1993 = arith.constant 1280 : index
    %swap3A_1994 = vector.load %arg4[%swap3A_1992, %swap3A_1993] : memref<256x8192xf32, #tpu.memory_space<vmem>>, vector<64x128xf32>
    tpu.vector_store %arg4[%swap3A_1992, %swap3A_1993], %sub3A_1991 {strides = array<i32>} : memref<256x8192xf32, #tpu.memory_space<vmem>>, vector<64x128xf32>,
    %lt3A_1995 = arith.cmpf olt, %sub3A_1991, %select_n3A_1985 : vector<64x128xf32>
    %broadcast_in_dim3A_1996 = arith.constant 10 : i32
    %broadcast_in_dim3A_1997 = vector.broadcast %broadcast_in_dim3A_1996 : i32 to vector<64x128xi32>
    %select_n3A_1998 = arith.select %lt3A_1995, %broadcast_in_dim3A_1997, %select_n3A_1984 : vector<64x128xi1>, vector<64x128xi32>
    %select_n3A_1999 = arith.select %lt3A_1995, %sub3A_1991, %select_n3A_1985 : vector<64x128xi1>, vector<64x128xf32>
    %slice3A_2000 = vector.extract_strided_slice %get3A_9 {offsets = [0, 1408], sizes = [1, 128], strides = [1, 1]} : vector<1x8192xf32> to vector<1x128xf32>
    %add3A_2001 = vector.broadcast %slice3A_1841 : vector<64x1xf32> to vector<64x128xf32>
    %add3A_2002 = vector.broadcast %slice3A_2000 : vector<1x128xf32> to vector<64x128xf32>
    %add3A_2003 = arith.addf %add3A_2001, %add3A_2002 : vector<64x128xf32>
    %slice3A_2004 = vector.extract_strided_slice %dot_general3A_5 {offsets = [128, 1408], sizes = [64, 128], strides = [1, 1]} : vector<256x8192xf32> to vector<64x128xf32>
    %sub3A_2005 = arith.subf %add3A_2003, %slice3A_2004 : vector<64x128xf32>
    %swap3A_2006 = arith.constant 128 : index
    %swap3A_2007 = arith.constant 1408 : index
    %swap3A_2008 = vector.load %arg4[%swap3A_2006, %swap3A_2007] : memref<256x8192xf32, #tpu.memory_space<vmem>>, vector<64x128xf32>
    tpu.vector_store %arg4[%swap3A_2006, %swap3A_2007], %sub3A_2005 {strides = array<i32>} : memref<256x8192xf32, #tpu.memory_space<vmem>>, vector<64x128xf32>,
    %lt3A_2009 = arith.cmpf olt, %sub3A_2005, %select_n3A_1999 : vector<64x128xf32>
    %broadcast_in_dim3A_2010 = arith.constant 11 : i32
    %broadcast_in_dim3A_2011 = vector.broadcast %broadcast_in_dim3A_2010 : i32 to vector<64x128xi32>
    %select_n3A_2012 = arith.select %lt3A_2009, %broadcast_in_dim3A_2011, %select_n3A_1998 : vector<64x128xi1>, vector<64x128xi32>
    %select_n3A_2013 = arith.select %lt3A_2009, %sub3A_2005, %select_n3A_1999 : vector<64x128xi1>, vector<64x128xf32>
    %slice3A_2014 = vector.extract_strided_slice %get3A_9 {offsets = [0, 1536], sizes = [1, 128], strides = [1, 1]} : vector<1x8192xf32> to vector<1x128xf32>
    %add3A_2015 = vector.broadcast %slice3A_1841 : vector<64x1xf32> to vector<64x128xf32>
    %add3A_2016 = vector.broadcast %slice3A_2014 : vector<1x128xf32> to vector<64x128xf32>
    %add3A_2017 = arith.addf %add3A_2015, %add3A_2016 : vector<64x128xf32>
    %slice3A_2018 = vector.extract_strided_slice %dot_general3A_5 {offsets = [128, 1536], sizes = [64, 128], strides = [1, 1]} : vector<256x8192xf32> to vector<64x128xf32>
    %sub3A_2019 = arith.subf %add3A_2017, %slice3A_2018 : vector<64x128xf32>
    %swap3A_2020 = arith.constant 128 : index
    %swap3A_2021 = arith.constant 1536 : index
    %swap3A_2022 = vector.load %arg4[%swap3A_2020, %swap3A_2021] : memref<256x8192xf32, #tpu.memory_space<vmem>>, vector<64x128xf32>
    tpu.vector_store %arg4[%swap3A_2020, %swap3A_2021], %sub3A_2019 {strides = array<i32>} : memref<256x8192xf32, #tpu.memory_space<vmem>>, vector<64x128xf32>,
    %lt3A_2023 = arith.cmpf olt, %sub3A_2019, %select_n3A_2013 : vector<64x128xf32>
    %broadcast_in_dim3A_2024 = arith.constant 12 : i32
    %broadcast_in_dim3A_2025 = vector.broadcast %broadcast_in_dim3A_2024 : i32 to vector<64x128xi32>
    %select_n3A_2026 = arith.select %lt3A_2023, %broadcast_in_dim3A_2025, %select_n3A_2012 : vector<64x128xi1>, vector<64x128xi32>
    %select_n3A_2027 = arith.select %lt3A_2023, %sub3A_2019, %select_n3A_2013 : vector<64x128xi1>, vector<64x128xf32>
    %slice3A_2028 = vector.extract_strided_slice %get3A_9 {offsets = [0, 1664], sizes = [1, 128], strides = [1, 1]} : vector<1x8192xf32> to vector<1x128xf32>
    %add3A_2029 = vector.broadcast %slice3A_1841 : vector<64x1xf32> to vector<64x128xf32>
    %add3A_2030 = vector.broadcast %slice3A_2028 : vector<1x128xf32> to vector<64x128xf32>
    %add3A_2031 = arith.addf %add3A_2029, %add3A_2030 : vector<64x128xf32>
    %slice3A_2032 = vector.extract_strided_slice %dot_general3A_5 {offsets = [128, 1664], sizes = [64, 128], strides = [1, 1]} : vector<256x8192xf32> to vector<64x128xf32>
    %sub3A_2033 = arith.subf %add3A_2031, %slice3A_2032 : vector<64x128xf32>
    %swap3A_2034 = arith.constant 128 : index
    %swap3A_2035 = arith.constant 1664 : index
    %swap3A_2036 = vector.load %arg4[%swap3A_2034, %swap3A_2035] : memref<256x8192xf32, #tpu.memory_space<vmem>>, vector<64x128xf32>
    tpu.vector_store %arg4[%swap3A_2034, %swap3A_2035], %sub3A_2033 {strides = array<i32>} : memref<256x8192xf32, #tpu.memory_space<vmem>>, vector<64x128xf32>,
    %lt3A_2037 = arith.cmpf olt, %sub3A_2033, %select_n3A_2027 : vector<64x128xf32>
    %broadcast_in_dim3A_2038 = arith.constant 13 : i32
    %broadcast_in_dim3A_2039 = vector.broadcast %broadcast_in_dim3A_2038 : i32 to vector<64x128xi32>
    %select_n3A_2040 = arith.select %lt3A_2037, %broadcast_in_dim3A_2039, %select_n3A_2026 : vector<64x128xi1>, vector<64x128xi32>
    %select_n3A_2041 = arith.select %lt3A_2037, %sub3A_2033, %select_n3A_2027 : vector<64x128xi1>, vector<64x128xf32>
    %slice3A_2042 = vector.extract_strided_slice %get3A_9 {offsets = [0, 1792], sizes = [1, 128], strides = [1, 1]} : vector<1x8192xf32> to vector<1x128xf32>
    %add3A_2043 = vector.broadcast %slice3A_1841 : vector<64x1xf32> to vector<64x128xf32>
    %add3A_2044 = vector.broadcast %slice3A_2042 : vector<1x128xf32> to vector<64x128xf32>
    %add3A_2045 = arith.addf %add3A_2043, %add3A_2044 : vector<64x128xf32>
    %slice3A_2046 = vector.extract_strided_slice %dot_general3A_5 {offsets = [128, 1792], sizes = [64, 128], strides = [1, 1]} : vector<256x8192xf32> to vector<64x128xf32>
    %sub3A_2047 = arith.subf %add3A_2045, %slice3A_2046 : vector<64x128xf32>
    %swap3A_2048 = arith.constant 128 : index
    %swap3A_2049 = arith.constant 1792 : index
    %swap3A_2050 = vector.load %arg4[%swap3A_2048, %swap3A_2049] : memref<256x8192xf32, #tpu.memory_space<vmem>>, vector<64x128xf32>
    tpu.vector_store %arg4[%swap3A_2048, %swap3A_2049], %sub3A_2047 {strides = array<i32>} : memref<256x8192xf32, #tpu.memory_space<vmem>>, vector<64x128xf32>,
    %lt3A_2051 = arith.cmpf olt, %sub3A_2047, %select_n3A_2041 : vector<64x128xf32>
    %broadcast_in_dim3A_2052 = arith.constant 14 : i32
    %broadcast_in_dim3A_2053 = vector.broadcast %broadcast_in_dim3A_2052 : i32 to vector<64x128xi32>
    %select_n3A_2054 = arith.select %lt3A_2051, %broadcast_in_dim3A_2053, %select_n3A_2040 : vector<64x128xi1>, vector<64x128xi32>
    %select_n3A_2055 = arith.select %lt3A_2051, %sub3A_2047, %select_n3A_2041 : vector<64x128xi1>, vector<64x128xf32>
    %slice3A_2056 = vector.extract_strided_slice %get3A_9 {offsets = [0, 1920], sizes = [1, 128], strides = [1, 1]} : vector<1x8192xf32> to vector<1x128xf32>
    %add3A_2057 = vector.broadcast %slice3A_1841 : vector<64x1xf32> to vector<64x128xf32>
    %add3A_2058 = vector.broadcast %slice3A_2056 : vector<1x128xf32> to vector<64x128xf32>
    %add3A_2059 = arith.addf %add3A_2057, %add3A_2058 : vector<64x128xf32>
    %slice3A_2060 = vector.extract_strided_slice %dot_general3A_5 {offsets = [128, 1920], sizes = [64, 128], strides = [1, 1]} : vector<256x8192xf32> to vector<64x128xf32>
    %sub3A_2061 = arith.subf %add3A_2059, %slice3A_2060 : vector<64x128xf32>
    %swap3A_2062 = arith.constant 128 : index
    %swap3A_2063 = arith.constant 1920 : index
    %swap3A_2064 = vector.load %arg4[%swap3A_2062, %swap3A_2063] : memref<256x8192xf32, #tpu.memory_space<vmem>>, vector<64x128xf32>
    tpu.vector_store %arg4[%swap3A_2062, %swap3A_2063], %sub3A_2061 {strides = array<i32>} : memref<256x8192xf32, #tpu.memory_space<vmem>>, vector<64x128xf32>,
    %lt3A_2065 = arith.cmpf olt, %sub3A_2061, %select_n3A_2055 : vector<64x128xf32>
    %broadcast_in_dim3A_2066 = arith.constant 15 : i32
    %broadcast_in_dim3A_2067 = vector.broadcast %broadcast_in_dim3A_2066 : i32 to vector<64x128xi32>
    %select_n3A_2068 = arith.select %lt3A_2065, %broadcast_in_dim3A_2067, %select_n3A_2054 : vector<64x128xi1>, vector<64x128xi32>
    %select_n3A_2069 = arith.select %lt3A_2065, %sub3A_2061, %select_n3A_2055 : vector<64x128xi1>, vector<64x128xf32>
    %slice3A_2070 = vector.extract_strided_slice %get3A_9 {offsets = [0, 2048], sizes = [1, 128], strides = [1, 1]} : vector<1x8192xf32> to vector<1x128xf32>
    %add3A_2071 = vector.broadcast %slice3A_1841 : vector<64x1xf32> to vector<64x128xf32>
    %add3A_2072 = vector.broadcast %slice3A_2070 : vector<1x128xf32> to vector<64x128xf32>
    %add3A_2073 = arith.addf %add3A_2071, %add3A_2072 : vector<64x128xf32>
    %slice3A_2074 = vector.extract_strided_slice %dot_general3A_5 {offsets = [128, 2048], sizes = [64, 128], strides = [1, 1]} : vector<256x8192xf32> to vector<64x128xf32>
    %sub3A_2075 = arith.subf %add3A_2073, %slice3A_2074 : vector<64x128xf32>
    %swap3A_2076 = arith.constant 128 : index
    %swap3A_2077 = arith.constant 2048 : index
    %swap3A_2078 = vector.load %arg4[%swap3A_2076, %swap3A_2077] : memref<256x8192xf32, #tpu.memory_space<vmem>>, vector<64x128xf32>
    tpu.vector_store %arg4[%swap3A_2076, %swap3A_2077], %sub3A_2075 {strides = array<i32>} : memref<256x8192xf32, #tpu.memory_space<vmem>>, vector<64x128xf32>,
    %lt3A_2079 = arith.cmpf olt, %sub3A_2075, %select_n3A_2069 : vector<64x128xf32>
    %broadcast_in_dim3A_2080 = arith.constant 16 : i32
    %broadcast_in_dim3A_2081 = vector.broadcast %broadcast_in_dim3A_2080 : i32 to vector<64x128xi32>
    %select_n3A_2082 = arith.select %lt3A_2079, %broadcast_in_dim3A_2081, %select_n3A_2068 : vector<64x128xi1>, vector<64x128xi32>
    %select_n3A_2083 = arith.select %lt3A_2079, %sub3A_2075, %select_n3A_2069 : vector<64x128xi1>, vector<64x128xf32>
    %slice3A_2084 = vector.extract_strided_slice %get3A_9 {offsets = [0, 2176], sizes = [1, 128], strides = [1, 1]} : vector<1x8192xf32> to vector<1x128xf32>
    %add3A_2085 = vector.broadcast %slice3A_1841 : vector<64x1xf32> to vector<64x128xf32>
    %add3A_2086 = vector.broadcast %slice3A_2084 : vector<1x128xf32> to vector<64x128xf32>
    %add3A_2087 = arith.addf %add3A_2085, %add3A_2086 : vector<64x128xf32>
    %slice3A_2088 = vector.extract_strided_slice %dot_general3A_5 {offsets = [128, 2176], sizes = [64, 128], strides = [1, 1]} : vector<256x8192xf32> to vector<64x128xf32>
    %sub3A_2089 = arith.subf %add3A_2087, %slice3A_2088 : vector<64x128xf32>
    %swap3A_2090 = arith.constant 128 : index
    %swap3A_2091 = arith.constant 2176 : index
    %swap3A_2092 = vector.load %arg4[%swap3A_2090, %swap3A_2091] : memref<256x8192xf32, #tpu.memory_space<vmem>>, vector<64x128xf32>
    tpu.vector_store %arg4[%swap3A_2090, %swap3A_2091], %sub3A_2089 {strides = array<i32>} : memref<256x8192xf32, #tpu.memory_space<vmem>>, vector<64x128xf32>,
    %lt3A_2093 = arith.cmpf olt, %sub3A_2089, %select_n3A_2083 : vector<64x128xf32>
    %broadcast_in_dim3A_2094 = arith.constant 17 : i32
    %broadcast_in_dim3A_2095 = vector.broadcast %broadcast_in_dim3A_2094 : i32 to vector<64x128xi32>
    %select_n3A_2096 = arith.select %lt3A_2093, %broadcast_in_dim3A_2095, %select_n3A_2082 : vector<64x128xi1>, vector<64x128xi32>
    %select_n3A_2097 = arith.select %lt3A_2093, %sub3A_2089, %select_n3A_2083 : vector<64x128xi1>, vector<64x128xf32>
    %slice3A_2098 = vector.extract_strided_slice %get3A_9 {offsets = [0, 2304], sizes = [1, 128], strides = [1, 1]} : vector<1x8192xf32> to vector<1x128xf32>
    %add3A_2099 = vector.broadcast %slice3A_1841 : vector<64x1xf32> to vector<64x128xf32>
    %add3A_2100 = vector.broadcast %slice3A_2098 : vector<1x128xf32> to vector<64x128xf32>
    %add3A_2101 = arith.addf %add3A_2099, %add3A_2100 : vector<64x128xf32>
    %slice3A_2102 = vector.extract_strided_slice %dot_general3A_5 {offsets = [128, 2304], sizes = [64, 128], strides = [1, 1]} : vector<256x8192xf32> to vector<64x128xf32>
    %sub3A_2103 = arith.subf %add3A_2101, %slice3A_2102 : vector<64x128xf32>
    %swap3A_2104 = arith.constant 128 : index
    %swap3A_2105 = arith.constant 2304 : index
    %swap3A_2106 = vector.load %arg4[%swap3A_2104, %swap3A_2105] : memref<256x8192xf32, #tpu.memory_space<vmem>>, vector<64x128xf32>
    tpu.vector_store %arg4[%swap3A_2104, %swap3A_2105], %sub3A_2103 {strides = array<i32>} : memref<256x8192xf32, #tpu.memory_space<vmem>>, vector<64x128xf32>,
    %lt3A_2107 = arith.cmpf olt, %sub3A_2103, %select_n3A_2097 : vector<64x128xf32>
    %broadcast_in_dim3A_2108 = arith.constant 18 : i32
    %broadcast_in_dim3A_2109 = vector.broadcast %broadcast_in_dim3A_2108 : i32 to vector<64x128xi32>
    %select_n3A_2110 = arith.select %lt3A_2107, %broadcast_in_dim3A_2109, %select_n3A_2096 : vector<64x128xi1>, vector<64x128xi32>
    %select_n3A_2111 = arith.select %lt3A_2107, %sub3A_2103, %select_n3A_2097 : vector<64x128xi1>, vector<64x128xf32>
    %slice3A_2112 = vector.extract_strided_slice %get3A_9 {offsets = [0, 2432], sizes = [1, 128], strides = [1, 1]} : vector<1x8192xf32> to vector<1x128xf32>
    %add3A_2113 = vector.broadcast %slice3A_1841 : vector<64x1xf32> to vector<64x128xf32>
    %add3A_2114 = vector.broadcast %slice3A_2112 : vector<1x128xf32> to vector<64x128xf32>
    %add3A_2115 = arith.addf %add3A_2113, %add3A_2114 : vector<64x128xf32>
    %slice3A_2116 = vector.extract_strided_slice %dot_general3A_5 {offsets = [128, 2432], sizes = [64, 128], strides = [1, 1]} : vector<256x8192xf32> to vector<64x128xf32>
    %sub3A_2117 = arith.subf %add3A_2115, %slice3A_2116 : vector<64x128xf32>
    %swap3A_2118 = arith.constant 128 : index
    %swap3A_2119 = arith.constant 2432 : index
    %swap3A_2120 = vector.load %arg4[%swap3A_2118, %swap3A_2119] : memref<256x8192xf32, #tpu.memory_space<vmem>>, vector<64x128xf32>
    tpu.vector_store %arg4[%swap3A_2118, %swap3A_2119], %sub3A_2117 {strides = array<i32>} : memref<256x8192xf32, #tpu.memory_space<vmem>>, vector<64x128xf32>,
    %lt3A_2121 = arith.cmpf olt, %sub3A_2117, %select_n3A_2111 : vector<64x128xf32>
    %broadcast_in_dim3A_2122 = arith.constant 19 : i32
    %broadcast_in_dim3A_2123 = vector.broadcast %broadcast_in_dim3A_2122 : i32 to vector<64x128xi32>
    %select_n3A_2124 = arith.select %lt3A_2121, %broadcast_in_dim3A_2123, %select_n3A_2110 : vector<64x128xi1>, vector<64x128xi32>
    %select_n3A_2125 = arith.select %lt3A_2121, %sub3A_2117, %select_n3A_2111 : vector<64x128xi1>, vector<64x128xf32>
    %slice3A_2126 = vector.extract_strided_slice %get3A_9 {offsets = [0, 2560], sizes = [1, 128], strides = [1, 1]} : vector<1x8192xf32> to vector<1x128xf32>
    %add3A_2127 = vector.broadcast %slice3A_1841 : vector<64x1xf32> to vector<64x128xf32>
    %add3A_2128 = vector.broadcast %slice3A_2126 : vector<1x128xf32> to vector<64x128xf32>
    %add3A_2129 = arith.addf %add3A_2127, %add3A_2128 : vector<64x128xf32>
    %slice3A_2130 = vector.extract_strided_slice %dot_general3A_5 {offsets = [128, 2560], sizes = [64, 128], strides = [1, 1]} : vector<256x8192xf32> to vector<64x128xf32>
    %sub3A_2131 = arith.subf %add3A_2129, %slice3A_2130 : vector<64x128xf32>
    %swap3A_2132 = arith.constant 128 : index
    %swap3A_2133 = arith.constant 2560 : index
    %swap3A_2134 = vector.load %arg4[%swap3A_2132, %swap3A_2133] : memref<256x8192xf32, #tpu.memory_space<vmem>>, vector<64x128xf32>
    tpu.vector_store %arg4[%swap3A_2132, %swap3A_2133], %sub3A_2131 {strides = array<i32>} : memref<256x8192xf32, #tpu.memory_space<vmem>>, vector<64x128xf32>,
    %lt3A_2135 = arith.cmpf olt, %sub3A_2131, %select_n3A_2125 : vector<64x128xf32>
    %broadcast_in_dim3A_2136 = arith.constant 20 : i32
    %broadcast_in_dim3A_2137 = vector.broadcast %broadcast_in_dim3A_2136 : i32 to vector<64x128xi32>
    %select_n3A_2138 = arith.select %lt3A_2135, %broadcast_in_dim3A_2137, %select_n3A_2124 : vector<64x128xi1>, vector<64x128xi32>
    %select_n3A_2139 = arith.select %lt3A_2135, %sub3A_2131, %select_n3A_2125 : vector<64x128xi1>, vector<64x128xf32>
    %slice3A_2140 = vector.extract_strided_slice %get3A_9 {offsets = [0, 2688], sizes = [1, 128], strides = [1, 1]} : vector<1x8192xf32> to vector<1x128xf32>
    %add3A_2141 = vector.broadcast %slice3A_1841 : vector<64x1xf32> to vector<64x128xf32>
    %add3A_2142 = vector.broadcast %slice3A_2140 : vector<1x128xf32> to vector<64x128xf32>
    %add3A_2143 = arith.addf %add3A_2141, %add3A_2142 : vector<64x128xf32>
    %slice3A_2144 = vector.extract_strided_slice %dot_general3A_5 {offsets = [128, 2688], sizes = [64, 128], strides = [1, 1]} : vector<256x8192xf32> to vector<64x128xf32>
    %sub3A_2145 = arith.subf %add3A_2143, %slice3A_2144 : vector<64x128xf32>
    %swap3A_2146 = arith.constant 128 : index
    %swap3A_2147 = arith.constant 2688 : index
    %swap3A_2148 = vector.load %arg4[%swap3A_2146, %swap3A_2147] : memref<256x8192xf32, #tpu.memory_space<vmem>>, vector<64x128xf32>
    tpu.vector_store %arg4[%swap3A_2146, %swap3A_2147], %sub3A_2145 {strides = array<i32>} : memref<256x8192xf32, #tpu.memory_space<vmem>>, vector<64x128xf32>,
    %lt3A_2149 = arith.cmpf olt, %sub3A_2145, %select_n3A_2139 : vector<64x128xf32>
    %broadcast_in_dim3A_2150 = arith.constant 21 : i32
    %broadcast_in_dim3A_2151 = vector.broadcast %broadcast_in_dim3A_2150 : i32 to vector<64x128xi32>
    %select_n3A_2152 = arith.select %lt3A_2149, %broadcast_in_dim3A_2151, %select_n3A_2138 : vector<64x128xi1>, vector<64x128xi32>
    %select_n3A_2153 = arith.select %lt3A_2149, %sub3A_2145, %select_n3A_2139 : vector<64x128xi1>, vector<64x128xf32>
    %slice3A_2154 = vector.extract_strided_slice %get3A_9 {offsets = [0, 2816], sizes = [1, 128], strides = [1, 1]} : vector<1x8192xf32> to vector<1x128xf32>
    %add3A_2155 = vector.broadcast %slice3A_1841 : vector<64x1xf32> to vector<64x128xf32>
    %add3A_2156 = vector.broadcast %slice3A_2154 : vector<1x128xf32> to vector<64x128xf32>
    %add3A_2157 = arith.addf %add3A_2155, %add3A_2156 : vector<64x128xf32>
    %slice3A_2158 = vector.extract_strided_slice %dot_general3A_5 {offsets = [128, 2816], sizes = [64, 128], strides = [1, 1]} : vector<256x8192xf32> to vector<64x128xf32>
    %sub3A_2159 = arith.subf %add3A_2157, %slice3A_2158 : vector<64x128xf32>
    %swap3A_2160 = arith.constant 128 : index
    %swap3A_2161 = arith.constant 2816 : index
    %swap3A_2162 = vector.load %arg4[%swap3A_2160, %swap3A_2161] : memref<256x8192xf32, #tpu.memory_space<vmem>>, vector<64x128xf32>
    tpu.vector_store %arg4[%swap3A_2160, %swap3A_2161], %sub3A_2159 {strides = array<i32>} : memref<256x8192xf32, #tpu.memory_space<vmem>>, vector<64x128xf32>,
    %lt3A_2163 = arith.cmpf olt, %sub3A_2159, %select_n3A_2153 : vector<64x128xf32>
    %broadcast_in_dim3A_2164 = arith.constant 22 : i32
    %broadcast_in_dim3A_2165 = vector.broadcast %broadcast_in_dim3A_2164 : i32 to vector<64x128xi32>
    %select_n3A_2166 = arith.select %lt3A_2163, %broadcast_in_dim3A_2165, %select_n3A_2152 : vector<64x128xi1>, vector<64x128xi32>
    %select_n3A_2167 = arith.select %lt3A_2163, %sub3A_2159, %select_n3A_2153 : vector<64x128xi1>, vector<64x128xf32>
    %slice3A_2168 = vector.extract_strided_slice %get3A_9 {offsets = [0, 2944], sizes = [1, 128], strides = [1, 1]} : vector<1x8192xf32> to vector<1x128xf32>
    %add3A_2169 = vector.broadcast %slice3A_1841 : vector<64x1xf32> to vector<64x128xf32>
    %add3A_2170 = vector.broadcast %slice3A_2168 : vector<1x128xf32> to vector<64x128xf32>
    %add3A_2171 = arith.addf %add3A_2169, %add3A_2170 : vector<64x128xf32>
    %slice3A_2172 = vector.extract_strided_slice %dot_general3A_5 {offsets = [128, 2944], sizes = [64, 128], strides = [1, 1]} : vector<256x8192xf32> to vector<64x128xf32>
    %sub3A_2173 = arith.subf %add3A_2171, %slice3A_2172 : vector<64x128xf32>
    %swap3A_2174 = arith.constant 128 : index
    %swap3A_2175 = arith.constant 2944 : index
    %swap3A_2176 = vector.load %arg4[%swap3A_2174, %swap3A_2175] : memref<256x8192xf32, #tpu.memory_space<vmem>>, vector<64x128xf32>
    tpu.vector_store %arg4[%swap3A_2174, %swap3A_2175], %sub3A_2173 {strides = array<i32>} : memref<256x8192xf32, #tpu.memory_space<vmem>>, vector<64x128xf32>,
    %lt3A_2177 = arith.cmpf olt, %sub3A_2173, %select_n3A_2167 : vector<64x128xf32>
    %broadcast_in_dim3A_2178 = arith.constant 23 : i32
    %broadcast_in_dim3A_2179 = vector.broadcast %broadcast_in_dim3A_2178 : i32 to vector<64x128xi32>
    %select_n3A_2180 = arith.select %lt3A_2177, %broadcast_in_dim3A_2179, %select_n3A_2166 : vector<64x128xi1>, vector<64x128xi32>
    %select_n3A_2181 = arith.select %lt3A_2177, %sub3A_2173, %select_n3A_2167 : vector<64x128xi1>, vector<64x128xf32>
    %slice3A_2182 = vector.extract_strided_slice %get3A_9 {offsets = [0, 3072], sizes = [1, 128], strides = [1, 1]} : vector<1x8192xf32> to vector<1x128xf32>
    %add3A_2183 = vector.broadcast %slice3A_1841 : vector<64x1xf32> to vector<64x128xf32>
    %add3A_2184 = vector.broadcast %slice3A_2182 : vector<1x128xf32> to vector<64x128xf32>
    %add3A_2185 = arith.addf %add3A_2183, %add3A_2184 : vector<64x128xf32>
    %slice3A_2186 = vector.extract_strided_slice %dot_general3A_5 {offsets = [128, 3072], sizes = [64, 128], strides = [1, 1]} : vector<256x8192xf32> to vector<64x128xf32>
    %sub3A_2187 = arith.subf %add3A_2185, %slice3A_2186 : vector<64x128xf32>
    %swap3A_2188 = arith.constant 128 : index
    %swap3A_2189 = arith.constant 3072 : index
    %swap3A_2190 = vector.load %arg4[%swap3A_2188, %swap3A_2189] : memref<256x8192xf32, #tpu.memory_space<vmem>>, vector<64x128xf32>
    tpu.vector_store %arg4[%swap3A_2188, %swap3A_2189], %sub3A_2187 {strides = array<i32>} : memref<256x8192xf32, #tpu.memory_space<vmem>>, vector<64x128xf32>,
    %lt3A_2191 = arith.cmpf olt, %sub3A_2187, %select_n3A_2181 : vector<64x128xf32>
    %broadcast_in_dim3A_2192 = arith.constant 24 : i32
    %broadcast_in_dim3A_2193 = vector.broadcast %broadcast_in_dim3A_2192 : i32 to vector<64x128xi32>
    %select_n3A_2194 = arith.select %lt3A_2191, %broadcast_in_dim3A_2193, %select_n3A_2180 : vector<64x128xi1>, vector<64x128xi32>
    %select_n3A_2195 = arith.select %lt3A_2191, %sub3A_2187, %select_n3A_2181 : vector<64x128xi1>, vector<64x128xf32>
    %slice3A_2196 = vector.extract_strided_slice %get3A_9 {offsets = [0, 3200], sizes = [1, 128], strides = [1, 1]} : vector<1x8192xf32> to vector<1x128xf32>
    %add3A_2197 = vector.broadcast %slice3A_1841 : vector<64x1xf32> to vector<64x128xf32>
    %add3A_2198 = vector.broadcast %slice3A_2196 : vector<1x128xf32> to vector<64x128xf32>
    %add3A_2199 = arith.addf %add3A_2197, %add3A_2198 : vector<64x128xf32>
    %slice3A_2200 = vector.extract_strided_slice %dot_general3A_5 {offsets = [128, 3200], sizes = [64, 128], strides = [1, 1]} : vector<256x8192xf32> to vector<64x128xf32>
    %sub3A_2201 = arith.subf %add3A_2199, %slice3A_2200 : vector<64x128xf32>
    %swap3A_2202 = arith.constant 128 : index
    %swap3A_2203 = arith.constant 3200 : index
    %swap3A_2204 = vector.load %arg4[%swap3A_2202, %swap3A_2203] : memref<256x8192xf32, #tpu.memory_space<vmem>>, vector<64x128xf32>
    tpu.vector_store %arg4[%swap3A_2202, %swap3A_2203], %sub3A_2201 {strides = array<i32>} : memref<256x8192xf32, #tpu.memory_space<vmem>>, vector<64x128xf32>,
    %lt3A_2205 = arith.cmpf olt, %sub3A_2201, %select_n3A_2195 : vector<64x128xf32>
    %broadcast_in_dim3A_2206 = arith.constant 25 : i32
    %broadcast_in_dim3A_2207 = vector.broadcast %broadcast_in_dim3A_2206 : i32 to vector<64x128xi32>
    %select_n3A_2208 = arith.select %lt3A_2205, %broadcast_in_dim3A_2207, %select_n3A_2194 : vector<64x128xi1>, vector<64x128xi32>
    %select_n3A_2209 = arith.select %lt3A_2205, %sub3A_2201, %select_n3A_2195 : vector<64x128xi1>, vector<64x128xf32>
    %slice3A_2210 = vector.extract_strided_slice %get3A_9 {offsets = [0, 3328], sizes = [1, 128], strides = [1, 1]} : vector<1x8192xf32> to vector<1x128xf32>
    %add3A_2211 = vector.broadcast %slice3A_1841 : vector<64x1xf32> to vector<64x128xf32>
    %add3A_2212 = vector.broadcast %slice3A_2210 : vector<1x128xf32> to vector<64x128xf32>
    %add3A_2213 = arith.addf %add3A_2211, %add3A_2212 : vector<64x128xf32>
    %slice3A_2214 = vector.extract_strided_slice %dot_general3A_5 {offsets = [128, 3328], sizes = [64, 128], strides = [1, 1]} : vector<256x8192xf32> to vector<64x128xf32>
    %sub3A_2215 = arith.subf %add3A_2213, %slice3A_2214 : vector<64x128xf32>
    %swap3A_2216 = arith.constant 128 : index
    %swap3A_2217 = arith.constant 3328 : index
    %swap3A_2218 = vector.load %arg4[%swap3A_2216, %swap3A_2217] : memref<256x8192xf32, #tpu.memory_space<vmem>>, vector<64x128xf32>
    tpu.vector_store %arg4[%swap3A_2216, %swap3A_2217], %sub3A_2215 {strides = array<i32>} : memref<256x8192xf32, #tpu.memory_space<vmem>>, vector<64x128xf32>,
    %lt3A_2219 = arith.cmpf olt, %sub3A_2215, %select_n3A_2209 : vector<64x128xf32>
    %broadcast_in_dim3A_2220 = arith.constant 26 : i32
    %broadcast_in_dim3A_2221 = vector.broadcast %broadcast_in_dim3A_2220 : i32 to vector<64x128xi32>
    %select_n3A_2222 = arith.select %lt3A_2219, %broadcast_in_dim3A_2221, %select_n3A_2208 : vector<64x128xi1>, vector<64x128xi32>
    %select_n3A_2223 = arith.select %lt3A_2219, %sub3A_2215, %select_n3A_2209 : vector<64x128xi1>, vector<64x128xf32>
    %slice3A_2224 = vector.extract_strided_slice %get3A_9 {offsets = [0, 3456], sizes = [1, 128], strides = [1, 1]} : vector<1x8192xf32> to vector<1x128xf32>
    %add3A_2225 = vector.broadcast %slice3A_1841 : vector<64x1xf32> to vector<64x128xf32>
    %add3A_2226 = vector.broadcast %slice3A_2224 : vector<1x128xf32> to vector<64x128xf32>
    %add3A_2227 = arith.addf %add3A_2225, %add3A_2226 : vector<64x128xf32>
    %slice3A_2228 = vector.extract_strided_slice %dot_general3A_5 {offsets = [128, 3456], sizes = [64, 128], strides = [1, 1]} : vector<256x8192xf32> to vector<64x128xf32>
    %sub3A_2229 = arith.subf %add3A_2227, %slice3A_2228 : vector<64x128xf32>
    %swap3A_2230 = arith.constant 128 : index
    %swap3A_2231 = arith.constant 3456 : index
    %swap3A_2232 = vector.load %arg4[%swap3A_2230, %swap3A_2231] : memref<256x8192xf32, #tpu.memory_space<vmem>>, vector<64x128xf32>
    tpu.vector_store %arg4[%swap3A_2230, %swap3A_2231], %sub3A_2229 {strides = array<i32>} : memref<256x8192xf32, #tpu.memory_space<vmem>>, vector<64x128xf32>,
    %lt3A_2233 = arith.cmpf olt, %sub3A_2229, %select_n3A_2223 : vector<64x128xf32>
    %broadcast_in_dim3A_2234 = arith.constant 27 : i32
    %broadcast_in_dim3A_2235 = vector.broadcast %broadcast_in_dim3A_2234 : i32 to vector<64x128xi32>
    %select_n3A_2236 = arith.select %lt3A_2233, %broadcast_in_dim3A_2235, %select_n3A_2222 : vector<64x128xi1>, vector<64x128xi32>
    %select_n3A_2237 = arith.select %lt3A_2233, %sub3A_2229, %select_n3A_2223 : vector<64x128xi1>, vector<64x128xf32>
    %slice3A_2238 = vector.extract_strided_slice %get3A_9 {offsets = [0, 3584], sizes = [1, 128], strides = [1, 1]} : vector<1x8192xf32> to vector<1x128xf32>
    %add3A_2239 = vector.broadcast %slice3A_1841 : vector<64x1xf32> to vector<64x128xf32>
    %add3A_2240 = vector.broadcast %slice3A_2238 : vector<1x128xf32> to vector<64x128xf32>
    %add3A_2241 = arith.addf %add3A_2239, %add3A_2240 : vector<64x128xf32>
    %slice3A_2242 = vector.extract_strided_slice %dot_general3A_5 {offsets = [128, 3584], sizes = [64, 128], strides = [1, 1]} : vector<256x8192xf32> to vector<64x128xf32>
    %sub3A_2243 = arith.subf %add3A_2241, %slice3A_2242 : vector<64x128xf32>
    %swap3A_2244 = arith.constant 128 : index
    %swap3A_2245 = arith.constant 3584 : index
    %swap3A_2246 = vector.load %arg4[%swap3A_2244, %swap3A_2245] : memref<256x8192xf32, #tpu.memory_space<vmem>>, vector<64x128xf32>
    tpu.vector_store %arg4[%swap3A_2244, %swap3A_2245], %sub3A_2243 {strides = array<i32>} : memref<256x8192xf32, #tpu.memory_space<vmem>>, vector<64x128xf32>,
    %lt3A_2247 = arith.cmpf olt, %sub3A_2243, %select_n3A_2237 : vector<64x128xf32>
    %broadcast_in_dim3A_2248 = arith.constant 28 : i32
    %broadcast_in_dim3A_2249 = vector.broadcast %broadcast_in_dim3A_2248 : i32 to vector<64x128xi32>
    %select_n3A_2250 = arith.select %lt3A_2247, %broadcast_in_dim3A_2249, %select_n3A_2236 : vector<64x128xi1>, vector<64x128xi32>
    %select_n3A_2251 = arith.select %lt3A_2247, %sub3A_2243, %select_n3A_2237 : vector<64x128xi1>, vector<64x128xf32>
    %slice3A_2252 = vector.extract_strided_slice %get3A_9 {offsets = [0, 3712], sizes = [1, 128], strides = [1, 1]} : vector<1x8192xf32> to vector<1x128xf32>
    %add3A_2253 = vector.broadcast %slice3A_1841 : vector<64x1xf32> to vector<64x128xf32>
    %add3A_2254 = vector.broadcast %slice3A_2252 : vector<1x128xf32> to vector<64x128xf32>
    %add3A_2255 = arith.addf %add3A_2253, %add3A_2254 : vector<64x128xf32>
    %slice3A_2256 = vector.extract_strided_slice %dot_general3A_5 {offsets = [128, 3712], sizes = [64, 128], strides = [1, 1]} : vector<256x8192xf32> to vector<64x128xf32>
    %sub3A_2257 = arith.subf %add3A_2255, %slice3A_2256 : vector<64x128xf32>
    %swap3A_2258 = arith.constant 128 : index
    %swap3A_2259 = arith.constant 3712 : index
    %swap3A_2260 = vector.load %arg4[%swap3A_2258, %swap3A_2259] : memref<256x8192xf32, #tpu.memory_space<vmem>>, vector<64x128xf32>
    tpu.vector_store %arg4[%swap3A_2258, %swap3A_2259], %sub3A_2257 {strides = array<i32>} : memref<256x8192xf32, #tpu.memory_space<vmem>>, vector<64x128xf32>,
    %lt3A_2261 = arith.cmpf olt, %sub3A_2257, %select_n3A_2251 : vector<64x128xf32>
    %broadcast_in_dim3A_2262 = arith.constant 29 : i32
    %broadcast_in_dim3A_2263 = vector.broadcast %broadcast_in_dim3A_2262 : i32 to vector<64x128xi32>
    %select_n3A_2264 = arith.select %lt3A_2261, %broadcast_in_dim3A_2263, %select_n3A_2250 : vector<64x128xi1>, vector<64x128xi32>
    %select_n3A_2265 = arith.select %lt3A_2261, %sub3A_2257, %select_n3A_2251 : vector<64x128xi1>, vector<64x128xf32>
    %slice3A_2266 = vector.extract_strided_slice %get3A_9 {offsets = [0, 3840], sizes = [1, 128], strides = [1, 1]} : vector<1x8192xf32> to vector<1x128xf32>
    %add3A_2267 = vector.broadcast %slice3A_1841 : vector<64x1xf32> to vector<64x128xf32>
    %add3A_2268 = vector.broadcast %slice3A_2266 : vector<1x128xf32> to vector<64x128xf32>
    %add3A_2269 = arith.addf %add3A_2267, %add3A_2268 : vector<64x128xf32>
    %slice3A_2270 = vector.extract_strided_slice %dot_general3A_5 {offsets = [128, 3840], sizes = [64, 128], strides = [1, 1]} : vector<256x8192xf32> to vector<64x128xf32>
    %sub3A_2271 = arith.subf %add3A_2269, %slice3A_2270 : vector<64x128xf32>
    %swap3A_2272 = arith.constant 128 : index
    %swap3A_2273 = arith.constant 3840 : index
    %swap3A_2274 = vector.load %arg4[%swap3A_2272, %swap3A_2273] : memref<256x8192xf32, #tpu.memory_space<vmem>>, vector<64x128xf32>
    tpu.vector_store %arg4[%swap3A_2272, %swap3A_2273], %sub3A_2271 {strides = array<i32>} : memref<256x8192xf32, #tpu.memory_space<vmem>>, vector<64x128xf32>,
    %lt3A_2275 = arith.cmpf olt, %sub3A_2271, %select_n3A_2265 : vector<64x128xf32>
    %broadcast_in_dim3A_2276 = arith.constant 30 : i32
    %broadcast_in_dim3A_2277 = vector.broadcast %broadcast_in_dim3A_2276 : i32 to vector<64x128xi32>
    %select_n3A_2278 = arith.select %lt3A_2275, %broadcast_in_dim3A_2277, %select_n3A_2264 : vector<64x128xi1>, vector<64x128xi32>
    %select_n3A_2279 = arith.select %lt3A_2275, %sub3A_2271, %select_n3A_2265 : vector<64x128xi1>, vector<64x128xf32>
    %slice3A_2280 = vector.extract_strided_slice %get3A_9 {offsets = [0, 3968], sizes = [1, 128], strides = [1, 1]} : vector<1x8192xf32> to vector<1x128xf32>
    %add3A_2281 = vector.broadcast %slice3A_1841 : vector<64x1xf32> to vector<64x128xf32>
    %add3A_2282 = vector.broadcast %slice3A_2280 : vector<1x128xf32> to vector<64x128xf32>
    %add3A_2283 = arith.addf %add3A_2281, %add3A_2282 : vector<64x128xf32>
    %slice3A_2284 = vector.extract_strided_slice %dot_general3A_5 {offsets = [128, 3968], sizes = [64, 128], strides = [1, 1]} : vector<256x8192xf32> to vector<64x128xf32>
    %sub3A_2285 = arith.subf %add3A_2283, %slice3A_2284 : vector<64x128xf32>
    %swap3A_2286 = arith.constant 128 : index
    %swap3A_2287 = arith.constant 3968 : index
    %swap3A_2288 = vector.load %arg4[%swap3A_2286, %swap3A_2287] : memref<256x8192xf32, #tpu.memory_space<vmem>>, vector<64x128xf32>
    tpu.vector_store %arg4[%swap3A_2286, %swap3A_2287], %sub3A_2285 {strides = array<i32>} : memref<256x8192xf32, #tpu.memory_space<vmem>>, vector<64x128xf32>,
    %lt3A_2289 = arith.cmpf olt, %sub3A_2285, %select_n3A_2279 : vector<64x128xf32>
    %broadcast_in_dim3A_2290 = arith.constant 31 : i32
    %broadcast_in_dim3A_2291 = vector.broadcast %broadcast_in_dim3A_2290 : i32 to vector<64x128xi32>
    %select_n3A_2292 = arith.select %lt3A_2289, %broadcast_in_dim3A_2291, %select_n3A_2278 : vector<64x128xi1>, vector<64x128xi32>
    %select_n3A_2293 = arith.select %lt3A_2289, %sub3A_2285, %select_n3A_2279 : vector<64x128xi1>, vector<64x128xf32>
    %slice3A_2294 = vector.extract_strided_slice %get3A_9 {offsets = [0, 4096], sizes = [1, 128], strides = [1, 1]} : vector<1x8192xf32> to vector<1x128xf32>
    %add3A_2295 = vector.broadcast %slice3A_1841 : vector<64x1xf32> to vector<64x128xf32>
    %add3A_2296 = vector.broadcast %slice3A_2294 : vector<1x128xf32> to vector<64x128xf32>
    %add3A_2297 = arith.addf %add3A_2295, %add3A_2296 : vector<64x128xf32>
    %slice3A_2298 = vector.extract_strided_slice %dot_general3A_5 {offsets = [128, 4096], sizes = [64, 128], strides = [1, 1]} : vector<256x8192xf32> to vector<64x128xf32>
    %sub3A_2299 = arith.subf %add3A_2297, %slice3A_2298 : vector<64x128xf32>
    %swap3A_2300 = arith.constant 128 : index
    %swap3A_2301 = arith.constant 4096 : index
    %swap3A_2302 = vector.load %arg4[%swap3A_2300, %swap3A_2301] : memref<256x8192xf32, #tpu.memory_space<vmem>>, vector<64x128xf32>
    tpu.vector_store %arg4[%swap3A_2300, %swap3A_2301], %sub3A_2299 {strides = array<i32>} : memref<256x8192xf32, #tpu.memory_space<vmem>>, vector<64x128xf32>,
    %lt3A_2303 = arith.cmpf olt, %sub3A_2299, %select_n3A_2293 : vector<64x128xf32>
    %broadcast_in_dim3A_2304 = arith.constant 32 : i32
    %broadcast_in_dim3A_2305 = vector.broadcast %broadcast_in_dim3A_2304 : i32 to vector<64x128xi32>
    %select_n3A_2306 = arith.select %lt3A_2303, %broadcast_in_dim3A_2305, %select_n3A_2292 : vector<64x128xi1>, vector<64x128xi32>
    %select_n3A_2307 = arith.select %lt3A_2303, %sub3A_2299, %select_n3A_2293 : vector<64x128xi1>, vector<64x128xf32>
    %slice3A_2308 = vector.extract_strided_slice %get3A_9 {offsets = [0, 4224], sizes = [1, 128], strides = [1, 1]} : vector<1x8192xf32> to vector<1x128xf32>
    %add3A_2309 = vector.broadcast %slice3A_1841 : vector<64x1xf32> to vector<64x128xf32>
    %add3A_2310 = vector.broadcast %slice3A_2308 : vector<1x128xf32> to vector<64x128xf32>
    %add3A_2311 = arith.addf %add3A_2309, %add3A_2310 : vector<64x128xf32>
    %slice3A_2312 = vector.extract_strided_slice %dot_general3A_5 {offsets = [128, 4224], sizes = [64, 128], strides = [1, 1]} : vector<256x8192xf32> to vector<64x128xf32>
    %sub3A_2313 = arith.subf %add3A_2311, %slice3A_2312 : vector<64x128xf32>
    %swap3A_2314 = arith.constant 128 : index
    %swap3A_2315 = arith.constant 4224 : index
    %swap3A_2316 = vector.load %arg4[%swap3A_2314, %swap3A_2315] : memref<256x8192xf32, #tpu.memory_space<vmem>>, vector<64x128xf32>
    tpu.vector_store %arg4[%swap3A_2314, %swap3A_2315], %sub3A_2313 {strides = array<i32>} : memref<256x8192xf32, #tpu.memory_space<vmem>>, vector<64x128xf32>,
    %lt3A_2317 = arith.cmpf olt, %sub3A_2313, %select_n3A_2307 : vector<64x128xf32>
    %broadcast_in_dim3A_2318 = arith.constant 33 : i32
    %broadcast_in_dim3A_2319 = vector.broadcast %broadcast_in_dim3A_2318 : i32 to vector<64x128xi32>
    %select_n3A_2320 = arith.select %lt3A_2317, %broadcast_in_dim3A_2319, %select_n3A_2306 : vector<64x128xi1>, vector<64x128xi32>
    %select_n3A_2321 = arith.select %lt3A_2317, %sub3A_2313, %select_n3A_2307 : vector<64x128xi1>, vector<64x128xf32>
    %slice3A_2322 = vector.extract_strided_slice %get3A_9 {offsets = [0, 4352], sizes = [1, 128], strides = [1, 1]} : vector<1x8192xf32> to vector<1x128xf32>
    %add3A_2323 = vector.broadcast %slice3A_1841 : vector<64x1xf32> to vector<64x128xf32>
    %add3A_2324 = vector.broadcast %slice3A_2322 : vector<1x128xf32> to vector<64x128xf32>
    %add3A_2325 = arith.addf %add3A_2323, %add3A_2324 : vector<64x128xf32>
    %slice3A_2326 = vector.extract_strided_slice %dot_general3A_5 {offsets = [128, 4352], sizes = [64, 128], strides = [1, 1]} : vector<256x8192xf32> to vector<64x128xf32>
    %sub3A_2327 = arith.subf %add3A_2325, %slice3A_2326 : vector<64x128xf32>
    %swap3A_2328 = arith.constant 128 : index
    %swap3A_2329 = arith.constant 4352 : index
    %swap3A_2330 = vector.load %arg4[%swap3A_2328, %swap3A_2329] : memref<256x8192xf32, #tpu.memory_space<vmem>>, vector<64x128xf32>
    tpu.vector_store %arg4[%swap3A_2328, %swap3A_2329], %sub3A_2327 {strides = array<i32>} : memref<256x8192xf32, #tpu.memory_space<vmem>>, vector<64x128xf32>,
    %lt3A_2331 = arith.cmpf olt, %sub3A_2327, %select_n3A_2321 : vector<64x128xf32>
    %broadcast_in_dim3A_2332 = arith.constant 34 : i32
    %broadcast_in_dim3A_2333 = vector.broadcast %broadcast_in_dim3A_2332 : i32 to vector<64x128xi32>
    %select_n3A_2334 = arith.select %lt3A_2331, %broadcast_in_dim3A_2333, %select_n3A_2320 : vector<64x128xi1>, vector<64x128xi32>
    %select_n3A_2335 = arith.select %lt3A_2331, %sub3A_2327, %select_n3A_2321 : vector<64x128xi1>, vector<64x128xf32>
    %slice3A_2336 = vector.extract_strided_slice %get3A_9 {offsets = [0, 4480], sizes = [1, 128], strides = [1, 1]} : vector<1x8192xf32> to vector<1x128xf32>
    %add3A_2337 = vector.broadcast %slice3A_1841 : vector<64x1xf32> to vector<64x128xf32>
    %add3A_2338 = vector.broadcast %slice3A_2336 : vector<1x128xf32> to vector<64x128xf32>
    %add3A_2339 = arith.addf %add3A_2337, %add3A_2338 : vector<64x128xf32>
    %slice3A_2340 = vector.extract_strided_slice %dot_general3A_5 {offsets = [128, 4480], sizes = [64, 128], strides = [1, 1]} : vector<256x8192xf32> to vector<64x128xf32>
    %sub3A_2341 = arith.subf %add3A_2339, %slice3A_2340 : vector<64x128xf32>
    %swap3A_2342 = arith.constant 128 : index
    %swap3A_2343 = arith.constant 4480 : index
    %swap3A_2344 = vector.load %arg4[%swap3A_2342, %swap3A_2343] : memref<256x8192xf32, #tpu.memory_space<vmem>>, vector<64x128xf32>
    tpu.vector_store %arg4[%swap3A_2342, %swap3A_2343], %sub3A_2341 {strides = array<i32>} : memref<256x8192xf32, #tpu.memory_space<vmem>>, vector<64x128xf32>,
    %lt3A_2345 = arith.cmpf olt, %sub3A_2341, %select_n3A_2335 : vector<64x128xf32>
    %broadcast_in_dim3A_2346 = arith.constant 35 : i32
    %broadcast_in_dim3A_2347 = vector.broadcast %broadcast_in_dim3A_2346 : i32 to vector<64x128xi32>
    %select_n3A_2348 = arith.select %lt3A_2345, %broadcast_in_dim3A_2347, %select_n3A_2334 : vector<64x128xi1>, vector<64x128xi32>
    %select_n3A_2349 = arith.select %lt3A_2345, %sub3A_2341, %select_n3A_2335 : vector<64x128xi1>, vector<64x128xf32>
    %slice3A_2350 = vector.extract_strided_slice %get3A_9 {offsets = [0, 4608], sizes = [1, 128], strides = [1, 1]} : vector<1x8192xf32> to vector<1x128xf32>
    %add3A_2351 = vector.broadcast %slice3A_1841 : vector<64x1xf32> to vector<64x128xf32>
    %add3A_2352 = vector.broadcast %slice3A_2350 : vector<1x128xf32> to vector<64x128xf32>
    %add3A_2353 = arith.addf %add3A_2351, %add3A_2352 : vector<64x128xf32>
    %slice3A_2354 = vector.extract_strided_slice %dot_general3A_5 {offsets = [128, 4608], sizes = [64, 128], strides = [1, 1]} : vector<256x8192xf32> to vector<64x128xf32>
    %sub3A_2355 = arith.subf %add3A_2353, %slice3A_2354 : vector<64x128xf32>
    %swap3A_2356 = arith.constant 128 : index
    %swap3A_2357 = arith.constant 4608 : index
    %swap3A_2358 = vector.load %arg4[%swap3A_2356, %swap3A_2357] : memref<256x8192xf32, #tpu.memory_space<vmem>>, vector<64x128xf32>
    tpu.vector_store %arg4[%swap3A_2356, %swap3A_2357], %sub3A_2355 {strides = array<i32>} : memref<256x8192xf32, #tpu.memory_space<vmem>>, vector<64x128xf32>,
    %lt3A_2359 = arith.cmpf olt, %sub3A_2355, %select_n3A_2349 : vector<64x128xf32>
    %broadcast_in_dim3A_2360 = arith.constant 36 : i32
    %broadcast_in_dim3A_2361 = vector.broadcast %broadcast_in_dim3A_2360 : i32 to vector<64x128xi32>
    %select_n3A_2362 = arith.select %lt3A_2359, %broadcast_in_dim3A_2361, %select_n3A_2348 : vector<64x128xi1>, vector<64x128xi32>
    %select_n3A_2363 = arith.select %lt3A_2359, %sub3A_2355, %select_n3A_2349 : vector<64x128xi1>, vector<64x128xf32>
    %slice3A_2364 = vector.extract_strided_slice %get3A_9 {offsets = [0, 4736], sizes = [1, 128], strides = [1, 1]} : vector<1x8192xf32> to vector<1x128xf32>
    %add3A_2365 = vector.broadcast %slice3A_1841 : vector<64x1xf32> to vector<64x128xf32>
    %add3A_2366 = vector.broadcast %slice3A_2364 : vector<1x128xf32> to vector<64x128xf32>
    %add3A_2367 = arith.addf %add3A_2365, %add3A_2366 : vector<64x128xf32>
    %slice3A_2368 = vector.extract_strided_slice %dot_general3A_5 {offsets = [128, 4736], sizes = [64, 128], strides = [1, 1]} : vector<256x8192xf32> to vector<64x128xf32>
    %sub3A_2369 = arith.subf %add3A_2367, %slice3A_2368 : vector<64x128xf32>
    %swap3A_2370 = arith.constant 128 : index
    %swap3A_2371 = arith.constant 4736 : index
    %swap3A_2372 = vector.load %arg4[%swap3A_2370, %swap3A_2371] : memref<256x8192xf32, #tpu.memory_space<vmem>>, vector<64x128xf32>
    tpu.vector_store %arg4[%swap3A_2370, %swap3A_2371], %sub3A_2369 {strides = array<i32>} : memref<256x8192xf32, #tpu.memory_space<vmem>>, vector<64x128xf32>,
    %lt3A_2373 = arith.cmpf olt, %sub3A_2369, %select_n3A_2363 : vector<64x128xf32>
    %broadcast_in_dim3A_2374 = arith.constant 37 : i32
    %broadcast_in_dim3A_2375 = vector.broadcast %broadcast_in_dim3A_2374 : i32 to vector<64x128xi32>
    %select_n3A_2376 = arith.select %lt3A_2373, %broadcast_in_dim3A_2375, %select_n3A_2362 : vector<64x128xi1>, vector<64x128xi32>
    %select_n3A_2377 = arith.select %lt3A_2373, %sub3A_2369, %select_n3A_2363 : vector<64x128xi1>, vector<64x128xf32>
    %slice3A_2378 = vector.extract_strided_slice %get3A_9 {offsets = [0, 4864], sizes = [1, 128], strides = [1, 1]} : vector<1x8192xf32> to vector<1x128xf32>
    %add3A_2379 = vector.broadcast %slice3A_1841 : vector<64x1xf32> to vector<64x128xf32>
    %add3A_2380 = vector.broadcast %slice3A_2378 : vector<1x128xf32> to vector<64x128xf32>
    %add3A_2381 = arith.addf %add3A_2379, %add3A_2380 : vector<64x128xf32>
    %slice3A_2382 = vector.extract_strided_slice %dot_general3A_5 {offsets = [128, 4864], sizes = [64, 128], strides = [1, 1]} : vector<256x8192xf32> to vector<64x128xf32>
    %sub3A_2383 = arith.subf %add3A_2381, %slice3A_2382 : vector<64x128xf32>
    %swap3A_2384 = arith.constant 128 : index
    %swap3A_2385 = arith.constant 4864 : index
    %swap3A_2386 = vector.load %arg4[%swap3A_2384, %swap3A_2385] : memref<256x8192xf32, #tpu.memory_space<vmem>>, vector<64x128xf32>
    tpu.vector_store %arg4[%swap3A_2384, %swap3A_2385], %sub3A_2383 {strides = array<i32>} : memref<256x8192xf32, #tpu.memory_space<vmem>>, vector<64x128xf32>,
    %lt3A_2387 = arith.cmpf olt, %sub3A_2383, %select_n3A_2377 : vector<64x128xf32>
    %broadcast_in_dim3A_2388 = arith.constant 38 : i32
    %broadcast_in_dim3A_2389 = vector.broadcast %broadcast_in_dim3A_2388 : i32 to vector<64x128xi32>
    %select_n3A_2390 = arith.select %lt3A_2387, %broadcast_in_dim3A_2389, %select_n3A_2376 : vector<64x128xi1>, vector<64x128xi32>
    %select_n3A_2391 = arith.select %lt3A_2387, %sub3A_2383, %select_n3A_2377 : vector<64x128xi1>, vector<64x128xf32>
    %slice3A_2392 = vector.extract_strided_slice %get3A_9 {offsets = [0, 4992], sizes = [1, 128], strides = [1, 1]} : vector<1x8192xf32> to vector<1x128xf32>
    %add3A_2393 = vector.broadcast %slice3A_1841 : vector<64x1xf32> to vector<64x128xf32>
    %add3A_2394 = vector.broadcast %slice3A_2392 : vector<1x128xf32> to vector<64x128xf32>
    %add3A_2395 = arith.addf %add3A_2393, %add3A_2394 : vector<64x128xf32>
    %slice3A_2396 = vector.extract_strided_slice %dot_general3A_5 {offsets = [128, 4992], sizes = [64, 128], strides = [1, 1]} : vector<256x8192xf32> to vector<64x128xf32>
    %sub3A_2397 = arith.subf %add3A_2395, %slice3A_2396 : vector<64x128xf32>
    %swap3A_2398 = arith.constant 128 : index
    %swap3A_2399 = arith.constant 4992 : index
    %swap3A_2400 = vector.load %arg4[%swap3A_2398, %swap3A_2399] : memref<256x8192xf32, #tpu.memory_space<vmem>>, vector<64x128xf32>
    tpu.vector_store %arg4[%swap3A_2398, %swap3A_2399], %sub3A_2397 {strides = array<i32>} : memref<256x8192xf32, #tpu.memory_space<vmem>>, vector<64x128xf32>,
    %lt3A_2401 = arith.cmpf olt, %sub3A_2397, %select_n3A_2391 : vector<64x128xf32>
    %broadcast_in_dim3A_2402 = arith.constant 39 : i32
    %broadcast_in_dim3A_2403 = vector.broadcast %broadcast_in_dim3A_2402 : i32 to vector<64x128xi32>
    %select_n3A_2404 = arith.select %lt3A_2401, %broadcast_in_dim3A_2403, %select_n3A_2390 : vector<64x128xi1>, vector<64x128xi32>
    %select_n3A_2405 = arith.select %lt3A_2401, %sub3A_2397, %select_n3A_2391 : vector<64x128xi1>, vector<64x128xf32>
    %slice3A_2406 = vector.extract_strided_slice %get3A_9 {offsets = [0, 5120], sizes = [1, 128], strides = [1, 1]} : vector<1x8192xf32> to vector<1x128xf32>
    %add3A_2407 = vector.broadcast %slice3A_1841 : vector<64x1xf32> to vector<64x128xf32>
    %add3A_2408 = vector.broadcast %slice3A_2406 : vector<1x128xf32> to vector<64x128xf32>
    %add3A_2409 = arith.addf %add3A_2407, %add3A_2408 : vector<64x128xf32>
    %slice3A_2410 = vector.extract_strided_slice %dot_general3A_5 {offsets = [128, 5120], sizes = [64, 128], strides = [1, 1]} : vector<256x8192xf32> to vector<64x128xf32>
    %sub3A_2411 = arith.subf %add3A_2409, %slice3A_2410 : vector<64x128xf32>
    %swap3A_2412 = arith.constant 128 : index
    %swap3A_2413 = arith.constant 5120 : index
    %swap3A_2414 = vector.load %arg4[%swap3A_2412, %swap3A_2413] : memref<256x8192xf32, #tpu.memory_space<vmem>>, vector<64x128xf32>
    tpu.vector_store %arg4[%swap3A_2412, %swap3A_2413], %sub3A_2411 {strides = array<i32>} : memref<256x8192xf32, #tpu.memory_space<vmem>>, vector<64x128xf32>,
    %lt3A_2415 = arith.cmpf olt, %sub3A_2411, %select_n3A_2405 : vector<64x128xf32>
    %broadcast_in_dim3A_2416 = arith.constant 40 : i32
    %broadcast_in_dim3A_2417 = vector.broadcast %broadcast_in_dim3A_2416 : i32 to vector<64x128xi32>
    %select_n3A_2418 = arith.select %lt3A_2415, %broadcast_in_dim3A_2417, %select_n3A_2404 : vector<64x128xi1>, vector<64x128xi32>
    %select_n3A_2419 = arith.select %lt3A_2415, %sub3A_2411, %select_n3A_2405 : vector<64x128xi1>, vector<64x128xf32>
    %slice3A_2420 = vector.extract_strided_slice %get3A_9 {offsets = [0, 5248], sizes = [1, 128], strides = [1, 1]} : vector<1x8192xf32> to vector<1x128xf32>
    %add3A_2421 = vector.broadcast %slice3A_1841 : vector<64x1xf32> to vector<64x128xf32>
    %add3A_2422 = vector.broadcast %slice3A_2420 : vector<1x128xf32> to vector<64x128xf32>
    %add3A_2423 = arith.addf %add3A_2421, %add3A_2422 : vector<64x128xf32>
    %slice3A_2424 = vector.extract_strided_slice %dot_general3A_5 {offsets = [128, 5248], sizes = [64, 128], strides = [1, 1]} : vector<256x8192xf32> to vector<64x128xf32>
    %sub3A_2425 = arith.subf %add3A_2423, %slice3A_2424 : vector<64x128xf32>
    %swap3A_2426 = arith.constant 128 : index
    %swap3A_2427 = arith.constant 5248 : index
    %swap3A_2428 = vector.load %arg4[%swap3A_2426, %swap3A_2427] : memref<256x8192xf32, #tpu.memory_space<vmem>>, vector<64x128xf32>
    tpu.vector_store %arg4[%swap3A_2426, %swap3A_2427], %sub3A_2425 {strides = array<i32>} : memref<256x8192xf32, #tpu.memory_space<vmem>>, vector<64x128xf32>,
    %lt3A_2429 = arith.cmpf olt, %sub3A_2425, %select_n3A_2419 : vector<64x128xf32>
    %broadcast_in_dim3A_2430 = arith.constant 41 : i32
    %broadcast_in_dim3A_2431 = vector.broadcast %broadcast_in_dim3A_2430 : i32 to vector<64x128xi32>
    %select_n3A_2432 = arith.select %lt3A_2429, %broadcast_in_dim3A_2431, %select_n3A_2418 : vector<64x128xi1>, vector<64x128xi32>
    %select_n3A_2433 = arith.select %lt3A_2429, %sub3A_2425, %select_n3A_2419 : vector<64x128xi1>, vector<64x128xf32>
    %slice3A_2434 = vector.extract_strided_slice %get3A_9 {offsets = [0, 5376], sizes = [1, 128], strides = [1, 1]} : vector<1x8192xf32> to vector<1x128xf32>
    %add3A_2435 = vector.broadcast %slice3A_1841 : vector<64x1xf32> to vector<64x128xf32>
    %add3A_2436 = vector.broadcast %slice3A_2434 : vector<1x128xf32> to vector<64x128xf32>
    %add3A_2437 = arith.addf %add3A_2435, %add3A_2436 : vector<64x128xf32>
    %slice3A_2438 = vector.extract_strided_slice %dot_general3A_5 {offsets = [128, 5376], sizes = [64, 128], strides = [1, 1]} : vector<256x8192xf32> to vector<64x128xf32>
    %sub3A_2439 = arith.subf %add3A_2437, %slice3A_2438 : vector<64x128xf32>
    %swap3A_2440 = arith.constant 128 : index
    %swap3A_2441 = arith.constant 5376 : index
    %swap3A_2442 = vector.load %arg4[%swap3A_2440, %swap3A_2441] : memref<256x8192xf32, #tpu.memory_space<vmem>>, vector<64x128xf32>
    tpu.vector_store %arg4[%swap3A_2440, %swap3A_2441], %sub3A_2439 {strides = array<i32>} : memref<256x8192xf32, #tpu.memory_space<vmem>>, vector<64x128xf32>,
    %lt3A_2443 = arith.cmpf olt, %sub3A_2439, %select_n3A_2433 : vector<64x128xf32>
    %broadcast_in_dim3A_2444 = arith.constant 42 : i32
    %broadcast_in_dim3A_2445 = vector.broadcast %broadcast_in_dim3A_2444 : i32 to vector<64x128xi32>
    %select_n3A_2446 = arith.select %lt3A_2443, %broadcast_in_dim3A_2445, %select_n3A_2432 : vector<64x128xi1>, vector<64x128xi32>
    %select_n3A_2447 = arith.select %lt3A_2443, %sub3A_2439, %select_n3A_2433 : vector<64x128xi1>, vector<64x128xf32>
    %slice3A_2448 = vector.extract_strided_slice %get3A_9 {offsets = [0, 5504], sizes = [1, 128], strides = [1, 1]} : vector<1x8192xf32> to vector<1x128xf32>
    %add3A_2449 = vector.broadcast %slice3A_1841 : vector<64x1xf32> to vector<64x128xf32>
    %add3A_2450 = vector.broadcast %slice3A_2448 : vector<1x128xf32> to vector<64x128xf32>
    %add3A_2451 = arith.addf %add3A_2449, %add3A_2450 : vector<64x128xf32>
    %slice3A_2452 = vector.extract_strided_slice %dot_general3A_5 {offsets = [128, 5504], sizes = [64, 128], strides = [1, 1]} : vector<256x8192xf32> to vector<64x128xf32>
    %sub3A_2453 = arith.subf %add3A_2451, %slice3A_2452 : vector<64x128xf32>
    %swap3A_2454 = arith.constant 128 : index
    %swap3A_2455 = arith.constant 5504 : index
    %swap3A_2456 = vector.load %arg4[%swap3A_2454, %swap3A_2455] : memref<256x8192xf32, #tpu.memory_space<vmem>>, vector<64x128xf32>
    tpu.vector_store %arg4[%swap3A_2454, %swap3A_2455], %sub3A_2453 {strides = array<i32>} : memref<256x8192xf32, #tpu.memory_space<vmem>>, vector<64x128xf32>,
    %lt3A_2457 = arith.cmpf olt, %sub3A_2453, %select_n3A_2447 : vector<64x128xf32>
    %broadcast_in_dim3A_2458 = arith.constant 43 : i32
    %broadcast_in_dim3A_2459 = vector.broadcast %broadcast_in_dim3A_2458 : i32 to vector<64x128xi32>
    %select_n3A_2460 = arith.select %lt3A_2457, %broadcast_in_dim3A_2459, %select_n3A_2446 : vector<64x128xi1>, vector<64x128xi32>
    %select_n3A_2461 = arith.select %lt3A_2457, %sub3A_2453, %select_n3A_2447 : vector<64x128xi1>, vector<64x128xf32>
    %slice3A_2462 = vector.extract_strided_slice %get3A_9 {offsets = [0, 5632], sizes = [1, 128], strides = [1, 1]} : vector<1x8192xf32> to vector<1x128xf32>
    %add3A_2463 = vector.broadcast %slice3A_1841 : vector<64x1xf32> to vector<64x128xf32>
    %add3A_2464 = vector.broadcast %slice3A_2462 : vector<1x128xf32> to vector<64x128xf32>
    %add3A_2465 = arith.addf %add3A_2463, %add3A_2464 : vector<64x128xf32>
    %slice3A_2466 = vector.extract_strided_slice %dot_general3A_5 {offsets = [128, 5632], sizes = [64, 128], strides = [1, 1]} : vector<256x8192xf32> to vector<64x128xf32>
    %sub3A_2467 = arith.subf %add3A_2465, %slice3A_2466 : vector<64x128xf32>
    %swap3A_2468 = arith.constant 128 : index
    %swap3A_2469 = arith.constant 5632 : index
    %swap3A_2470 = vector.load %arg4[%swap3A_2468, %swap3A_2469] : memref<256x8192xf32, #tpu.memory_space<vmem>>, vector<64x128xf32>
    tpu.vector_store %arg4[%swap3A_2468, %swap3A_2469], %sub3A_2467 {strides = array<i32>} : memref<256x8192xf32, #tpu.memory_space<vmem>>, vector<64x128xf32>,
    %lt3A_2471 = arith.cmpf olt, %sub3A_2467, %select_n3A_2461 : vector<64x128xf32>
    %broadcast_in_dim3A_2472 = arith.constant 44 : i32
    %broadcast_in_dim3A_2473 = vector.broadcast %broadcast_in_dim3A_2472 : i32 to vector<64x128xi32>
    %select_n3A_2474 = arith.select %lt3A_2471, %broadcast_in_dim3A_2473, %select_n3A_2460 : vector<64x128xi1>, vector<64x128xi32>
    %select_n3A_2475 = arith.select %lt3A_2471, %sub3A_2467, %select_n3A_2461 : vector<64x128xi1>, vector<64x128xf32>
    %slice3A_2476 = vector.extract_strided_slice %get3A_9 {offsets = [0, 5760], sizes = [1, 128], strides = [1, 1]} : vector<1x8192xf32> to vector<1x128xf32>
    %add3A_2477 = vector.broadcast %slice3A_1841 : vector<64x1xf32> to vector<64x128xf32>
    %add3A_2478 = vector.broadcast %slice3A_2476 : vector<1x128xf32> to vector<64x128xf32>
    %add3A_2479 = arith.addf %add3A_2477, %add3A_2478 : vector<64x128xf32>
    %slice3A_2480 = vector.extract_strided_slice %dot_general3A_5 {offsets = [128, 5760], sizes = [64, 128], strides = [1, 1]} : vector<256x8192xf32> to vector<64x128xf32>
    %sub3A_2481 = arith.subf %add3A_2479, %slice3A_2480 : vector<64x128xf32>
    %swap3A_2482 = arith.constant 128 : index
    %swap3A_2483 = arith.constant 5760 : index
    %swap3A_2484 = vector.load %arg4[%swap3A_2482, %swap3A_2483] : memref<256x8192xf32, #tpu.memory_space<vmem>>, vector<64x128xf32>
    tpu.vector_store %arg4[%swap3A_2482, %swap3A_2483], %sub3A_2481 {strides = array<i32>} : memref<256x8192xf32, #tpu.memory_space<vmem>>, vector<64x128xf32>,
    %lt3A_2485 = arith.cmpf olt, %sub3A_2481, %select_n3A_2475 : vector<64x128xf32>
    %broadcast_in_dim3A_2486 = arith.constant 45 : i32
    %broadcast_in_dim3A_2487 = vector.broadcast %broadcast_in_dim3A_2486 : i32 to vector<64x128xi32>
    %select_n3A_2488 = arith.select %lt3A_2485, %broadcast_in_dim3A_2487, %select_n3A_2474 : vector<64x128xi1>, vector<64x128xi32>
    %select_n3A_2489 = arith.select %lt3A_2485, %sub3A_2481, %select_n3A_2475 : vector<64x128xi1>, vector<64x128xf32>
    %slice3A_2490 = vector.extract_strided_slice %get3A_9 {offsets = [0, 5888], sizes = [1, 128], strides = [1, 1]} : vector<1x8192xf32> to vector<1x128xf32>
    %add3A_2491 = vector.broadcast %slice3A_1841 : vector<64x1xf32> to vector<64x128xf32>
    %add3A_2492 = vector.broadcast %slice3A_2490 : vector<1x128xf32> to vector<64x128xf32>
    %add3A_2493 = arith.addf %add3A_2491, %add3A_2492 : vector<64x128xf32>
    %slice3A_2494 = vector.extract_strided_slice %dot_general3A_5 {offsets = [128, 5888], sizes = [64, 128], strides = [1, 1]} : vector<256x8192xf32> to vector<64x128xf32>
    %sub3A_2495 = arith.subf %add3A_2493, %slice3A_2494 : vector<64x128xf32>
    %swap3A_2496 = arith.constant 128 : index
    %swap3A_2497 = arith.constant 5888 : index
    %swap3A_2498 = vector.load %arg4[%swap3A_2496, %swap3A_2497] : memref<256x8192xf32, #tpu.memory_space<vmem>>, vector<64x128xf32>
    tpu.vector_store %arg4[%swap3A_2496, %swap3A_2497], %sub3A_2495 {strides = array<i32>} : memref<256x8192xf32, #tpu.memory_space<vmem>>, vector<64x128xf32>,
    %lt3A_2499 = arith.cmpf olt, %sub3A_2495, %select_n3A_2489 : vector<64x128xf32>
    %broadcast_in_dim3A_2500 = arith.constant 46 : i32
    %broadcast_in_dim3A_2501 = vector.broadcast %broadcast_in_dim3A_2500 : i32 to vector<64x128xi32>
    %select_n3A_2502 = arith.select %lt3A_2499, %broadcast_in_dim3A_2501, %select_n3A_2488 : vector<64x128xi1>, vector<64x128xi32>
    %select_n3A_2503 = arith.select %lt3A_2499, %sub3A_2495, %select_n3A_2489 : vector<64x128xi1>, vector<64x128xf32>
    %slice3A_2504 = vector.extract_strided_slice %get3A_9 {offsets = [0, 6016], sizes = [1, 128], strides = [1, 1]} : vector<1x8192xf32> to vector<1x128xf32>
    %add3A_2505 = vector.broadcast %slice3A_1841 : vector<64x1xf32> to vector<64x128xf32>
    %add3A_2506 = vector.broadcast %slice3A_2504 : vector<1x128xf32> to vector<64x128xf32>
    %add3A_2507 = arith.addf %add3A_2505, %add3A_2506 : vector<64x128xf32>
    %slice3A_2508 = vector.extract_strided_slice %dot_general3A_5 {offsets = [128, 6016], sizes = [64, 128], strides = [1, 1]} : vector<256x8192xf32> to vector<64x128xf32>
    %sub3A_2509 = arith.subf %add3A_2507, %slice3A_2508 : vector<64x128xf32>
    %swap3A_2510 = arith.constant 128 : index
    %swap3A_2511 = arith.constant 6016 : index
    %swap3A_2512 = vector.load %arg4[%swap3A_2510, %swap3A_2511] : memref<256x8192xf32, #tpu.memory_space<vmem>>, vector<64x128xf32>
    tpu.vector_store %arg4[%swap3A_2510, %swap3A_2511], %sub3A_2509 {strides = array<i32>} : memref<256x8192xf32, #tpu.memory_space<vmem>>, vector<64x128xf32>,
    %lt3A_2513 = arith.cmpf olt, %sub3A_2509, %select_n3A_2503 : vector<64x128xf32>
    %broadcast_in_dim3A_2514 = arith.constant 47 : i32
    %broadcast_in_dim3A_2515 = vector.broadcast %broadcast_in_dim3A_2514 : i32 to vector<64x128xi32>
    %select_n3A_2516 = arith.select %lt3A_2513, %broadcast_in_dim3A_2515, %select_n3A_2502 : vector<64x128xi1>, vector<64x128xi32>
    %select_n3A_2517 = arith.select %lt3A_2513, %sub3A_2509, %select_n3A_2503 : vector<64x128xi1>, vector<64x128xf32>
    %slice3A_2518 = vector.extract_strided_slice %get3A_9 {offsets = [0, 6144], sizes = [1, 128], strides = [1, 1]} : vector<1x8192xf32> to vector<1x128xf32>
    %add3A_2519 = vector.broadcast %slice3A_1841 : vector<64x1xf32> to vector<64x128xf32>
    %add3A_2520 = vector.broadcast %slice3A_2518 : vector<1x128xf32> to vector<64x128xf32>
    %add3A_2521 = arith.addf %add3A_2519, %add3A_2520 : vector<64x128xf32>
    %slice3A_2522 = vector.extract_strided_slice %dot_general3A_5 {offsets = [128, 6144], sizes = [64, 128], strides = [1, 1]} : vector<256x8192xf32> to vector<64x128xf32>
    %sub3A_2523 = arith.subf %add3A_2521, %slice3A_2522 : vector<64x128xf32>
    %swap3A_2524 = arith.constant 128 : index
    %swap3A_2525 = arith.constant 6144 : index
    %swap3A_2526 = vector.load %arg4[%swap3A_2524, %swap3A_2525] : memref<256x8192xf32, #tpu.memory_space<vmem>>, vector<64x128xf32>
    tpu.vector_store %arg4[%swap3A_2524, %swap3A_2525], %sub3A_2523 {strides = array<i32>} : memref<256x8192xf32, #tpu.memory_space<vmem>>, vector<64x128xf32>,
    %lt3A_2527 = arith.cmpf olt, %sub3A_2523, %select_n3A_2517 : vector<64x128xf32>
    %broadcast_in_dim3A_2528 = arith.constant 48 : i32
    %broadcast_in_dim3A_2529 = vector.broadcast %broadcast_in_dim3A_2528 : i32 to vector<64x128xi32>
    %select_n3A_2530 = arith.select %lt3A_2527, %broadcast_in_dim3A_2529, %select_n3A_2516 : vector<64x128xi1>, vector<64x128xi32>
    %select_n3A_2531 = arith.select %lt3A_2527, %sub3A_2523, %select_n3A_2517 : vector<64x128xi1>, vector<64x128xf32>
    %slice3A_2532 = vector.extract_strided_slice %get3A_9 {offsets = [0, 6272], sizes = [1, 128], strides = [1, 1]} : vector<1x8192xf32> to vector<1x128xf32>
    %add3A_2533 = vector.broadcast %slice3A_1841 : vector<64x1xf32> to vector<64x128xf32>
    %add3A_2534 = vector.broadcast %slice3A_2532 : vector<1x128xf32> to vector<64x128xf32>
    %add3A_2535 = arith.addf %add3A_2533, %add3A_2534 : vector<64x128xf32>
    %slice3A_2536 = vector.extract_strided_slice %dot_general3A_5 {offsets = [128, 6272], sizes = [64, 128], strides = [1, 1]} : vector<256x8192xf32> to vector<64x128xf32>
    %sub3A_2537 = arith.subf %add3A_2535, %slice3A_2536 : vector<64x128xf32>
    %swap3A_2538 = arith.constant 128 : index
    %swap3A_2539 = arith.constant 6272 : index
    %swap3A_2540 = vector.load %arg4[%swap3A_2538, %swap3A_2539] : memref<256x8192xf32, #tpu.memory_space<vmem>>, vector<64x128xf32>
    tpu.vector_store %arg4[%swap3A_2538, %swap3A_2539], %sub3A_2537 {strides = array<i32>} : memref<256x8192xf32, #tpu.memory_space<vmem>>, vector<64x128xf32>,
    %lt3A_2541 = arith.cmpf olt, %sub3A_2537, %select_n3A_2531 : vector<64x128xf32>
    %broadcast_in_dim3A_2542 = arith.constant 49 : i32
    %broadcast_in_dim3A_2543 = vector.broadcast %broadcast_in_dim3A_2542 : i32 to vector<64x128xi32>
    %select_n3A_2544 = arith.select %lt3A_2541, %broadcast_in_dim3A_2543, %select_n3A_2530 : vector<64x128xi1>, vector<64x128xi32>
    %select_n3A_2545 = arith.select %lt3A_2541, %sub3A_2537, %select_n3A_2531 : vector<64x128xi1>, vector<64x128xf32>
    %slice3A_2546 = vector.extract_strided_slice %get3A_9 {offsets = [0, 6400], sizes = [1, 128], strides = [1, 1]} : vector<1x8192xf32> to vector<1x128xf32>
    %add3A_2547 = vector.broadcast %slice3A_1841 : vector<64x1xf32> to vector<64x128xf32>
    %add3A_2548 = vector.broadcast %slice3A_2546 : vector<1x128xf32> to vector<64x128xf32>
    %add3A_2549 = arith.addf %add3A_2547, %add3A_2548 : vector<64x128xf32>
    %slice3A_2550 = vector.extract_strided_slice %dot_general3A_5 {offsets = [128, 6400], sizes = [64, 128], strides = [1, 1]} : vector<256x8192xf32> to vector<64x128xf32>
    %sub3A_2551 = arith.subf %add3A_2549, %slice3A_2550 : vector<64x128xf32>
    %swap3A_2552 = arith.constant 128 : index
    %swap3A_2553 = arith.constant 6400 : index
    %swap3A_2554 = vector.load %arg4[%swap3A_2552, %swap3A_2553] : memref<256x8192xf32, #tpu.memory_space<vmem>>, vector<64x128xf32>
    tpu.vector_store %arg4[%swap3A_2552, %swap3A_2553], %sub3A_2551 {strides = array<i32>} : memref<256x8192xf32, #tpu.memory_space<vmem>>, vector<64x128xf32>,
    %lt3A_2555 = arith.cmpf olt, %sub3A_2551, %select_n3A_2545 : vector<64x128xf32>
    %broadcast_in_dim3A_2556 = arith.constant 50 : i32
    %broadcast_in_dim3A_2557 = vector.broadcast %broadcast_in_dim3A_2556 : i32 to vector<64x128xi32>
    %select_n3A_2558 = arith.select %lt3A_2555, %broadcast_in_dim3A_2557, %select_n3A_2544 : vector<64x128xi1>, vector<64x128xi32>
    %select_n3A_2559 = arith.select %lt3A_2555, %sub3A_2551, %select_n3A_2545 : vector<64x128xi1>, vector<64x128xf32>
    %slice3A_2560 = vector.extract_strided_slice %get3A_9 {offsets = [0, 6528], sizes = [1, 128], strides = [1, 1]} : vector<1x8192xf32> to vector<1x128xf32>
    %add3A_2561 = vector.broadcast %slice3A_1841 : vector<64x1xf32> to vector<64x128xf32>
    %add3A_2562 = vector.broadcast %slice3A_2560 : vector<1x128xf32> to vector<64x128xf32>
    %add3A_2563 = arith.addf %add3A_2561, %add3A_2562 : vector<64x128xf32>
    %slice3A_2564 = vector.extract_strided_slice %dot_general3A_5 {offsets = [128, 6528], sizes = [64, 128], strides = [1, 1]} : vector<256x8192xf32> to vector<64x128xf32>
    %sub3A_2565 = arith.subf %add3A_2563, %slice3A_2564 : vector<64x128xf32>
    %swap3A_2566 = arith.constant 128 : index
    %swap3A_2567 = arith.constant 6528 : index
    %swap3A_2568 = vector.load %arg4[%swap3A_2566, %swap3A_2567] : memref<256x8192xf32, #tpu.memory_space<vmem>>, vector<64x128xf32>
    tpu.vector_store %arg4[%swap3A_2566, %swap3A_2567], %sub3A_2565 {strides = array<i32>} : memref<256x8192xf32, #tpu.memory_space<vmem>>, vector<64x128xf32>,
    %lt3A_2569 = arith.cmpf olt, %sub3A_2565, %select_n3A_2559 : vector<64x128xf32>
    %broadcast_in_dim3A_2570 = arith.constant 51 : i32
    %broadcast_in_dim3A_2571 = vector.broadcast %broadcast_in_dim3A_2570 : i32 to vector<64x128xi32>
    %select_n3A_2572 = arith.select %lt3A_2569, %broadcast_in_dim3A_2571, %select_n3A_2558 : vector<64x128xi1>, vector<64x128xi32>
    %select_n3A_2573 = arith.select %lt3A_2569, %sub3A_2565, %select_n3A_2559 : vector<64x128xi1>, vector<64x128xf32>
    %slice3A_2574 = vector.extract_strided_slice %get3A_9 {offsets = [0, 6656], sizes = [1, 128], strides = [1, 1]} : vector<1x8192xf32> to vector<1x128xf32>
    %add3A_2575 = vector.broadcast %slice3A_1841 : vector<64x1xf32> to vector<64x128xf32>
    %add3A_2576 = vector.broadcast %slice3A_2574 : vector<1x128xf32> to vector<64x128xf32>
    %add3A_2577 = arith.addf %add3A_2575, %add3A_2576 : vector<64x128xf32>
    %slice3A_2578 = vector.extract_strided_slice %dot_general3A_5 {offsets = [128, 6656], sizes = [64, 128], strides = [1, 1]} : vector<256x8192xf32> to vector<64x128xf32>
    %sub3A_2579 = arith.subf %add3A_2577, %slice3A_2578 : vector<64x128xf32>
    %swap3A_2580 = arith.constant 128 : index
    %swap3A_2581 = arith.constant 6656 : index
    %swap3A_2582 = vector.load %arg4[%swap3A_2580, %swap3A_2581] : memref<256x8192xf32, #tpu.memory_space<vmem>>, vector<64x128xf32>
    tpu.vector_store %arg4[%swap3A_2580, %swap3A_2581], %sub3A_2579 {strides = array<i32>} : memref<256x8192xf32, #tpu.memory_space<vmem>>, vector<64x128xf32>,
    %lt3A_2583 = arith.cmpf olt, %sub3A_2579, %select_n3A_2573 : vector<64x128xf32>
    %broadcast_in_dim3A_2584 = arith.constant 52 : i32
    %broadcast_in_dim3A_2585 = vector.broadcast %broadcast_in_dim3A_2584 : i32 to vector<64x128xi32>
    %select_n3A_2586 = arith.select %lt3A_2583, %broadcast_in_dim3A_2585, %select_n3A_2572 : vector<64x128xi1>, vector<64x128xi32>
    %select_n3A_2587 = arith.select %lt3A_2583, %sub3A_2579, %select_n3A_2573 : vector<64x128xi1>, vector<64x128xf32>
    %slice3A_2588 = vector.extract_strided_slice %get3A_9 {offsets = [0, 6784], sizes = [1, 128], strides = [1, 1]} : vector<1x8192xf32> to vector<1x128xf32>
    %add3A_2589 = vector.broadcast %slice3A_1841 : vector<64x1xf32> to vector<64x128xf32>
    %add3A_2590 = vector.broadcast %slice3A_2588 : vector<1x128xf32> to vector<64x128xf32>
    %add3A_2591 = arith.addf %add3A_2589, %add3A_2590 : vector<64x128xf32>
    %slice3A_2592 = vector.extract_strided_slice %dot_general3A_5 {offsets = [128, 6784], sizes = [64, 128], strides = [1, 1]} : vector<256x8192xf32> to vector<64x128xf32>
    %sub3A_2593 = arith.subf %add3A_2591, %slice3A_2592 : vector<64x128xf32>
    %swap3A_2594 = arith.constant 128 : index
    %swap3A_2595 = arith.constant 6784 : index
    %swap3A_2596 = vector.load %arg4[%swap3A_2594, %swap3A_2595] : memref<256x8192xf32, #tpu.memory_space<vmem>>, vector<64x128xf32>
    tpu.vector_store %arg4[%swap3A_2594, %swap3A_2595], %sub3A_2593 {strides = array<i32>} : memref<256x8192xf32, #tpu.memory_space<vmem>>, vector<64x128xf32>,
    %lt3A_2597 = arith.cmpf olt, %sub3A_2593, %select_n3A_2587 : vector<64x128xf32>
    %broadcast_in_dim3A_2598 = arith.constant 53 : i32
    %broadcast_in_dim3A_2599 = vector.broadcast %broadcast_in_dim3A_2598 : i32 to vector<64x128xi32>
    %select_n3A_2600 = arith.select %lt3A_2597, %broadcast_in_dim3A_2599, %select_n3A_2586 : vector<64x128xi1>, vector<64x128xi32>
    %select_n3A_2601 = arith.select %lt3A_2597, %sub3A_2593, %select_n3A_2587 : vector<64x128xi1>, vector<64x128xf32>
    %slice3A_2602 = vector.extract_strided_slice %get3A_9 {offsets = [0, 6912], sizes = [1, 128], strides = [1, 1]} : vector<1x8192xf32> to vector<1x128xf32>
    %add3A_2603 = vector.broadcast %slice3A_1841 : vector<64x1xf32> to vector<64x128xf32>
    %add3A_2604 = vector.broadcast %slice3A_2602 : vector<1x128xf32> to vector<64x128xf32>
    %add3A_2605 = arith.addf %add3A_2603, %add3A_2604 : vector<64x128xf32>
    %slice3A_2606 = vector.extract_strided_slice %dot_general3A_5 {offsets = [128, 6912], sizes = [64, 128], strides = [1, 1]} : vector<256x8192xf32> to vector<64x128xf32>
    %sub3A_2607 = arith.subf %add3A_2605, %slice3A_2606 : vector<64x128xf32>
    %swap3A_2608 = arith.constant 128 : index
    %swap3A_2609 = arith.constant 6912 : index
    %swap3A_2610 = vector.load %arg4[%swap3A_2608, %swap3A_2609] : memref<256x8192xf32, #tpu.memory_space<vmem>>, vector<64x128xf32>
    tpu.vector_store %arg4[%swap3A_2608, %swap3A_2609], %sub3A_2607 {strides = array<i32>} : memref<256x8192xf32, #tpu.memory_space<vmem>>, vector<64x128xf32>,
    %lt3A_2611 = arith.cmpf olt, %sub3A_2607, %select_n3A_2601 : vector<64x128xf32>
    %broadcast_in_dim3A_2612 = arith.constant 54 : i32
    %broadcast_in_dim3A_2613 = vector.broadcast %broadcast_in_dim3A_2612 : i32 to vector<64x128xi32>
    %select_n3A_2614 = arith.select %lt3A_2611, %broadcast_in_dim3A_2613, %select_n3A_2600 : vector<64x128xi1>, vector<64x128xi32>
    %select_n3A_2615 = arith.select %lt3A_2611, %sub3A_2607, %select_n3A_2601 : vector<64x128xi1>, vector<64x128xf32>
    %slice3A_2616 = vector.extract_strided_slice %get3A_9 {offsets = [0, 7040], sizes = [1, 128], strides = [1, 1]} : vector<1x8192xf32> to vector<1x128xf32>
    %add3A_2617 = vector.broadcast %slice3A_1841 : vector<64x1xf32> to vector<64x128xf32>
    %add3A_2618 = vector.broadcast %slice3A_2616 : vector<1x128xf32> to vector<64x128xf32>
    %add3A_2619 = arith.addf %add3A_2617, %add3A_2618 : vector<64x128xf32>
    %slice3A_2620 = vector.extract_strided_slice %dot_general3A_5 {offsets = [128, 7040], sizes = [64, 128], strides = [1, 1]} : vector<256x8192xf32> to vector<64x128xf32>
    %sub3A_2621 = arith.subf %add3A_2619, %slice3A_2620 : vector<64x128xf32>
    %swap3A_2622 = arith.constant 128 : index
    %swap3A_2623 = arith.constant 7040 : index
    %swap3A_2624 = vector.load %arg4[%swap3A_2622, %swap3A_2623] : memref<256x8192xf32, #tpu.memory_space<vmem>>, vector<64x128xf32>
    tpu.vector_store %arg4[%swap3A_2622, %swap3A_2623], %sub3A_2621 {strides = array<i32>} : memref<256x8192xf32, #tpu.memory_space<vmem>>, vector<64x128xf32>,
    %lt3A_2625 = arith.cmpf olt, %sub3A_2621, %select_n3A_2615 : vector<64x128xf32>
    %broadcast_in_dim3A_2626 = arith.constant 55 : i32
    %broadcast_in_dim3A_2627 = vector.broadcast %broadcast_in_dim3A_2626 : i32 to vector<64x128xi32>
    %select_n3A_2628 = arith.select %lt3A_2625, %broadcast_in_dim3A_2627, %select_n3A_2614 : vector<64x128xi1>, vector<64x128xi32>
    %select_n3A_2629 = arith.select %lt3A_2625, %sub3A_2621, %select_n3A_2615 : vector<64x128xi1>, vector<64x128xf32>
    %slice3A_2630 = vector.extract_strided_slice %get3A_9 {offsets = [0, 7168], sizes = [1, 128], strides = [1, 1]} : vector<1x8192xf32> to vector<1x128xf32>
    %add3A_2631 = vector.broadcast %slice3A_1841 : vector<64x1xf32> to vector<64x128xf32>
    %add3A_2632 = vector.broadcast %slice3A_2630 : vector<1x128xf32> to vector<64x128xf32>
    %add3A_2633 = arith.addf %add3A_2631, %add3A_2632 : vector<64x128xf32>
    %slice3A_2634 = vector.extract_strided_slice %dot_general3A_5 {offsets = [128, 7168], sizes = [64, 128], strides = [1, 1]} : vector<256x8192xf32> to vector<64x128xf32>
    %sub3A_2635 = arith.subf %add3A_2633, %slice3A_2634 : vector<64x128xf32>
    %swap3A_2636 = arith.constant 128 : index
    %swap3A_2637 = arith.constant 7168 : index
    %swap3A_2638 = vector.load %arg4[%swap3A_2636, %swap3A_2637] : memref<256x8192xf32, #tpu.memory_space<vmem>>, vector<64x128xf32>
    tpu.vector_store %arg4[%swap3A_2636, %swap3A_2637], %sub3A_2635 {strides = array<i32>} : memref<256x8192xf32, #tpu.memory_space<vmem>>, vector<64x128xf32>,
    %lt3A_2639 = arith.cmpf olt, %sub3A_2635, %select_n3A_2629 : vector<64x128xf32>
    %broadcast_in_dim3A_2640 = arith.constant 56 : i32
    %broadcast_in_dim3A_2641 = vector.broadcast %broadcast_in_dim3A_2640 : i32 to vector<64x128xi32>
    %select_n3A_2642 = arith.select %lt3A_2639, %broadcast_in_dim3A_2641, %select_n3A_2628 : vector<64x128xi1>, vector<64x128xi32>
    %select_n3A_2643 = arith.select %lt3A_2639, %sub3A_2635, %select_n3A_2629 : vector<64x128xi1>, vector<64x128xf32>
    %slice3A_2644 = vector.extract_strided_slice %get3A_9 {offsets = [0, 7296], sizes = [1, 128], strides = [1, 1]} : vector<1x8192xf32> to vector<1x128xf32>
    %add3A_2645 = vector.broadcast %slice3A_1841 : vector<64x1xf32> to vector<64x128xf32>
    %add3A_2646 = vector.broadcast %slice3A_2644 : vector<1x128xf32> to vector<64x128xf32>
    %add3A_2647 = arith.addf %add3A_2645, %add3A_2646 : vector<64x128xf32>
    %slice3A_2648 = vector.extract_strided_slice %dot_general3A_5 {offsets = [128, 7296], sizes = [64, 128], strides = [1, 1]} : vector<256x8192xf32> to vector<64x128xf32>
    %sub3A_2649 = arith.subf %add3A_2647, %slice3A_2648 : vector<64x128xf32>
    %swap3A_2650 = arith.constant 128 : index
    %swap3A_2651 = arith.constant 7296 : index
    %swap3A_2652 = vector.load %arg4[%swap3A_2650, %swap3A_2651] : memref<256x8192xf32, #tpu.memory_space<vmem>>, vector<64x128xf32>
    tpu.vector_store %arg4[%swap3A_2650, %swap3A_2651], %sub3A_2649 {strides = array<i32>} : memref<256x8192xf32, #tpu.memory_space<vmem>>, vector<64x128xf32>,
    %lt3A_2653 = arith.cmpf olt, %sub3A_2649, %select_n3A_2643 : vector<64x128xf32>
    %broadcast_in_dim3A_2654 = arith.constant 57 : i32
    %broadcast_in_dim3A_2655 = vector.broadcast %broadcast_in_dim3A_2654 : i32 to vector<64x128xi32>
    %select_n3A_2656 = arith.select %lt3A_2653, %broadcast_in_dim3A_2655, %select_n3A_2642 : vector<64x128xi1>, vector<64x128xi32>
    %select_n3A_2657 = arith.select %lt3A_2653, %sub3A_2649, %select_n3A_2643 : vector<64x128xi1>, vector<64x128xf32>
    %slice3A_2658 = vector.extract_strided_slice %get3A_9 {offsets = [0, 7424], sizes = [1, 128], strides = [1, 1]} : vector<1x8192xf32> to vector<1x128xf32>
    %add3A_2659 = vector.broadcast %slice3A_1841 : vector<64x1xf32> to vector<64x128xf32>
    %add3A_2660 = vector.broadcast %slice3A_2658 : vector<1x128xf32> to vector<64x128xf32>
    %add3A_2661 = arith.addf %add3A_2659, %add3A_2660 : vector<64x128xf32>
    %slice3A_2662 = vector.extract_strided_slice %dot_general3A_5 {offsets = [128, 7424], sizes = [64, 128], strides = [1, 1]} : vector<256x8192xf32> to vector<64x128xf32>
    %sub3A_2663 = arith.subf %add3A_2661, %slice3A_2662 : vector<64x128xf32>
    %swap3A_2664 = arith.constant 128 : index
    %swap3A_2665 = arith.constant 7424 : index
    %swap3A_2666 = vector.load %arg4[%swap3A_2664, %swap3A_2665] : memref<256x8192xf32, #tpu.memory_space<vmem>>, vector<64x128xf32>
    tpu.vector_store %arg4[%swap3A_2664, %swap3A_2665], %sub3A_2663 {strides = array<i32>} : memref<256x8192xf32, #tpu.memory_space<vmem>>, vector<64x128xf32>,
    %lt3A_2667 = arith.cmpf olt, %sub3A_2663, %select_n3A_2657 : vector<64x128xf32>
    %broadcast_in_dim3A_2668 = arith.constant 58 : i32
    %broadcast_in_dim3A_2669 = vector.broadcast %broadcast_in_dim3A_2668 : i32 to vector<64x128xi32>
    %select_n3A_2670 = arith.select %lt3A_2667, %broadcast_in_dim3A_2669, %select_n3A_2656 : vector<64x128xi1>, vector<64x128xi32>
    %select_n3A_2671 = arith.select %lt3A_2667, %sub3A_2663, %select_n3A_2657 : vector<64x128xi1>, vector<64x128xf32>
    %slice3A_2672 = vector.extract_strided_slice %get3A_9 {offsets = [0, 7552], sizes = [1, 128], strides = [1, 1]} : vector<1x8192xf32> to vector<1x128xf32>
    %add3A_2673 = vector.broadcast %slice3A_1841 : vector<64x1xf32> to vector<64x128xf32>
    %add3A_2674 = vector.broadcast %slice3A_2672 : vector<1x128xf32> to vector<64x128xf32>
    %add3A_2675 = arith.addf %add3A_2673, %add3A_2674 : vector<64x128xf32>
    %slice3A_2676 = vector.extract_strided_slice %dot_general3A_5 {offsets = [128, 7552], sizes = [64, 128], strides = [1, 1]} : vector<256x8192xf32> to vector<64x128xf32>
    %sub3A_2677 = arith.subf %add3A_2675, %slice3A_2676 : vector<64x128xf32>
    %swap3A_2678 = arith.constant 128 : index
    %swap3A_2679 = arith.constant 7552 : index
    %swap3A_2680 = vector.load %arg4[%swap3A_2678, %swap3A_2679] : memref<256x8192xf32, #tpu.memory_space<vmem>>, vector<64x128xf32>
    tpu.vector_store %arg4[%swap3A_2678, %swap3A_2679], %sub3A_2677 {strides = array<i32>} : memref<256x8192xf32, #tpu.memory_space<vmem>>, vector<64x128xf32>,
    %lt3A_2681 = arith.cmpf olt, %sub3A_2677, %select_n3A_2671 : vector<64x128xf32>
    %broadcast_in_dim3A_2682 = arith.constant 59 : i32
    %broadcast_in_dim3A_2683 = vector.broadcast %broadcast_in_dim3A_2682 : i32 to vector<64x128xi32>
    %select_n3A_2684 = arith.select %lt3A_2681, %broadcast_in_dim3A_2683, %select_n3A_2670 : vector<64x128xi1>, vector<64x128xi32>
    %select_n3A_2685 = arith.select %lt3A_2681, %sub3A_2677, %select_n3A_2671 : vector<64x128xi1>, vector<64x128xf32>
    %slice3A_2686 = vector.extract_strided_slice %get3A_9 {offsets = [0, 7680], sizes = [1, 128], strides = [1, 1]} : vector<1x8192xf32> to vector<1x128xf32>
    %add3A_2687 = vector.broadcast %slice3A_1841 : vector<64x1xf32> to vector<64x128xf32>
    %add3A_2688 = vector.broadcast %slice3A_2686 : vector<1x128xf32> to vector<64x128xf32>
    %add3A_2689 = arith.addf %add3A_2687, %add3A_2688 : vector<64x128xf32>
    %slice3A_2690 = vector.extract_strided_slice %dot_general3A_5 {offsets = [128, 7680], sizes = [64, 128], strides = [1, 1]} : vector<256x8192xf32> to vector<64x128xf32>
    %sub3A_2691 = arith.subf %add3A_2689, %slice3A_2690 : vector<64x128xf32>
    %swap3A_2692 = arith.constant 128 : index
    %swap3A_2693 = arith.constant 7680 : index
    %swap3A_2694 = vector.load %arg4[%swap3A_2692, %swap3A_2693] : memref<256x8192xf32, #tpu.memory_space<vmem>>, vector<64x128xf32>
    tpu.vector_store %arg4[%swap3A_2692, %swap3A_2693], %sub3A_2691 {strides = array<i32>} : memref<256x8192xf32, #tpu.memory_space<vmem>>, vector<64x128xf32>,
    %lt3A_2695 = arith.cmpf olt, %sub3A_2691, %select_n3A_2685 : vector<64x128xf32>
    %broadcast_in_dim3A_2696 = arith.constant 60 : i32
    %broadcast_in_dim3A_2697 = vector.broadcast %broadcast_in_dim3A_2696 : i32 to vector<64x128xi32>
    %select_n3A_2698 = arith.select %lt3A_2695, %broadcast_in_dim3A_2697, %select_n3A_2684 : vector<64x128xi1>, vector<64x128xi32>
    %select_n3A_2699 = arith.select %lt3A_2695, %sub3A_2691, %select_n3A_2685 : vector<64x128xi1>, vector<64x128xf32>
    %slice3A_2700 = vector.extract_strided_slice %get3A_9 {offsets = [0, 7808], sizes = [1, 128], strides = [1, 1]} : vector<1x8192xf32> to vector<1x128xf32>
    %add3A_2701 = vector.broadcast %slice3A_1841 : vector<64x1xf32> to vector<64x128xf32>
    %add3A_2702 = vector.broadcast %slice3A_2700 : vector<1x128xf32> to vector<64x128xf32>
    %add3A_2703 = arith.addf %add3A_2701, %add3A_2702 : vector<64x128xf32>
    %slice3A_2704 = vector.extract_strided_slice %dot_general3A_5 {offsets = [128, 7808], sizes = [64, 128], strides = [1, 1]} : vector<256x8192xf32> to vector<64x128xf32>
    %sub3A_2705 = arith.subf %add3A_2703, %slice3A_2704 : vector<64x128xf32>
    %swap3A_2706 = arith.constant 128 : index
    %swap3A_2707 = arith.constant 7808 : index
    %swap3A_2708 = vector.load %arg4[%swap3A_2706, %swap3A_2707] : memref<256x8192xf32, #tpu.memory_space<vmem>>, vector<64x128xf32>
    tpu.vector_store %arg4[%swap3A_2706, %swap3A_2707], %sub3A_2705 {strides = array<i32>} : memref<256x8192xf32, #tpu.memory_space<vmem>>, vector<64x128xf32>,
    %lt3A_2709 = arith.cmpf olt, %sub3A_2705, %select_n3A_2699 : vector<64x128xf32>
    %broadcast_in_dim3A_2710 = arith.constant 61 : i32
    %broadcast_in_dim3A_2711 = vector.broadcast %broadcast_in_dim3A_2710 : i32 to vector<64x128xi32>
    %select_n3A_2712 = arith.select %lt3A_2709, %broadcast_in_dim3A_2711, %select_n3A_2698 : vector<64x128xi1>, vector<64x128xi32>
    %select_n3A_2713 = arith.select %lt3A_2709, %sub3A_2705, %select_n3A_2699 : vector<64x128xi1>, vector<64x128xf32>
    %slice3A_2714 = vector.extract_strided_slice %get3A_9 {offsets = [0, 7936], sizes = [1, 128], strides = [1, 1]} : vector<1x8192xf32> to vector<1x128xf32>
    %add3A_2715 = vector.broadcast %slice3A_1841 : vector<64x1xf32> to vector<64x128xf32>
    %add3A_2716 = vector.broadcast %slice3A_2714 : vector<1x128xf32> to vector<64x128xf32>
    %add3A_2717 = arith.addf %add3A_2715, %add3A_2716 : vector<64x128xf32>
    %slice3A_2718 = vector.extract_strided_slice %dot_general3A_5 {offsets = [128, 7936], sizes = [64, 128], strides = [1, 1]} : vector<256x8192xf32> to vector<64x128xf32>
    %sub3A_2719 = arith.subf %add3A_2717, %slice3A_2718 : vector<64x128xf32>
    %swap3A_2720 = arith.constant 128 : index
    %swap3A_2721 = arith.constant 7936 : index
    %swap3A_2722 = vector.load %arg4[%swap3A_2720, %swap3A_2721] : memref<256x8192xf32, #tpu.memory_space<vmem>>, vector<64x128xf32>
    tpu.vector_store %arg4[%swap3A_2720, %swap3A_2721], %sub3A_2719 {strides = array<i32>} : memref<256x8192xf32, #tpu.memory_space<vmem>>, vector<64x128xf32>,
    %lt3A_2723 = arith.cmpf olt, %sub3A_2719, %select_n3A_2713 : vector<64x128xf32>
    %broadcast_in_dim3A_2724 = arith.constant 62 : i32
    %broadcast_in_dim3A_2725 = vector.broadcast %broadcast_in_dim3A_2724 : i32 to vector<64x128xi32>
    %select_n3A_2726 = arith.select %lt3A_2723, %broadcast_in_dim3A_2725, %select_n3A_2712 : vector<64x128xi1>, vector<64x128xi32>
    %select_n3A_2727 = arith.select %lt3A_2723, %sub3A_2719, %select_n3A_2713 : vector<64x128xi1>, vector<64x128xf32>
    %slice3A_2728 = vector.extract_strided_slice %get3A_9 {offsets = [0, 8064], sizes = [1, 128], strides = [1, 1]} : vector<1x8192xf32> to vector<1x128xf32>
    %add3A_2729 = vector.broadcast %slice3A_1841 : vector<64x1xf32> to vector<64x128xf32>
    %add3A_2730 = vector.broadcast %slice3A_2728 : vector<1x128xf32> to vector<64x128xf32>
    %add3A_2731 = arith.addf %add3A_2729, %add3A_2730 : vector<64x128xf32>
    %slice3A_2732 = vector.extract_strided_slice %dot_general3A_5 {offsets = [128, 8064], sizes = [64, 128], strides = [1, 1]} : vector<256x8192xf32> to vector<64x128xf32>
    %sub3A_2733 = arith.subf %add3A_2731, %slice3A_2732 : vector<64x128xf32>
    %swap3A_2734 = arith.constant 128 : index
    %swap3A_2735 = arith.constant 8064 : index
    %swap3A_2736 = vector.load %arg4[%swap3A_2734, %swap3A_2735] : memref<256x8192xf32, #tpu.memory_space<vmem>>, vector<64x128xf32>
    tpu.vector_store %arg4[%swap3A_2734, %swap3A_2735], %sub3A_2733 {strides = array<i32>} : memref<256x8192xf32, #tpu.memory_space<vmem>>, vector<64x128xf32>,
    %lt3A_2737 = arith.cmpf olt, %sub3A_2733, %select_n3A_2727 : vector<64x128xf32>
    %broadcast_in_dim3A_2738 = arith.constant 63 : i32
    %broadcast_in_dim3A_2739 = vector.broadcast %broadcast_in_dim3A_2738 : i32 to vector<64x128xi32>
    %select_n3A_2740 = arith.select %lt3A_2737, %broadcast_in_dim3A_2739, %select_n3A_2726 : vector<64x128xi1>, vector<64x128xi32>
    %select_n3A_2741 = arith.select %lt3A_2737, %sub3A_2733, %select_n3A_2727 : vector<64x128xi1>, vector<64x128xf32>
    %reduce_min3A_2742 = arith.constant dense<0x7F800000> : vector<64xf32>
    %reduce_min3A_2743 = vector.multi_reduction <minimumf>, %select_n3A_2741, %reduce_min3A_2742 [1] : vector<64x128xf32> to vector<64xf32>
    %broadcast_in_dim3A_2744 = vector.shape_cast %reduce_min3A_2743 : vector<64xf32> to vector<64x1xf32>
    %mul3A_2745 = arith.constant 128 : i32
    %mul3A_2746 = vector.broadcast %mul3A_2745 : i32 to vector<64x128xi32>
    %mul3A_2747 = arith.muli %select_n3A_2740, %mul3A_2746 : vector<64x128xi32>
    %iota3A_2748 = tpu.iota {dimensions = array<i32: 1>} : vector<64x128xi32>
    %add3A_2749 = arith.addi %mul3A_2747, %iota3A_2748 : vector<64x128xi32>
    %eq3A_2750 = vector.broadcast %broadcast_in_dim3A_2744 : vector<64x1xf32> to vector<64x128xf32>
    %eq3A_2751 = arith.cmpf oeq, %select_n3A_2741, %eq3A_2750 : vector<64x128xf32>
    %jit3A_2752 = arith.constant 1073741824 : i32
    %broadcast_in_dim3A_2753 = vector.broadcast %jit3A_2752 : i32 to vector<64x128xi32>
    %select_n3A_2754 = arith.select %eq3A_2751, %add3A_2749, %broadcast_in_dim3A_2753 : vector<64x128xi1>, vector<64x128xi32>
    %reduce_min3A_2755 = arith.constant dense<2147483647> : vector<64xi32>
    %reduce_min3A_2756 = vector.multi_reduction <minsi>, %select_n3A_2754, %reduce_min3A_2755 [1] : vector<64x128xi32> to vector<64xi32>
    %broadcast_in_dim3A_2757 = vector.shape_cast %reduce_min3A_2756 : vector<64xi32> to vector<64x1xi32>
    %swap3A_2758 = arith.constant 128 : index
    %swap3A_2759 = arith.constant 0 : index
    %swap3A_2760 = vector.load %arg5[%swap3A_2758, %swap3A_2759] : memref<256x1xi32, #tpu.memory_space<vmem>>, vector<64x1xi32>
    tpu.vector_store %arg5[%swap3A_2758, %swap3A_2759], %broadcast_in_dim3A_2757 {strides = array<i32>} : memref<256x1xi32, #tpu.memory_space<vmem>>, vector<64x1xi32>,
    %slice3A_2761 = vector.extract_strided_slice %broadcast_in_dim3A {offsets = [192, 0], sizes = [64, 1], strides = [1, 1]} : vector<256x1xf32> to vector<64x1xf32>
    %broadcast_in_dim3A_2762 = arith.constant 0x7F800000 : f32
    %broadcast_in_dim3A_2763 = vector.broadcast %broadcast_in_dim3A_2762 : f32 to vector<64x128xf32>
    %broadcast_in_dim3A_2764 = arith.constant 0 : i32
    %broadcast_in_dim3A_2765 = vector.broadcast %broadcast_in_dim3A_2764 : i32 to vector<64x128xi32>
    %slice3A_2766 = vector.extract_strided_slice %get3A_9 {offsets = [0, 0], sizes = [1, 128], strides = [1, 1]} : vector<1x8192xf32> to vector<1x128xf32>
    %add3A_2767 = vector.broadcast %slice3A_2761 : vector<64x1xf32> to vector<64x128xf32>
    %add3A_2768 = vector.broadcast %slice3A_2766 : vector<1x128xf32> to vector<64x128xf32>
    %add3A_2769 = arith.addf %add3A_2767, %add3A_2768 : vector<64x128xf32>
    %slice3A_2770 = vector.extract_strided_slice %dot_general3A_5 {offsets = [192, 0], sizes = [64, 128], strides = [1, 1]} : vector<256x8192xf32> to vector<64x128xf32>
    %sub3A_2771 = arith.subf %add3A_2769, %slice3A_2770 : vector<64x128xf32>
    %swap3A_2772 = arith.constant 192 : index
    %swap3A_2773 = arith.constant 0 : index
    %swap3A_2774 = vector.load %arg4[%swap3A_2772, %swap3A_2773] : memref<256x8192xf32, #tpu.memory_space<vmem>>, vector<64x128xf32>
    tpu.vector_store %arg4[%swap3A_2772, %swap3A_2773], %sub3A_2771 {strides = array<i32>} : memref<256x8192xf32, #tpu.memory_space<vmem>>, vector<64x128xf32>,
    %lt3A_2775 = arith.cmpf olt, %sub3A_2771, %broadcast_in_dim3A_2763 : vector<64x128xf32>
    %broadcast_in_dim3A_2776 = arith.constant 0 : i32
    %broadcast_in_dim3A_2777 = vector.broadcast %broadcast_in_dim3A_2776 : i32 to vector<64x128xi32>
    %select_n3A_2778 = arith.select %lt3A_2775, %broadcast_in_dim3A_2777, %broadcast_in_dim3A_2765 : vector<64x128xi1>, vector<64x128xi32>
    %select_n3A_2779 = arith.select %lt3A_2775, %sub3A_2771, %broadcast_in_dim3A_2763 : vector<64x128xi1>, vector<64x128xf32>
    %slice3A_2780 = vector.extract_strided_slice %get3A_9 {offsets = [0, 128], sizes = [1, 128], strides = [1, 1]} : vector<1x8192xf32> to vector<1x128xf32>
    %add3A_2781 = vector.broadcast %slice3A_2761 : vector<64x1xf32> to vector<64x128xf32>
    %add3A_2782 = vector.broadcast %slice3A_2780 : vector<1x128xf32> to vector<64x128xf32>
    %add3A_2783 = arith.addf %add3A_2781, %add3A_2782 : vector<64x128xf32>
    %slice3A_2784 = vector.extract_strided_slice %dot_general3A_5 {offsets = [192, 128], sizes = [64, 128], strides = [1, 1]} : vector<256x8192xf32> to vector<64x128xf32>
    %sub3A_2785 = arith.subf %add3A_2783, %slice3A_2784 : vector<64x128xf32>
    %swap3A_2786 = arith.constant 192 : index
    %swap3A_2787 = arith.constant 128 : index
    %swap3A_2788 = vector.load %arg4[%swap3A_2786, %swap3A_2787] : memref<256x8192xf32, #tpu.memory_space<vmem>>, vector<64x128xf32>
    tpu.vector_store %arg4[%swap3A_2786, %swap3A_2787], %sub3A_2785 {strides = array<i32>} : memref<256x8192xf32, #tpu.memory_space<vmem>>, vector<64x128xf32>,
    %lt3A_2789 = arith.cmpf olt, %sub3A_2785, %select_n3A_2779 : vector<64x128xf32>
    %broadcast_in_dim3A_2790 = arith.constant 1 : i32
    %broadcast_in_dim3A_2791 = vector.broadcast %broadcast_in_dim3A_2790 : i32 to vector<64x128xi32>
    %select_n3A_2792 = arith.select %lt3A_2789, %broadcast_in_dim3A_2791, %select_n3A_2778 : vector<64x128xi1>, vector<64x128xi32>
    %select_n3A_2793 = arith.select %lt3A_2789, %sub3A_2785, %select_n3A_2779 : vector<64x128xi1>, vector<64x128xf32>
    %slice3A_2794 = vector.extract_strided_slice %get3A_9 {offsets = [0, 256], sizes = [1, 128], strides = [1, 1]} : vector<1x8192xf32> to vector<1x128xf32>
    %add3A_2795 = vector.broadcast %slice3A_2761 : vector<64x1xf32> to vector<64x128xf32>
    %add3A_2796 = vector.broadcast %slice3A_2794 : vector<1x128xf32> to vector<64x128xf32>
    %add3A_2797 = arith.addf %add3A_2795, %add3A_2796 : vector<64x128xf32>
    %slice3A_2798 = vector.extract_strided_slice %dot_general3A_5 {offsets = [192, 256], sizes = [64, 128], strides = [1, 1]} : vector<256x8192xf32> to vector<64x128xf32>
    %sub3A_2799 = arith.subf %add3A_2797, %slice3A_2798 : vector<64x128xf32>
    %swap3A_2800 = arith.constant 192 : index
    %swap3A_2801 = arith.constant 256 : index
    %swap3A_2802 = vector.load %arg4[%swap3A_2800, %swap3A_2801] : memref<256x8192xf32, #tpu.memory_space<vmem>>, vector<64x128xf32>
    tpu.vector_store %arg4[%swap3A_2800, %swap3A_2801], %sub3A_2799 {strides = array<i32>} : memref<256x8192xf32, #tpu.memory_space<vmem>>, vector<64x128xf32>,
    %lt3A_2803 = arith.cmpf olt, %sub3A_2799, %select_n3A_2793 : vector<64x128xf32>
    %broadcast_in_dim3A_2804 = arith.constant 2 : i32
    %broadcast_in_dim3A_2805 = vector.broadcast %broadcast_in_dim3A_2804 : i32 to vector<64x128xi32>
    %select_n3A_2806 = arith.select %lt3A_2803, %broadcast_in_dim3A_2805, %select_n3A_2792 : vector<64x128xi1>, vector<64x128xi32>
    %select_n3A_2807 = arith.select %lt3A_2803, %sub3A_2799, %select_n3A_2793 : vector<64x128xi1>, vector<64x128xf32>
    %slice3A_2808 = vector.extract_strided_slice %get3A_9 {offsets = [0, 384], sizes = [1, 128], strides = [1, 1]} : vector<1x8192xf32> to vector<1x128xf32>
    %add3A_2809 = vector.broadcast %slice3A_2761 : vector<64x1xf32> to vector<64x128xf32>
    %add3A_2810 = vector.broadcast %slice3A_2808 : vector<1x128xf32> to vector<64x128xf32>
    %add3A_2811 = arith.addf %add3A_2809, %add3A_2810 : vector<64x128xf32>
    %slice3A_2812 = vector.extract_strided_slice %dot_general3A_5 {offsets = [192, 384], sizes = [64, 128], strides = [1, 1]} : vector<256x8192xf32> to vector<64x128xf32>
    %sub3A_2813 = arith.subf %add3A_2811, %slice3A_2812 : vector<64x128xf32>
    %swap3A_2814 = arith.constant 192 : index
    %swap3A_2815 = arith.constant 384 : index
    %swap3A_2816 = vector.load %arg4[%swap3A_2814, %swap3A_2815] : memref<256x8192xf32, #tpu.memory_space<vmem>>, vector<64x128xf32>
    tpu.vector_store %arg4[%swap3A_2814, %swap3A_2815], %sub3A_2813 {strides = array<i32>} : memref<256x8192xf32, #tpu.memory_space<vmem>>, vector<64x128xf32>,
    %lt3A_2817 = arith.cmpf olt, %sub3A_2813, %select_n3A_2807 : vector<64x128xf32>
    %broadcast_in_dim3A_2818 = arith.constant 3 : i32
    %broadcast_in_dim3A_2819 = vector.broadcast %broadcast_in_dim3A_2818 : i32 to vector<64x128xi32>
    %select_n3A_2820 = arith.select %lt3A_2817, %broadcast_in_dim3A_2819, %select_n3A_2806 : vector<64x128xi1>, vector<64x128xi32>
    %select_n3A_2821 = arith.select %lt3A_2817, %sub3A_2813, %select_n3A_2807 : vector<64x128xi1>, vector<64x128xf32>
    %slice3A_2822 = vector.extract_strided_slice %get3A_9 {offsets = [0, 512], sizes = [1, 128], strides = [1, 1]} : vector<1x8192xf32> to vector<1x128xf32>
    %add3A_2823 = vector.broadcast %slice3A_2761 : vector<64x1xf32> to vector<64x128xf32>
    %add3A_2824 = vector.broadcast %slice3A_2822 : vector<1x128xf32> to vector<64x128xf32>
    %add3A_2825 = arith.addf %add3A_2823, %add3A_2824 : vector<64x128xf32>
    %slice3A_2826 = vector.extract_strided_slice %dot_general3A_5 {offsets = [192, 512], sizes = [64, 128], strides = [1, 1]} : vector<256x8192xf32> to vector<64x128xf32>
    %sub3A_2827 = arith.subf %add3A_2825, %slice3A_2826 : vector<64x128xf32>
    %swap3A_2828 = arith.constant 192 : index
    %swap3A_2829 = arith.constant 512 : index
    %swap3A_2830 = vector.load %arg4[%swap3A_2828, %swap3A_2829] : memref<256x8192xf32, #tpu.memory_space<vmem>>, vector<64x128xf32>
    tpu.vector_store %arg4[%swap3A_2828, %swap3A_2829], %sub3A_2827 {strides = array<i32>} : memref<256x8192xf32, #tpu.memory_space<vmem>>, vector<64x128xf32>,
    %lt3A_2831 = arith.cmpf olt, %sub3A_2827, %select_n3A_2821 : vector<64x128xf32>
    %broadcast_in_dim3A_2832 = arith.constant 4 : i32
    %broadcast_in_dim3A_2833 = vector.broadcast %broadcast_in_dim3A_2832 : i32 to vector<64x128xi32>
    %select_n3A_2834 = arith.select %lt3A_2831, %broadcast_in_dim3A_2833, %select_n3A_2820 : vector<64x128xi1>, vector<64x128xi32>
    %select_n3A_2835 = arith.select %lt3A_2831, %sub3A_2827, %select_n3A_2821 : vector<64x128xi1>, vector<64x128xf32>
    %slice3A_2836 = vector.extract_strided_slice %get3A_9 {offsets = [0, 640], sizes = [1, 128], strides = [1, 1]} : vector<1x8192xf32> to vector<1x128xf32>
    %add3A_2837 = vector.broadcast %slice3A_2761 : vector<64x1xf32> to vector<64x128xf32>
    %add3A_2838 = vector.broadcast %slice3A_2836 : vector<1x128xf32> to vector<64x128xf32>
    %add3A_2839 = arith.addf %add3A_2837, %add3A_2838 : vector<64x128xf32>
    %slice3A_2840 = vector.extract_strided_slice %dot_general3A_5 {offsets = [192, 640], sizes = [64, 128], strides = [1, 1]} : vector<256x8192xf32> to vector<64x128xf32>
    %sub3A_2841 = arith.subf %add3A_2839, %slice3A_2840 : vector<64x128xf32>
    %swap3A_2842 = arith.constant 192 : index
    %swap3A_2843 = arith.constant 640 : index
    %swap3A_2844 = vector.load %arg4[%swap3A_2842, %swap3A_2843] : memref<256x8192xf32, #tpu.memory_space<vmem>>, vector<64x128xf32>
    tpu.vector_store %arg4[%swap3A_2842, %swap3A_2843], %sub3A_2841 {strides = array<i32>} : memref<256x8192xf32, #tpu.memory_space<vmem>>, vector<64x128xf32>,
    %lt3A_2845 = arith.cmpf olt, %sub3A_2841, %select_n3A_2835 : vector<64x128xf32>
    %broadcast_in_dim3A_2846 = arith.constant 5 : i32
    %broadcast_in_dim3A_2847 = vector.broadcast %broadcast_in_dim3A_2846 : i32 to vector<64x128xi32>
    %select_n3A_2848 = arith.select %lt3A_2845, %broadcast_in_dim3A_2847, %select_n3A_2834 : vector<64x128xi1>, vector<64x128xi32>
    %select_n3A_2849 = arith.select %lt3A_2845, %sub3A_2841, %select_n3A_2835 : vector<64x128xi1>, vector<64x128xf32>
    %slice3A_2850 = vector.extract_strided_slice %get3A_9 {offsets = [0, 768], sizes = [1, 128], strides = [1, 1]} : vector<1x8192xf32> to vector<1x128xf32>
    %add3A_2851 = vector.broadcast %slice3A_2761 : vector<64x1xf32> to vector<64x128xf32>
    %add3A_2852 = vector.broadcast %slice3A_2850 : vector<1x128xf32> to vector<64x128xf32>
    %add3A_2853 = arith.addf %add3A_2851, %add3A_2852 : vector<64x128xf32>
    %slice3A_2854 = vector.extract_strided_slice %dot_general3A_5 {offsets = [192, 768], sizes = [64, 128], strides = [1, 1]} : vector<256x8192xf32> to vector<64x128xf32>
    %sub3A_2855 = arith.subf %add3A_2853, %slice3A_2854 : vector<64x128xf32>
    %swap3A_2856 = arith.constant 192 : index
    %swap3A_2857 = arith.constant 768 : index
    %swap3A_2858 = vector.load %arg4[%swap3A_2856, %swap3A_2857] : memref<256x8192xf32, #tpu.memory_space<vmem>>, vector<64x128xf32>
    tpu.vector_store %arg4[%swap3A_2856, %swap3A_2857], %sub3A_2855 {strides = array<i32>} : memref<256x8192xf32, #tpu.memory_space<vmem>>, vector<64x128xf32>,
    %lt3A_2859 = arith.cmpf olt, %sub3A_2855, %select_n3A_2849 : vector<64x128xf32>
    %broadcast_in_dim3A_2860 = arith.constant 6 : i32
    %broadcast_in_dim3A_2861 = vector.broadcast %broadcast_in_dim3A_2860 : i32 to vector<64x128xi32>
    %select_n3A_2862 = arith.select %lt3A_2859, %broadcast_in_dim3A_2861, %select_n3A_2848 : vector<64x128xi1>, vector<64x128xi32>
    %select_n3A_2863 = arith.select %lt3A_2859, %sub3A_2855, %select_n3A_2849 : vector<64x128xi1>, vector<64x128xf32>
    %slice3A_2864 = vector.extract_strided_slice %get3A_9 {offsets = [0, 896], sizes = [1, 128], strides = [1, 1]} : vector<1x8192xf32> to vector<1x128xf32>
    %add3A_2865 = vector.broadcast %slice3A_2761 : vector<64x1xf32> to vector<64x128xf32>
    %add3A_2866 = vector.broadcast %slice3A_2864 : vector<1x128xf32> to vector<64x128xf32>
    %add3A_2867 = arith.addf %add3A_2865, %add3A_2866 : vector<64x128xf32>
    %slice3A_2868 = vector.extract_strided_slice %dot_general3A_5 {offsets = [192, 896], sizes = [64, 128], strides = [1, 1]} : vector<256x8192xf32> to vector<64x128xf32>
    %sub3A_2869 = arith.subf %add3A_2867, %slice3A_2868 : vector<64x128xf32>
    %swap3A_2870 = arith.constant 192 : index
    %swap3A_2871 = arith.constant 896 : index
    %swap3A_2872 = vector.load %arg4[%swap3A_2870, %swap3A_2871] : memref<256x8192xf32, #tpu.memory_space<vmem>>, vector<64x128xf32>
    tpu.vector_store %arg4[%swap3A_2870, %swap3A_2871], %sub3A_2869 {strides = array<i32>} : memref<256x8192xf32, #tpu.memory_space<vmem>>, vector<64x128xf32>,
    %lt3A_2873 = arith.cmpf olt, %sub3A_2869, %select_n3A_2863 : vector<64x128xf32>
    %broadcast_in_dim3A_2874 = arith.constant 7 : i32
    %broadcast_in_dim3A_2875 = vector.broadcast %broadcast_in_dim3A_2874 : i32 to vector<64x128xi32>
    %select_n3A_2876 = arith.select %lt3A_2873, %broadcast_in_dim3A_2875, %select_n3A_2862 : vector<64x128xi1>, vector<64x128xi32>
    %select_n3A_2877 = arith.select %lt3A_2873, %sub3A_2869, %select_n3A_2863 : vector<64x128xi1>, vector<64x128xf32>
    %slice3A_2878 = vector.extract_strided_slice %get3A_9 {offsets = [0, 1024], sizes = [1, 128], strides = [1, 1]} : vector<1x8192xf32> to vector<1x128xf32>
    %add3A_2879 = vector.broadcast %slice3A_2761 : vector<64x1xf32> to vector<64x128xf32>
    %add3A_2880 = vector.broadcast %slice3A_2878 : vector<1x128xf32> to vector<64x128xf32>
    %add3A_2881 = arith.addf %add3A_2879, %add3A_2880 : vector<64x128xf32>
    %slice3A_2882 = vector.extract_strided_slice %dot_general3A_5 {offsets = [192, 1024], sizes = [64, 128], strides = [1, 1]} : vector<256x8192xf32> to vector<64x128xf32>
    %sub3A_2883 = arith.subf %add3A_2881, %slice3A_2882 : vector<64x128xf32>
    %swap3A_2884 = arith.constant 192 : index
    %swap3A_2885 = arith.constant 1024 : index
    %swap3A_2886 = vector.load %arg4[%swap3A_2884, %swap3A_2885] : memref<256x8192xf32, #tpu.memory_space<vmem>>, vector<64x128xf32>
    tpu.vector_store %arg4[%swap3A_2884, %swap3A_2885], %sub3A_2883 {strides = array<i32>} : memref<256x8192xf32, #tpu.memory_space<vmem>>, vector<64x128xf32>,
    %lt3A_2887 = arith.cmpf olt, %sub3A_2883, %select_n3A_2877 : vector<64x128xf32>
    %broadcast_in_dim3A_2888 = arith.constant 8 : i32
    %broadcast_in_dim3A_2889 = vector.broadcast %broadcast_in_dim3A_2888 : i32 to vector<64x128xi32>
    %select_n3A_2890 = arith.select %lt3A_2887, %broadcast_in_dim3A_2889, %select_n3A_2876 : vector<64x128xi1>, vector<64x128xi32>
    %select_n3A_2891 = arith.select %lt3A_2887, %sub3A_2883, %select_n3A_2877 : vector<64x128xi1>, vector<64x128xf32>
    %slice3A_2892 = vector.extract_strided_slice %get3A_9 {offsets = [0, 1152], sizes = [1, 128], strides = [1, 1]} : vector<1x8192xf32> to vector<1x128xf32>
    %add3A_2893 = vector.broadcast %slice3A_2761 : vector<64x1xf32> to vector<64x128xf32>
    %add3A_2894 = vector.broadcast %slice3A_2892 : vector<1x128xf32> to vector<64x128xf32>
    %add3A_2895 = arith.addf %add3A_2893, %add3A_2894 : vector<64x128xf32>
    %slice3A_2896 = vector.extract_strided_slice %dot_general3A_5 {offsets = [192, 1152], sizes = [64, 128], strides = [1, 1]} : vector<256x8192xf32> to vector<64x128xf32>
    %sub3A_2897 = arith.subf %add3A_2895, %slice3A_2896 : vector<64x128xf32>
    %swap3A_2898 = arith.constant 192 : index
    %swap3A_2899 = arith.constant 1152 : index
    %swap3A_2900 = vector.load %arg4[%swap3A_2898, %swap3A_2899] : memref<256x8192xf32, #tpu.memory_space<vmem>>, vector<64x128xf32>
    tpu.vector_store %arg4[%swap3A_2898, %swap3A_2899], %sub3A_2897 {strides = array<i32>} : memref<256x8192xf32, #tpu.memory_space<vmem>>, vector<64x128xf32>,
    %lt3A_2901 = arith.cmpf olt, %sub3A_2897, %select_n3A_2891 : vector<64x128xf32>
    %broadcast_in_dim3A_2902 = arith.constant 9 : i32
    %broadcast_in_dim3A_2903 = vector.broadcast %broadcast_in_dim3A_2902 : i32 to vector<64x128xi32>
    %select_n3A_2904 = arith.select %lt3A_2901, %broadcast_in_dim3A_2903, %select_n3A_2890 : vector<64x128xi1>, vector<64x128xi32>
    %select_n3A_2905 = arith.select %lt3A_2901, %sub3A_2897, %select_n3A_2891 : vector<64x128xi1>, vector<64x128xf32>
    %slice3A_2906 = vector.extract_strided_slice %get3A_9 {offsets = [0, 1280], sizes = [1, 128], strides = [1, 1]} : vector<1x8192xf32> to vector<1x128xf32>
    %add3A_2907 = vector.broadcast %slice3A_2761 : vector<64x1xf32> to vector<64x128xf32>
    %add3A_2908 = vector.broadcast %slice3A_2906 : vector<1x128xf32> to vector<64x128xf32>
    %add3A_2909 = arith.addf %add3A_2907, %add3A_2908 : vector<64x128xf32>
    %slice3A_2910 = vector.extract_strided_slice %dot_general3A_5 {offsets = [192, 1280], sizes = [64, 128], strides = [1, 1]} : vector<256x8192xf32> to vector<64x128xf32>
    %sub3A_2911 = arith.subf %add3A_2909, %slice3A_2910 : vector<64x128xf32>
    %swap3A_2912 = arith.constant 192 : index
    %swap3A_2913 = arith.constant 1280 : index
    %swap3A_2914 = vector.load %arg4[%swap3A_2912, %swap3A_2913] : memref<256x8192xf32, #tpu.memory_space<vmem>>, vector<64x128xf32>
    tpu.vector_store %arg4[%swap3A_2912, %swap3A_2913], %sub3A_2911 {strides = array<i32>} : memref<256x8192xf32, #tpu.memory_space<vmem>>, vector<64x128xf32>,
    %lt3A_2915 = arith.cmpf olt, %sub3A_2911, %select_n3A_2905 : vector<64x128xf32>
    %broadcast_in_dim3A_2916 = arith.constant 10 : i32
    %broadcast_in_dim3A_2917 = vector.broadcast %broadcast_in_dim3A_2916 : i32 to vector<64x128xi32>
    %select_n3A_2918 = arith.select %lt3A_2915, %broadcast_in_dim3A_2917, %select_n3A_2904 : vector<64x128xi1>, vector<64x128xi32>
    %select_n3A_2919 = arith.select %lt3A_2915, %sub3A_2911, %select_n3A_2905 : vector<64x128xi1>, vector<64x128xf32>
    %slice3A_2920 = vector.extract_strided_slice %get3A_9 {offsets = [0, 1408], sizes = [1, 128], strides = [1, 1]} : vector<1x8192xf32> to vector<1x128xf32>
    %add3A_2921 = vector.broadcast %slice3A_2761 : vector<64x1xf32> to vector<64x128xf32>
    %add3A_2922 = vector.broadcast %slice3A_2920 : vector<1x128xf32> to vector<64x128xf32>
    %add3A_2923 = arith.addf %add3A_2921, %add3A_2922 : vector<64x128xf32>
    %slice3A_2924 = vector.extract_strided_slice %dot_general3A_5 {offsets = [192, 1408], sizes = [64, 128], strides = [1, 1]} : vector<256x8192xf32> to vector<64x128xf32>
    %sub3A_2925 = arith.subf %add3A_2923, %slice3A_2924 : vector<64x128xf32>
    %swap3A_2926 = arith.constant 192 : index
    %swap3A_2927 = arith.constant 1408 : index
    %swap3A_2928 = vector.load %arg4[%swap3A_2926, %swap3A_2927] : memref<256x8192xf32, #tpu.memory_space<vmem>>, vector<64x128xf32>
    tpu.vector_store %arg4[%swap3A_2926, %swap3A_2927], %sub3A_2925 {strides = array<i32>} : memref<256x8192xf32, #tpu.memory_space<vmem>>, vector<64x128xf32>,
    %lt3A_2929 = arith.cmpf olt, %sub3A_2925, %select_n3A_2919 : vector<64x128xf32>
    %broadcast_in_dim3A_2930 = arith.constant 11 : i32
    %broadcast_in_dim3A_2931 = vector.broadcast %broadcast_in_dim3A_2930 : i32 to vector<64x128xi32>
    %select_n3A_2932 = arith.select %lt3A_2929, %broadcast_in_dim3A_2931, %select_n3A_2918 : vector<64x128xi1>, vector<64x128xi32>
    %select_n3A_2933 = arith.select %lt3A_2929, %sub3A_2925, %select_n3A_2919 : vector<64x128xi1>, vector<64x128xf32>
    %slice3A_2934 = vector.extract_strided_slice %get3A_9 {offsets = [0, 1536], sizes = [1, 128], strides = [1, 1]} : vector<1x8192xf32> to vector<1x128xf32>
    %add3A_2935 = vector.broadcast %slice3A_2761 : vector<64x1xf32> to vector<64x128xf32>
    %add3A_2936 = vector.broadcast %slice3A_2934 : vector<1x128xf32> to vector<64x128xf32>
    %add3A_2937 = arith.addf %add3A_2935, %add3A_2936 : vector<64x128xf32>
    %slice3A_2938 = vector.extract_strided_slice %dot_general3A_5 {offsets = [192, 1536], sizes = [64, 128], strides = [1, 1]} : vector<256x8192xf32> to vector<64x128xf32>
    %sub3A_2939 = arith.subf %add3A_2937, %slice3A_2938 : vector<64x128xf32>
    %swap3A_2940 = arith.constant 192 : index
    %swap3A_2941 = arith.constant 1536 : index
    %swap3A_2942 = vector.load %arg4[%swap3A_2940, %swap3A_2941] : memref<256x8192xf32, #tpu.memory_space<vmem>>, vector<64x128xf32>
    tpu.vector_store %arg4[%swap3A_2940, %swap3A_2941], %sub3A_2939 {strides = array<i32>} : memref<256x8192xf32, #tpu.memory_space<vmem>>, vector<64x128xf32>,
    %lt3A_2943 = arith.cmpf olt, %sub3A_2939, %select_n3A_2933 : vector<64x128xf32>
    %broadcast_in_dim3A_2944 = arith.constant 12 : i32
    %broadcast_in_dim3A_2945 = vector.broadcast %broadcast_in_dim3A_2944 : i32 to vector<64x128xi32>
    %select_n3A_2946 = arith.select %lt3A_2943, %broadcast_in_dim3A_2945, %select_n3A_2932 : vector<64x128xi1>, vector<64x128xi32>
    %select_n3A_2947 = arith.select %lt3A_2943, %sub3A_2939, %select_n3A_2933 : vector<64x128xi1>, vector<64x128xf32>
    %slice3A_2948 = vector.extract_strided_slice %get3A_9 {offsets = [0, 1664], sizes = [1, 128], strides = [1, 1]} : vector<1x8192xf32> to vector<1x128xf32>
    %add3A_2949 = vector.broadcast %slice3A_2761 : vector<64x1xf32> to vector<64x128xf32>
    %add3A_2950 = vector.broadcast %slice3A_2948 : vector<1x128xf32> to vector<64x128xf32>
    %add3A_2951 = arith.addf %add3A_2949, %add3A_2950 : vector<64x128xf32>
    %slice3A_2952 = vector.extract_strided_slice %dot_general3A_5 {offsets = [192, 1664], sizes = [64, 128], strides = [1, 1]} : vector<256x8192xf32> to vector<64x128xf32>
    %sub3A_2953 = arith.subf %add3A_2951, %slice3A_2952 : vector<64x128xf32>
    %swap3A_2954 = arith.constant 192 : index
    %swap3A_2955 = arith.constant 1664 : index
    %swap3A_2956 = vector.load %arg4[%swap3A_2954, %swap3A_2955] : memref<256x8192xf32, #tpu.memory_space<vmem>>, vector<64x128xf32>
    tpu.vector_store %arg4[%swap3A_2954, %swap3A_2955], %sub3A_2953 {strides = array<i32>} : memref<256x8192xf32, #tpu.memory_space<vmem>>, vector<64x128xf32>,
    %lt3A_2957 = arith.cmpf olt, %sub3A_2953, %select_n3A_2947 : vector<64x128xf32>
    %broadcast_in_dim3A_2958 = arith.constant 13 : i32
    %broadcast_in_dim3A_2959 = vector.broadcast %broadcast_in_dim3A_2958 : i32 to vector<64x128xi32>
    %select_n3A_2960 = arith.select %lt3A_2957, %broadcast_in_dim3A_2959, %select_n3A_2946 : vector<64x128xi1>, vector<64x128xi32>
    %select_n3A_2961 = arith.select %lt3A_2957, %sub3A_2953, %select_n3A_2947 : vector<64x128xi1>, vector<64x128xf32>
    %slice3A_2962 = vector.extract_strided_slice %get3A_9 {offsets = [0, 1792], sizes = [1, 128], strides = [1, 1]} : vector<1x8192xf32> to vector<1x128xf32>
    %add3A_2963 = vector.broadcast %slice3A_2761 : vector<64x1xf32> to vector<64x128xf32>
    %add3A_2964 = vector.broadcast %slice3A_2962 : vector<1x128xf32> to vector<64x128xf32>
    %add3A_2965 = arith.addf %add3A_2963, %add3A_2964 : vector<64x128xf32>
    %slice3A_2966 = vector.extract_strided_slice %dot_general3A_5 {offsets = [192, 1792], sizes = [64, 128], strides = [1, 1]} : vector<256x8192xf32> to vector<64x128xf32>
    %sub3A_2967 = arith.subf %add3A_2965, %slice3A_2966 : vector<64x128xf32>
    %swap3A_2968 = arith.constant 192 : index
    %swap3A_2969 = arith.constant 1792 : index
    %swap3A_2970 = vector.load %arg4[%swap3A_2968, %swap3A_2969] : memref<256x8192xf32, #tpu.memory_space<vmem>>, vector<64x128xf32>
    tpu.vector_store %arg4[%swap3A_2968, %swap3A_2969], %sub3A_2967 {strides = array<i32>} : memref<256x8192xf32, #tpu.memory_space<vmem>>, vector<64x128xf32>,
    %lt3A_2971 = arith.cmpf olt, %sub3A_2967, %select_n3A_2961 : vector<64x128xf32>
    %broadcast_in_dim3A_2972 = arith.constant 14 : i32
    %broadcast_in_dim3A_2973 = vector.broadcast %broadcast_in_dim3A_2972 : i32 to vector<64x128xi32>
    %select_n3A_2974 = arith.select %lt3A_2971, %broadcast_in_dim3A_2973, %select_n3A_2960 : vector<64x128xi1>, vector<64x128xi32>
    %select_n3A_2975 = arith.select %lt3A_2971, %sub3A_2967, %select_n3A_2961 : vector<64x128xi1>, vector<64x128xf32>
    %slice3A_2976 = vector.extract_strided_slice %get3A_9 {offsets = [0, 1920], sizes = [1, 128], strides = [1, 1]} : vector<1x8192xf32> to vector<1x128xf32>
    %add3A_2977 = vector.broadcast %slice3A_2761 : vector<64x1xf32> to vector<64x128xf32>
    %add3A_2978 = vector.broadcast %slice3A_2976 : vector<1x128xf32> to vector<64x128xf32>
    %add3A_2979 = arith.addf %add3A_2977, %add3A_2978 : vector<64x128xf32>
    %slice3A_2980 = vector.extract_strided_slice %dot_general3A_5 {offsets = [192, 1920], sizes = [64, 128], strides = [1, 1]} : vector<256x8192xf32> to vector<64x128xf32>
    %sub3A_2981 = arith.subf %add3A_2979, %slice3A_2980 : vector<64x128xf32>
    %swap3A_2982 = arith.constant 192 : index
    %swap3A_2983 = arith.constant 1920 : index
    %swap3A_2984 = vector.load %arg4[%swap3A_2982, %swap3A_2983] : memref<256x8192xf32, #tpu.memory_space<vmem>>, vector<64x128xf32>
    tpu.vector_store %arg4[%swap3A_2982, %swap3A_2983], %sub3A_2981 {strides = array<i32>} : memref<256x8192xf32, #tpu.memory_space<vmem>>, vector<64x128xf32>,
    %lt3A_2985 = arith.cmpf olt, %sub3A_2981, %select_n3A_2975 : vector<64x128xf32>
    %broadcast_in_dim3A_2986 = arith.constant 15 : i32
    %broadcast_in_dim3A_2987 = vector.broadcast %broadcast_in_dim3A_2986 : i32 to vector<64x128xi32>
    %select_n3A_2988 = arith.select %lt3A_2985, %broadcast_in_dim3A_2987, %select_n3A_2974 : vector<64x128xi1>, vector<64x128xi32>
    %select_n3A_2989 = arith.select %lt3A_2985, %sub3A_2981, %select_n3A_2975 : vector<64x128xi1>, vector<64x128xf32>
    %slice3A_2990 = vector.extract_strided_slice %get3A_9 {offsets = [0, 2048], sizes = [1, 128], strides = [1, 1]} : vector<1x8192xf32> to vector<1x128xf32>
    %add3A_2991 = vector.broadcast %slice3A_2761 : vector<64x1xf32> to vector<64x128xf32>
    %add3A_2992 = vector.broadcast %slice3A_2990 : vector<1x128xf32> to vector<64x128xf32>
    %add3A_2993 = arith.addf %add3A_2991, %add3A_2992 : vector<64x128xf32>
    %slice3A_2994 = vector.extract_strided_slice %dot_general3A_5 {offsets = [192, 2048], sizes = [64, 128], strides = [1, 1]} : vector<256x8192xf32> to vector<64x128xf32>
    %sub3A_2995 = arith.subf %add3A_2993, %slice3A_2994 : vector<64x128xf32>
    %swap3A_2996 = arith.constant 192 : index
    %swap3A_2997 = arith.constant 2048 : index
    %swap3A_2998 = vector.load %arg4[%swap3A_2996, %swap3A_2997] : memref<256x8192xf32, #tpu.memory_space<vmem>>, vector<64x128xf32>
    tpu.vector_store %arg4[%swap3A_2996, %swap3A_2997], %sub3A_2995 {strides = array<i32>} : memref<256x8192xf32, #tpu.memory_space<vmem>>, vector<64x128xf32>,
    %lt3A_2999 = arith.cmpf olt, %sub3A_2995, %select_n3A_2989 : vector<64x128xf32>
    %broadcast_in_dim3A_3000 = arith.constant 16 : i32
    %broadcast_in_dim3A_3001 = vector.broadcast %broadcast_in_dim3A_3000 : i32 to vector<64x128xi32>
    %select_n3A_3002 = arith.select %lt3A_2999, %broadcast_in_dim3A_3001, %select_n3A_2988 : vector<64x128xi1>, vector<64x128xi32>
    %select_n3A_3003 = arith.select %lt3A_2999, %sub3A_2995, %select_n3A_2989 : vector<64x128xi1>, vector<64x128xf32>
    %slice3A_3004 = vector.extract_strided_slice %get3A_9 {offsets = [0, 2176], sizes = [1, 128], strides = [1, 1]} : vector<1x8192xf32> to vector<1x128xf32>
    %add3A_3005 = vector.broadcast %slice3A_2761 : vector<64x1xf32> to vector<64x128xf32>
    %add3A_3006 = vector.broadcast %slice3A_3004 : vector<1x128xf32> to vector<64x128xf32>
    %add3A_3007 = arith.addf %add3A_3005, %add3A_3006 : vector<64x128xf32>
    %slice3A_3008 = vector.extract_strided_slice %dot_general3A_5 {offsets = [192, 2176], sizes = [64, 128], strides = [1, 1]} : vector<256x8192xf32> to vector<64x128xf32>
    %sub3A_3009 = arith.subf %add3A_3007, %slice3A_3008 : vector<64x128xf32>
    %swap3A_3010 = arith.constant 192 : index
    %swap3A_3011 = arith.constant 2176 : index
    %swap3A_3012 = vector.load %arg4[%swap3A_3010, %swap3A_3011] : memref<256x8192xf32, #tpu.memory_space<vmem>>, vector<64x128xf32>
    tpu.vector_store %arg4[%swap3A_3010, %swap3A_3011], %sub3A_3009 {strides = array<i32>} : memref<256x8192xf32, #tpu.memory_space<vmem>>, vector<64x128xf32>,
    %lt3A_3013 = arith.cmpf olt, %sub3A_3009, %select_n3A_3003 : vector<64x128xf32>
    %broadcast_in_dim3A_3014 = arith.constant 17 : i32
    %broadcast_in_dim3A_3015 = vector.broadcast %broadcast_in_dim3A_3014 : i32 to vector<64x128xi32>
    %select_n3A_3016 = arith.select %lt3A_3013, %broadcast_in_dim3A_3015, %select_n3A_3002 : vector<64x128xi1>, vector<64x128xi32>
    %select_n3A_3017 = arith.select %lt3A_3013, %sub3A_3009, %select_n3A_3003 : vector<64x128xi1>, vector<64x128xf32>
    %slice3A_3018 = vector.extract_strided_slice %get3A_9 {offsets = [0, 2304], sizes = [1, 128], strides = [1, 1]} : vector<1x8192xf32> to vector<1x128xf32>
    %add3A_3019 = vector.broadcast %slice3A_2761 : vector<64x1xf32> to vector<64x128xf32>
    %add3A_3020 = vector.broadcast %slice3A_3018 : vector<1x128xf32> to vector<64x128xf32>
    %add3A_3021 = arith.addf %add3A_3019, %add3A_3020 : vector<64x128xf32>
    %slice3A_3022 = vector.extract_strided_slice %dot_general3A_5 {offsets = [192, 2304], sizes = [64, 128], strides = [1, 1]} : vector<256x8192xf32> to vector<64x128xf32>
    %sub3A_3023 = arith.subf %add3A_3021, %slice3A_3022 : vector<64x128xf32>
    %swap3A_3024 = arith.constant 192 : index
    %swap3A_3025 = arith.constant 2304 : index
    %swap3A_3026 = vector.load %arg4[%swap3A_3024, %swap3A_3025] : memref<256x8192xf32, #tpu.memory_space<vmem>>, vector<64x128xf32>
    tpu.vector_store %arg4[%swap3A_3024, %swap3A_3025], %sub3A_3023 {strides = array<i32>} : memref<256x8192xf32, #tpu.memory_space<vmem>>, vector<64x128xf32>,
    %lt3A_3027 = arith.cmpf olt, %sub3A_3023, %select_n3A_3017 : vector<64x128xf32>
    %broadcast_in_dim3A_3028 = arith.constant 18 : i32
    %broadcast_in_dim3A_3029 = vector.broadcast %broadcast_in_dim3A_3028 : i32 to vector<64x128xi32>
    %select_n3A_3030 = arith.select %lt3A_3027, %broadcast_in_dim3A_3029, %select_n3A_3016 : vector<64x128xi1>, vector<64x128xi32>
    %select_n3A_3031 = arith.select %lt3A_3027, %sub3A_3023, %select_n3A_3017 : vector<64x128xi1>, vector<64x128xf32>
    %slice3A_3032 = vector.extract_strided_slice %get3A_9 {offsets = [0, 2432], sizes = [1, 128], strides = [1, 1]} : vector<1x8192xf32> to vector<1x128xf32>
    %add3A_3033 = vector.broadcast %slice3A_2761 : vector<64x1xf32> to vector<64x128xf32>
    %add3A_3034 = vector.broadcast %slice3A_3032 : vector<1x128xf32> to vector<64x128xf32>
    %add3A_3035 = arith.addf %add3A_3033, %add3A_3034 : vector<64x128xf32>
    %slice3A_3036 = vector.extract_strided_slice %dot_general3A_5 {offsets = [192, 2432], sizes = [64, 128], strides = [1, 1]} : vector<256x8192xf32> to vector<64x128xf32>
    %sub3A_3037 = arith.subf %add3A_3035, %slice3A_3036 : vector<64x128xf32>
    %swap3A_3038 = arith.constant 192 : index
    %swap3A_3039 = arith.constant 2432 : index
    %swap3A_3040 = vector.load %arg4[%swap3A_3038, %swap3A_3039] : memref<256x8192xf32, #tpu.memory_space<vmem>>, vector<64x128xf32>
    tpu.vector_store %arg4[%swap3A_3038, %swap3A_3039], %sub3A_3037 {strides = array<i32>} : memref<256x8192xf32, #tpu.memory_space<vmem>>, vector<64x128xf32>,
    %lt3A_3041 = arith.cmpf olt, %sub3A_3037, %select_n3A_3031 : vector<64x128xf32>
    %broadcast_in_dim3A_3042 = arith.constant 19 : i32
    %broadcast_in_dim3A_3043 = vector.broadcast %broadcast_in_dim3A_3042 : i32 to vector<64x128xi32>
    %select_n3A_3044 = arith.select %lt3A_3041, %broadcast_in_dim3A_3043, %select_n3A_3030 : vector<64x128xi1>, vector<64x128xi32>
    %select_n3A_3045 = arith.select %lt3A_3041, %sub3A_3037, %select_n3A_3031 : vector<64x128xi1>, vector<64x128xf32>
    %slice3A_3046 = vector.extract_strided_slice %get3A_9 {offsets = [0, 2560], sizes = [1, 128], strides = [1, 1]} : vector<1x8192xf32> to vector<1x128xf32>
    %add3A_3047 = vector.broadcast %slice3A_2761 : vector<64x1xf32> to vector<64x128xf32>
    %add3A_3048 = vector.broadcast %slice3A_3046 : vector<1x128xf32> to vector<64x128xf32>
    %add3A_3049 = arith.addf %add3A_3047, %add3A_3048 : vector<64x128xf32>
    %slice3A_3050 = vector.extract_strided_slice %dot_general3A_5 {offsets = [192, 2560], sizes = [64, 128], strides = [1, 1]} : vector<256x8192xf32> to vector<64x128xf32>
    %sub3A_3051 = arith.subf %add3A_3049, %slice3A_3050 : vector<64x128xf32>
    %swap3A_3052 = arith.constant 192 : index
    %swap3A_3053 = arith.constant 2560 : index
    %swap3A_3054 = vector.load %arg4[%swap3A_3052, %swap3A_3053] : memref<256x8192xf32, #tpu.memory_space<vmem>>, vector<64x128xf32>
    tpu.vector_store %arg4[%swap3A_3052, %swap3A_3053], %sub3A_3051 {strides = array<i32>} : memref<256x8192xf32, #tpu.memory_space<vmem>>, vector<64x128xf32>,
    %lt3A_3055 = arith.cmpf olt, %sub3A_3051, %select_n3A_3045 : vector<64x128xf32>
    %broadcast_in_dim3A_3056 = arith.constant 20 : i32
    %broadcast_in_dim3A_3057 = vector.broadcast %broadcast_in_dim3A_3056 : i32 to vector<64x128xi32>
    %select_n3A_3058 = arith.select %lt3A_3055, %broadcast_in_dim3A_3057, %select_n3A_3044 : vector<64x128xi1>, vector<64x128xi32>
    %select_n3A_3059 = arith.select %lt3A_3055, %sub3A_3051, %select_n3A_3045 : vector<64x128xi1>, vector<64x128xf32>
    %slice3A_3060 = vector.extract_strided_slice %get3A_9 {offsets = [0, 2688], sizes = [1, 128], strides = [1, 1]} : vector<1x8192xf32> to vector<1x128xf32>
    %add3A_3061 = vector.broadcast %slice3A_2761 : vector<64x1xf32> to vector<64x128xf32>
    %add3A_3062 = vector.broadcast %slice3A_3060 : vector<1x128xf32> to vector<64x128xf32>
    %add3A_3063 = arith.addf %add3A_3061, %add3A_3062 : vector<64x128xf32>
    %slice3A_3064 = vector.extract_strided_slice %dot_general3A_5 {offsets = [192, 2688], sizes = [64, 128], strides = [1, 1]} : vector<256x8192xf32> to vector<64x128xf32>
    %sub3A_3065 = arith.subf %add3A_3063, %slice3A_3064 : vector<64x128xf32>
    %swap3A_3066 = arith.constant 192 : index
    %swap3A_3067 = arith.constant 2688 : index
    %swap3A_3068 = vector.load %arg4[%swap3A_3066, %swap3A_3067] : memref<256x8192xf32, #tpu.memory_space<vmem>>, vector<64x128xf32>
    tpu.vector_store %arg4[%swap3A_3066, %swap3A_3067], %sub3A_3065 {strides = array<i32>} : memref<256x8192xf32, #tpu.memory_space<vmem>>, vector<64x128xf32>,
    %lt3A_3069 = arith.cmpf olt, %sub3A_3065, %select_n3A_3059 : vector<64x128xf32>
    %broadcast_in_dim3A_3070 = arith.constant 21 : i32
    %broadcast_in_dim3A_3071 = vector.broadcast %broadcast_in_dim3A_3070 : i32 to vector<64x128xi32>
    %select_n3A_3072 = arith.select %lt3A_3069, %broadcast_in_dim3A_3071, %select_n3A_3058 : vector<64x128xi1>, vector<64x128xi32>
    %select_n3A_3073 = arith.select %lt3A_3069, %sub3A_3065, %select_n3A_3059 : vector<64x128xi1>, vector<64x128xf32>
    %slice3A_3074 = vector.extract_strided_slice %get3A_9 {offsets = [0, 2816], sizes = [1, 128], strides = [1, 1]} : vector<1x8192xf32> to vector<1x128xf32>
    %add3A_3075 = vector.broadcast %slice3A_2761 : vector<64x1xf32> to vector<64x128xf32>
    %add3A_3076 = vector.broadcast %slice3A_3074 : vector<1x128xf32> to vector<64x128xf32>
    %add3A_3077 = arith.addf %add3A_3075, %add3A_3076 : vector<64x128xf32>
    %slice3A_3078 = vector.extract_strided_slice %dot_general3A_5 {offsets = [192, 2816], sizes = [64, 128], strides = [1, 1]} : vector<256x8192xf32> to vector<64x128xf32>
    %sub3A_3079 = arith.subf %add3A_3077, %slice3A_3078 : vector<64x128xf32>
    %swap3A_3080 = arith.constant 192 : index
    %swap3A_3081 = arith.constant 2816 : index
    %swap3A_3082 = vector.load %arg4[%swap3A_3080, %swap3A_3081] : memref<256x8192xf32, #tpu.memory_space<vmem>>, vector<64x128xf32>
    tpu.vector_store %arg4[%swap3A_3080, %swap3A_3081], %sub3A_3079 {strides = array<i32>} : memref<256x8192xf32, #tpu.memory_space<vmem>>, vector<64x128xf32>,
    %lt3A_3083 = arith.cmpf olt, %sub3A_3079, %select_n3A_3073 : vector<64x128xf32>
    %broadcast_in_dim3A_3084 = arith.constant 22 : i32
    %broadcast_in_dim3A_3085 = vector.broadcast %broadcast_in_dim3A_3084 : i32 to vector<64x128xi32>
    %select_n3A_3086 = arith.select %lt3A_3083, %broadcast_in_dim3A_3085, %select_n3A_3072 : vector<64x128xi1>, vector<64x128xi32>
    %select_n3A_3087 = arith.select %lt3A_3083, %sub3A_3079, %select_n3A_3073 : vector<64x128xi1>, vector<64x128xf32>
    %slice3A_3088 = vector.extract_strided_slice %get3A_9 {offsets = [0, 2944], sizes = [1, 128], strides = [1, 1]} : vector<1x8192xf32> to vector<1x128xf32>
    %add3A_3089 = vector.broadcast %slice3A_2761 : vector<64x1xf32> to vector<64x128xf32>
    %add3A_3090 = vector.broadcast %slice3A_3088 : vector<1x128xf32> to vector<64x128xf32>
    %add3A_3091 = arith.addf %add3A_3089, %add3A_3090 : vector<64x128xf32>
    %slice3A_3092 = vector.extract_strided_slice %dot_general3A_5 {offsets = [192, 2944], sizes = [64, 128], strides = [1, 1]} : vector<256x8192xf32> to vector<64x128xf32>
    %sub3A_3093 = arith.subf %add3A_3091, %slice3A_3092 : vector<64x128xf32>
    %swap3A_3094 = arith.constant 192 : index
    %swap3A_3095 = arith.constant 2944 : index
    %swap3A_3096 = vector.load %arg4[%swap3A_3094, %swap3A_3095] : memref<256x8192xf32, #tpu.memory_space<vmem>>, vector<64x128xf32>
    tpu.vector_store %arg4[%swap3A_3094, %swap3A_3095], %sub3A_3093 {strides = array<i32>} : memref<256x8192xf32, #tpu.memory_space<vmem>>, vector<64x128xf32>,
    %lt3A_3097 = arith.cmpf olt, %sub3A_3093, %select_n3A_3087 : vector<64x128xf32>
    %broadcast_in_dim3A_3098 = arith.constant 23 : i32
    %broadcast_in_dim3A_3099 = vector.broadcast %broadcast_in_dim3A_3098 : i32 to vector<64x128xi32>
    %select_n3A_3100 = arith.select %lt3A_3097, %broadcast_in_dim3A_3099, %select_n3A_3086 : vector<64x128xi1>, vector<64x128xi32>
    %select_n3A_3101 = arith.select %lt3A_3097, %sub3A_3093, %select_n3A_3087 : vector<64x128xi1>, vector<64x128xf32>
    %slice3A_3102 = vector.extract_strided_slice %get3A_9 {offsets = [0, 3072], sizes = [1, 128], strides = [1, 1]} : vector<1x8192xf32> to vector<1x128xf32>
    %add3A_3103 = vector.broadcast %slice3A_2761 : vector<64x1xf32> to vector<64x128xf32>
    %add3A_3104 = vector.broadcast %slice3A_3102 : vector<1x128xf32> to vector<64x128xf32>
    %add3A_3105 = arith.addf %add3A_3103, %add3A_3104 : vector<64x128xf32>
    %slice3A_3106 = vector.extract_strided_slice %dot_general3A_5 {offsets = [192, 3072], sizes = [64, 128], strides = [1, 1]} : vector<256x8192xf32> to vector<64x128xf32>
    %sub3A_3107 = arith.subf %add3A_3105, %slice3A_3106 : vector<64x128xf32>
    %swap3A_3108 = arith.constant 192 : index
    %swap3A_3109 = arith.constant 3072 : index
    %swap3A_3110 = vector.load %arg4[%swap3A_3108, %swap3A_3109] : memref<256x8192xf32, #tpu.memory_space<vmem>>, vector<64x128xf32>
    tpu.vector_store %arg4[%swap3A_3108, %swap3A_3109], %sub3A_3107 {strides = array<i32>} : memref<256x8192xf32, #tpu.memory_space<vmem>>, vector<64x128xf32>,
    %lt3A_3111 = arith.cmpf olt, %sub3A_3107, %select_n3A_3101 : vector<64x128xf32>
    %broadcast_in_dim3A_3112 = arith.constant 24 : i32
    %broadcast_in_dim3A_3113 = vector.broadcast %broadcast_in_dim3A_3112 : i32 to vector<64x128xi32>
    %select_n3A_3114 = arith.select %lt3A_3111, %broadcast_in_dim3A_3113, %select_n3A_3100 : vector<64x128xi1>, vector<64x128xi32>
    %select_n3A_3115 = arith.select %lt3A_3111, %sub3A_3107, %select_n3A_3101 : vector<64x128xi1>, vector<64x128xf32>
    %slice3A_3116 = vector.extract_strided_slice %get3A_9 {offsets = [0, 3200], sizes = [1, 128], strides = [1, 1]} : vector<1x8192xf32> to vector<1x128xf32>
    %add3A_3117 = vector.broadcast %slice3A_2761 : vector<64x1xf32> to vector<64x128xf32>
    %add3A_3118 = vector.broadcast %slice3A_3116 : vector<1x128xf32> to vector<64x128xf32>
    %add3A_3119 = arith.addf %add3A_3117, %add3A_3118 : vector<64x128xf32>
    %slice3A_3120 = vector.extract_strided_slice %dot_general3A_5 {offsets = [192, 3200], sizes = [64, 128], strides = [1, 1]} : vector<256x8192xf32> to vector<64x128xf32>
    %sub3A_3121 = arith.subf %add3A_3119, %slice3A_3120 : vector<64x128xf32>
    %swap3A_3122 = arith.constant 192 : index
    %swap3A_3123 = arith.constant 3200 : index
    %swap3A_3124 = vector.load %arg4[%swap3A_3122, %swap3A_3123] : memref<256x8192xf32, #tpu.memory_space<vmem>>, vector<64x128xf32>
    tpu.vector_store %arg4[%swap3A_3122, %swap3A_3123], %sub3A_3121 {strides = array<i32>} : memref<256x8192xf32, #tpu.memory_space<vmem>>, vector<64x128xf32>,
    %lt3A_3125 = arith.cmpf olt, %sub3A_3121, %select_n3A_3115 : vector<64x128xf32>
    %broadcast_in_dim3A_3126 = arith.constant 25 : i32
    %broadcast_in_dim3A_3127 = vector.broadcast %broadcast_in_dim3A_3126 : i32 to vector<64x128xi32>
    %select_n3A_3128 = arith.select %lt3A_3125, %broadcast_in_dim3A_3127, %select_n3A_3114 : vector<64x128xi1>, vector<64x128xi32>
    %select_n3A_3129 = arith.select %lt3A_3125, %sub3A_3121, %select_n3A_3115 : vector<64x128xi1>, vector<64x128xf32>
    %slice3A_3130 = vector.extract_strided_slice %get3A_9 {offsets = [0, 3328], sizes = [1, 128], strides = [1, 1]} : vector<1x8192xf32> to vector<1x128xf32>
    %add3A_3131 = vector.broadcast %slice3A_2761 : vector<64x1xf32> to vector<64x128xf32>
    %add3A_3132 = vector.broadcast %slice3A_3130 : vector<1x128xf32> to vector<64x128xf32>
    %add3A_3133 = arith.addf %add3A_3131, %add3A_3132 : vector<64x128xf32>
    %slice3A_3134 = vector.extract_strided_slice %dot_general3A_5 {offsets = [192, 3328], sizes = [64, 128], strides = [1, 1]} : vector<256x8192xf32> to vector<64x128xf32>
    %sub3A_3135 = arith.subf %add3A_3133, %slice3A_3134 : vector<64x128xf32>
    %swap3A_3136 = arith.constant 192 : index
    %swap3A_3137 = arith.constant 3328 : index
    %swap3A_3138 = vector.load %arg4[%swap3A_3136, %swap3A_3137] : memref<256x8192xf32, #tpu.memory_space<vmem>>, vector<64x128xf32>
    tpu.vector_store %arg4[%swap3A_3136, %swap3A_3137], %sub3A_3135 {strides = array<i32>} : memref<256x8192xf32, #tpu.memory_space<vmem>>, vector<64x128xf32>,
    %lt3A_3139 = arith.cmpf olt, %sub3A_3135, %select_n3A_3129 : vector<64x128xf32>
    %broadcast_in_dim3A_3140 = arith.constant 26 : i32
    %broadcast_in_dim3A_3141 = vector.broadcast %broadcast_in_dim3A_3140 : i32 to vector<64x128xi32>
    %select_n3A_3142 = arith.select %lt3A_3139, %broadcast_in_dim3A_3141, %select_n3A_3128 : vector<64x128xi1>, vector<64x128xi32>
    %select_n3A_3143 = arith.select %lt3A_3139, %sub3A_3135, %select_n3A_3129 : vector<64x128xi1>, vector<64x128xf32>
    %slice3A_3144 = vector.extract_strided_slice %get3A_9 {offsets = [0, 3456], sizes = [1, 128], strides = [1, 1]} : vector<1x8192xf32> to vector<1x128xf32>
    %add3A_3145 = vector.broadcast %slice3A_2761 : vector<64x1xf32> to vector<64x128xf32>
    %add3A_3146 = vector.broadcast %slice3A_3144 : vector<1x128xf32> to vector<64x128xf32>
    %add3A_3147 = arith.addf %add3A_3145, %add3A_3146 : vector<64x128xf32>
    %slice3A_3148 = vector.extract_strided_slice %dot_general3A_5 {offsets = [192, 3456], sizes = [64, 128], strides = [1, 1]} : vector<256x8192xf32> to vector<64x128xf32>
    %sub3A_3149 = arith.subf %add3A_3147, %slice3A_3148 : vector<64x128xf32>
    %swap3A_3150 = arith.constant 192 : index
    %swap3A_3151 = arith.constant 3456 : index
    %swap3A_3152 = vector.load %arg4[%swap3A_3150, %swap3A_3151] : memref<256x8192xf32, #tpu.memory_space<vmem>>, vector<64x128xf32>
    tpu.vector_store %arg4[%swap3A_3150, %swap3A_3151], %sub3A_3149 {strides = array<i32>} : memref<256x8192xf32, #tpu.memory_space<vmem>>, vector<64x128xf32>,
    %lt3A_3153 = arith.cmpf olt, %sub3A_3149, %select_n3A_3143 : vector<64x128xf32>
    %broadcast_in_dim3A_3154 = arith.constant 27 : i32
    %broadcast_in_dim3A_3155 = vector.broadcast %broadcast_in_dim3A_3154 : i32 to vector<64x128xi32>
    %select_n3A_3156 = arith.select %lt3A_3153, %broadcast_in_dim3A_3155, %select_n3A_3142 : vector<64x128xi1>, vector<64x128xi32>
    %select_n3A_3157 = arith.select %lt3A_3153, %sub3A_3149, %select_n3A_3143 : vector<64x128xi1>, vector<64x128xf32>
    %slice3A_3158 = vector.extract_strided_slice %get3A_9 {offsets = [0, 3584], sizes = [1, 128], strides = [1, 1]} : vector<1x8192xf32> to vector<1x128xf32>
    %add3A_3159 = vector.broadcast %slice3A_2761 : vector<64x1xf32> to vector<64x128xf32>
    %add3A_3160 = vector.broadcast %slice3A_3158 : vector<1x128xf32> to vector<64x128xf32>
    %add3A_3161 = arith.addf %add3A_3159, %add3A_3160 : vector<64x128xf32>
    %slice3A_3162 = vector.extract_strided_slice %dot_general3A_5 {offsets = [192, 3584], sizes = [64, 128], strides = [1, 1]} : vector<256x8192xf32> to vector<64x128xf32>
    %sub3A_3163 = arith.subf %add3A_3161, %slice3A_3162 : vector<64x128xf32>
    %swap3A_3164 = arith.constant 192 : index
    %swap3A_3165 = arith.constant 3584 : index
    %swap3A_3166 = vector.load %arg4[%swap3A_3164, %swap3A_3165] : memref<256x8192xf32, #tpu.memory_space<vmem>>, vector<64x128xf32>
    tpu.vector_store %arg4[%swap3A_3164, %swap3A_3165], %sub3A_3163 {strides = array<i32>} : memref<256x8192xf32, #tpu.memory_space<vmem>>, vector<64x128xf32>,
    %lt3A_3167 = arith.cmpf olt, %sub3A_3163, %select_n3A_3157 : vector<64x128xf32>
    %broadcast_in_dim3A_3168 = arith.constant 28 : i32
    %broadcast_in_dim3A_3169 = vector.broadcast %broadcast_in_dim3A_3168 : i32 to vector<64x128xi32>
    %select_n3A_3170 = arith.select %lt3A_3167, %broadcast_in_dim3A_3169, %select_n3A_3156 : vector<64x128xi1>, vector<64x128xi32>
    %select_n3A_3171 = arith.select %lt3A_3167, %sub3A_3163, %select_n3A_3157 : vector<64x128xi1>, vector<64x128xf32>
    %slice3A_3172 = vector.extract_strided_slice %get3A_9 {offsets = [0, 3712], sizes = [1, 128], strides = [1, 1]} : vector<1x8192xf32> to vector<1x128xf32>
    %add3A_3173 = vector.broadcast %slice3A_2761 : vector<64x1xf32> to vector<64x128xf32>
    %add3A_3174 = vector.broadcast %slice3A_3172 : vector<1x128xf32> to vector<64x128xf32>
    %add3A_3175 = arith.addf %add3A_3173, %add3A_3174 : vector<64x128xf32>
    %slice3A_3176 = vector.extract_strided_slice %dot_general3A_5 {offsets = [192, 3712], sizes = [64, 128], strides = [1, 1]} : vector<256x8192xf32> to vector<64x128xf32>
    %sub3A_3177 = arith.subf %add3A_3175, %slice3A_3176 : vector<64x128xf32>
    %swap3A_3178 = arith.constant 192 : index
    %swap3A_3179 = arith.constant 3712 : index
    %swap3A_3180 = vector.load %arg4[%swap3A_3178, %swap3A_3179] : memref<256x8192xf32, #tpu.memory_space<vmem>>, vector<64x128xf32>
    tpu.vector_store %arg4[%swap3A_3178, %swap3A_3179], %sub3A_3177 {strides = array<i32>} : memref<256x8192xf32, #tpu.memory_space<vmem>>, vector<64x128xf32>,
    %lt3A_3181 = arith.cmpf olt, %sub3A_3177, %select_n3A_3171 : vector<64x128xf32>
    %broadcast_in_dim3A_3182 = arith.constant 29 : i32
    %broadcast_in_dim3A_3183 = vector.broadcast %broadcast_in_dim3A_3182 : i32 to vector<64x128xi32>
    %select_n3A_3184 = arith.select %lt3A_3181, %broadcast_in_dim3A_3183, %select_n3A_3170 : vector<64x128xi1>, vector<64x128xi32>
    %select_n3A_3185 = arith.select %lt3A_3181, %sub3A_3177, %select_n3A_3171 : vector<64x128xi1>, vector<64x128xf32>
    %slice3A_3186 = vector.extract_strided_slice %get3A_9 {offsets = [0, 3840], sizes = [1, 128], strides = [1, 1]} : vector<1x8192xf32> to vector<1x128xf32>
    %add3A_3187 = vector.broadcast %slice3A_2761 : vector<64x1xf32> to vector<64x128xf32>
    %add3A_3188 = vector.broadcast %slice3A_3186 : vector<1x128xf32> to vector<64x128xf32>
    %add3A_3189 = arith.addf %add3A_3187, %add3A_3188 : vector<64x128xf32>
    %slice3A_3190 = vector.extract_strided_slice %dot_general3A_5 {offsets = [192, 3840], sizes = [64, 128], strides = [1, 1]} : vector<256x8192xf32> to vector<64x128xf32>
    %sub3A_3191 = arith.subf %add3A_3189, %slice3A_3190 : vector<64x128xf32>
    %swap3A_3192 = arith.constant 192 : index
    %swap3A_3193 = arith.constant 3840 : index
    %swap3A_3194 = vector.load %arg4[%swap3A_3192, %swap3A_3193] : memref<256x8192xf32, #tpu.memory_space<vmem>>, vector<64x128xf32>
    tpu.vector_store %arg4[%swap3A_3192, %swap3A_3193], %sub3A_3191 {strides = array<i32>} : memref<256x8192xf32, #tpu.memory_space<vmem>>, vector<64x128xf32>,
    %lt3A_3195 = arith.cmpf olt, %sub3A_3191, %select_n3A_3185 : vector<64x128xf32>
    %broadcast_in_dim3A_3196 = arith.constant 30 : i32
    %broadcast_in_dim3A_3197 = vector.broadcast %broadcast_in_dim3A_3196 : i32 to vector<64x128xi32>
    %select_n3A_3198 = arith.select %lt3A_3195, %broadcast_in_dim3A_3197, %select_n3A_3184 : vector<64x128xi1>, vector<64x128xi32>
    %select_n3A_3199 = arith.select %lt3A_3195, %sub3A_3191, %select_n3A_3185 : vector<64x128xi1>, vector<64x128xf32>
    %slice3A_3200 = vector.extract_strided_slice %get3A_9 {offsets = [0, 3968], sizes = [1, 128], strides = [1, 1]} : vector<1x8192xf32> to vector<1x128xf32>
    %add3A_3201 = vector.broadcast %slice3A_2761 : vector<64x1xf32> to vector<64x128xf32>
    %add3A_3202 = vector.broadcast %slice3A_3200 : vector<1x128xf32> to vector<64x128xf32>
    %add3A_3203 = arith.addf %add3A_3201, %add3A_3202 : vector<64x128xf32>
    %slice3A_3204 = vector.extract_strided_slice %dot_general3A_5 {offsets = [192, 3968], sizes = [64, 128], strides = [1, 1]} : vector<256x8192xf32> to vector<64x128xf32>
    %sub3A_3205 = arith.subf %add3A_3203, %slice3A_3204 : vector<64x128xf32>
    %swap3A_3206 = arith.constant 192 : index
    %swap3A_3207 = arith.constant 3968 : index
    %swap3A_3208 = vector.load %arg4[%swap3A_3206, %swap3A_3207] : memref<256x8192xf32, #tpu.memory_space<vmem>>, vector<64x128xf32>
    tpu.vector_store %arg4[%swap3A_3206, %swap3A_3207], %sub3A_3205 {strides = array<i32>} : memref<256x8192xf32, #tpu.memory_space<vmem>>, vector<64x128xf32>,
    %lt3A_3209 = arith.cmpf olt, %sub3A_3205, %select_n3A_3199 : vector<64x128xf32>
    %broadcast_in_dim3A_3210 = arith.constant 31 : i32
    %broadcast_in_dim3A_3211 = vector.broadcast %broadcast_in_dim3A_3210 : i32 to vector<64x128xi32>
    %select_n3A_3212 = arith.select %lt3A_3209, %broadcast_in_dim3A_3211, %select_n3A_3198 : vector<64x128xi1>, vector<64x128xi32>
    %select_n3A_3213 = arith.select %lt3A_3209, %sub3A_3205, %select_n3A_3199 : vector<64x128xi1>, vector<64x128xf32>
    %slice3A_3214 = vector.extract_strided_slice %get3A_9 {offsets = [0, 4096], sizes = [1, 128], strides = [1, 1]} : vector<1x8192xf32> to vector<1x128xf32>
    %add3A_3215 = vector.broadcast %slice3A_2761 : vector<64x1xf32> to vector<64x128xf32>
    %add3A_3216 = vector.broadcast %slice3A_3214 : vector<1x128xf32> to vector<64x128xf32>
    %add3A_3217 = arith.addf %add3A_3215, %add3A_3216 : vector<64x128xf32>
    %slice3A_3218 = vector.extract_strided_slice %dot_general3A_5 {offsets = [192, 4096], sizes = [64, 128], strides = [1, 1]} : vector<256x8192xf32> to vector<64x128xf32>
    %sub3A_3219 = arith.subf %add3A_3217, %slice3A_3218 : vector<64x128xf32>
    %swap3A_3220 = arith.constant 192 : index
    %swap3A_3221 = arith.constant 4096 : index
    %swap3A_3222 = vector.load %arg4[%swap3A_3220, %swap3A_3221] : memref<256x8192xf32, #tpu.memory_space<vmem>>, vector<64x128xf32>
    tpu.vector_store %arg4[%swap3A_3220, %swap3A_3221], %sub3A_3219 {strides = array<i32>} : memref<256x8192xf32, #tpu.memory_space<vmem>>, vector<64x128xf32>,
    %lt3A_3223 = arith.cmpf olt, %sub3A_3219, %select_n3A_3213 : vector<64x128xf32>
    %broadcast_in_dim3A_3224 = arith.constant 32 : i32
    %broadcast_in_dim3A_3225 = vector.broadcast %broadcast_in_dim3A_3224 : i32 to vector<64x128xi32>
    %select_n3A_3226 = arith.select %lt3A_3223, %broadcast_in_dim3A_3225, %select_n3A_3212 : vector<64x128xi1>, vector<64x128xi32>
    %select_n3A_3227 = arith.select %lt3A_3223, %sub3A_3219, %select_n3A_3213 : vector<64x128xi1>, vector<64x128xf32>
    %slice3A_3228 = vector.extract_strided_slice %get3A_9 {offsets = [0, 4224], sizes = [1, 128], strides = [1, 1]} : vector<1x8192xf32> to vector<1x128xf32>
    %add3A_3229 = vector.broadcast %slice3A_2761 : vector<64x1xf32> to vector<64x128xf32>
    %add3A_3230 = vector.broadcast %slice3A_3228 : vector<1x128xf32> to vector<64x128xf32>
    %add3A_3231 = arith.addf %add3A_3229, %add3A_3230 : vector<64x128xf32>
    %slice3A_3232 = vector.extract_strided_slice %dot_general3A_5 {offsets = [192, 4224], sizes = [64, 128], strides = [1, 1]} : vector<256x8192xf32> to vector<64x128xf32>
    %sub3A_3233 = arith.subf %add3A_3231, %slice3A_3232 : vector<64x128xf32>
    %swap3A_3234 = arith.constant 192 : index
    %swap3A_3235 = arith.constant 4224 : index
    %swap3A_3236 = vector.load %arg4[%swap3A_3234, %swap3A_3235] : memref<256x8192xf32, #tpu.memory_space<vmem>>, vector<64x128xf32>
    tpu.vector_store %arg4[%swap3A_3234, %swap3A_3235], %sub3A_3233 {strides = array<i32>} : memref<256x8192xf32, #tpu.memory_space<vmem>>, vector<64x128xf32>,
    %lt3A_3237 = arith.cmpf olt, %sub3A_3233, %select_n3A_3227 : vector<64x128xf32>
    %broadcast_in_dim3A_3238 = arith.constant 33 : i32
    %broadcast_in_dim3A_3239 = vector.broadcast %broadcast_in_dim3A_3238 : i32 to vector<64x128xi32>
    %select_n3A_3240 = arith.select %lt3A_3237, %broadcast_in_dim3A_3239, %select_n3A_3226 : vector<64x128xi1>, vector<64x128xi32>
    %select_n3A_3241 = arith.select %lt3A_3237, %sub3A_3233, %select_n3A_3227 : vector<64x128xi1>, vector<64x128xf32>
    %slice3A_3242 = vector.extract_strided_slice %get3A_9 {offsets = [0, 4352], sizes = [1, 128], strides = [1, 1]} : vector<1x8192xf32> to vector<1x128xf32>
    %add3A_3243 = vector.broadcast %slice3A_2761 : vector<64x1xf32> to vector<64x128xf32>
    %add3A_3244 = vector.broadcast %slice3A_3242 : vector<1x128xf32> to vector<64x128xf32>
    %add3A_3245 = arith.addf %add3A_3243, %add3A_3244 : vector<64x128xf32>
    %slice3A_3246 = vector.extract_strided_slice %dot_general3A_5 {offsets = [192, 4352], sizes = [64, 128], strides = [1, 1]} : vector<256x8192xf32> to vector<64x128xf32>
    %sub3A_3247 = arith.subf %add3A_3245, %slice3A_3246 : vector<64x128xf32>
    %swap3A_3248 = arith.constant 192 : index
    %swap3A_3249 = arith.constant 4352 : index
    %swap3A_3250 = vector.load %arg4[%swap3A_3248, %swap3A_3249] : memref<256x8192xf32, #tpu.memory_space<vmem>>, vector<64x128xf32>
    tpu.vector_store %arg4[%swap3A_3248, %swap3A_3249], %sub3A_3247 {strides = array<i32>} : memref<256x8192xf32, #tpu.memory_space<vmem>>, vector<64x128xf32>,
    %lt3A_3251 = arith.cmpf olt, %sub3A_3247, %select_n3A_3241 : vector<64x128xf32>
    %broadcast_in_dim3A_3252 = arith.constant 34 : i32
    %broadcast_in_dim3A_3253 = vector.broadcast %broadcast_in_dim3A_3252 : i32 to vector<64x128xi32>
    %select_n3A_3254 = arith.select %lt3A_3251, %broadcast_in_dim3A_3253, %select_n3A_3240 : vector<64x128xi1>, vector<64x128xi32>
    %select_n3A_3255 = arith.select %lt3A_3251, %sub3A_3247, %select_n3A_3241 : vector<64x128xi1>, vector<64x128xf32>
    %slice3A_3256 = vector.extract_strided_slice %get3A_9 {offsets = [0, 4480], sizes = [1, 128], strides = [1, 1]} : vector<1x8192xf32> to vector<1x128xf32>
    %add3A_3257 = vector.broadcast %slice3A_2761 : vector<64x1xf32> to vector<64x128xf32>
    %add3A_3258 = vector.broadcast %slice3A_3256 : vector<1x128xf32> to vector<64x128xf32>
    %add3A_3259 = arith.addf %add3A_3257, %add3A_3258 : vector<64x128xf32>
    %slice3A_3260 = vector.extract_strided_slice %dot_general3A_5 {offsets = [192, 4480], sizes = [64, 128], strides = [1, 1]} : vector<256x8192xf32> to vector<64x128xf32>
    %sub3A_3261 = arith.subf %add3A_3259, %slice3A_3260 : vector<64x128xf32>
    %swap3A_3262 = arith.constant 192 : index
    %swap3A_3263 = arith.constant 4480 : index
    %swap3A_3264 = vector.load %arg4[%swap3A_3262, %swap3A_3263] : memref<256x8192xf32, #tpu.memory_space<vmem>>, vector<64x128xf32>
    tpu.vector_store %arg4[%swap3A_3262, %swap3A_3263], %sub3A_3261 {strides = array<i32>} : memref<256x8192xf32, #tpu.memory_space<vmem>>, vector<64x128xf32>,
    %lt3A_3265 = arith.cmpf olt, %sub3A_3261, %select_n3A_3255 : vector<64x128xf32>
    %broadcast_in_dim3A_3266 = arith.constant 35 : i32
    %broadcast_in_dim3A_3267 = vector.broadcast %broadcast_in_dim3A_3266 : i32 to vector<64x128xi32>
    %select_n3A_3268 = arith.select %lt3A_3265, %broadcast_in_dim3A_3267, %select_n3A_3254 : vector<64x128xi1>, vector<64x128xi32>
    %select_n3A_3269 = arith.select %lt3A_3265, %sub3A_3261, %select_n3A_3255 : vector<64x128xi1>, vector<64x128xf32>
    %slice3A_3270 = vector.extract_strided_slice %get3A_9 {offsets = [0, 4608], sizes = [1, 128], strides = [1, 1]} : vector<1x8192xf32> to vector<1x128xf32>
    %add3A_3271 = vector.broadcast %slice3A_2761 : vector<64x1xf32> to vector<64x128xf32>
    %add3A_3272 = vector.broadcast %slice3A_3270 : vector<1x128xf32> to vector<64x128xf32>
    %add3A_3273 = arith.addf %add3A_3271, %add3A_3272 : vector<64x128xf32>
    %slice3A_3274 = vector.extract_strided_slice %dot_general3A_5 {offsets = [192, 4608], sizes = [64, 128], strides = [1, 1]} : vector<256x8192xf32> to vector<64x128xf32>
    %sub3A_3275 = arith.subf %add3A_3273, %slice3A_3274 : vector<64x128xf32>
    %swap3A_3276 = arith.constant 192 : index
    %swap3A_3277 = arith.constant 4608 : index
    %swap3A_3278 = vector.load %arg4[%swap3A_3276, %swap3A_3277] : memref<256x8192xf32, #tpu.memory_space<vmem>>, vector<64x128xf32>
    tpu.vector_store %arg4[%swap3A_3276, %swap3A_3277], %sub3A_3275 {strides = array<i32>} : memref<256x8192xf32, #tpu.memory_space<vmem>>, vector<64x128xf32>,
    %lt3A_3279 = arith.cmpf olt, %sub3A_3275, %select_n3A_3269 : vector<64x128xf32>
    %broadcast_in_dim3A_3280 = arith.constant 36 : i32
    %broadcast_in_dim3A_3281 = vector.broadcast %broadcast_in_dim3A_3280 : i32 to vector<64x128xi32>
    %select_n3A_3282 = arith.select %lt3A_3279, %broadcast_in_dim3A_3281, %select_n3A_3268 : vector<64x128xi1>, vector<64x128xi32>
    %select_n3A_3283 = arith.select %lt3A_3279, %sub3A_3275, %select_n3A_3269 : vector<64x128xi1>, vector<64x128xf32>
    %slice3A_3284 = vector.extract_strided_slice %get3A_9 {offsets = [0, 4736], sizes = [1, 128], strides = [1, 1]} : vector<1x8192xf32> to vector<1x128xf32>
    %add3A_3285 = vector.broadcast %slice3A_2761 : vector<64x1xf32> to vector<64x128xf32>
    %add3A_3286 = vector.broadcast %slice3A_3284 : vector<1x128xf32> to vector<64x128xf32>
    %add3A_3287 = arith.addf %add3A_3285, %add3A_3286 : vector<64x128xf32>
    %slice3A_3288 = vector.extract_strided_slice %dot_general3A_5 {offsets = [192, 4736], sizes = [64, 128], strides = [1, 1]} : vector<256x8192xf32> to vector<64x128xf32>
    %sub3A_3289 = arith.subf %add3A_3287, %slice3A_3288 : vector<64x128xf32>
    %swap3A_3290 = arith.constant 192 : index
    %swap3A_3291 = arith.constant 4736 : index
    %swap3A_3292 = vector.load %arg4[%swap3A_3290, %swap3A_3291] : memref<256x8192xf32, #tpu.memory_space<vmem>>, vector<64x128xf32>
    tpu.vector_store %arg4[%swap3A_3290, %swap3A_3291], %sub3A_3289 {strides = array<i32>} : memref<256x8192xf32, #tpu.memory_space<vmem>>, vector<64x128xf32>,
    %lt3A_3293 = arith.cmpf olt, %sub3A_3289, %select_n3A_3283 : vector<64x128xf32>
    %broadcast_in_dim3A_3294 = arith.constant 37 : i32
    %broadcast_in_dim3A_3295 = vector.broadcast %broadcast_in_dim3A_3294 : i32 to vector<64x128xi32>
    %select_n3A_3296 = arith.select %lt3A_3293, %broadcast_in_dim3A_3295, %select_n3A_3282 : vector<64x128xi1>, vector<64x128xi32>
    %select_n3A_3297 = arith.select %lt3A_3293, %sub3A_3289, %select_n3A_3283 : vector<64x128xi1>, vector<64x128xf32>
    %slice3A_3298 = vector.extract_strided_slice %get3A_9 {offsets = [0, 4864], sizes = [1, 128], strides = [1, 1]} : vector<1x8192xf32> to vector<1x128xf32>
    %add3A_3299 = vector.broadcast %slice3A_2761 : vector<64x1xf32> to vector<64x128xf32>
    %add3A_3300 = vector.broadcast %slice3A_3298 : vector<1x128xf32> to vector<64x128xf32>
    %add3A_3301 = arith.addf %add3A_3299, %add3A_3300 : vector<64x128xf32>
    %slice3A_3302 = vector.extract_strided_slice %dot_general3A_5 {offsets = [192, 4864], sizes = [64, 128], strides = [1, 1]} : vector<256x8192xf32> to vector<64x128xf32>
    %sub3A_3303 = arith.subf %add3A_3301, %slice3A_3302 : vector<64x128xf32>
    %swap3A_3304 = arith.constant 192 : index
    %swap3A_3305 = arith.constant 4864 : index
    %swap3A_3306 = vector.load %arg4[%swap3A_3304, %swap3A_3305] : memref<256x8192xf32, #tpu.memory_space<vmem>>, vector<64x128xf32>
    tpu.vector_store %arg4[%swap3A_3304, %swap3A_3305], %sub3A_3303 {strides = array<i32>} : memref<256x8192xf32, #tpu.memory_space<vmem>>, vector<64x128xf32>,
    %lt3A_3307 = arith.cmpf olt, %sub3A_3303, %select_n3A_3297 : vector<64x128xf32>
    %broadcast_in_dim3A_3308 = arith.constant 38 : i32
    %broadcast_in_dim3A_3309 = vector.broadcast %broadcast_in_dim3A_3308 : i32 to vector<64x128xi32>
    %select_n3A_3310 = arith.select %lt3A_3307, %broadcast_in_dim3A_3309, %select_n3A_3296 : vector<64x128xi1>, vector<64x128xi32>
    %select_n3A_3311 = arith.select %lt3A_3307, %sub3A_3303, %select_n3A_3297 : vector<64x128xi1>, vector<64x128xf32>
    %slice3A_3312 = vector.extract_strided_slice %get3A_9 {offsets = [0, 4992], sizes = [1, 128], strides = [1, 1]} : vector<1x8192xf32> to vector<1x128xf32>
    %add3A_3313 = vector.broadcast %slice3A_2761 : vector<64x1xf32> to vector<64x128xf32>
    %add3A_3314 = vector.broadcast %slice3A_3312 : vector<1x128xf32> to vector<64x128xf32>
    %add3A_3315 = arith.addf %add3A_3313, %add3A_3314 : vector<64x128xf32>
    %slice3A_3316 = vector.extract_strided_slice %dot_general3A_5 {offsets = [192, 4992], sizes = [64, 128], strides = [1, 1]} : vector<256x8192xf32> to vector<64x128xf32>
    %sub3A_3317 = arith.subf %add3A_3315, %slice3A_3316 : vector<64x128xf32>
    %swap3A_3318 = arith.constant 192 : index
    %swap3A_3319 = arith.constant 4992 : index
    %swap3A_3320 = vector.load %arg4[%swap3A_3318, %swap3A_3319] : memref<256x8192xf32, #tpu.memory_space<vmem>>, vector<64x128xf32>
    tpu.vector_store %arg4[%swap3A_3318, %swap3A_3319], %sub3A_3317 {strides = array<i32>} : memref<256x8192xf32, #tpu.memory_space<vmem>>, vector<64x128xf32>,
    %lt3A_3321 = arith.cmpf olt, %sub3A_3317, %select_n3A_3311 : vector<64x128xf32>
    %broadcast_in_dim3A_3322 = arith.constant 39 : i32
    %broadcast_in_dim3A_3323 = vector.broadcast %broadcast_in_dim3A_3322 : i32 to vector<64x128xi32>
    %select_n3A_3324 = arith.select %lt3A_3321, %broadcast_in_dim3A_3323, %select_n3A_3310 : vector<64x128xi1>, vector<64x128xi32>
    %select_n3A_3325 = arith.select %lt3A_3321, %sub3A_3317, %select_n3A_3311 : vector<64x128xi1>, vector<64x128xf32>
    %slice3A_3326 = vector.extract_strided_slice %get3A_9 {offsets = [0, 5120], sizes = [1, 128], strides = [1, 1]} : vector<1x8192xf32> to vector<1x128xf32>
    %add3A_3327 = vector.broadcast %slice3A_2761 : vector<64x1xf32> to vector<64x128xf32>
    %add3A_3328 = vector.broadcast %slice3A_3326 : vector<1x128xf32> to vector<64x128xf32>
    %add3A_3329 = arith.addf %add3A_3327, %add3A_3328 : vector<64x128xf32>
    %slice3A_3330 = vector.extract_strided_slice %dot_general3A_5 {offsets = [192, 5120], sizes = [64, 128], strides = [1, 1]} : vector<256x8192xf32> to vector<64x128xf32>
    %sub3A_3331 = arith.subf %add3A_3329, %slice3A_3330 : vector<64x128xf32>
    %swap3A_3332 = arith.constant 192 : index
    %swap3A_3333 = arith.constant 5120 : index
    %swap3A_3334 = vector.load %arg4[%swap3A_3332, %swap3A_3333] : memref<256x8192xf32, #tpu.memory_space<vmem>>, vector<64x128xf32>
    tpu.vector_store %arg4[%swap3A_3332, %swap3A_3333], %sub3A_3331 {strides = array<i32>} : memref<256x8192xf32, #tpu.memory_space<vmem>>, vector<64x128xf32>,
    %lt3A_3335 = arith.cmpf olt, %sub3A_3331, %select_n3A_3325 : vector<64x128xf32>
    %broadcast_in_dim3A_3336 = arith.constant 40 : i32
    %broadcast_in_dim3A_3337 = vector.broadcast %broadcast_in_dim3A_3336 : i32 to vector<64x128xi32>
    %select_n3A_3338 = arith.select %lt3A_3335, %broadcast_in_dim3A_3337, %select_n3A_3324 : vector<64x128xi1>, vector<64x128xi32>
    %select_n3A_3339 = arith.select %lt3A_3335, %sub3A_3331, %select_n3A_3325 : vector<64x128xi1>, vector<64x128xf32>
    %slice3A_3340 = vector.extract_strided_slice %get3A_9 {offsets = [0, 5248], sizes = [1, 128], strides = [1, 1]} : vector<1x8192xf32> to vector<1x128xf32>
    %add3A_3341 = vector.broadcast %slice3A_2761 : vector<64x1xf32> to vector<64x128xf32>
    %add3A_3342 = vector.broadcast %slice3A_3340 : vector<1x128xf32> to vector<64x128xf32>
    %add3A_3343 = arith.addf %add3A_3341, %add3A_3342 : vector<64x128xf32>
    %slice3A_3344 = vector.extract_strided_slice %dot_general3A_5 {offsets = [192, 5248], sizes = [64, 128], strides = [1, 1]} : vector<256x8192xf32> to vector<64x128xf32>
    %sub3A_3345 = arith.subf %add3A_3343, %slice3A_3344 : vector<64x128xf32>
    %swap3A_3346 = arith.constant 192 : index
    %swap3A_3347 = arith.constant 5248 : index
    %swap3A_3348 = vector.load %arg4[%swap3A_3346, %swap3A_3347] : memref<256x8192xf32, #tpu.memory_space<vmem>>, vector<64x128xf32>
    tpu.vector_store %arg4[%swap3A_3346, %swap3A_3347], %sub3A_3345 {strides = array<i32>} : memref<256x8192xf32, #tpu.memory_space<vmem>>, vector<64x128xf32>,
    %lt3A_3349 = arith.cmpf olt, %sub3A_3345, %select_n3A_3339 : vector<64x128xf32>
    %broadcast_in_dim3A_3350 = arith.constant 41 : i32
    %broadcast_in_dim3A_3351 = vector.broadcast %broadcast_in_dim3A_3350 : i32 to vector<64x128xi32>
    %select_n3A_3352 = arith.select %lt3A_3349, %broadcast_in_dim3A_3351, %select_n3A_3338 : vector<64x128xi1>, vector<64x128xi32>
    %select_n3A_3353 = arith.select %lt3A_3349, %sub3A_3345, %select_n3A_3339 : vector<64x128xi1>, vector<64x128xf32>
    %slice3A_3354 = vector.extract_strided_slice %get3A_9 {offsets = [0, 5376], sizes = [1, 128], strides = [1, 1]} : vector<1x8192xf32> to vector<1x128xf32>
    %add3A_3355 = vector.broadcast %slice3A_2761 : vector<64x1xf32> to vector<64x128xf32>
    %add3A_3356 = vector.broadcast %slice3A_3354 : vector<1x128xf32> to vector<64x128xf32>
    %add3A_3357 = arith.addf %add3A_3355, %add3A_3356 : vector<64x128xf32>
    %slice3A_3358 = vector.extract_strided_slice %dot_general3A_5 {offsets = [192, 5376], sizes = [64, 128], strides = [1, 1]} : vector<256x8192xf32> to vector<64x128xf32>
    %sub3A_3359 = arith.subf %add3A_3357, %slice3A_3358 : vector<64x128xf32>
    %swap3A_3360 = arith.constant 192 : index
    %swap3A_3361 = arith.constant 5376 : index
    %swap3A_3362 = vector.load %arg4[%swap3A_3360, %swap3A_3361] : memref<256x8192xf32, #tpu.memory_space<vmem>>, vector<64x128xf32>
    tpu.vector_store %arg4[%swap3A_3360, %swap3A_3361], %sub3A_3359 {strides = array<i32>} : memref<256x8192xf32, #tpu.memory_space<vmem>>, vector<64x128xf32>,
    %lt3A_3363 = arith.cmpf olt, %sub3A_3359, %select_n3A_3353 : vector<64x128xf32>
    %broadcast_in_dim3A_3364 = arith.constant 42 : i32
    %broadcast_in_dim3A_3365 = vector.broadcast %broadcast_in_dim3A_3364 : i32 to vector<64x128xi32>
    %select_n3A_3366 = arith.select %lt3A_3363, %broadcast_in_dim3A_3365, %select_n3A_3352 : vector<64x128xi1>, vector<64x128xi32>
    %select_n3A_3367 = arith.select %lt3A_3363, %sub3A_3359, %select_n3A_3353 : vector<64x128xi1>, vector<64x128xf32>
    %slice3A_3368 = vector.extract_strided_slice %get3A_9 {offsets = [0, 5504], sizes = [1, 128], strides = [1, 1]} : vector<1x8192xf32> to vector<1x128xf32>
    %add3A_3369 = vector.broadcast %slice3A_2761 : vector<64x1xf32> to vector<64x128xf32>
    %add3A_3370 = vector.broadcast %slice3A_3368 : vector<1x128xf32> to vector<64x128xf32>
    %add3A_3371 = arith.addf %add3A_3369, %add3A_3370 : vector<64x128xf32>
    %slice3A_3372 = vector.extract_strided_slice %dot_general3A_5 {offsets = [192, 5504], sizes = [64, 128], strides = [1, 1]} : vector<256x8192xf32> to vector<64x128xf32>
    %sub3A_3373 = arith.subf %add3A_3371, %slice3A_3372 : vector<64x128xf32>
    %swap3A_3374 = arith.constant 192 : index
    %swap3A_3375 = arith.constant 5504 : index
    %swap3A_3376 = vector.load %arg4[%swap3A_3374, %swap3A_3375] : memref<256x8192xf32, #tpu.memory_space<vmem>>, vector<64x128xf32>
    tpu.vector_store %arg4[%swap3A_3374, %swap3A_3375], %sub3A_3373 {strides = array<i32>} : memref<256x8192xf32, #tpu.memory_space<vmem>>, vector<64x128xf32>,
    %lt3A_3377 = arith.cmpf olt, %sub3A_3373, %select_n3A_3367 : vector<64x128xf32>
    %broadcast_in_dim3A_3378 = arith.constant 43 : i32
    %broadcast_in_dim3A_3379 = vector.broadcast %broadcast_in_dim3A_3378 : i32 to vector<64x128xi32>
    %select_n3A_3380 = arith.select %lt3A_3377, %broadcast_in_dim3A_3379, %select_n3A_3366 : vector<64x128xi1>, vector<64x128xi32>
    %select_n3A_3381 = arith.select %lt3A_3377, %sub3A_3373, %select_n3A_3367 : vector<64x128xi1>, vector<64x128xf32>
    %slice3A_3382 = vector.extract_strided_slice %get3A_9 {offsets = [0, 5632], sizes = [1, 128], strides = [1, 1]} : vector<1x8192xf32> to vector<1x128xf32>
    %add3A_3383 = vector.broadcast %slice3A_2761 : vector<64x1xf32> to vector<64x128xf32>
    %add3A_3384 = vector.broadcast %slice3A_3382 : vector<1x128xf32> to vector<64x128xf32>
    %add3A_3385 = arith.addf %add3A_3383, %add3A_3384 : vector<64x128xf32>
    %slice3A_3386 = vector.extract_strided_slice %dot_general3A_5 {offsets = [192, 5632], sizes = [64, 128], strides = [1, 1]} : vector<256x8192xf32> to vector<64x128xf32>
    %sub3A_3387 = arith.subf %add3A_3385, %slice3A_3386 : vector<64x128xf32>
    %swap3A_3388 = arith.constant 192 : index
    %swap3A_3389 = arith.constant 5632 : index
    %swap3A_3390 = vector.load %arg4[%swap3A_3388, %swap3A_3389] : memref<256x8192xf32, #tpu.memory_space<vmem>>, vector<64x128xf32>
    tpu.vector_store %arg4[%swap3A_3388, %swap3A_3389], %sub3A_3387 {strides = array<i32>} : memref<256x8192xf32, #tpu.memory_space<vmem>>, vector<64x128xf32>,
    %lt3A_3391 = arith.cmpf olt, %sub3A_3387, %select_n3A_3381 : vector<64x128xf32>
    %broadcast_in_dim3A_3392 = arith.constant 44 : i32
    %broadcast_in_dim3A_3393 = vector.broadcast %broadcast_in_dim3A_3392 : i32 to vector<64x128xi32>
    %select_n3A_3394 = arith.select %lt3A_3391, %broadcast_in_dim3A_3393, %select_n3A_3380 : vector<64x128xi1>, vector<64x128xi32>
    %select_n3A_3395 = arith.select %lt3A_3391, %sub3A_3387, %select_n3A_3381 : vector<64x128xi1>, vector<64x128xf32>
    %slice3A_3396 = vector.extract_strided_slice %get3A_9 {offsets = [0, 5760], sizes = [1, 128], strides = [1, 1]} : vector<1x8192xf32> to vector<1x128xf32>
    %add3A_3397 = vector.broadcast %slice3A_2761 : vector<64x1xf32> to vector<64x128xf32>
    %add3A_3398 = vector.broadcast %slice3A_3396 : vector<1x128xf32> to vector<64x128xf32>
    %add3A_3399 = arith.addf %add3A_3397, %add3A_3398 : vector<64x128xf32>
    %slice3A_3400 = vector.extract_strided_slice %dot_general3A_5 {offsets = [192, 5760], sizes = [64, 128], strides = [1, 1]} : vector<256x8192xf32> to vector<64x128xf32>
    %sub3A_3401 = arith.subf %add3A_3399, %slice3A_3400 : vector<64x128xf32>
    %swap3A_3402 = arith.constant 192 : index
    %swap3A_3403 = arith.constant 5760 : index
    %swap3A_3404 = vector.load %arg4[%swap3A_3402, %swap3A_3403] : memref<256x8192xf32, #tpu.memory_space<vmem>>, vector<64x128xf32>
    tpu.vector_store %arg4[%swap3A_3402, %swap3A_3403], %sub3A_3401 {strides = array<i32>} : memref<256x8192xf32, #tpu.memory_space<vmem>>, vector<64x128xf32>,
    %lt3A_3405 = arith.cmpf olt, %sub3A_3401, %select_n3A_3395 : vector<64x128xf32>
    %broadcast_in_dim3A_3406 = arith.constant 45 : i32
    %broadcast_in_dim3A_3407 = vector.broadcast %broadcast_in_dim3A_3406 : i32 to vector<64x128xi32>
    %select_n3A_3408 = arith.select %lt3A_3405, %broadcast_in_dim3A_3407, %select_n3A_3394 : vector<64x128xi1>, vector<64x128xi32>
    %select_n3A_3409 = arith.select %lt3A_3405, %sub3A_3401, %select_n3A_3395 : vector<64x128xi1>, vector<64x128xf32>
    %slice3A_3410 = vector.extract_strided_slice %get3A_9 {offsets = [0, 5888], sizes = [1, 128], strides = [1, 1]} : vector<1x8192xf32> to vector<1x128xf32>
    %add3A_3411 = vector.broadcast %slice3A_2761 : vector<64x1xf32> to vector<64x128xf32>
    %add3A_3412 = vector.broadcast %slice3A_3410 : vector<1x128xf32> to vector<64x128xf32>
    %add3A_3413 = arith.addf %add3A_3411, %add3A_3412 : vector<64x128xf32>
    %slice3A_3414 = vector.extract_strided_slice %dot_general3A_5 {offsets = [192, 5888], sizes = [64, 128], strides = [1, 1]} : vector<256x8192xf32> to vector<64x128xf32>
    %sub3A_3415 = arith.subf %add3A_3413, %slice3A_3414 : vector<64x128xf32>
    %swap3A_3416 = arith.constant 192 : index
    %swap3A_3417 = arith.constant 5888 : index
    %swap3A_3418 = vector.load %arg4[%swap3A_3416, %swap3A_3417] : memref<256x8192xf32, #tpu.memory_space<vmem>>, vector<64x128xf32>
    tpu.vector_store %arg4[%swap3A_3416, %swap3A_3417], %sub3A_3415 {strides = array<i32>} : memref<256x8192xf32, #tpu.memory_space<vmem>>, vector<64x128xf32>,
    %lt3A_3419 = arith.cmpf olt, %sub3A_3415, %select_n3A_3409 : vector<64x128xf32>
    %broadcast_in_dim3A_3420 = arith.constant 46 : i32
    %broadcast_in_dim3A_3421 = vector.broadcast %broadcast_in_dim3A_3420 : i32 to vector<64x128xi32>
    %select_n3A_3422 = arith.select %lt3A_3419, %broadcast_in_dim3A_3421, %select_n3A_3408 : vector<64x128xi1>, vector<64x128xi32>
    %select_n3A_3423 = arith.select %lt3A_3419, %sub3A_3415, %select_n3A_3409 : vector<64x128xi1>, vector<64x128xf32>
    %slice3A_3424 = vector.extract_strided_slice %get3A_9 {offsets = [0, 6016], sizes = [1, 128], strides = [1, 1]} : vector<1x8192xf32> to vector<1x128xf32>
    %add3A_3425 = vector.broadcast %slice3A_2761 : vector<64x1xf32> to vector<64x128xf32>
    %add3A_3426 = vector.broadcast %slice3A_3424 : vector<1x128xf32> to vector<64x128xf32>
    %add3A_3427 = arith.addf %add3A_3425, %add3A_3426 : vector<64x128xf32>
    %slice3A_3428 = vector.extract_strided_slice %dot_general3A_5 {offsets = [192, 6016], sizes = [64, 128], strides = [1, 1]} : vector<256x8192xf32> to vector<64x128xf32>
    %sub3A_3429 = arith.subf %add3A_3427, %slice3A_3428 : vector<64x128xf32>
    %swap3A_3430 = arith.constant 192 : index
    %swap3A_3431 = arith.constant 6016 : index
    %swap3A_3432 = vector.load %arg4[%swap3A_3430, %swap3A_3431] : memref<256x8192xf32, #tpu.memory_space<vmem>>, vector<64x128xf32>
    tpu.vector_store %arg4[%swap3A_3430, %swap3A_3431], %sub3A_3429 {strides = array<i32>} : memref<256x8192xf32, #tpu.memory_space<vmem>>, vector<64x128xf32>,
    %lt3A_3433 = arith.cmpf olt, %sub3A_3429, %select_n3A_3423 : vector<64x128xf32>
    %broadcast_in_dim3A_3434 = arith.constant 47 : i32
    %broadcast_in_dim3A_3435 = vector.broadcast %broadcast_in_dim3A_3434 : i32 to vector<64x128xi32>
    %select_n3A_3436 = arith.select %lt3A_3433, %broadcast_in_dim3A_3435, %select_n3A_3422 : vector<64x128xi1>, vector<64x128xi32>
    %select_n3A_3437 = arith.select %lt3A_3433, %sub3A_3429, %select_n3A_3423 : vector<64x128xi1>, vector<64x128xf32>
    %slice3A_3438 = vector.extract_strided_slice %get3A_9 {offsets = [0, 6144], sizes = [1, 128], strides = [1, 1]} : vector<1x8192xf32> to vector<1x128xf32>
    %add3A_3439 = vector.broadcast %slice3A_2761 : vector<64x1xf32> to vector<64x128xf32>
    %add3A_3440 = vector.broadcast %slice3A_3438 : vector<1x128xf32> to vector<64x128xf32>
    %add3A_3441 = arith.addf %add3A_3439, %add3A_3440 : vector<64x128xf32>
    %slice3A_3442 = vector.extract_strided_slice %dot_general3A_5 {offsets = [192, 6144], sizes = [64, 128], strides = [1, 1]} : vector<256x8192xf32> to vector<64x128xf32>
    %sub3A_3443 = arith.subf %add3A_3441, %slice3A_3442 : vector<64x128xf32>
    %swap3A_3444 = arith.constant 192 : index
    %swap3A_3445 = arith.constant 6144 : index
    %swap3A_3446 = vector.load %arg4[%swap3A_3444, %swap3A_3445] : memref<256x8192xf32, #tpu.memory_space<vmem>>, vector<64x128xf32>
    tpu.vector_store %arg4[%swap3A_3444, %swap3A_3445], %sub3A_3443 {strides = array<i32>} : memref<256x8192xf32, #tpu.memory_space<vmem>>, vector<64x128xf32>,
    %lt3A_3447 = arith.cmpf olt, %sub3A_3443, %select_n3A_3437 : vector<64x128xf32>
    %broadcast_in_dim3A_3448 = arith.constant 48 : i32
    %broadcast_in_dim3A_3449 = vector.broadcast %broadcast_in_dim3A_3448 : i32 to vector<64x128xi32>
    %select_n3A_3450 = arith.select %lt3A_3447, %broadcast_in_dim3A_3449, %select_n3A_3436 : vector<64x128xi1>, vector<64x128xi32>
    %select_n3A_3451 = arith.select %lt3A_3447, %sub3A_3443, %select_n3A_3437 : vector<64x128xi1>, vector<64x128xf32>
    %slice3A_3452 = vector.extract_strided_slice %get3A_9 {offsets = [0, 6272], sizes = [1, 128], strides = [1, 1]} : vector<1x8192xf32> to vector<1x128xf32>
    %add3A_3453 = vector.broadcast %slice3A_2761 : vector<64x1xf32> to vector<64x128xf32>
    %add3A_3454 = vector.broadcast %slice3A_3452 : vector<1x128xf32> to vector<64x128xf32>
    %add3A_3455 = arith.addf %add3A_3453, %add3A_3454 : vector<64x128xf32>
    %slice3A_3456 = vector.extract_strided_slice %dot_general3A_5 {offsets = [192, 6272], sizes = [64, 128], strides = [1, 1]} : vector<256x8192xf32> to vector<64x128xf32>
    %sub3A_3457 = arith.subf %add3A_3455, %slice3A_3456 : vector<64x128xf32>
    %swap3A_3458 = arith.constant 192 : index
    %swap3A_3459 = arith.constant 6272 : index
    %swap3A_3460 = vector.load %arg4[%swap3A_3458, %swap3A_3459] : memref<256x8192xf32, #tpu.memory_space<vmem>>, vector<64x128xf32>
    tpu.vector_store %arg4[%swap3A_3458, %swap3A_3459], %sub3A_3457 {strides = array<i32>} : memref<256x8192xf32, #tpu.memory_space<vmem>>, vector<64x128xf32>,
    %lt3A_3461 = arith.cmpf olt, %sub3A_3457, %select_n3A_3451 : vector<64x128xf32>
    %broadcast_in_dim3A_3462 = arith.constant 49 : i32
    %broadcast_in_dim3A_3463 = vector.broadcast %broadcast_in_dim3A_3462 : i32 to vector<64x128xi32>
    %select_n3A_3464 = arith.select %lt3A_3461, %broadcast_in_dim3A_3463, %select_n3A_3450 : vector<64x128xi1>, vector<64x128xi32>
    %select_n3A_3465 = arith.select %lt3A_3461, %sub3A_3457, %select_n3A_3451 : vector<64x128xi1>, vector<64x128xf32>
    %slice3A_3466 = vector.extract_strided_slice %get3A_9 {offsets = [0, 6400], sizes = [1, 128], strides = [1, 1]} : vector<1x8192xf32> to vector<1x128xf32>
    %add3A_3467 = vector.broadcast %slice3A_2761 : vector<64x1xf32> to vector<64x128xf32>
    %add3A_3468 = vector.broadcast %slice3A_3466 : vector<1x128xf32> to vector<64x128xf32>
    %add3A_3469 = arith.addf %add3A_3467, %add3A_3468 : vector<64x128xf32>
    %slice3A_3470 = vector.extract_strided_slice %dot_general3A_5 {offsets = [192, 6400], sizes = [64, 128], strides = [1, 1]} : vector<256x8192xf32> to vector<64x128xf32>
    %sub3A_3471 = arith.subf %add3A_3469, %slice3A_3470 : vector<64x128xf32>
    %swap3A_3472 = arith.constant 192 : index
    %swap3A_3473 = arith.constant 6400 : index
    %swap3A_3474 = vector.load %arg4[%swap3A_3472, %swap3A_3473] : memref<256x8192xf32, #tpu.memory_space<vmem>>, vector<64x128xf32>
    tpu.vector_store %arg4[%swap3A_3472, %swap3A_3473], %sub3A_3471 {strides = array<i32>} : memref<256x8192xf32, #tpu.memory_space<vmem>>, vector<64x128xf32>,
    %lt3A_3475 = arith.cmpf olt, %sub3A_3471, %select_n3A_3465 : vector<64x128xf32>
    %broadcast_in_dim3A_3476 = arith.constant 50 : i32
    %broadcast_in_dim3A_3477 = vector.broadcast %broadcast_in_dim3A_3476 : i32 to vector<64x128xi32>
    %select_n3A_3478 = arith.select %lt3A_3475, %broadcast_in_dim3A_3477, %select_n3A_3464 : vector<64x128xi1>, vector<64x128xi32>
    %select_n3A_3479 = arith.select %lt3A_3475, %sub3A_3471, %select_n3A_3465 : vector<64x128xi1>, vector<64x128xf32>
    %slice3A_3480 = vector.extract_strided_slice %get3A_9 {offsets = [0, 6528], sizes = [1, 128], strides = [1, 1]} : vector<1x8192xf32> to vector<1x128xf32>
    %add3A_3481 = vector.broadcast %slice3A_2761 : vector<64x1xf32> to vector<64x128xf32>
    %add3A_3482 = vector.broadcast %slice3A_3480 : vector<1x128xf32> to vector<64x128xf32>
    %add3A_3483 = arith.addf %add3A_3481, %add3A_3482 : vector<64x128xf32>
    %slice3A_3484 = vector.extract_strided_slice %dot_general3A_5 {offsets = [192, 6528], sizes = [64, 128], strides = [1, 1]} : vector<256x8192xf32> to vector<64x128xf32>
    %sub3A_3485 = arith.subf %add3A_3483, %slice3A_3484 : vector<64x128xf32>
    %swap3A_3486 = arith.constant 192 : index
    %swap3A_3487 = arith.constant 6528 : index
    %swap3A_3488 = vector.load %arg4[%swap3A_3486, %swap3A_3487] : memref<256x8192xf32, #tpu.memory_space<vmem>>, vector<64x128xf32>
    tpu.vector_store %arg4[%swap3A_3486, %swap3A_3487], %sub3A_3485 {strides = array<i32>} : memref<256x8192xf32, #tpu.memory_space<vmem>>, vector<64x128xf32>,
    %lt3A_3489 = arith.cmpf olt, %sub3A_3485, %select_n3A_3479 : vector<64x128xf32>
    %broadcast_in_dim3A_3490 = arith.constant 51 : i32
    %broadcast_in_dim3A_3491 = vector.broadcast %broadcast_in_dim3A_3490 : i32 to vector<64x128xi32>
    %select_n3A_3492 = arith.select %lt3A_3489, %broadcast_in_dim3A_3491, %select_n3A_3478 : vector<64x128xi1>, vector<64x128xi32>
    %select_n3A_3493 = arith.select %lt3A_3489, %sub3A_3485, %select_n3A_3479 : vector<64x128xi1>, vector<64x128xf32>
    %slice3A_3494 = vector.extract_strided_slice %get3A_9 {offsets = [0, 6656], sizes = [1, 128], strides = [1, 1]} : vector<1x8192xf32> to vector<1x128xf32>
    %add3A_3495 = vector.broadcast %slice3A_2761 : vector<64x1xf32> to vector<64x128xf32>
    %add3A_3496 = vector.broadcast %slice3A_3494 : vector<1x128xf32> to vector<64x128xf32>
    %add3A_3497 = arith.addf %add3A_3495, %add3A_3496 : vector<64x128xf32>
    %slice3A_3498 = vector.extract_strided_slice %dot_general3A_5 {offsets = [192, 6656], sizes = [64, 128], strides = [1, 1]} : vector<256x8192xf32> to vector<64x128xf32>
    %sub3A_3499 = arith.subf %add3A_3497, %slice3A_3498 : vector<64x128xf32>
    %swap3A_3500 = arith.constant 192 : index
    %swap3A_3501 = arith.constant 6656 : index
    %swap3A_3502 = vector.load %arg4[%swap3A_3500, %swap3A_3501] : memref<256x8192xf32, #tpu.memory_space<vmem>>, vector<64x128xf32>
    tpu.vector_store %arg4[%swap3A_3500, %swap3A_3501], %sub3A_3499 {strides = array<i32>} : memref<256x8192xf32, #tpu.memory_space<vmem>>, vector<64x128xf32>,
    %lt3A_3503 = arith.cmpf olt, %sub3A_3499, %select_n3A_3493 : vector<64x128xf32>
    %broadcast_in_dim3A_3504 = arith.constant 52 : i32
    %broadcast_in_dim3A_3505 = vector.broadcast %broadcast_in_dim3A_3504 : i32 to vector<64x128xi32>
    %select_n3A_3506 = arith.select %lt3A_3503, %broadcast_in_dim3A_3505, %select_n3A_3492 : vector<64x128xi1>, vector<64x128xi32>
    %select_n3A_3507 = arith.select %lt3A_3503, %sub3A_3499, %select_n3A_3493 : vector<64x128xi1>, vector<64x128xf32>
    %slice3A_3508 = vector.extract_strided_slice %get3A_9 {offsets = [0, 6784], sizes = [1, 128], strides = [1, 1]} : vector<1x8192xf32> to vector<1x128xf32>
    %add3A_3509 = vector.broadcast %slice3A_2761 : vector<64x1xf32> to vector<64x128xf32>
    %add3A_3510 = vector.broadcast %slice3A_3508 : vector<1x128xf32> to vector<64x128xf32>
    %add3A_3511 = arith.addf %add3A_3509, %add3A_3510 : vector<64x128xf32>
    %slice3A_3512 = vector.extract_strided_slice %dot_general3A_5 {offsets = [192, 6784], sizes = [64, 128], strides = [1, 1]} : vector<256x8192xf32> to vector<64x128xf32>
    %sub3A_3513 = arith.subf %add3A_3511, %slice3A_3512 : vector<64x128xf32>
    %swap3A_3514 = arith.constant 192 : index
    %swap3A_3515 = arith.constant 6784 : index
    %swap3A_3516 = vector.load %arg4[%swap3A_3514, %swap3A_3515] : memref<256x8192xf32, #tpu.memory_space<vmem>>, vector<64x128xf32>
    tpu.vector_store %arg4[%swap3A_3514, %swap3A_3515], %sub3A_3513 {strides = array<i32>} : memref<256x8192xf32, #tpu.memory_space<vmem>>, vector<64x128xf32>,
    %lt3A_3517 = arith.cmpf olt, %sub3A_3513, %select_n3A_3507 : vector<64x128xf32>
    %broadcast_in_dim3A_3518 = arith.constant 53 : i32
    %broadcast_in_dim3A_3519 = vector.broadcast %broadcast_in_dim3A_3518 : i32 to vector<64x128xi32>
    %select_n3A_3520 = arith.select %lt3A_3517, %broadcast_in_dim3A_3519, %select_n3A_3506 : vector<64x128xi1>, vector<64x128xi32>
    %select_n3A_3521 = arith.select %lt3A_3517, %sub3A_3513, %select_n3A_3507 : vector<64x128xi1>, vector<64x128xf32>
    %slice3A_3522 = vector.extract_strided_slice %get3A_9 {offsets = [0, 6912], sizes = [1, 128], strides = [1, 1]} : vector<1x8192xf32> to vector<1x128xf32>
    %add3A_3523 = vector.broadcast %slice3A_2761 : vector<64x1xf32> to vector<64x128xf32>
    %add3A_3524 = vector.broadcast %slice3A_3522 : vector<1x128xf32> to vector<64x128xf32>
    %add3A_3525 = arith.addf %add3A_3523, %add3A_3524 : vector<64x128xf32>
    %slice3A_3526 = vector.extract_strided_slice %dot_general3A_5 {offsets = [192, 6912], sizes = [64, 128], strides = [1, 1]} : vector<256x8192xf32> to vector<64x128xf32>
    %sub3A_3527 = arith.subf %add3A_3525, %slice3A_3526 : vector<64x128xf32>
    %swap3A_3528 = arith.constant 192 : index
    %swap3A_3529 = arith.constant 6912 : index
    %swap3A_3530 = vector.load %arg4[%swap3A_3528, %swap3A_3529] : memref<256x8192xf32, #tpu.memory_space<vmem>>, vector<64x128xf32>
    tpu.vector_store %arg4[%swap3A_3528, %swap3A_3529], %sub3A_3527 {strides = array<i32>} : memref<256x8192xf32, #tpu.memory_space<vmem>>, vector<64x128xf32>,
    %lt3A_3531 = arith.cmpf olt, %sub3A_3527, %select_n3A_3521 : vector<64x128xf32>
    %broadcast_in_dim3A_3532 = arith.constant 54 : i32
    %broadcast_in_dim3A_3533 = vector.broadcast %broadcast_in_dim3A_3532 : i32 to vector<64x128xi32>
    %select_n3A_3534 = arith.select %lt3A_3531, %broadcast_in_dim3A_3533, %select_n3A_3520 : vector<64x128xi1>, vector<64x128xi32>
    %select_n3A_3535 = arith.select %lt3A_3531, %sub3A_3527, %select_n3A_3521 : vector<64x128xi1>, vector<64x128xf32>
    %slice3A_3536 = vector.extract_strided_slice %get3A_9 {offsets = [0, 7040], sizes = [1, 128], strides = [1, 1]} : vector<1x8192xf32> to vector<1x128xf32>
    %add3A_3537 = vector.broadcast %slice3A_2761 : vector<64x1xf32> to vector<64x128xf32>
    %add3A_3538 = vector.broadcast %slice3A_3536 : vector<1x128xf32> to vector<64x128xf32>
    %add3A_3539 = arith.addf %add3A_3537, %add3A_3538 : vector<64x128xf32>
    %slice3A_3540 = vector.extract_strided_slice %dot_general3A_5 {offsets = [192, 7040], sizes = [64, 128], strides = [1, 1]} : vector<256x8192xf32> to vector<64x128xf32>
    %sub3A_3541 = arith.subf %add3A_3539, %slice3A_3540 : vector<64x128xf32>
    %swap3A_3542 = arith.constant 192 : index
    %swap3A_3543 = arith.constant 7040 : index
    %swap3A_3544 = vector.load %arg4[%swap3A_3542, %swap3A_3543] : memref<256x8192xf32, #tpu.memory_space<vmem>>, vector<64x128xf32>
    tpu.vector_store %arg4[%swap3A_3542, %swap3A_3543], %sub3A_3541 {strides = array<i32>} : memref<256x8192xf32, #tpu.memory_space<vmem>>, vector<64x128xf32>,
    %lt3A_3545 = arith.cmpf olt, %sub3A_3541, %select_n3A_3535 : vector<64x128xf32>
    %broadcast_in_dim3A_3546 = arith.constant 55 : i32
    %broadcast_in_dim3A_3547 = vector.broadcast %broadcast_in_dim3A_3546 : i32 to vector<64x128xi32>
    %select_n3A_3548 = arith.select %lt3A_3545, %broadcast_in_dim3A_3547, %select_n3A_3534 : vector<64x128xi1>, vector<64x128xi32>
    %select_n3A_3549 = arith.select %lt3A_3545, %sub3A_3541, %select_n3A_3535 : vector<64x128xi1>, vector<64x128xf32>
    %slice3A_3550 = vector.extract_strided_slice %get3A_9 {offsets = [0, 7168], sizes = [1, 128], strides = [1, 1]} : vector<1x8192xf32> to vector<1x128xf32>
    %add3A_3551 = vector.broadcast %slice3A_2761 : vector<64x1xf32> to vector<64x128xf32>
    %add3A_3552 = vector.broadcast %slice3A_3550 : vector<1x128xf32> to vector<64x128xf32>
    %add3A_3553 = arith.addf %add3A_3551, %add3A_3552 : vector<64x128xf32>
    %slice3A_3554 = vector.extract_strided_slice %dot_general3A_5 {offsets = [192, 7168], sizes = [64, 128], strides = [1, 1]} : vector<256x8192xf32> to vector<64x128xf32>
    %sub3A_3555 = arith.subf %add3A_3553, %slice3A_3554 : vector<64x128xf32>
    %swap3A_3556 = arith.constant 192 : index
    %swap3A_3557 = arith.constant 7168 : index
    %swap3A_3558 = vector.load %arg4[%swap3A_3556, %swap3A_3557] : memref<256x8192xf32, #tpu.memory_space<vmem>>, vector<64x128xf32>
    tpu.vector_store %arg4[%swap3A_3556, %swap3A_3557], %sub3A_3555 {strides = array<i32>} : memref<256x8192xf32, #tpu.memory_space<vmem>>, vector<64x128xf32>,
    %lt3A_3559 = arith.cmpf olt, %sub3A_3555, %select_n3A_3549 : vector<64x128xf32>
    %broadcast_in_dim3A_3560 = arith.constant 56 : i32
    %broadcast_in_dim3A_3561 = vector.broadcast %broadcast_in_dim3A_3560 : i32 to vector<64x128xi32>
    %select_n3A_3562 = arith.select %lt3A_3559, %broadcast_in_dim3A_3561, %select_n3A_3548 : vector<64x128xi1>, vector<64x128xi32>
    %select_n3A_3563 = arith.select %lt3A_3559, %sub3A_3555, %select_n3A_3549 : vector<64x128xi1>, vector<64x128xf32>
    %slice3A_3564 = vector.extract_strided_slice %get3A_9 {offsets = [0, 7296], sizes = [1, 128], strides = [1, 1]} : vector<1x8192xf32> to vector<1x128xf32>
    %add3A_3565 = vector.broadcast %slice3A_2761 : vector<64x1xf32> to vector<64x128xf32>
    %add3A_3566 = vector.broadcast %slice3A_3564 : vector<1x128xf32> to vector<64x128xf32>
    %add3A_3567 = arith.addf %add3A_3565, %add3A_3566 : vector<64x128xf32>
    %slice3A_3568 = vector.extract_strided_slice %dot_general3A_5 {offsets = [192, 7296], sizes = [64, 128], strides = [1, 1]} : vector<256x8192xf32> to vector<64x128xf32>
    %sub3A_3569 = arith.subf %add3A_3567, %slice3A_3568 : vector<64x128xf32>
    %swap3A_3570 = arith.constant 192 : index
    %swap3A_3571 = arith.constant 7296 : index
    %swap3A_3572 = vector.load %arg4[%swap3A_3570, %swap3A_3571] : memref<256x8192xf32, #tpu.memory_space<vmem>>, vector<64x128xf32>
    tpu.vector_store %arg4[%swap3A_3570, %swap3A_3571], %sub3A_3569 {strides = array<i32>} : memref<256x8192xf32, #tpu.memory_space<vmem>>, vector<64x128xf32>,
    %lt3A_3573 = arith.cmpf olt, %sub3A_3569, %select_n3A_3563 : vector<64x128xf32>
    %broadcast_in_dim3A_3574 = arith.constant 57 : i32
    %broadcast_in_dim3A_3575 = vector.broadcast %broadcast_in_dim3A_3574 : i32 to vector<64x128xi32>
    %select_n3A_3576 = arith.select %lt3A_3573, %broadcast_in_dim3A_3575, %select_n3A_3562 : vector<64x128xi1>, vector<64x128xi32>
    %select_n3A_3577 = arith.select %lt3A_3573, %sub3A_3569, %select_n3A_3563 : vector<64x128xi1>, vector<64x128xf32>
    %slice3A_3578 = vector.extract_strided_slice %get3A_9 {offsets = [0, 7424], sizes = [1, 128], strides = [1, 1]} : vector<1x8192xf32> to vector<1x128xf32>
    %add3A_3579 = vector.broadcast %slice3A_2761 : vector<64x1xf32> to vector<64x128xf32>
    %add3A_3580 = vector.broadcast %slice3A_3578 : vector<1x128xf32> to vector<64x128xf32>
    %add3A_3581 = arith.addf %add3A_3579, %add3A_3580 : vector<64x128xf32>
    %slice3A_3582 = vector.extract_strided_slice %dot_general3A_5 {offsets = [192, 7424], sizes = [64, 128], strides = [1, 1]} : vector<256x8192xf32> to vector<64x128xf32>
    %sub3A_3583 = arith.subf %add3A_3581, %slice3A_3582 : vector<64x128xf32>
    %swap3A_3584 = arith.constant 192 : index
    %swap3A_3585 = arith.constant 7424 : index
    %swap3A_3586 = vector.load %arg4[%swap3A_3584, %swap3A_3585] : memref<256x8192xf32, #tpu.memory_space<vmem>>, vector<64x128xf32>
    tpu.vector_store %arg4[%swap3A_3584, %swap3A_3585], %sub3A_3583 {strides = array<i32>} : memref<256x8192xf32, #tpu.memory_space<vmem>>, vector<64x128xf32>,
    %lt3A_3587 = arith.cmpf olt, %sub3A_3583, %select_n3A_3577 : vector<64x128xf32>
    %broadcast_in_dim3A_3588 = arith.constant 58 : i32
    %broadcast_in_dim3A_3589 = vector.broadcast %broadcast_in_dim3A_3588 : i32 to vector<64x128xi32>
    %select_n3A_3590 = arith.select %lt3A_3587, %broadcast_in_dim3A_3589, %select_n3A_3576 : vector<64x128xi1>, vector<64x128xi32>
    %select_n3A_3591 = arith.select %lt3A_3587, %sub3A_3583, %select_n3A_3577 : vector<64x128xi1>, vector<64x128xf32>
    %slice3A_3592 = vector.extract_strided_slice %get3A_9 {offsets = [0, 7552], sizes = [1, 128], strides = [1, 1]} : vector<1x8192xf32> to vector<1x128xf32>
    %add3A_3593 = vector.broadcast %slice3A_2761 : vector<64x1xf32> to vector<64x128xf32>
    %add3A_3594 = vector.broadcast %slice3A_3592 : vector<1x128xf32> to vector<64x128xf32>
    %add3A_3595 = arith.addf %add3A_3593, %add3A_3594 : vector<64x128xf32>
    %slice3A_3596 = vector.extract_strided_slice %dot_general3A_5 {offsets = [192, 7552], sizes = [64, 128], strides = [1, 1]} : vector<256x8192xf32> to vector<64x128xf32>
    %sub3A_3597 = arith.subf %add3A_3595, %slice3A_3596 : vector<64x128xf32>
    %swap3A_3598 = arith.constant 192 : index
    %swap3A_3599 = arith.constant 7552 : index
    %swap3A_3600 = vector.load %arg4[%swap3A_3598, %swap3A_3599] : memref<256x8192xf32, #tpu.memory_space<vmem>>, vector<64x128xf32>
    tpu.vector_store %arg4[%swap3A_3598, %swap3A_3599], %sub3A_3597 {strides = array<i32>} : memref<256x8192xf32, #tpu.memory_space<vmem>>, vector<64x128xf32>,
    %lt3A_3601 = arith.cmpf olt, %sub3A_3597, %select_n3A_3591 : vector<64x128xf32>
    %broadcast_in_dim3A_3602 = arith.constant 59 : i32
    %broadcast_in_dim3A_3603 = vector.broadcast %broadcast_in_dim3A_3602 : i32 to vector<64x128xi32>
    %select_n3A_3604 = arith.select %lt3A_3601, %broadcast_in_dim3A_3603, %select_n3A_3590 : vector<64x128xi1>, vector<64x128xi32>
    %select_n3A_3605 = arith.select %lt3A_3601, %sub3A_3597, %select_n3A_3591 : vector<64x128xi1>, vector<64x128xf32>
    %slice3A_3606 = vector.extract_strided_slice %get3A_9 {offsets = [0, 7680], sizes = [1, 128], strides = [1, 1]} : vector<1x8192xf32> to vector<1x128xf32>
    %add3A_3607 = vector.broadcast %slice3A_2761 : vector<64x1xf32> to vector<64x128xf32>
    %add3A_3608 = vector.broadcast %slice3A_3606 : vector<1x128xf32> to vector<64x128xf32>
    %add3A_3609 = arith.addf %add3A_3607, %add3A_3608 : vector<64x128xf32>
    %slice3A_3610 = vector.extract_strided_slice %dot_general3A_5 {offsets = [192, 7680], sizes = [64, 128], strides = [1, 1]} : vector<256x8192xf32> to vector<64x128xf32>
    %sub3A_3611 = arith.subf %add3A_3609, %slice3A_3610 : vector<64x128xf32>
    %swap3A_3612 = arith.constant 192 : index
    %swap3A_3613 = arith.constant 7680 : index
    %swap3A_3614 = vector.load %arg4[%swap3A_3612, %swap3A_3613] : memref<256x8192xf32, #tpu.memory_space<vmem>>, vector<64x128xf32>
    tpu.vector_store %arg4[%swap3A_3612, %swap3A_3613], %sub3A_3611 {strides = array<i32>} : memref<256x8192xf32, #tpu.memory_space<vmem>>, vector<64x128xf32>,
    %lt3A_3615 = arith.cmpf olt, %sub3A_3611, %select_n3A_3605 : vector<64x128xf32>
    %broadcast_in_dim3A_3616 = arith.constant 60 : i32
    %broadcast_in_dim3A_3617 = vector.broadcast %broadcast_in_dim3A_3616 : i32 to vector<64x128xi32>
    %select_n3A_3618 = arith.select %lt3A_3615, %broadcast_in_dim3A_3617, %select_n3A_3604 : vector<64x128xi1>, vector<64x128xi32>
    %select_n3A_3619 = arith.select %lt3A_3615, %sub3A_3611, %select_n3A_3605 : vector<64x128xi1>, vector<64x128xf32>
    %slice3A_3620 = vector.extract_strided_slice %get3A_9 {offsets = [0, 7808], sizes = [1, 128], strides = [1, 1]} : vector<1x8192xf32> to vector<1x128xf32>
    %add3A_3621 = vector.broadcast %slice3A_2761 : vector<64x1xf32> to vector<64x128xf32>
    %add3A_3622 = vector.broadcast %slice3A_3620 : vector<1x128xf32> to vector<64x128xf32>
    %add3A_3623 = arith.addf %add3A_3621, %add3A_3622 : vector<64x128xf32>
    %slice3A_3624 = vector.extract_strided_slice %dot_general3A_5 {offsets = [192, 7808], sizes = [64, 128], strides = [1, 1]} : vector<256x8192xf32> to vector<64x128xf32>
    %sub3A_3625 = arith.subf %add3A_3623, %slice3A_3624 : vector<64x128xf32>
    %swap3A_3626 = arith.constant 192 : index
    %swap3A_3627 = arith.constant 7808 : index
    %swap3A_3628 = vector.load %arg4[%swap3A_3626, %swap3A_3627] : memref<256x8192xf32, #tpu.memory_space<vmem>>, vector<64x128xf32>
    tpu.vector_store %arg4[%swap3A_3626, %swap3A_3627], %sub3A_3625 {strides = array<i32>} : memref<256x8192xf32, #tpu.memory_space<vmem>>, vector<64x128xf32>,
    %lt3A_3629 = arith.cmpf olt, %sub3A_3625, %select_n3A_3619 : vector<64x128xf32>
    %broadcast_in_dim3A_3630 = arith.constant 61 : i32
    %broadcast_in_dim3A_3631 = vector.broadcast %broadcast_in_dim3A_3630 : i32 to vector<64x128xi32>
    %select_n3A_3632 = arith.select %lt3A_3629, %broadcast_in_dim3A_3631, %select_n3A_3618 : vector<64x128xi1>, vector<64x128xi32>
    %select_n3A_3633 = arith.select %lt3A_3629, %sub3A_3625, %select_n3A_3619 : vector<64x128xi1>, vector<64x128xf32>
    %slice3A_3634 = vector.extract_strided_slice %get3A_9 {offsets = [0, 7936], sizes = [1, 128], strides = [1, 1]} : vector<1x8192xf32> to vector<1x128xf32>
    %add3A_3635 = vector.broadcast %slice3A_2761 : vector<64x1xf32> to vector<64x128xf32>
    %add3A_3636 = vector.broadcast %slice3A_3634 : vector<1x128xf32> to vector<64x128xf32>
    %add3A_3637 = arith.addf %add3A_3635, %add3A_3636 : vector<64x128xf32>
    %slice3A_3638 = vector.extract_strided_slice %dot_general3A_5 {offsets = [192, 7936], sizes = [64, 128], strides = [1, 1]} : vector<256x8192xf32> to vector<64x128xf32>
    %sub3A_3639 = arith.subf %add3A_3637, %slice3A_3638 : vector<64x128xf32>
    %swap3A_3640 = arith.constant 192 : index
    %swap3A_3641 = arith.constant 7936 : index
    %swap3A_3642 = vector.load %arg4[%swap3A_3640, %swap3A_3641] : memref<256x8192xf32, #tpu.memory_space<vmem>>, vector<64x128xf32>
    tpu.vector_store %arg4[%swap3A_3640, %swap3A_3641], %sub3A_3639 {strides = array<i32>} : memref<256x8192xf32, #tpu.memory_space<vmem>>, vector<64x128xf32>,
    %lt3A_3643 = arith.cmpf olt, %sub3A_3639, %select_n3A_3633 : vector<64x128xf32>
    %broadcast_in_dim3A_3644 = arith.constant 62 : i32
    %broadcast_in_dim3A_3645 = vector.broadcast %broadcast_in_dim3A_3644 : i32 to vector<64x128xi32>
    %select_n3A_3646 = arith.select %lt3A_3643, %broadcast_in_dim3A_3645, %select_n3A_3632 : vector<64x128xi1>, vector<64x128xi32>
    %select_n3A_3647 = arith.select %lt3A_3643, %sub3A_3639, %select_n3A_3633 : vector<64x128xi1>, vector<64x128xf32>
    %slice3A_3648 = vector.extract_strided_slice %get3A_9 {offsets = [0, 8064], sizes = [1, 128], strides = [1, 1]} : vector<1x8192xf32> to vector<1x128xf32>
    %add3A_3649 = vector.broadcast %slice3A_2761 : vector<64x1xf32> to vector<64x128xf32>
    %add3A_3650 = vector.broadcast %slice3A_3648 : vector<1x128xf32> to vector<64x128xf32>
    %add3A_3651 = arith.addf %add3A_3649, %add3A_3650 : vector<64x128xf32>
    %slice3A_3652 = vector.extract_strided_slice %dot_general3A_5 {offsets = [192, 8064], sizes = [64, 128], strides = [1, 1]} : vector<256x8192xf32> to vector<64x128xf32>
    %sub3A_3653 = arith.subf %add3A_3651, %slice3A_3652 : vector<64x128xf32>
    %swap3A_3654 = arith.constant 192 : index
    %swap3A_3655 = arith.constant 8064 : index
    %swap3A_3656 = vector.load %arg4[%swap3A_3654, %swap3A_3655] : memref<256x8192xf32, #tpu.memory_space<vmem>>, vector<64x128xf32>
    tpu.vector_store %arg4[%swap3A_3654, %swap3A_3655], %sub3A_3653 {strides = array<i32>} : memref<256x8192xf32, #tpu.memory_space<vmem>>, vector<64x128xf32>,
    %lt3A_3657 = arith.cmpf olt, %sub3A_3653, %select_n3A_3647 : vector<64x128xf32>
    %broadcast_in_dim3A_3658 = arith.constant 63 : i32
    %broadcast_in_dim3A_3659 = vector.broadcast %broadcast_in_dim3A_3658 : i32 to vector<64x128xi32>
    %select_n3A_3660 = arith.select %lt3A_3657, %broadcast_in_dim3A_3659, %select_n3A_3646 : vector<64x128xi1>, vector<64x128xi32>
    %select_n3A_3661 = arith.select %lt3A_3657, %sub3A_3653, %select_n3A_3647 : vector<64x128xi1>, vector<64x128xf32>
    %reduce_min3A_3662 = arith.constant dense<0x7F800000> : vector<64xf32>
    %reduce_min3A_3663 = vector.multi_reduction <minimumf>, %select_n3A_3661, %reduce_min3A_3662 [1] : vector<64x128xf32> to vector<64xf32>
    %broadcast_in_dim3A_3664 = vector.shape_cast %reduce_min3A_3663 : vector<64xf32> to vector<64x1xf32>
    %mul3A_3665 = arith.constant 128 : i32
    %mul3A_3666 = vector.broadcast %mul3A_3665 : i32 to vector<64x128xi32>
    %mul3A_3667 = arith.muli %select_n3A_3660, %mul3A_3666 : vector<64x128xi32>
    %iota3A_3668 = tpu.iota {dimensions = array<i32: 1>} : vector<64x128xi32>
    %add3A_3669 = arith.addi %mul3A_3667, %iota3A_3668 : vector<64x128xi32>
    %eq3A_3670 = vector.broadcast %broadcast_in_dim3A_3664 : vector<64x1xf32> to vector<64x128xf32>
    %eq3A_3671 = arith.cmpf oeq, %select_n3A_3661, %eq3A_3670 : vector<64x128xf32>
    %jit3A_3672 = arith.constant 1073741824 : i32
    %broadcast_in_dim3A_3673 = vector.broadcast %jit3A_3672 : i32 to vector<64x128xi32>
    %select_n3A_3674 = arith.select %eq3A_3671, %add3A_3669, %broadcast_in_dim3A_3673 : vector<64x128xi1>, vector<64x128xi32>
    %reduce_min3A_3675 = arith.constant dense<2147483647> : vector<64xi32>
    %reduce_min3A_3676 = vector.multi_reduction <minsi>, %select_n3A_3674, %reduce_min3A_3675 [1] : vector<64x128xi32> to vector<64xi32>
    %broadcast_in_dim3A_3677 = vector.shape_cast %reduce_min3A_3676 : vector<64xi32> to vector<64x1xi32>
    %swap3A_3678 = arith.constant 192 : index
    %swap3A_3679 = arith.constant 0 : index
    %swap3A_3680 = vector.load %arg5[%swap3A_3678, %swap3A_3679] : memref<256x1xi32, #tpu.memory_space<vmem>>, vector<64x1xi32>
    tpu.vector_store %arg5[%swap3A_3678, %swap3A_3679], %broadcast_in_dim3A_3677 {strides = array<i32>} : memref<256x1xi32, #tpu.memory_space<vmem>>, vector<64x1xi32>,
    return
  }
  func.func @transform_0(%arg0: i32) -> (i32, i32) {
    %c0_i32 = arith.constant 0 : i32
    %c0_i32_0 = arith.constant 0 : i32
    return %arg0, %c0_i32 : i32, i32
  }
  func.func @transform_1(%arg0: i32) -> (i32, i32) {
    %c0_i32 = arith.constant 0 : i32
    %c0_i32_0 = arith.constant 0 : i32
    %c0_i32_1 = arith.constant 0 : i32
    return %c0_i32, %c0_i32_0 : i32, i32
  }
  func.func @transform_2(%arg0: i32) -> (i32, i32) {
    %c0_i32 = arith.constant 0 : i32
    %c0_i32_0 = arith.constant 0 : i32
    %c0_i32_1 = arith.constant 0 : i32
    return %c0_i32, %c0_i32_0 : i32, i32
  }
  func.func @transform_3(%arg0: i32) -> (i32, i32) {
    %c0_i32 = arith.constant 0 : i32
    %c0_i32_0 = arith.constant 0 : i32
    return %arg0, %c0_i32 : i32, i32
  }
  func.func @transform_4(%arg0: i32) -> (i32, i32) {
    %c0_i32 = arith.constant 0 : i32
    %c0_i32_0 = arith.constant 0 : i32
    return %arg0, %c0_i32 : i32, i32
  }
}

module attributes {stable_mosaic.version = 14 : i64} {
  func.func @_loss_st_body(%arg0: i32, %arg1: memref<1024x256xf32, #tpu.memory_space<vmem>>, %arg2: memref<1024x256xf32, #tpu.memory_space<vmem>>, %arg3: memref<1024x256xf32, #tpu.memory_space<vmem>>, %arg4: memref<1x1xf32, #tpu.memory_space<smem>>, %arg5: memref<1xf32, #tpu.memory_space<smem>>) attributes {dimension_semantics = [#tpu.dimension_semantics<arbitrary>], iteration_bounds = array<i64: 8>, scalar_prefetch = 0 : i64, scratch_operands = 1 : i64, tpu.core_type = #tpu.core_type<tc>, window_params = [{transform_indices = @transform_0, window_bounds = array<i64: 1024, 256>}, {transform_indices = @transform_1, window_bounds = array<i64: 1024, 256>}, {transform_indices = @transform_2, window_bounds = array<i64: 1024, 256>}, {transform_indices = @transform_3, window_bounds = array<i64: 1, 1>}]} {
    %get3A = arith.constant 0 : index
    %get3A_0 = arith.constant 0 : index
    %get3A_1 = vector.load %arg1[%get3A, %get3A_0] : memref<1024x256xf32, #tpu.memory_space<vmem>>, vector<1024x256xf32>
    %get3A_2 = arith.constant 0 : index
    %get3A_3 = arith.constant 0 : index
    %get3A_4 = vector.load %arg2[%get3A_2, %get3A_3] : memref<1024x256xf32, #tpu.memory_space<vmem>>, vector<1024x256xf32>
    %sub3A = arith.subf %get3A_4, %get3A_1 : vector<1024x256xf32>
    %add3A = arith.addf %get3A_1, %sub3A : vector<1024x256xf32>
    %swap3A = arith.constant 0 : index
    %swap3A_5 = arith.constant 0 : index
    %swap3A_6 = vector.load %arg3[%swap3A, %swap3A_5] : memref<1024x256xf32, #tpu.memory_space<vmem>>, vector<1024x256xf32>
    tpu.vector_store %arg3[%swap3A, %swap3A_5], %add3A {strides = array<i32>} : memref<1024x256xf32, #tpu.memory_space<vmem>>, vector<1024x256xf32>,
    %mul3A = arith.mulf %sub3A, %sub3A : vector<1024x256xf32>
    %reduce_sum3A = vector.shape_cast %mul3A : vector<1024x256xf32> to vector<1x1024x256xf32>
    %reduce_sum3A_7 = arith.constant dense<0.000000e+00> : vector<1xf32>
    %reduce_sum3A_8 = vector.multi_reduction <add>, %reduce_sum3A, %reduce_sum3A_7 [1, 2] : vector<1x1024x256xf32> to vector<1xf32>
    %reduce_sum3A_9 = vector.shape_cast %reduce_sum3A_8 : vector<1xf32> to vector<1x1x1xf32>
    %reduce_sum3A_10 = vector.extract %reduce_sum3A_9[0, 0, 0] : f32 from vector<1x1x1xf32>
    %eq3A = arith.constant 0 : i32
    %eq3A_11 = arith.cmpi eq, %arg0, %eq3A : i32
    %convert_element_type3A = arith.extui %eq3A_11 : i1 to i32
    %cond3A = arith.constant 0 : i32
    %cond3A_12 = arith.cmpi ne, %convert_element_type3A, %cond3A : i32
    scf.if %cond3A_12 {
      %swap3A_22 = arith.constant 0 : index
      %swap3A_23 = memref.load %arg5[%swap3A_22] : memref<1xf32, #tpu.memory_space<smem>>
      memref.store %reduce_sum3A_10, %arg5[%swap3A_22] : memref<1xf32, #tpu.memory_space<smem>>
    } else {
    }
    %gt3A = arith.constant 0 : i32
    %gt3A_13 = arith.cmpi sgt, %arg0, %gt3A : i32
    %convert_element_type3A_14 = arith.extui %gt3A_13 : i1 to i32
    %cond3A_15 = arith.constant 0 : i32
    %cond3A_16 = arith.cmpi ne, %convert_element_type3A_14, %cond3A_15 : i32
    scf.if %cond3A_16 {
      %get3A_22 = arith.constant 0 : index
      %get3A_23 = memref.load %arg5[%get3A_22] : memref<1xf32, #tpu.memory_space<smem>>
      %add3A_24 = arith.addf %get3A_23, %reduce_sum3A_10 : f32
      %swap3A_25 = arith.constant 0 : index
      %swap3A_26 = memref.load %arg5[%swap3A_25] : memref<1xf32, #tpu.memory_space<smem>>
      memref.store %add3A_24, %arg5[%swap3A_25] : memref<1xf32, #tpu.memory_space<smem>>
    } else {
    }
    %eq3A_17 = arith.constant 7 : i32
    %eq3A_18 = arith.cmpi eq, %arg0, %eq3A_17 : i32
    %convert_element_type3A_19 = arith.extui %eq3A_18 : i1 to i32
    %cond3A_20 = arith.constant 0 : i32
    %cond3A_21 = arith.cmpi ne, %convert_element_type3A_19, %cond3A_20 : i32
    scf.if %cond3A_21 {
      %get3A_22 = arith.constant 0 : index
      %get3A_23 = memref.load %arg5[%get3A_22] : memref<1xf32, #tpu.memory_space<smem>>
      %div3A = arith.constant 0x4A000000 : f32
      %div3A_24 = arith.divf %get3A_23, %div3A : f32
      %mul3A_25 = arith.constant 2.500000e-01 : f32
      %mul3A_26 = arith.mulf %mul3A_25, %div3A_24 : f32
      %add3A_27 = arith.addf %div3A_24, %mul3A_26 : f32
      %swap3A_28 = arith.constant 0 : index
      %swap3A_29 = arith.constant 0 : index
      %swap3A_30 = memref.load %arg4[%swap3A_28, %swap3A_29] : memref<1x1xf32, #tpu.memory_space<smem>>
      memref.store %add3A_27, %arg4[%swap3A_28, %swap3A_29] : memref<1x1xf32, #tpu.memory_space<smem>>
    } else {
    }
    return
  }
  func.func @transform_0(%arg0: i32) -> (i32, i32) {
    %c0_i32 = arith.constant 0 : i32
    %c0_i32_0 = arith.constant 0 : i32
    return %arg0, %c0_i32 : i32, i32
  }
  func.func @transform_1(%arg0: i32) -> (i32, i32) {
    %c0_i32 = arith.constant 0 : i32
    %c0_i32_0 = arith.constant 0 : i32
    return %arg0, %c0_i32 : i32, i32
  }
  func.func @transform_2(%arg0: i32) -> (i32, i32) {
    %c0_i32 = arith.constant 0 : i32
    %c0_i32_0 = arith.constant 0 : i32
    return %arg0, %c0_i32 : i32, i32
  }
  func.func @transform_3(%arg0: i32) -> (i32, i32) {
    %c0_i32 = arith.constant 0 : i32
    %c0_i32_0 = arith.constant 0 : i32
    %c0_i32_1 = arith.constant 0 : i32
    return %c0_i32, %c0_i32_0 : i32, i32
  }
}

</mosaic_0001>

<sc_bundles>
// kernel: kernel.6.cloned.1.call-start
scs
__scs_entry_jumppad:
0x0: {  	(pc) =	sbr.rel $0x88, $3  }
0x1: {  	(tag) =	ssettag $0x0;
	lr =	simm.s32 $0x1  }
0x2: {  	[smem:$0x3F9F] =	sst lr;
	_ =	strace $0xD0000000  }
0x3: {  	_ = 	snop  }
0x4: {  	_ = 	snop  }
0x5: {  	_ = 	snop  }
0x6: {  	_ = 	snop  }
0x7: {  	_ = 	snop  }
__scs_overlays_trampoline_lowered:
0x8: {  	[smem:$0x3FAE] =	sst s0  }
0x9: {  	[smem:$0x3FAF] =	sst s1  }
0xa: {  	[smem:$0x3FB0] =	sst s2  }
0xb: {  	[smem:$0x3FB1] =	sst s3  }
0xc: {  	[smem:$0x3FB2] =	sst s4  }
0xd: {  	[smem:$0x3FB3] =	sst s5  }
0xe: {  	[smem:$0x3FB4] =	sst s6  }
0xf: {  	[smem:$0x3FB5] =	sst s7  }
0x10: {  	[smem:$0x3FB6] =	sst s8  }
0x11: {  	[smem:$0x3FB7] =	sst s9;
	s0 =	simm.s32 @!p0 $0x0  }
0x12: {  	s1 =	sld [smem:$0x3F9D];
	s0 =	simm.s32 @p0 $0x1  }
0x13: {  	[smem:$0x3FB8] =	sst s0;
	s0 =	simm.s32 @!p1 $0x0  }
0x14: {  	s2 =	sld [smem:$0x3F9C];
	s0 =	simm.s32 @p1 $0x1  }
0x15: {  	[smem:$0x3FB9] =	sst s0;
	s0 =	simm.s32 @!p2 $0x0  }
0x16: {  	s3 =	sld [smem:$0x3FDB];
	s0 =	simm.s32 @p2 $0x1  }
0x17: {  	s4 =	simm.s32 $0x1BF5;
	[smem:$0x3FBB] =	sst s0  }
0x18: {  	s0 =	sld [smem:$0x3F9E];
	_ =	swait.ge [sflag:s4], $0x0  }
0x19: {  	s7 =	sld [smem:$0x3F9F]  }
0x1a: {  	s8 =	sadd.s32 $0xFFFFE003, lr  }
0x1b: {  	s9 =	sadd.s32 $0xFFFFFEF7, lr;
	s5 =	simm.s32 $0xFFFFFFFF;
	p2 =	slt.u32 s8, $0xFFFFF086  }
0x1c: {  	p1 =	slt.u32 s9, $0xF7A;
	s5 =	simm.s32 @!p2 $0x0  }
0x1d: {  	s5 =	simm.s32 @p1 $0x1;
	p0 =	seq.s32 s7, s2  }
0x1e: {  	s7 =	smul.u32 @!p0 $0xF7A, s2;
	p2 =	seq.s32 @!p0 s5, $0x0  }
0x1f: {  	s9 =	smul.u32 $0xF7A, s1;
	s8 =	simm.s32 @!p0 $0x1BF5;
	p2 =	por !p2, p0  }
0x20: {  	[sflag:s8] =	ssyncset.s32 @!p0 $0xFFFFF086;
	s6 =	sadd.s32 @!p0 s3, s7;
	s7 =	simm.s32 @!p0 $0x108  }
0x21: {  	s3 =	sadd.s32 s3, s9;
	s6 =	sadd.s32 @!p0 $0x88, s6;
	s7 =	simm.s32 @p2 $0x1082  }
0x22: {  	[simem:s7], [sflag:s8] =	dma.local @!p0 [hbm:s6], $0xF7A  }
0x23: {  	s9 =	sor.u32 $0xD0000000, s2;
	s6 =	simm.s32 $0x108;
	_ =	swait.ge @!p0 [sflag:s8], $0x0  }
0x24: {  	s3 =	sadd.s32 $0x88, s3;
	s6 =	simm.s32 @!p1 $0x1082;
	[sflag:s4] =	ssyncset.s32 $0xFFFFF086  }
0x25: {  	[simem:s6], [sflag:s4] =	dma.local [hbm:s3], $0xF7A  }
0x26: {  	[smem:$0x3F9F] =	sst s1;
	(tag) =	ssettag s2;
	_ =	strace s9  }
0x27: {  	s1 =	sld [smem:$0x3FAF]  }
0x28: {  	s2 =	sld [smem:$0x3FB0]  }
0x29: {  	s4 =	sld [smem:$0x3FB2]  }
0x2a: {  	p0 =	seq.s32 s5, $0x0;
	s5 =	sld [smem:$0x3FB3]  }
0x2b: {  	s6 =	sld [smem:$0x3FB4]  }
0x2c: {  	s7 =	sld [smem:$0x3FB5]  }
0x2d: {  	s3 =	simm.s32 $0x108;
	s8 =	sld [smem:$0x3FB6]  }
0x2e: {  	s3 =	simm.s32 @!p0 $0x1082;
	s9 =	sld [smem:$0x3FB7]  }
0x2f: {  	lr =	sadd.s32 s0, s3;
	s0 =	sld [smem:$0x3FAE]  }
0x30: {  	s3 =	sld [smem:$0x3FB1]  }
0x31: {  	[smem:$0x3FBA] =	sst s10  }
0x32: {  	s10 =	sld [smem:$0x3FB8];
	_ =	sdelay $0x3  }
0x33: {  	p0 =	seq.s32 s10, $0x1;
	s10 =	sld [smem:$0x3FBA];
	_ =	sdelay $0x3  }
0x34: {  	[smem:$0x3FBA] =	sst s10  }
0x35: {  	s10 =	sld [smem:$0x3FB9];
	_ =	sdelay $0x3  }
0x36: {  	p1 =	seq.s32 s10, $0x1;
	s10 =	sld [smem:$0x3FBA];
	_ =	sdelay $0x3  }
0x37: {  	[smem:$0x3FBA] =	sst s10  }
0x38: {  	s10 =	sld [smem:$0x3FBB]  }
0x39: {  	_ = 	snop;
	(pc) =	sbr.ind lr, $3  }
0x3a: {  	_ = 	snop  }
0x3b: {  	_ = 	snop  }
0x3c: {  	p2 =	seq.s32 s10, $0x1;
	s10 =	sld [smem:$0x3FBA]  }
0x3d: {  	_ =	shalt  }
0x3e: {  	_ =	shalt  }
0x3f: {  	_ =	shalt  }
0x40: {  	_ =	shalt  }
0x41: {  	_ =	shalt  }
0x42: {  	_ =	shalt  }
0x43: {  	_ =	shalt  }
0x44: {  	_ =	shalt  }
0x45: {  	_ =	shalt  }
0x46: {  	_ =	shalt  }
0x47: {  	_ =	shalt  }
0x48: {  	_ =	shalt  }
0x49: {  	_ =	shalt  }
0x4a: {  	_ =	shalt  }
0x4b: {  	_ =	shalt  }
0x4c: {  	_ =	shalt  }
0x4d: {  	_ =	shalt  }
0x4e: {  	_ =	shalt  }
0x4f: {  	_ =	shalt  }
0x50: {  	_ =	shalt  }
0x51: {  	_ =	shalt  }
0x52: {  	_ =	shalt  }
0x53: {  	_ =	shalt  }
0x54: {  	_ =	shalt  }
0x55: {  	_ =	shalt  }
0x56: {  	_ =	shalt  }
0x57: {  	_ =	shalt  }
0x58: {  	_ =	shalt  }
0x59: {  	_ =	shalt  }
0x5a: {  	_ =	shalt  }
0x5b: {  	_ =	shalt  }
0x5c: {  	_ =	shalt  }
0x5d: {  	_ =	shalt  }
0x5e: {  	_ =	shalt  }
0x5f: {  	_ =	shalt  }
0x60: {  	_ =	shalt  }
0x61: {  	_ =	shalt  }
0x62: {  	_ =	shalt  }
0x63: {  	_ =	shalt  }
0x64: {  	_ =	shalt  }
0x65: {  	_ =	shalt  }
0x66: {  	_ =	shalt  }
0x67: {  	_ =	shalt  }
0x68: {  	_ =	shalt  }
0x69: {  	_ =	shalt  }
0x6a: {  	_ =	shalt  }
0x6b: {  	_ =	shalt  }
0x6c: {  	_ =	shalt  }
0x6d: {  	_ =	shalt  }
0x6e: {  	_ =	shalt  }
0x6f: {  	_ =	shalt  }
0x70: {  	_ =	shalt  }
0x71: {  	_ =	shalt  }
0x72: {  	_ =	shalt  }
0x73: {  	_ =	shalt  }
0x74: {  	_ =	shalt  }
0x75: {  	_ =	shalt  }
0x76: {  	_ =	shalt  }
0x77: {  	_ =	shalt  }
0x78: {  	_ =	shalt  }
0x79: {  	_ =	shalt  }
0x7a: {  	_ =	shalt  }
0x7b: {  	_ =	shalt  }
0x7c: {  	_ =	shalt  }
0x7d: {  	_ =	shalt  }
0x7e: {  	_ =	shalt  }
0x7f: {  	_ =	shalt  }
0x80: {  	_ =	shalt  }
0x81: {  	_ =	shalt  }
0x82: {  	_ =	shalt  }
0x83: {  	_ =	shalt  }
0x84: {  	_ =	shalt  }
0x85: {  	_ =	shalt  }
0x86: {  	_ =	shalt  }
0x87: {  	_ =	shalt  }
.Lfunc_end0:
.L_simem_size_0:
called_computation_lowered:
.L_overlay_start_0:
0x88: {  	s2 =	sld [smem:$0x3FD9]  }
0x89: {  	s3 =	sld [smem:$0x3FFE];
	_ =	sdelay $0x1  }
0x8a: {  	s1 =	srdreg.scid  }
0x8b: {  	s0 =	sand.u32 $0x1, s1  }
0x8c: {  	s15 =	sshll.u32 s0, $0xA;
	s2 =	sadd.s32 s3, s2  }
0x8d: {  	s2 =	sadd.s32 s2, s15  }
0x8e: {  	[smem:$0x3FC6] =	sst s2  }
0x8f: {  	_ = 	snop  }
0x90: {  	s2 =	sld [smem:$0x3FD0];
	_ =	sdelay $0x2  }
0x91: {  	s4 =	simm.s32 $0xA;
	s5 =	simm.s32 $0x10;
	s16 =	sld [smem:$0x3FC8]  }
0x92: {  	[smem:s5], [sflag:s4] =	dma.local [hbm:s2], $0x1  }
0x93: {  	_ =	swait.eq [sflag:s4], $0x1  }
0x94: {  	[sflag:s4] =	ssyncset.done $0x0  }
0x95: {  	s17 =	sld [smem:$0x10];
	[sflag:s4] =	ssyncadd.s32 $0xFFFFFFFF  }
0x96: {  	s18 =	sld [smem:$0x12];
	(tm) =	ssettm $0x1  }
0x97: {  	s19 =	sld [smem:$0x3FFB];
	_ =	sdelay $0x3  }
0x98: {  	_ =	strace s19  }
0x99: {  	s5 =	sld [smem:$0x3FFC];
	_ =	sdelay $0x3  }
0x9a: {  	_ =	strace s5  }
0x9b: {  	s5 =	sld [smem:$0x3FFD];
	_ =	sdelay $0x3  }
0x9c: {  	_ =	strace s5  }
0x9d: {  	_ =	strace $0x8FFFFFFF  }
0x9e: {  	s20 =	sld [smem:$0x3FDB];
	_ =	sdelay $0x1  }
0x9f: {  	s6 =	simm.s32 $_scs_section_size  }
0xa0: {  	s7 =	simm.s32 $_size__tile_overlayer_lowered;
	s8 =	simm.s32 $_tile_overlayer_lowered  }
0xa1: {  	s23 =	simm.s32 $0x1BFF;
	s22 =	sshll.u32 s8, $0x1;
	s5 =	sadd.s32 s6, s20  }
0xa2: {  	s9 =	simm.s32 $0x0;
	s21 =	sshll.u32 s7, $0x1;
	s7 =	sadd.s32 s22, s5  }
0xa3: {  	[timem:s9], [sflag:s23] =	dma.local [hbm:s7], s21  }
0xa4: {  	_ =	swait.ge [sflag:s23], s21  }
0xa5: {  	s6 =	ssub.s32 $0x0, s21;
	[sflag:s23] =	ssyncset.done $0x0  }
0xa6: {  	[sflag:s23] =	ssyncadd.s32 s6;
	_ =	sdelay $0x1  }
0xa7: {  	s24 =	simm.s32 $0x1B8B  }
0xa8: {  	_ =	swait.ge [sflag:s24], $0x1  }
0xa9: {  	[sflag:s24] =	ssyncset.done $0x0  }
0xaa: {  	s25 =	simm.s32 $0x1B8E;
	[sflag:s24] =	ssyncadd.s32 $0xFFFFFFFF  }
0xab: {  	s26 =	simm.s32 $execute0_lowered;
	[smem:$0x3FD2] =	sst s25  }
0xac: {  	s6 =	sshll.u32 s26, $0x1;
	_ =	strace $0x80000046;
	[dreg:$0x1] =	wrdreg $0xFFFFFFFF  }
0xad: {  	s28 =	simm.s32 $_size_execute0_lowered;
	s5 =	sadd.s32 s5, s6;
	[dreg:$0x0] =	wrdreg $0x0  }
0xae: {  	s6 =	sshll.u32 s28, $0x1;
	[dreg:$0x2] =	wrdreg s5  }
0xaf: {  	[dreg:$0x3] =	wrdreg s6  }
0xb0: {  	[dreg:$0x4] =	wrdreg $0xC0  }
0xb1: {  	_ =	task [dreg:s9], $0x5FFFF  }
0xb2: {  	[dreg:$0x1] =	wrdreg $0xFFFFFFFF  }
0xb3: {  	[dreg:$0x0] =	wrdreg $0x60  }
0xb4: {  	[dreg:$0x2] =	wrdreg s16  }
0xb5: {  	[dreg:$0x3] =	wrdreg s18  }
0xb6: {  	[dreg:$0x4] =	wrdreg s17  }
0xb7: {  	[dreg:$0x5] =	wrdreg $0x9  }
0xb8: {  	_ =	task.clear_ibuf [dreg:s9], $0x6FFFF;
	_ =	strace $0x90000046  }
0xb9: {  	s29 =	simm.s32 $0x9;
	_ =	strace $0x80000048  }
0xba: {  	_ =	swait.ge [sflag:s29], $0x1  }
0xbb: {  	[sflag:s29] =	ssyncadd.s32 $0xFFFFFFFF  }
0xbc: {  	_ =	strace $0x90000048  }
0xbd: {  	_ =	sfence  }
0xbe: {  	s30 =	sld [smem:$0x0];
	_ =	sdelay $0x2  }
0xbf: {  	s31 =	sshll.u32 s1, $0xD;
	s1 =	sshrl.u32 s1, $0x2  }
0xc0: {  	s3 =	sand.u32 $0x4000, s31;
	s1 =	sadd.s32 s1, s30  }
0xc1: {  	s0 =	sor.u32 s3, s0;
	s1 =	sshll.u32 s1, $0x11  }
0xc2: {  	s0 =	sor.u32 s1, s0  }
0xc3: {  	s0 =	sadd.s32 $0x8F2B, s0  }
0xc4: {  	[sflag:s0] =	ssyncadd.remote.s32 $0x1  }
0xc5: {  	_ =	sfence.sel $0xFFFF  }
0xc6: {  	[dreg:$0x0] =	wrdreg $0xFFFFFFFF;
	(pc) =	sbr.abs _section_cstart, $3  }
0xc7: {  	[dreg:$0x1] =	wrdreg $0xFFFFFFFF  }
0xc8: {  	_ =	task.clear_ibuf [dreg:s9], $0x2FFFF;
	_ =	strace $0x9FFFFFFF  }
0xc9: {  	(tm) =	ssettm $0x7FFFFFFF  }
tec
execute0_lowered:
.L_overlay_start_1:
0x0: {  	(tag) =	ssettag $0x1  }
0x1: {  	s1 =	rddreg [dreg:$0x0]  }
0x2: {  	s2 =	srdreg.scid;
	s4 =	rddreg [dreg:$0x1]  }
0x3: {  	s0 =	stileid.u32;
	s5 =	rddreg [dreg:$0x2]  }
0x4: {  	s3 =	simm.s32 $0x0;
	s19 =	simm.s32 $0x900;
	s20 =	simm.s32 $0x1100  }
0x5: {  	s21 =	simm.s32 $0x1900;
	s23 =	simm.s32 $0x2100;
	s24 =	simm.s32 $0x2900  }
0x6: {  	s25 =	simm.s32 $0x3100;
	s26 =	simm.s32 $0x3900;
	s8 =	simm.s32 $0x4900  }
0x7: {  	s9 =	simm.s32 $0x5100;
	s10 =	simm.s32 $0x5900;
	s11 =	simm.s32 $0x6100  }
0x8: {  	s12 =	simm.s32 $0x6900;
	s13 =	simm.s32 $0x7100;
	[smem:$0x7FF] =	sst s3  }
0x9: {  	s14 =	simm.s32 $0x7900;
	_ =	strace $0x80000047;
	[dreg:$0x6] =	wrdreg s19  }
0xa: {  	s15 =	simm.s32 $0x8100;
	s16 =	simm.s32 $0x8900;
	[dreg:$0x7] =	wrdreg s20  }
0xb: {  	s17 =	simm.s32 $0x9100;
	s28 =	simm.s32 $0xE100;
	[dreg:$0x8] =	wrdreg s21  }
0xc: {  	s29 =	simm.s32 $0xE900;
	s30 =	simm.s32 $0xF100;
	[dreg:$0x9] =	wrdreg s23  }
0xd: {  	s31 =	simm.s32 $0xF900;
	s2 =	sand.u32 $0x1, s2;
	[dreg:$0xa] =	wrdreg s24  }
0xe: {  	s6 =	sshll.u32 s0, $0x9;
	s7 =	sshll.u32 s2, $0x8;
	[dreg:$0xb] =	wrdreg s25  }
0xf: {  	s2 =	ssub.s32 $0x2, s2;
	[dreg:$0xc] =	wrdreg s26;
	s19 =	simm.s32 $0xA100  }
0x10: {  	s20 =	simm.s32 $0xA900;
	s21 =	simm.s32 $0xB100;
	s23 =	simm.s32 $0xC100  }
0x11: {  	s24 =	simm.s32 $0xC900;
	s25 =	simm.s32 $0xD100;
	s6 =	sor.u32 s7, s6  }
0x12: {  	s26 =	simm.s32 $0xD900;
	s22 =	sshrl.u32 s2, $0x1;
	s7 =	sshrl.u32 s6, $0x3  }
0x13: {  	s6 =	sshll.u32 s6, $0x5;
	s2 =	ssub.s32 s2, s22;
	s4 =	sadd.s32 s4, s7  }
0x14: {  	v2 =	vlaneseq.u32;
	s22 =	simm.s32 $0xB900;
	s18 =	sadd.s32 s5, s6;
	[dreg:$0x4] =	wrdreg s4  }
0x15: {  	vm0 =	vmmov $0xffff;
	v1 =	vshrl.u32 v2, $0x3;
	s5 =	simm.s32 $0x2;
	s6 =	simm.s32 $0x100;
	[dreg:$0x5] =	wrdreg s18  }
0x16: {  	v0 =	vand.u32 $0x7, v2;
	v2 =	vor.u32 $0x8, v2;
	v1 =	vmul.u32 $0x8, v1;
	s4 =	smax.u32 s2, $0x1;
	s18 =	simm.s32 $0x9900;
	s2 =	simm.s32 $0x1  }
.LBB2_1:
0x17: {  	s0 =	rddreg [dreg:$0x4]  }
0x18: {  	[tilespmem:s3], [sflag:$0x2] =	stream.linear.gather [hbm4b:s0+s3], $0x100, $0x38;
	[tilespmem:$0x10100] =	vst v63  }
0x19: {  	_ =	swait.ge [sflag:s5], $0x100  }
0x1a: {  	[sflag:s5] =	ssyncset.done $0x0  }
0x1b: {  	[sflag:s5] =	ssyncadd.s32 $0xFFFFFF00  }
0x1c: {  	v3 =	vld [tilespmem:$0x0];
	_ =	sdelay $0x4  }
0x1d: {  	v4 =	vshll.u32 v3, $0x1  }
0x1e: {  	v3 =	vand.u32 $0x7, v3;
	v4 =	vand.u32 $0xFFFFFFF0, v4  }
0x1f: {  	v3 =	vor.u32 v3, v4  }
0x20: {  	v4 =	vperm.xlane v3, v0;
	_ =	sdelay $0x1  }
0x21: {  	v3 =	vperm.xlane v3, v2;
	v4 =	vadd.s32 v1, v4;
	_ =	sdelay $0x1  }
0x22: {  	v3 =	vadd.s32 v1, v3;
	_ =	sdelay $0x2  }
0x23: {  	[tilespmem:s6], [sflag:$0x1] =	stream.indirect_vreg.gather [hbm4b:s1+s3], $0x80, v4, vm0, $0xb8;
	[tilespmem:$0x10100] =	vst v63  }
0x24: {  	s7 =	rddreg [dreg:$0x6]  }
0x25: {  	[tilespmem:s7], [sflag:$0x1] =	stream.indirect_vreg.gather [hbm4b:s1+s3], $0x80, v3, vm0, $0xb8;
	[tilespmem:$0x10100] =	vst v63  }
0x26: {  	v3 =	vld [tilespmem:$0x10];
	_ =	sdelay $0x4  }
0x27: {  	v49 =	vshll.u32 v3, $0x1  }
0x28: {  	v3 =	vand.u32 $0x7, v3;
	v4 =	vand.u32 $0xFFFFFFF0, v49  }
0x29: {  	v3 =	vor.u32 v3, v4  }
0x2a: {  	v4 =	vperm.xlane v3, v0;
	_ =	sdelay $0x1  }
0x2b: {  	v3 =	vperm.xlane v3, v2;
	v4 =	vadd.s32 v1, v4;
	_ =	sdelay $0x1  }
0x2c: {  	v3 =	vadd.s32 v1, v3;
	_ =	sdelay $0x1  }
0x2d: {  	s0 =	rddreg [dreg:$0x7]  }
0x2e: {  	[tilespmem:s0], [sflag:$0x1] =	stream.indirect_vreg.gather [hbm4b:s1+s3], $0x80, v4, vm0, $0xb8;
	[tilespmem:$0x10100] =	vst v63  }
0x2f: {  	s7 =	rddreg [dreg:$0x8]  }
0x30: {  	[tilespmem:s7], [sflag:$0x1] =	stream.indirect_vreg.gather [hbm4b:s1+s3], $0x80, v3, vm0, $0xb8;
	[tilespmem:$0x10100] =	vst v63  }
0x31: {  	v3 =	vld [tilespmem:$0x20];
	_ =	sdelay $0x4  }
0x32: {  	v50 =	vshll.u32 v3, $0x1  }
0x33: {  	v3 =	vand.u32 $0x7, v3;
	v4 =	vand.u32 $0xFFFFFFF0, v50  }
0x34: {  	v3 =	vor.u32 v3, v4  }
0x35: {  	v4 =	vperm.xlane v3, v0;
	_ =	sdelay $0x1  }
0x36: {  	v3 =	vperm.xlane v3, v2;
	v4 =	vadd.s32 v1, v4;
	_ =	sdelay $0x1  }
0x37: {  	v3 =	vadd.s32 v1, v3;
	_ =	sdelay $0x1  }
0x38: {  	s0 =	rddreg [dreg:$0x9]  }
0x39: {  	[tilespmem:s0], [sflag:$0x1] =	stream.indirect_vreg.gather [hbm4b:s1+s3], $0x80, v4, vm0, $0xb8;
	[tilespmem:$0x10100] =	vst v63  }
0x3a: {  	s7 =	rddreg [dreg:$0xa]  }
0x3b: {  	[tilespmem:s7], [sflag:$0x1] =	stream.indirect_vreg.gather [hbm4b:s1+s3], $0x80, v3, vm0, $0xb8;
	[tilespmem:$0x10100] =	vst v63  }
0x3c: {  	v3 =	vld [tilespmem:$0x30];
	_ =	sdelay $0x4  }
0x3d: {  	v51 =	vshll.u32 v3, $0x1  }
0x3e: {  	v3 =	vand.u32 $0x7, v3;
	v4 =	vand.u32 $0xFFFFFFF0, v51  }
0x3f: {  	v3 =	vor.u32 v3, v4  }
0x40: {  	v4 =	vperm.xlane v3, v0;
	_ =	sdelay $0x1  }
0x41: {  	v3 =	vperm.xlane v3, v2;
	v4 =	vadd.s32 v1, v4;
	_ =	sdelay $0x1  }
0x42: {  	v3 =	vadd.s32 v1, v3;
	_ =	sdelay $0x1  }
0x43: {  	s0 =	rddreg [dreg:$0xb]  }
0x44: {  	[tilespmem:s0], [sflag:$0x1] =	stream.indirect_vreg.gather [hbm4b:s1+s3], $0x80, v4, vm0, $0xb8;
	[tilespmem:$0x10100] =	vst v63  }
0x45: {  	s7 =	rddreg [dreg:$0xc]  }
0x46: {  	[tilespmem:s7], [sflag:$0x1] =	stream.indirect_vreg.gather [hbm4b:s1+s3], $0x80, v3, vm0, $0xb8;
	[tilespmem:$0x10100] =	vst v63  }
0x47: {  	v3 =	vld [tilespmem:$0x40];
	_ =	sdelay $0x4  }
0x48: {  	v52 =	vshll.u32 v3, $0x1  }
0x49: {  	v3 =	vand.u32 $0x7, v3;
	v4 =	vand.u32 $0xFFFFFFF0, v52  }
0x4a: {  	v3 =	vor.u32 v3, v4  }
0x4b: {  	v4 =	vperm.xlane v3, v0;
	_ =	sdelay $0x1  }
0x4c: {  	v3 =	vperm.xlane v3, v2;
	v4 =	vadd.s32 v1, v4;
	_ =	sdelay $0x1  }
0x4d: {  	v3 =	vadd.s32 v1, v3;
	_ =	sdelay $0x1  }
0x4e: {  	s7 =	simm.s32 $0x4100  }
0x4f: {  	[tilespmem:s7], [sflag:$0x1] =	stream.indirect_vreg.gather [hbm4b:s1+s3], $0x80, v4, vm0, $0xb8;
	[tilespmem:$0x10100] =	vst v63  }
0x50: {  	_ = 	snop  }
0x51: {  	[tilespmem:s8], [sflag:$0x1] =	stream.indirect_vreg.gather [hbm4b:s1+s3], $0x80, v3, vm0, $0xb8;
	[tilespmem:$0x10100] =	vst v63  }
0x52: {  	v3 =	vld [tilespmem:$0x50];
	_ =	sdelay $0x4  }
0x53: {  	v53 =	vshll.u32 v3, $0x1  }
0x54: {  	v3 =	vand.u32 $0x7, v3;
	v4 =	vand.u32 $0xFFFFFFF0, v53  }
0x55: {  	v3 =	vor.u32 v3, v4  }
0x56: {  	v4 =	vperm.xlane v3, v0;
	_ =	sdelay $0x1  }
0x57: {  	v3 =	vperm.xlane v3, v2;
	v4 =	vadd.s32 v1, v4;
	_ =	sdelay $0x1  }
0x58: {  	v3 =	vadd.s32 v1, v3;
	_ =	sdelay $0x2  }
0x59: {  	[tilespmem:s9], [sflag:$0x1] =	stream.indirect_vreg.gather [hbm4b:s1+s3], $0x80, v4, vm0, $0xb8;
	[tilespmem:$0x10100] =	vst v63  }
0x5a: {  	_ = 	snop  }
0x5b: {  	[tilespmem:s10], [sflag:$0x1] =	stream.indirect_vreg.gather [hbm4b:s1+s3], $0x80, v3, vm0, $0xb8;
	[tilespmem:$0x10100] =	vst v63  }
0x5c: {  	v3 =	vld [tilespmem:$0x60];
	_ =	sdelay $0x4  }
0x5d: {  	v54 =	vshll.u32 v3, $0x1  }
0x5e: {  	v3 =	vand.u32 $0x7, v3;
	v4 =	vand.u32 $0xFFFFFFF0, v54  }
0x5f: {  	v3 =	vor.u32 v3, v4  }
0x60: {  	v4 =	vperm.xlane v3, v0;
	_ =	sdelay $0x1  }
0x61: {  	v3 =	vperm.xlane v3, v2;
	v4 =	vadd.s32 v1, v4;
	_ =	sdelay $0x1  }
0x62: {  	v3 =	vadd.s32 v1, v3;
	_ =	sdelay $0x2  }
0x63: {  	[tilespmem:s11], [sflag:$0x1] =	stream.indirect_vreg.gather [hbm4b:s1+s3], $0x80, v4, vm0, $0xb8;
	[tilespmem:$0x10100] =	vst v63  }
0x64: {  	_ = 	snop  }
0x65: {  	[tilespmem:s12], [sflag:$0x1] =	stream.indirect_vreg.gather [hbm4b:s1+s3], $0x80, v3, vm0, $0xb8;
	[tilespmem:$0x10100] =	vst v63  }
0x66: {  	v3 =	vld [tilespmem:$0x70];
	_ =	sdelay $0x4  }
0x67: {  	v55 =	vshll.u32 v3, $0x1  }
0x68: {  	v3 =	vand.u32 $0x7, v3;
	v4 =	vand.u32 $0xFFFFFFF0, v55  }
0x69: {  	v3 =	vor.u32 v3, v4  }
0x6a: {  	v4 =	vperm.xlane v3, v0;
	_ =	sdelay $0x1  }
0x6b: {  	v3 =	vperm.xlane v3, v2;
	v4 =	vadd.s32 v1, v4;
	_ =	sdelay $0x1  }
0x6c: {  	v3 =	vadd.s32 v1, v3;
	_ =	sdelay $0x2  }
0x6d: {  	[tilespmem:s13], [sflag:$0x1] =	stream.indirect_vreg.gather [hbm4b:s1+s3], $0x80, v4, vm0, $0xb8;
	[tilespmem:$0x10100] =	vst v63  }
0x6e: {  	_ = 	snop  }
0x6f: {  	[tilespmem:s14], [sflag:$0x1] =	stream.indirect_vreg.gather [hbm4b:s1+s3], $0x80, v3, vm0, $0xb8;
	[tilespmem:$0x10100] =	vst v63  }
0x70: {  	v3 =	vld [tilespmem:$0x80];
	_ =	sdelay $0x4  }
0x71: {  	v56 =	vshll.u32 v3, $0x1  }
0x72: {  	v3 =	vand.u32 $0x7, v3;
	v4 =	vand.u32 $0xFFFFFFF0, v56  }
0x73: {  	v3 =	vor.u32 v3, v4  }
0x74: {  	v4 =	vperm.xlane v3, v0;
	_ =	sdelay $0x1  }
0x75: {  	v3 =	vperm.xlane v3, v2;
	v4 =	vadd.s32 v1, v4;
	_ =	sdelay $0x1  }
0x76: {  	v3 =	vadd.s32 v1, v3;
	_ =	sdelay $0x2  }
0x77: {  	[tilespmem:s15], [sflag:$0x1] =	stream.indirect_vreg.gather [hbm4b:s1+s3], $0x80, v4, vm0, $0xb8;
	[tilespmem:$0x10100] =	vst v63  }
0x78: {  	_ = 	snop  }
0x79: {  	[tilespmem:s16], [sflag:$0x1] =	stream.indirect_vreg.gather [hbm4b:s1+s3], $0x80, v3, vm0, $0xb8;
	[tilespmem:$0x10100] =	vst v63  }
0x7a: {  	v3 =	vld [tilespmem:$0x90];
	_ =	sdelay $0x4  }
0x7b: {  	v57 =	vshll.u32 v3, $0x1  }
0x7c: {  	v3 =	vand.u32 $0x7, v3;
	v4 =	vand.u32 $0xFFFFFFF0, v57  }
0x7d: {  	v3 =	vor.u32 v3, v4  }
0x7e: {  	v4 =	vperm.xlane v3, v0;
	_ =	sdelay $0x1  }
0x7f: {  	v3 =	vperm.xlane v3, v2;
	v4 =	vadd.s32 v1, v4;
	_ =	sdelay $0x1  }
0x80: {  	v3 =	vadd.s32 v1, v3;
	_ =	sdelay $0x2  }
0x81: {  	[tilespmem:s17], [sflag:$0x1] =	stream.indirect_vreg.gather [hbm4b:s1+s3], $0x80, v4, vm0, $0xb8;
	[tilespmem:$0x10100] =	vst v63  }
0x82: {  	_ = 	snop  }
0x83: {  	[tilespmem:s18], [sflag:$0x1] =	stream.indirect_vreg.gather [hbm4b:s1+s3], $0x80, v3, vm0, $0xb8;
	[tilespmem:$0x10100] =	vst v63  }
0x84: {  	v3 =	vld [tilespmem:$0xA0];
	_ =	sdelay $0x4  }
0x85: {  	v58 =	vshll.u32 v3, $0x1  }
0x86: {  	v3 =	vand.u32 $0x7, v3;
	v4 =	vand.u32 $0xFFFFFFF0, v58  }
0x87: {  	v3 =	vor.u32 v3, v4  }
0x88: {  	v4 =	vperm.xlane v3, v0;
	_ =	sdelay $0x1  }
0x89: {  	v3 =	vperm.xlane v3, v2;
	v4 =	vadd.s32 v1, v4;
	_ =	sdelay $0x1  }
0x8a: {  	v3 =	vadd.s32 v1, v3;
	_ =	sdelay $0x2  }
0x8b: {  	[tilespmem:s19], [sflag:$0x1] =	stream.indirect_vreg.gather [hbm4b:s1+s3], $0x80, v4, vm0, $0xb8;
	[tilespmem:$0x10100] =	vst v63  }
0x8c: {  	_ = 	snop  }
0x8d: {  	[tilespmem:s20], [sflag:$0x1] =	stream.indirect_vreg.gather [hbm4b:s1+s3], $0x80, v3, vm0, $0xb8;
	[tilespmem:$0x10100] =	vst v63  }
0x8e: {  	v3 =	vld [tilespmem:$0xB0];
	_ =	sdelay $0x4  }
0x8f: {  	v59 =	vshll.u32 v3, $0x1  }
0x90: {  	v3 =	vand.u32 $0x7, v3;
	v4 =	vand.u32 $0xFFFFFFF0, v59  }
0x91: {  	v3 =	vor.u32 v3, v4  }
0x92: {  	v4 =	vperm.xlane v3, v0;
	_ =	sdelay $0x1  }
0x93: {  	v3 =	vperm.xlane v3, v2;
	v4 =	vadd.s32 v1, v4;
	_ =	sdelay $0x1  }
0x94: {  	v3 =	vadd.s32 v1, v3;
	_ =	sdelay $0x2  }
0x95: {  	[tilespmem:s21], [sflag:$0x1] =	stream.indirect_vreg.gather [hbm4b:s1+s3], $0x80, v4, vm0, $0xb8;
	[tilespmem:$0x10100] =	vst v63  }
0x96: {  	_ = 	snop  }
0x97: {  	[tilespmem:s22], [sflag:$0x1] =	stream.indirect_vreg.gather [hbm4b:s1+s3], $0x80, v3, vm0, $0xb8;
	[tilespmem:$0x10100] =	vst v63  }
0x98: {  	v3 =	vld [tilespmem:$0xC0];
	_ =	sdelay $0x4  }
0x99: {  	v60 =	vshll.u32 v3, $0x1  }
0x9a: {  	v3 =	vand.u32 $0x7, v3;
	v4 =	vand.u32 $0xFFFFFFF0, v60  }
0x9b: {  	v3 =	vor.u32 v3, v4  }
0x9c: {  	v4 =	vperm.xlane v3, v0;
	_ =	sdelay $0x1  }
0x9d: {  	v3 =	vperm.xlane v3, v2;
	v4 =	vadd.s32 v1, v4;
	_ =	sdelay $0x1  }
0x9e: {  	v3 =	vadd.s32 v1, v3;
	_ =	sdelay $0x2  }
0x9f: {  	[tilespmem:s23], [sflag:$0x1] =	stream.indirect_vreg.gather [hbm4b:s1+s3], $0x80, v4, vm0, $0xb8;
	[tilespmem:$0x10100] =	vst v63  }
0xa0: {  	_ = 	snop  }
0xa1: {  	[tilespmem:s24], [sflag:$0x1] =	stream.indirect_vreg.gather [hbm4b:s1+s3], $0x80, v3, vm0, $0xb8;
	[tilespmem:$0x10100] =	vst v63  }
0xa2: {  	v3 =	vld [tilespmem:$0xD0];
	_ =	sdelay $0x4  }
0xa3: {  	v61 =	vshll.u32 v3, $0x1  }
0xa4: {  	v3 =	vand.u32 $0x7, v3;
	v4 =	vand.u32 $0xFFFFFFF0, v61  }
0xa5: {  	v3 =	vor.u32 v3, v4  }
0xa6: {  	v4 =	vperm.xlane v3, v0;
	_ =	sdelay $0x1  }
0xa7: {  	v3 =	vperm.xlane v3, v2;
	v4 =	vadd.s32 v1, v4;
	_ =	sdelay $0x1  }
0xa8: {  	v3 =	vadd.s32 v1, v3;
	_ =	sdelay $0x2  }
0xa9: {  	[tilespmem:s25], [sflag:$0x1] =	stream.indirect_vreg.gather [hbm4b:s1+s3], $0x80, v4, vm0, $0xb8;
	[tilespmem:$0x10100] =	vst v63  }
0xaa: {  	_ = 	snop  }
0xab: {  	[tilespmem:s26], [sflag:$0x1] =	stream.indirect_vreg.gather [hbm4b:s1+s3], $0x80, v3, vm0, $0xb8;
	[tilespmem:$0x10100] =	vst v63  }
0xac: {  	v3 =	vld [tilespmem:$0xE0];
	_ =	sdelay $0x4  }
0xad: {  	v62 =	vshll.u32 v3, $0x1  }
0xae: {  	v3 =	vand.u32 $0x7, v3;
	v4 =	vand.u32 $0xFFFFFFF0, v62  }
0xaf: {  	v3 =	vor.u32 v3, v4  }
0xb0: {  	v4 =	vperm.xlane v3, v0;
	_ =	sdelay $0x1  }
0xb1: {  	v3 =	vperm.xlane v3, v2;
	v4 =	vadd.s32 v1, v4;
	_ =	sdelay $0x1  }
0xb2: {  	v3 =	vadd.s32 v1, v3;
	_ =	sdelay $0x2  }
0xb3: {  	[tilespmem:s28], [sflag:$0x1] =	stream.indirect_vreg.gather [hbm4b:s1+s3], $0x80, v4, vm0, $0xb8;
	[tilespmem:$0x10100] =	vst v63  }
0xb4: {  	_ = 	snop  }
0xb5: {  	[tilespmem:s29], [sflag:$0x1] =	stream.indirect_vreg.gather [hbm4b:s1+s3], $0x80, v3, vm0, $0xb8;
	[tilespmem:$0x10100] =	vst v63  }
0xb6: {  	v3 =	vld [tilespmem:$0xF0];
	_ =	sdelay $0x4  }
0xb7: {  	v63 =	vshll.u32 v3, $0x1  }
0xb8: {  	v3 =	vand.u32 $0x7, v3;
	v4 =	vand.u32 $0xFFFFFFF0, v63  }
0xb9: {  	v3 =	vor.u32 v3, v4  }
0xba: {  	v4 =	vperm.xlane v3, v0;
	_ =	sdelay $0x1  }
0xbb: {  	v3 =	vperm.xlane v3, v2;
	v4 =	vadd.s32 v1, v4;
	_ =	sdelay $0x1  }
0xbc: {  	v3 =	vadd.s32 v1, v3;
	_ =	sdelay $0x2  }
0xbd: {  	[tilespmem:s30], [sflag:$0x1] =	stream.indirect_vreg.gather [hbm4b:s1+s3], $0x80, v4, vm0, $0xb8;
	[tilespmem:$0x10100] =	vst v63  }
0xbe: {  	_ = 	snop  }
0xbf: {  	[tilespmem:s31], [sflag:$0x1] =	stream.indirect_vreg.gather [hbm4b:s1+s3], $0x80, v3, vm0, $0xb8;
	[tilespmem:$0x10100] =	vst v63  }
0xc0: {  	_ =	swait.ge [sflag:s2], $0x8000  }
0xc1: {  	[sflag:s2] =	ssyncset.done $0x0  }
0xc2: {  	[sflag:s2] =	ssyncadd.s32 $0xFFFF8000  }
0xc3: {  	_ =	swait.ge [sflag:s2], $0x8000  }
0xc4: {  	p0 =	sne.s32 s4, $0x1;
	[sflag:s2] =	ssyncset.done $0x0  }
.Ltmp0:
0xc5: {  	s7 =	rddreg [dreg:$0x5];
	[sflag:s2] =	ssyncadd.s32 $0xFFFF8000;
	(pc) =	sbr.rel @p0 .LBB2_1-.Ltmp0, $4  }
0xc6: {  	[hbm4b:s7+s3] =	stream.linear.scatter [tilespmem:s6], [sflag:$0x2], $0x10000, $0x38;
	[tilespmem:$0x10100] =	vst v63  }
0xc7: {  	_ =	swait.ge [sflag:s5], $0x10000  }
0xc8: {  	[sflag:s5] =	ssyncset.done $0x0  }
0xc9: {  	s4 =	sadd.s32 $0xFFFFFFFF, s4;
	[sflag:s5] =	ssyncadd.s32 $0xFFFF0000  }
0xca: {  	_ =	sfence.sel $0x180000  }
0xcb: {  	[bflag:$0x0] =	sbarrier.arrive $0xFFFF  }
0xcc: {  	_ =	strace $0x90000047  }
0xcd: {  	s0 =	stileid.u32;
	[bflag:$0x2] =	sbarrier.arrive $0xFFFF  }
0xce: {  	p0 =	sne.s32 s0, $0x0;
	s0 =	rddreg [dreg:$0x3]  }
0xcf: {  	s0 =	sadd.s32 @!p0 $0x100000, s0  }
0xd0: {  	[sflag:s0] =	ssyncadd.tile.s32 @!p0 $0x1;
	_ =	shalt  }
.Lfunc_end2:
_tile_overlayer_lowered:
.L_overlay_start_2:
0xd1: {  	(tag) =	ssettag $0x2  }
0xd2: {  	s0 =	rddreg [dreg:$0x0];
	s2 =	stileid.u32  }
0xd3: {  	s1 =	rddreg [dreg:$0x1];
	p0 =	sne.s32 s2, $0x0  }
0xd4: {  	s3 =	rddreg [dreg:$0x2];
	[bflag:$0x3] =	sbarrier.arrive $0xFFFF;
	s2 =	simm.s32 @!p0 $0x1C02  }
0xd5: {  	[timem:s3], [sflag:s2] =	dma.local @!p0 [hbm:s0], s1  }
0xd6: {  	s0 =	simm.s32 @!p0 $0x2  }
0xd7: {  	_ =	swait.ge @!p0 [sflag:s0], s1  }
0xd8: {  	s1 =	ssub.s32 @!p0 $0x0, s1;
	[sflag:s0] =	ssyncset.done @!p0 $0x0  }
0xd9: {  	[sflag:s0] =	ssyncadd.s32 @!p0 s1  }
0xda: {  	[bflag:$0x3] =	sbarrier.arrive $0xFFFF  }
0xdb: {  	_ =	shalt  }

</sc_bundles>
